<compile_context>
chip_gen: v7x
topology: tpu7x:2x2x1
jax: 0.10.2.dev20260603
libtpu: 0.0.44.dev20260713+nightly
codegen_flags: <defaults>
</compile_context>

<pallas_src>
import functools

import jax
import jax.numpy as jnp
from jax import lax
from jax.experimental import pallas as pl
from jax.experimental.pallas import tpu as pltpu
from jax.experimental.pallas import tpu_sc as plsc

N_DOF = 8388608
N_B = 262144
N_LAMBDA = 32
NW = 32
RANGE = N_DOF // NW
OWNER_SHIFT = 18
CHUNK = 4096
NCHUNK = N_B // CHUNK
SUB = 65536
NSUB = RANGE // SUB
SPILL_G = 256
QN = 4
QNB = QN.bit_length() - 1
QLEN = CHUNK // QN
QVREG = QLEN // 16
QCAP = QLEN + SPILL_G
T1Q = 64
BIG = 0x40000000


def _make_sc_kernel():
    mesh = plsc.VectorSubcoreMesh(core_axis_name="c", subcore_axis_name="s")

    @functools.partial(
        pl.kernel,
        mesh=mesh,
        compiler_params=pltpu.CompilerParams(needs_layout_passes=False),
        out_type=[
            jax.ShapeDtypeStruct((N_DOF,), jnp.float32),
            jax.ShapeDtypeStruct((NW, NCHUNK, CHUNK), jnp.int32),
            jax.ShapeDtypeStruct((NW, NCHUNK, CHUNK), jnp.float32),
        ],
        scratch_types=[
            pltpu.VMEM((32,), jnp.float32),
            pltpu.VMEM((16,), jnp.float32),
            pltpu.VMEM((CHUNK,), jnp.int32),
            pltpu.VMEM((CHUNK,), jnp.float32),
            pltpu.VMEM((CHUNK,), jnp.int32),
            pltpu.VMEM((CHUNK,), jnp.float32),
            pltpu.VMEM((QN * QCAP,), jnp.int32),
            pltpu.VMEM((QN * QCAP,), jnp.float32),
            pltpu.VMEM((SUB,), jnp.float32),
            pltpu.VMEM((NCHUNK * QN * T1Q,), jnp.int32),
            pltpu.VMEM((NCHUNK * QN * T1Q,), jnp.float32),
            pltpu.VMEM((32,), jnp.int32),
            pltpu.SMEM((NCHUNK * QN,), jnp.int32),
            pltpu.SemaphoreType.DMA,
            pltpu.SemaphoreType.DMA,
            pltpu.SemaphoreType.DMA,
            pltpu.SemaphoreType.DMA,
        ],
    )
    def sc_kernel(q_hbm, lam16_hbm, idx_hbm, xb_hbm, lambdas_hbm,
                  out_hbm, spill_i, spill_v,
                  lamv, lamb, ib0, vb0, ib1, vb1, cidx, cval, qbuf,
                  t1i, t1v, tmpk, counts,
                  sem_load, sem_spill, sem_q, sem_out):
        wid = lax.axis_index("s") * 2 + lax.axis_index("c")
        lane = lax.iota(jnp.int32, 16)

        pltpu.sync_copy(lambdas_hbm, lamv)
        pltpu.sync_copy(lam16_hbm, lamb)
        t = lamb[pl.ds(0, 16)]
        d0 = jnp.abs(lamv[pl.ds(0, 16)] - t)
        d1 = jnp.abs(lamv[pl.ds(16, 16)] - t)
        m = jnp.minimum(jnp.min(d0), jnp.min(d1))
        c0 = jnp.min(jnp.where(d0 == m, lane, 1000))
        c1 = jnp.min(jnp.where(d1 == m, lane + 16, 1000))
        k = jnp.minimum(c0, c1)

        tmpk[pl.ds(16, 16)] = jnp.full((16,), BIG, jnp.int32)

        def fire_loads(c, ib, vb):
            pltpu.async_copy(idx_hbm.at[pl.ds(c * CHUNK, CHUNK)], ib, sem_load)
            pltpu.async_copy(xb_hbm.at[k, pl.ds(c * CHUNK, CHUNK)], vb, sem_load)

        def wait_loads(c, ib, vb):
            pltpu.make_async_copy(
                idx_hbm.at[pl.ds(c * CHUNK, CHUNK)], ib, sem_load).wait()
            pltpu.make_async_copy(
                xb_hbm.at[k, pl.ds(c * CHUNK, CHUNK)], vb, sem_load).wait()

        def compact(c, ib, vb):
            def vbod(j, cnts):
                new = []
                for q in range(QN):
                    cq = cnts[q]
                    iv = ib[pl.ds((q * QVREG + j) * 16, 16)]
                    vv = vb[pl.ds((q * QVREG + j) * 16, 16)]
                    own = (iv >> OWNER_SHIFT) == wid
                    plsc.store_compressed(cidx.at[pl.ds(q * QCAP + cq, 16)],
                                          iv, mask=own)
                    plsc.store_compressed(cval.at[pl.ds(q * QCAP + cq, 16)],
                                          vv, mask=own)
                    new.append(cq + plsc.all_reduce_population_count(own)[0])
                return tuple(new)

            cnts = lax.fori_loop(0, QVREG, vbod, (jnp.int32(0),) * QN)
            for q in range(QN):
                counts[c * QN + q] = cnts[q]
            return cnts

        def fire_spill(c, cnts):
            total = jnp.int32(0)
            for q in range(QN):
                def sb(s, _, q=q):
                    pltpu.async_copy(
                        cidx.at[pl.ds(q * QCAP + s * SPILL_G, SPILL_G)],
                        spill_i.at[wid, c, pl.ds(q * QLEN + s * SPILL_G, SPILL_G)],
                        sem_spill)
                    pltpu.async_copy(
                        cval.at[pl.ds(q * QCAP + s * SPILL_G, SPILL_G)],
                        spill_v.at[wid, c, pl.ds(q * QLEN + s * SPILL_G, SPILL_G)],
                        sem_spill)
                    return 0

                nblk = (cnts[q] + SPILL_G - 1) // SPILL_G
                lax.fori_loop(0, nblk, sb, 0)
                total = total + nblk
            return total

        def drain_spill(nblk):
            def db(s, _):
                pltpu.make_async_copy(
                    cidx.at[pl.ds(0, SPILL_G)],
                    spill_i.at[wid, 0, pl.ds(0, SPILL_G)], sem_spill).wait()
                pltpu.make_async_copy(
                    cval.at[pl.ds(0, SPILL_G)],
                    spill_v.at[wid, 0, pl.ds(0, SPILL_G)], sem_spill).wait()
                return 0

            lax.fori_loop(0, nblk, db, 0)

        fire_loads(0, ib0, vb0)

        def aloop(i, prev_nblk):
            ca = 2 * i
            fire_loads(ca + 1, ib1, vb1)
            wait_loads(ca, ib0, vb0)
            drain_spill(prev_nblk)
            cnta = compact(ca, ib0, vb0)
            na = fire_spill(ca, cnta)

            cb_ = ca + 1

            @pl.when(cb_ + 1 < NCHUNK)
            def _():
                fire_loads(cb_ + 1, ib0, vb0)

            wait_loads(cb_, ib1, vb1)
            drain_spill(na)
            cntb = compact(cb_, ib1, vb1)
            nb = fire_spill(cb_, cntb)
            return nb

        last_nblk = lax.fori_loop(0, NCHUNK // 2, aloop, jnp.int32(0))
        drain_spill(last_nblk)

        def t1_fire(r, _):
            c = r >> QNB
            qoff = (r & (QN - 1)) * QLEN
            pltpu.async_copy(spill_i.at[wid, c, pl.ds(qoff, T1Q)],
                             t1i.at[pl.ds(r * T1Q, T1Q)], sem_q)
            pltpu.async_copy(spill_v.at[wid, c, pl.ds(qoff, T1Q)],
                             t1v.at[pl.ds(r * T1Q, T1Q)], sem_q)
            return 0

        def t1_drain(r, _):
            pltpu.make_async_copy(spill_i.at[wid, 0, pl.ds(0, T1Q)],
                                  t1i.at[pl.ds(0, T1Q)], sem_q).wait()
            pltpu.make_async_copy(spill_v.at[wid, 0, pl.ds(0, T1Q)],
                                  t1v.at[pl.ds(0, T1Q)], sem_q).wait()
            return 0

        lax.fori_loop(0, NCHUNK * QN, t1_fire, 0)
        pltpu.async_copy(q_hbm.at[pl.ds(wid * RANGE, SUB)], qbuf, sem_q)
        lax.fori_loop(0, NCHUNK * QN, t1_drain, 0)
        pltpu.make_async_copy(
            q_hbm.at[pl.ds(wid * RANGE, SUB)], qbuf, sem_q).wait()

        for sub in range(NSUB):
            base = wid * RANGE + sub * SUB

            def apply_vreg(iv, vv, limit, j):
                valid = (j * 16 + lane) < limit
                lidx = iv & (RANGE - 1)
                insub = (lidx >> 16) == sub
                alive = valid & insub
                loc = lidx & (SUB - 1)
                key = jnp.where(alive, (loc << 4) | lane, BIG)
                skey, sval = plsc.sort_key_val(key, vv)
                tmpk[pl.ds(0, 16)] = skey
                nkey = tmpk[pl.ds(1, 16)]
                keep = (skey < BIG) & ((skey >> 4) != (nkey >> 4))
                plsc.store_scatter(qbuf, [jnp.minimum(skey >> 4, SUB - 1)],
                                   sval, mask=keep)

            def cb(r, _):
                c = r >> QNB
                qoff = (r & (QN - 1)) * QLEN
                cnt = counts[r]
                c1n = jnp.minimum(cnt, T1Q)

                def vb2(j, _):
                    iv = t1i[pl.ds(r * T1Q + j * 16, 16)]
                    vv = t1v[pl.ds(r * T1Q + j * 16, 16)]
                    apply_vreg(iv, vv, c1n, j)
                    return 0

                lax.fori_loop(0, (c1n + 15) // 16, vb2, 0)

                @pl.when(cnt > T1Q)
                def _():
                    nblk = (cnt + SPILL_G - 1) // SPILL_G

                    def lb(s, _):
                        pltpu.sync_copy(
                            spill_i.at[wid, c, pl.ds(qoff + s * SPILL_G, SPILL_G)],
                            ib0.at[pl.ds(s * SPILL_G, SPILL_G)])
                        pltpu.sync_copy(
                            spill_v.at[wid, c, pl.ds(qoff + s * SPILL_G, SPILL_G)],
                            vb0.at[pl.ds(s * SPILL_G, SPILL_G)])
                        return 0

                    lax.fori_loop(0, nblk, lb, 0)

                    def vb3(j, _):
                        iv = ib0[pl.ds(j * 16, 16)]
                        vv = vb0[pl.ds(j * 16, 16)]
                        apply_vreg(iv, vv, cnt, j)
                        return 0

                    lax.fori_loop(T1Q // 16, (cnt + 15) // 16, vb3, 0)

                return 0

            lax.fori_loop(0, NCHUNK * QN, cb, 0)
            pltpu.async_copy(qbuf, out_hbm.at[pl.ds(base, SUB)], sem_out)
            if sub + 1 < NSUB:
                pltpu.make_async_copy(
                    qbuf, out_hbm.at[pl.ds(base, SUB)], sem_out).wait()
                pltpu.sync_copy(q_hbm.at[pl.ds(base + SUB, SUB)], qbuf)

        pltpu.make_async_copy(
            qbuf, out_hbm.at[pl.ds(wid * RANGE + (NSUB - 1) * SUB, SUB)],
            sem_out).wait()

    return sc_kernel


_SC_KERNEL = _make_sc_kernel()


def kernel(q, _lambda, idx_b, xb, lambdas):
    lam16 = jnp.broadcast_to(_lambda, (16,)).astype(jnp.float32)
    out, _si, _sv = _SC_KERNEL(q, lam16, idx_b, xb, lambdas)
    return out

# --- scband reference (transcript-rebuilt; emitter-appended) ---
"""Pipeline reference for scband-direct-bc-16535624089691 (READ-ONLY COPY).

The authoritative reference and input builder live on the scoring server;
editing this copy changes nothing except your own understanding.
"""

import jax, jax.numpy as jnp
import numpy as np

N_DOF = 8388608
N_B = 262144
N_LAMBDA = 32

def setup_inputs(seed: int = 0) -> dict:
    key = jax.random.key(seed)
    k1, k2, k3, k4, k5 = jax.random.split(key, 5)
    q = jax.random.normal(k1, (N_DOF,), dtype=jnp.float32)
    idx_b = jax.random.randint(k2, (N_B,), 0, N_DOF, dtype=jnp.int32)
    xb = jax.random.normal(k3, (N_LAMBDA, N_B), dtype=jnp.float32)
    lambdas = jax.random.uniform(k4, (N_LAMBDA,), dtype=jnp.float32)
    _lambda = jax.random.uniform(k5, (1,), dtype=jnp.float32)
    return {"q": q, "_lambda": _lambda, "idx_b": idx_b, "xb": xb, "lambdas": lambdas}

def reference(q, _lambda, idx_b, xb, lambdas):
    # DirectBC.apply: pick BC vector for the closest lambda, scatter-overwrite into q
    k = jnp.argmin(jnp.abs(lambdas - _lambda))
    values = xb[k]
    # (values is 1D here since xb is (n_lambda, n_b); the ndim==2 squeeze branch is not taken)
    return q.at[idx_b].set(values)

if __name__ == "__main__":
    import jax
    _d = setup_inputs()
    print(jax.jit(kernel)(*tuple(_d.values())))

</pallas_src>

<mosaic_0001>
#map = affine_map<(d0, d1) -> (0)>
#map1 = affine_map<(d0, d1) -> (0, 0)>
#map2 = affine_map<(d0, d1) -> (0, 0, 0)>
module attributes {stable_mosaic.version = 14 : i64} {
  func.func @sc_kernel(%arg0: i32, %arg1: i32, %arg2: memref<8388608xf32, #tpu.memory_space<hbm>>, %arg3: memref<16xf32, #tpu.memory_space<hbm>>, %arg4: memref<262144xi32, #tpu.memory_space<hbm>>, %arg5: memref<32x262144xf32, #tpu.memory_space<hbm>>, %arg6: memref<32xf32, #tpu.memory_space<hbm>>, %arg7: memref<8388608xf32, #tpu.memory_space<hbm>>, %arg8: memref<32x64x4096xi32, #tpu.memory_space<hbm>>, %arg9: memref<32x64x4096xf32, #tpu.memory_space<hbm>>, %arg10: memref<32xf32, #tpu.memory_space<vmem>>, %arg11: memref<16xf32, #tpu.memory_space<vmem>>, %arg12: memref<4096xi32, #tpu.memory_space<vmem>>, %arg13: memref<4096xf32, #tpu.memory_space<vmem>>, %arg14: memref<4096xi32, #tpu.memory_space<vmem>>, %arg15: memref<4096xf32, #tpu.memory_space<vmem>>, %arg16: memref<5120xi32, #tpu.memory_space<vmem>>, %arg17: memref<5120xf32, #tpu.memory_space<vmem>>, %arg18: memref<65536xf32, #tpu.memory_space<vmem>>, %arg19: memref<16384xi32, #tpu.memory_space<vmem>>, %arg20: memref<16384xf32, #tpu.memory_space<vmem>>, %arg21: memref<32xi32, #tpu.memory_space<vmem>>, %arg22: memref<256xi32, #tpu.memory_space<smem>>, %arg23: memref<!tpu.dma_semaphore, #tpu.memory_space<semaphore_mem>>, %arg24: memref<!tpu.dma_semaphore, #tpu.memory_space<semaphore_mem>>, %arg25: memref<!tpu.dma_semaphore, #tpu.memory_space<semaphore_mem>>, %arg26: memref<!tpu.dma_semaphore, #tpu.memory_space<semaphore_mem>>) attributes {dimension_semantics = [#tpu.dimension_semantics<core_parallel>, #tpu.dimension_semantics<subcore_parallel>], iteration_bounds = array<i64: 2, 16>, scalar_prefetch = 0 : i64, scratch_operands = 17 : i64, tpu.core_type = #tpu.core_type<sc_vector_subcore>, window_params = [{transform_indices = #map}, {transform_indices = #map}, {transform_indices = #map}, {transform_indices = #map1}, {transform_indices = #map}, {transform_indices = #map}, {transform_indices = #map2}, {transform_indices = #map2}]} {
    %mul3A = arith.constant 2 : i32
    %mul3A_0 = arith.muli %arg1, %mul3A : i32
    %add3A = arith.addi %mul3A_0, %arg0 : i32
    %iota3A = tpu.iota {dimensions = array<i32: 0>} : vector<16xi32>
    "tpu.region"() ({
      %run_scoped3A = tpu.sem_alloc : memref<!tpu.dma_semaphore, #tpu.memory_space<semaphore_mem>>
      tpu.enqueue_dma source(%arg6 : memref<32xf32, #tpu.memory_space<hbm>>) target(%arg10 : memref<32xf32, #tpu.memory_space<vmem>>) target_semaphore(%run_scoped3A : memref<!tpu.dma_semaphore, #tpu.memory_space<semaphore_mem>>)
      tpu.wait_dma2 semaphore(%run_scoped3A : memref<!tpu.dma_semaphore, #tpu.memory_space<semaphore_mem>>) src(%arg6 : memref<32xf32, #tpu.memory_space<hbm>>) dst(%arg10 : memref<32xf32, #tpu.memory_space<vmem>>)
      tpu.yield
    }) : () -> ()
    "tpu.region"() ({
      %run_scoped3A = tpu.sem_alloc : memref<!tpu.dma_semaphore, #tpu.memory_space<semaphore_mem>>
      tpu.enqueue_dma source(%arg3 : memref<16xf32, #tpu.memory_space<hbm>>) target(%arg11 : memref<16xf32, #tpu.memory_space<vmem>>) target_semaphore(%run_scoped3A : memref<!tpu.dma_semaphore, #tpu.memory_space<semaphore_mem>>)
      tpu.wait_dma2 semaphore(%run_scoped3A : memref<!tpu.dma_semaphore, #tpu.memory_space<semaphore_mem>>) src(%arg3 : memref<16xf32, #tpu.memory_space<hbm>>) dst(%arg11 : memref<16xf32, #tpu.memory_space<vmem>>)
      tpu.yield
    }) : () -> ()
    %get3A = arith.constant 0 : index
    %get3A_1 = tpu.vector_load %arg11[%get3A] {strides = array<i32>} : memref<16xf32, #tpu.memory_space<vmem>>, vector<16xf32>,
    %get3A_2 = arith.constant 0 : index
    %get3A_3 = tpu.vector_load %arg10[%get3A_2] {strides = array<i32>} : memref<32xf32, #tpu.memory_space<vmem>>, vector<16xf32>,
    %sub3A = arith.subf %get3A_3, %get3A_1 : vector<16xf32>
    %abs3A = math.absf %sub3A : vector<16xf32>
    %get3A_4 = arith.constant 16 : index
    %get3A_5 = tpu.vector_load %arg10[%get3A_4] {strides = array<i32>} : memref<32xf32, #tpu.memory_space<vmem>>, vector<16xf32>,
    %sub3A_6 = arith.subf %get3A_5, %get3A_1 : vector<16xf32>
    %abs3A_7 = math.absf %sub3A_6 : vector<16xf32>
    %reduce_min3A = arith.constant true
    %reduce_min3A_8 = vector.broadcast %reduce_min3A : i1 to vector<16xi1>
    %reduce_min3A_9 = tpu.scan <min>, %abs3A masked %reduce_min3A_8 : vector<16xf32>, vector<16xi1> -> vector<16xf32>
    %reduce_min3A_10 = vector.extract %reduce_min3A_9[15] : f32 from vector<16xf32>
    %reduce_min3A_11 = arith.constant true
    %reduce_min3A_12 = vector.broadcast %reduce_min3A_11 : i1 to vector<16xi1>
    %reduce_min3A_13 = tpu.scan <min>, %abs3A_7 masked %reduce_min3A_12 : vector<16xf32>, vector<16xi1> -> vector<16xf32>
    %reduce_min3A_14 = vector.extract %reduce_min3A_13[15] : f32 from vector<16xf32>
    %min3A = arith.minimumf %reduce_min3A_10, %reduce_min3A_14 : f32
    %eq3A = vector.broadcast %min3A : f32 to vector<16xf32>
    %eq3A_15 = arith.cmpf oeq, %abs3A, %eq3A : vector<16xf32>
    %jit3A = arith.constant 1000 : i32
    %broadcast_in_dim3A = vector.broadcast %jit3A : i32 to vector<16xi32>
    %select_n3A = arith.select %eq3A_15, %iota3A, %broadcast_in_dim3A : vector<16xi1>, vector<16xi32>
    %reduce_min3A_16 = arith.constant true
    %reduce_min3A_17 = vector.broadcast %reduce_min3A_16 : i1 to vector<16xi1>
    %reduce_min3A_18 = arith.constant -2147483648 : i32
    %reduce_min3A_19 = vector.broadcast %reduce_min3A_18 : i32 to vector<16xi32>
    %reduce_min3A_20 = arith.xori %select_n3A, %reduce_min3A_19 : vector<16xi32>
    %reduce_min3A_21 = tpu.scan <min>, %reduce_min3A_20 masked %reduce_min3A_17 : vector<16xi32>, vector<16xi1> -> vector<16xi32>
    %reduce_min3A_22 = arith.xori %reduce_min3A_21, %reduce_min3A_19 : vector<16xi32>
    %reduce_min3A_23 = vector.extract %reduce_min3A_22[15] : i32 from vector<16xi32>
    %eq3A_24 = vector.broadcast %min3A : f32 to vector<16xf32>
    %eq3A_25 = arith.cmpf oeq, %abs3A_7, %eq3A_24 : vector<16xf32>
    %add3A_26 = arith.constant 16 : i32
    %add3A_27 = vector.broadcast %add3A_26 : i32 to vector<16xi32>
    %add3A_28 = arith.addi %iota3A, %add3A_27 : vector<16xi32>
    %jit3A_29 = arith.constant 1000 : i32
    %broadcast_in_dim3A_30 = vector.broadcast %jit3A_29 : i32 to vector<16xi32>
    %select_n3A_31 = arith.select %eq3A_25, %add3A_28, %broadcast_in_dim3A_30 : vector<16xi1>, vector<16xi32>
    %reduce_min3A_32 = arith.constant true
    %reduce_min3A_33 = vector.broadcast %reduce_min3A_32 : i1 to vector<16xi1>
    %reduce_min3A_34 = arith.constant -2147483648 : i32
    %reduce_min3A_35 = vector.broadcast %reduce_min3A_34 : i32 to vector<16xi32>
    %reduce_min3A_36 = arith.xori %select_n3A_31, %reduce_min3A_35 : vector<16xi32>
    %reduce_min3A_37 = tpu.scan <min>, %reduce_min3A_36 masked %reduce_min3A_33 : vector<16xi32>, vector<16xi1> -> vector<16xi32>
    %reduce_min3A_38 = arith.xori %reduce_min3A_37, %reduce_min3A_35 : vector<16xi32>
    %reduce_min3A_39 = vector.extract %reduce_min3A_38[15] : i32 from vector<16xi32>
    %min3A_40 = arith.minsi %reduce_min3A_23, %reduce_min3A_39 : i32
    %broadcast_in_dim3A_41 = arith.constant 1073741824 : i32
    %broadcast_in_dim3A_42 = vector.broadcast %broadcast_in_dim3A_41 : i32 to vector<16xi32>
    %swap3A = arith.constant 16 : index
    %swap3A_43 = tpu.vector_load %arg21[%swap3A] {strides = array<i32>} : memref<32xi32, #tpu.memory_space<vmem>>, vector<16xi32>,
    tpu.vector_store %arg21[%swap3A], %broadcast_in_dim3A_42 {strides = array<i32>} : memref<32xi32, #tpu.memory_space<vmem>>, vector<16xi32>,
    %dma_start3A = arith.constant 0 : i32
    %dma_start3A_44 = tpu.memref_slice %arg4[%dma_start3A] : memref<262144xi32, #tpu.memory_space<hbm>> -> memref<4096xi32, #tpu.memory_space<hbm>>
    %dma_start3A_45 = arith.constant 0 : i32
    %dma_start3A_46 = tpu.memref_slice %arg4[%dma_start3A_45] : memref<262144xi32, #tpu.memory_space<hbm>> -> memref<4096xi32, #tpu.memory_space<hbm>>
    tpu.enqueue_dma source(%dma_start3A_46 : memref<4096xi32, #tpu.memory_space<hbm>>) target(%arg12 : memref<4096xi32, #tpu.memory_space<vmem>>) target_semaphore(%arg23 : memref<!tpu.dma_semaphore, #tpu.memory_space<semaphore_mem>>)
    %dma_start3A_47 = arith.constant 0 : i32
    %dma_start3A_48 = tpu.memref_slice %arg5[%min3A_40, %dma_start3A_47] : memref<32x262144xf32, #tpu.memory_space<hbm>> -> memref<1x4096xf32, #tpu.memory_space<hbm>>
    %dma_start3A_49 = tpu.memref_squeeze %dma_start3A_48 : memref<1x4096xf32, #tpu.memory_space<hbm>> -> memref<4096xf32, #tpu.memory_space<hbm>>
    %dma_start3A_50 = arith.constant 0 : i32
    %dma_start3A_51 = tpu.memref_slice %arg5[%min3A_40, %dma_start3A_50] : memref<32x262144xf32, #tpu.memory_space<hbm>> -> memref<1x4096xf32, #tpu.memory_space<hbm>>
    %dma_start3A_52 = tpu.memref_squeeze %dma_start3A_51 : memref<1x4096xf32, #tpu.memory_space<hbm>> -> memref<4096xf32, #tpu.memory_space<hbm>>
    tpu.enqueue_dma source(%dma_start3A_52 : memref<4096xf32, #tpu.memory_space<hbm>>) target(%arg13 : memref<4096xf32, #tpu.memory_space<vmem>>) target_semaphore(%arg23 : memref<!tpu.dma_semaphore, #tpu.memory_space<semaphore_mem>>)
    %scan3A = arith.constant 0 : i32
    %scan3A_53 = arith.constant 0 : i32
    %scan3A_54 = arith.constant 32 : i32
    %scan3A_55 = arith.addi %scan3A_53, %scan3A_54 : i32
    %scan3A_56 = arith.constant 1 : i32
    %scan3A_57 = scf.for %scan3A_161 = %scan3A_53 to %scan3A_55 step %scan3A_56 iter_args(%scan3A_162 = %scan3A) -> (i32)  : i32 {
      %mul3A_163 = arith.constant 2 : i32
      %mul3A_164 = arith.muli %mul3A_163, %scan3A_161 : i32
      %add3A_165 = arith.constant 1 : i32
      %add3A_166 = arith.addi %mul3A_164, %add3A_165 : i32
      %mul3A_167 = arith.constant 4096 : i32
      %mul3A_168 = arith.muli %add3A_166, %mul3A_167 : i32
      %dma_start3A_169 = tpu.memref_slice %arg4[%mul3A_168] : memref<262144xi32, #tpu.memory_space<hbm>> -> memref<4096xi32, #tpu.memory_space<hbm>>
      %dma_start3A_170 = tpu.memref_slice %arg4[%mul3A_168] : memref<262144xi32, #tpu.memory_space<hbm>> -> memref<4096xi32, #tpu.memory_space<hbm>>
      tpu.enqueue_dma source(%dma_start3A_170 : memref<4096xi32, #tpu.memory_space<hbm>>) target(%arg14 : memref<4096xi32, #tpu.memory_space<vmem>>) target_semaphore(%arg23 : memref<!tpu.dma_semaphore, #tpu.memory_space<semaphore_mem>>)
      %mul3A_171 = arith.constant 4096 : i32
      %mul3A_172 = arith.muli %add3A_166, %mul3A_171 : i32
      %dma_start3A_173 = tpu.memref_slice %arg5[%min3A_40, %mul3A_172] : memref<32x262144xf32, #tpu.memory_space<hbm>> -> memref<1x4096xf32, #tpu.memory_space<hbm>>
      %dma_start3A_174 = tpu.memref_squeeze %dma_start3A_173 : memref<1x4096xf32, #tpu.memory_space<hbm>> -> memref<4096xf32, #tpu.memory_space<hbm>>
      %dma_start3A_175 = tpu.memref_slice %arg5[%min3A_40, %mul3A_172] : memref<32x262144xf32, #tpu.memory_space<hbm>> -> memref<1x4096xf32, #tpu.memory_space<hbm>>
      %dma_start3A_176 = tpu.memref_squeeze %dma_start3A_175 : memref<1x4096xf32, #tpu.memory_space<hbm>> -> memref<4096xf32, #tpu.memory_space<hbm>>
      tpu.enqueue_dma source(%dma_start3A_176 : memref<4096xf32, #tpu.memory_space<hbm>>) target(%arg15 : memref<4096xf32, #tpu.memory_space<vmem>>) target_semaphore(%arg23 : memref<!tpu.dma_semaphore, #tpu.memory_space<semaphore_mem>>)
      %mul3A_177 = arith.constant 4096 : i32
      %mul3A_178 = arith.muli %mul3A_164, %mul3A_177 : i32
      %dma_wait3A_179 = tpu.memref_slice %arg4[%mul3A_178] : memref<262144xi32, #tpu.memory_space<hbm>> -> memref<4096xi32, #tpu.memory_space<hbm>>
      %dma_wait3A_180 = tpu.memref_slice %arg4[%mul3A_178] : memref<262144xi32, #tpu.memory_space<hbm>> -> memref<4096xi32, #tpu.memory_space<hbm>>
      tpu.wait_dma2 semaphore(%arg23 : memref<!tpu.dma_semaphore, #tpu.memory_space<semaphore_mem>>) src(%dma_wait3A_180 : memref<4096xi32, #tpu.memory_space<hbm>>) dst(%arg12 : memref<4096xi32, #tpu.memory_space<vmem>>)
      %mul3A_181 = arith.constant 4096 : i32
      %mul3A_182 = arith.muli %mul3A_164, %mul3A_181 : i32
      %dma_wait3A_183 = tpu.memref_slice %arg5[%min3A_40, %mul3A_182] : memref<32x262144xf32, #tpu.memory_space<hbm>> -> memref<1x4096xf32, #tpu.memory_space<hbm>>
      %dma_wait3A_184 = tpu.memref_squeeze %dma_wait3A_183 : memref<1x4096xf32, #tpu.memory_space<hbm>> -> memref<4096xf32, #tpu.memory_space<hbm>>
      %dma_wait3A_185 = tpu.memref_slice %arg5[%min3A_40, %mul3A_182] : memref<32x262144xf32, #tpu.memory_space<hbm>> -> memref<1x4096xf32, #tpu.memory_space<hbm>>
      %dma_wait3A_186 = tpu.memref_squeeze %dma_wait3A_185 : memref<1x4096xf32, #tpu.memory_space<hbm>> -> memref<4096xf32, #tpu.memory_space<hbm>>
      tpu.wait_dma2 semaphore(%arg23 : memref<!tpu.dma_semaphore, #tpu.memory_space<semaphore_mem>>) src(%dma_wait3A_186 : memref<4096xf32, #tpu.memory_space<hbm>>) dst(%arg13 : memref<4096xf32, #tpu.memory_space<vmem>>)
      %while3A_187 = arith.constant 0 : i32
      %while3A_188 = arith.constant 0 : i32
      %while3A_189 = arith.subi %scan3A_162, %while3A_187 : i32
      %while3A_190 = arith.addi %while3A_187, %while3A_189 : i32
      %while3A_191 = arith.constant 1 : i32
      %while3A_192 = arith.divsi %while3A_189, %while3A_191 : i32
      %while3A_193 = arith.muli %while3A_192, %while3A_191 : i32
      %while3A_194 = arith.addi %while3A_187, %while3A_193 : i32
      %while3A_195 = arith.constant 1 : i32
      %while3A_196 = scf.for %while3A_620 = %while3A_187 to %while3A_194 step %while3A_195 iter_args(%while3A_621 = %while3A_188) -> (i32)  : i32 {
        %dma_wait3A_622 = arith.constant 0 : i32
        %dma_wait3A_623 = arith.constant 0 : i32
        %dma_wait3A_624 = tpu.memref_slice %arg16[%dma_wait3A_623] : memref<5120xi32, #tpu.memory_space<vmem>> -> memref<256xi32, #tpu.memory_space<vmem>>
        %dma_wait3A_625 = arith.constant 0 : i32
        %dma_wait3A_626 = tpu.memref_slice %arg8[%add3A, %dma_wait3A_622, %dma_wait3A_625] : memref<32x64x4096xi32, #tpu.memory_space<hbm>> -> memref<1x1x256xi32, #tpu.memory_space<hbm>>
        %dma_wait3A_627 = tpu.memref_squeeze %dma_wait3A_626 : memref<1x1x256xi32, #tpu.memory_space<hbm>> -> memref<256xi32, #tpu.memory_space<hbm>>
        %dma_wait3A_628 = arith.constant 0 : i32
        %dma_wait3A_629 = tpu.memref_slice %arg8[%add3A, %dma_wait3A_622, %dma_wait3A_628] : memref<32x64x4096xi32, #tpu.memory_space<hbm>> -> memref<1x1x256xi32, #tpu.memory_space<hbm>>
        %dma_wait3A_630 = tpu.memref_squeeze %dma_wait3A_629 : memref<1x1x256xi32, #tpu.memory_space<hbm>> -> memref<256xi32, #tpu.memory_space<hbm>>
        %dma_wait3A_631 = arith.constant 0 : i32
        %dma_wait3A_632 = tpu.memref_slice %arg16[%dma_wait3A_631] : memref<5120xi32, #tpu.memory_space<vmem>> -> memref<256xi32, #tpu.memory_space<vmem>>
        tpu.wait_dma2 semaphore(%arg24 : memref<!tpu.dma_semaphore, #tpu.memory_space<semaphore_mem>>) src(%dma_wait3A_632 : memref<256xi32, #tpu.memory_space<vmem>>) dst(%dma_wait3A_630 : memref<256xi32, #tpu.memory_space<hbm>>)
        %dma_wait3A_633 = arith.constant 0 : i32
        %dma_wait3A_634 = arith.constant 0 : i32
        %dma_wait3A_635 = tpu.memref_slice %arg17[%dma_wait3A_634] : memref<5120xf32, #tpu.memory_space<vmem>> -> memref<256xf32, #tpu.memory_space<vmem>>
        %dma_wait3A_636 = arith.constant 0 : i32
        %dma_wait3A_637 = tpu.memref_slice %arg9[%add3A, %dma_wait3A_633, %dma_wait3A_636] : memref<32x64x4096xf32, #tpu.memory_space<hbm>> -> memref<1x1x256xf32, #tpu.memory_space<hbm>>
        %dma_wait3A_638 = tpu.memref_squeeze %dma_wait3A_637 : memref<1x1x256xf32, #tpu.memory_space<hbm>> -> memref<256xf32, #tpu.memory_space<hbm>>
        %dma_wait3A_639 = arith.constant 0 : i32
        %dma_wait3A_640 = tpu.memref_slice %arg9[%add3A, %dma_wait3A_633, %dma_wait3A_639] : memref<32x64x4096xf32, #tpu.memory_space<hbm>> -> memref<1x1x256xf32, #tpu.memory_space<hbm>>
        %dma_wait3A_641 = tpu.memref_squeeze %dma_wait3A_640 : memref<1x1x256xf32, #tpu.memory_space<hbm>> -> memref<256xf32, #tpu.memory_space<hbm>>
        %dma_wait3A_642 = arith.constant 0 : i32
        %dma_wait3A_643 = tpu.memref_slice %arg17[%dma_wait3A_642] : memref<5120xf32, #tpu.memory_space<vmem>> -> memref<256xf32, #tpu.memory_space<vmem>>
        tpu.wait_dma2 semaphore(%arg24 : memref<!tpu.dma_semaphore, #tpu.memory_space<semaphore_mem>>) src(%dma_wait3A_643 : memref<256xf32, #tpu.memory_space<vmem>>) dst(%dma_wait3A_641 : memref<256xf32, #tpu.memory_space<hbm>>)
        %while3A_644 = arith.constant 0 : i32
        scf.yield %while3A_644 : i32
      }
      %while3A_197 = arith.constant 1 : i32
      %while3A_198 = scf.for %while3A_620 = %while3A_194 to %while3A_190 step %while3A_197 iter_args(%while3A_621 = %while3A_196) -> (i32)  : i32 {
        %dma_wait3A_622 = arith.constant 0 : i32
        %dma_wait3A_623 = arith.constant 0 : i32
        %dma_wait3A_624 = tpu.memref_slice %arg16[%dma_wait3A_623] : memref<5120xi32, #tpu.memory_space<vmem>> -> memref<256xi32, #tpu.memory_space<vmem>>
        %dma_wait3A_625 = arith.constant 0 : i32
        %dma_wait3A_626 = tpu.memref_slice %arg8[%add3A, %dma_wait3A_622, %dma_wait3A_625] : memref<32x64x4096xi32, #tpu.memory_space<hbm>> -> memref<1x1x256xi32, #tpu.memory_space<hbm>>
        %dma_wait3A_627 = tpu.memref_squeeze %dma_wait3A_626 : memref<1x1x256xi32, #tpu.memory_space<hbm>> -> memref<256xi32, #tpu.memory_space<hbm>>
        %dma_wait3A_628 = arith.constant 0 : i32
        %dma_wait3A_629 = tpu.memref_slice %arg8[%add3A, %dma_wait3A_622, %dma_wait3A_628] : memref<32x64x4096xi32, #tpu.memory_space<hbm>> -> memref<1x1x256xi32, #tpu.memory_space<hbm>>
        %dma_wait3A_630 = tpu.memref_squeeze %dma_wait3A_629 : memref<1x1x256xi32, #tpu.memory_space<hbm>> -> memref<256xi32, #tpu.memory_space<hbm>>
        %dma_wait3A_631 = arith.constant 0 : i32
        %dma_wait3A_632 = tpu.memref_slice %arg16[%dma_wait3A_631] : memref<5120xi32, #tpu.memory_space<vmem>> -> memref<256xi32, #tpu.memory_space<vmem>>
        tpu.wait_dma2 semaphore(%arg24 : memref<!tpu.dma_semaphore, #tpu.memory_space<semaphore_mem>>) src(%dma_wait3A_632 : memref<256xi32, #tpu.memory_space<vmem>>) dst(%dma_wait3A_630 : memref<256xi32, #tpu.memory_space<hbm>>)
        %dma_wait3A_633 = arith.constant 0 : i32
        %dma_wait3A_634 = arith.constant 0 : i32
        %dma_wait3A_635 = tpu.memref_slice %arg17[%dma_wait3A_634] : memref<5120xf32, #tpu.memory_space<vmem>> -> memref<256xf32, #tpu.memory_space<vmem>>
        %dma_wait3A_636 = arith.constant 0 : i32
        %dma_wait3A_637 = tpu.memref_slice %arg9[%add3A, %dma_wait3A_633, %dma_wait3A_636] : memref<32x64x4096xf32, #tpu.memory_space<hbm>> -> memref<1x1x256xf32, #tpu.memory_space<hbm>>
        %dma_wait3A_638 = tpu.memref_squeeze %dma_wait3A_637 : memref<1x1x256xf32, #tpu.memory_space<hbm>> -> memref<256xf32, #tpu.memory_space<hbm>>
        %dma_wait3A_639 = arith.constant 0 : i32
        %dma_wait3A_640 = tpu.memref_slice %arg9[%add3A, %dma_wait3A_633, %dma_wait3A_639] : memref<32x64x4096xf32, #tpu.memory_space<hbm>> -> memref<1x1x256xf32, #tpu.memory_space<hbm>>
        %dma_wait3A_641 = tpu.memref_squeeze %dma_wait3A_640 : memref<1x1x256xf32, #tpu.memory_space<hbm>> -> memref<256xf32, #tpu.memory_space<hbm>>
        %dma_wait3A_642 = arith.constant 0 : i32
        %dma_wait3A_643 = tpu.memref_slice %arg17[%dma_wait3A_642] : memref<5120xf32, #tpu.memory_space<vmem>> -> memref<256xf32, #tpu.memory_space<vmem>>
        tpu.wait_dma2 semaphore(%arg24 : memref<!tpu.dma_semaphore, #tpu.memory_space<semaphore_mem>>) src(%dma_wait3A_643 : memref<256xf32, #tpu.memory_space<vmem>>) dst(%dma_wait3A_641 : memref<256xf32, #tpu.memory_space<hbm>>)
        %while3A_644 = arith.constant 0 : i32
        scf.yield %while3A_644 : i32
      }
      %scan3A_199 = arith.constant 0 : i32
      %scan3A_200 = arith.constant 0 : i32
      %scan3A_201 = arith.constant 0 : i32
      %scan3A_202 = arith.constant 0 : i32
      %scan3A_203 = arith.constant 0 : i32
      %scan3A_204 = arith.constant 64 : i32
      %scan3A_205 = arith.addi %scan3A_203, %scan3A_204 : i32
      %scan3A_206 = arith.constant 1 : i32
      %scan3A_207:4 = scf.for %scan3A_620 = %scan3A_203 to %scan3A_205 step %scan3A_206 iter_args(%scan3A_621 = %scan3A_199, %scan3A_622 = %scan3A_200, %scan3A_623 = %scan3A_201, %scan3A_624 = %scan3A_202) -> (i32, i32, i32, i32)  : i32 {
        %add3A_625 = arith.constant 0 : i32
        %add3A_626 = arith.addi %add3A_625, %scan3A_620 : i32
        %mul3A_627 = arith.constant 16 : i32
        %mul3A_628 = arith.muli %add3A_626, %mul3A_627 : i32
        %get3A_629 = arith.index_cast %mul3A_628 : i32 to index
        %get3A_630 = tpu.vector_load %arg12[%get3A_629] {strides = array<i32>} : memref<4096xi32, #tpu.memory_space<vmem>>, vector<16xi32>,
        %add3A_631 = arith.constant 0 : i32
        %add3A_632 = arith.addi %add3A_631, %scan3A_620 : i32
        %mul3A_633 = arith.constant 16 : i32
        %mul3A_634 = arith.muli %add3A_632, %mul3A_633 : i32
        %get3A_635 = arith.index_cast %mul3A_634 : i32 to index
        %get3A_636 = tpu.vector_load %arg13[%get3A_635] {strides = array<i32>} : memref<4096xf32, #tpu.memory_space<vmem>>, vector<16xf32>,
        %shift_right_arithmetic3A = arith.constant 18 : i32
        %shift_right_arithmetic3A_637 = vector.broadcast %shift_right_arithmetic3A : i32 to vector<16xi32>
        %shift_right_arithmetic3A_638 = arith.shrsi %get3A_630, %shift_right_arithmetic3A_637 : vector<16xi32>
        %eq3A_639 = vector.broadcast %add3A : i32 to vector<16xi32>
        %eq3A_640 = arith.cmpi eq, %shift_right_arithmetic3A_638, %eq3A_639 : vector<16xi32>
        %add3A_641 = arith.constant 0 : i32
        %add3A_642 = arith.addi %add3A_641, %scan3A_621 : i32
        %swap3A_643 = arith.index_cast %add3A_642 : i32 to index
        %swap3A_644 = tpu.vector_load %arg16[%swap3A_643] masked %eq3A_640 {strides = array<i32>} : memref<5120xi32, #tpu.memory_space<vmem>>, vector<16xi32>, vector<16xi1>
        tpu.vector_store %arg16[%swap3A_643], %get3A_630 masked %eq3A_640 {strides = array<i32>} : memref<5120xi32, #tpu.memory_space<vmem>>, vector<16xi32>, vector<16xi1>
        %add3A_645 = arith.constant 0 : i32
        %add3A_646 = arith.addi %add3A_645, %scan3A_621 : i32
        %swap3A_647 = arith.index_cast %add3A_646 : i32 to index
        %swap3A_648 = tpu.vector_load %arg17[%swap3A_647] masked %eq3A_640 {strides = array<i32>} : memref<5120xf32, #tpu.memory_space<vmem>>, vector<16xf32>, vector<16xi1>
        tpu.vector_store %arg17[%swap3A_647], %get3A_636 masked %eq3A_640 {strides = array<i32>} : memref<5120xf32, #tpu.memory_space<vmem>>, vector<16xf32>, vector<16xi1>
        %all_reduce_population_count3A = tpu.all_reduce %eq3A_640 {dim = 0 : i64, kind = #tpu.reduction_kind<sum>} : vector<16xi1> -> vector<16xi32>
        %slice3A = vector.extract_strided_slice %all_reduce_population_count3A {offsets = [0], sizes = [1], strides = [1]} : vector<16xi32> to vector<1xi32>
        %squeeze3A = vector.extract %slice3A[0] : i32 from vector<1xi32>
        %add3A_649 = arith.addi %scan3A_621, %squeeze3A : i32
        %add3A_650 = arith.constant 64 : i32
        %add3A_651 = arith.addi %add3A_650, %scan3A_620 : i32
        %mul3A_652 = arith.constant 16 : i32
        %mul3A_653 = arith.muli %add3A_651, %mul3A_652 : i32
        %get3A_654 = arith.index_cast %mul3A_653 : i32 to index
        %get3A_655 = tpu.vector_load %arg12[%get3A_654] {strides = array<i32>} : memref<4096xi32, #tpu.memory_space<vmem>>, vector<16xi32>,
        %add3A_656 = arith.constant 64 : i32
        %add3A_657 = arith.addi %add3A_656, %scan3A_620 : i32
        %mul3A_658 = arith.constant 16 : i32
        %mul3A_659 = arith.muli %add3A_657, %mul3A_658 : i32
        %get3A_660 = arith.index_cast %mul3A_659 : i32 to index
        %get3A_661 = tpu.vector_load %arg13[%get3A_660] {strides = array<i32>} : memref<4096xf32, #tpu.memory_space<vmem>>, vector<16xf32>,
        %shift_right_arithmetic3A_662 = arith.constant 18 : i32
        %shift_right_arithmetic3A_663 = vector.broadcast %shift_right_arithmetic3A_662 : i32 to vector<16xi32>
        %shift_right_arithmetic3A_664 = arith.shrsi %get3A_655, %shift_right_arithmetic3A_663 : vector<16xi32>
        %eq3A_665 = vector.broadcast %add3A : i32 to vector<16xi32>
        %eq3A_666 = arith.cmpi eq, %shift_right_arithmetic3A_664, %eq3A_665 : vector<16xi32>
        %add3A_667 = arith.constant 1280 : i32
        %add3A_668 = arith.addi %add3A_667, %scan3A_622 : i32
        %swap3A_669 = arith.index_cast %add3A_668 : i32 to index
        %swap3A_670 = tpu.vector_load %arg16[%swap3A_669] masked %eq3A_666 {strides = array<i32>} : memref<5120xi32, #tpu.memory_space<vmem>>, vector<16xi32>, vector<16xi1>
        tpu.vector_store %arg16[%swap3A_669], %get3A_655 masked %eq3A_666 {strides = array<i32>} : memref<5120xi32, #tpu.memory_space<vmem>>, vector<16xi32>, vector<16xi1>
        %add3A_671 = arith.constant 1280 : i32
        %add3A_672 = arith.addi %add3A_671, %scan3A_622 : i32
        %swap3A_673 = arith.index_cast %add3A_672 : i32 to index
        %swap3A_674 = tpu.vector_load %arg17[%swap3A_673] masked %eq3A_666 {strides = array<i32>} : memref<5120xf32, #tpu.memory_space<vmem>>, vector<16xf32>, vector<16xi1>
        tpu.vector_store %arg17[%swap3A_673], %get3A_661 masked %eq3A_666 {strides = array<i32>} : memref<5120xf32, #tpu.memory_space<vmem>>, vector<16xf32>, vector<16xi1>
        %all_reduce_population_count3A_675 = tpu.all_reduce %eq3A_666 {dim = 0 : i64, kind = #tpu.reduction_kind<sum>} : vector<16xi1> -> vector<16xi32>
        %slice3A_676 = vector.extract_strided_slice %all_reduce_population_count3A_675 {offsets = [0], sizes = [1], strides = [1]} : vector<16xi32> to vector<1xi32>
        %squeeze3A_677 = vector.extract %slice3A_676[0] : i32 from vector<1xi32>
        %add3A_678 = arith.addi %scan3A_622, %squeeze3A_677 : i32
        %add3A_679 = arith.constant 128 : i32
        %add3A_680 = arith.addi %add3A_679, %scan3A_620 : i32
        %mul3A_681 = arith.constant 16 : i32
        %mul3A_682 = arith.muli %add3A_680, %mul3A_681 : i32
        %get3A_683 = arith.index_cast %mul3A_682 : i32 to index
        %get3A_684 = tpu.vector_load %arg12[%get3A_683] {strides = array<i32>} : memref<4096xi32, #tpu.memory_space<vmem>>, vector<16xi32>,
        %add3A_685 = arith.constant 128 : i32
        %add3A_686 = arith.addi %add3A_685, %scan3A_620 : i32
        %mul3A_687 = arith.constant 16 : i32
        %mul3A_688 = arith.muli %add3A_686, %mul3A_687 : i32
        %get3A_689 = arith.index_cast %mul3A_688 : i32 to index
        %get3A_690 = tpu.vector_load %arg13[%get3A_689] {strides = array<i32>} : memref<4096xf32, #tpu.memory_space<vmem>>, vector<16xf32>,
        %shift_right_arithmetic3A_691 = arith.constant 18 : i32
        %shift_right_arithmetic3A_692 = vector.broadcast %shift_right_arithmetic3A_691 : i32 to vector<16xi32>
        %shift_right_arithmetic3A_693 = arith.shrsi %get3A_684, %shift_right_arithmetic3A_692 : vector<16xi32>
        %eq3A_694 = vector.broadcast %add3A : i32 to vector<16xi32>
        %eq3A_695 = arith.cmpi eq, %shift_right_arithmetic3A_693, %eq3A_694 : vector<16xi32>
        %add3A_696 = arith.constant 2560 : i32
        %add3A_697 = arith.addi %add3A_696, %scan3A_623 : i32
        %swap3A_698 = arith.index_cast %add3A_697 : i32 to index
        %swap3A_699 = tpu.vector_load %arg16[%swap3A_698] masked %eq3A_695 {strides = array<i32>} : memref<5120xi32, #tpu.memory_space<vmem>>, vector<16xi32>, vector<16xi1>
        tpu.vector_store %arg16[%swap3A_698], %get3A_684 masked %eq3A_695 {strides = array<i32>} : memref<5120xi32, #tpu.memory_space<vmem>>, vector<16xi32>, vector<16xi1>
        %add3A_700 = arith.constant 2560 : i32
        %add3A_701 = arith.addi %add3A_700, %scan3A_623 : i32
        %swap3A_702 = arith.index_cast %add3A_701 : i32 to index
        %swap3A_703 = tpu.vector_load %arg17[%swap3A_702] masked %eq3A_695 {strides = array<i32>} : memref<5120xf32, #tpu.memory_space<vmem>>, vector<16xf32>, vector<16xi1>
        tpu.vector_store %arg17[%swap3A_702], %get3A_690 masked %eq3A_695 {strides = array<i32>} : memref<5120xf32, #tpu.memory_space<vmem>>, vector<16xf32>, vector<16xi1>
        %all_reduce_population_count3A_704 = tpu.all_reduce %eq3A_695 {dim = 0 : i64, kind = #tpu.reduction_kind<sum>} : vector<16xi1> -> vector<16xi32>
        %slice3A_705 = vector.extract_strided_slice %all_reduce_population_count3A_704 {offsets = [0], sizes = [1], strides = [1]} : vector<16xi32> to vector<1xi32>
        %squeeze3A_706 = vector.extract %slice3A_705[0] : i32 from vector<1xi32>
        %add3A_707 = arith.addi %scan3A_623, %squeeze3A_706 : i32
        %add3A_708 = arith.constant 192 : i32
        %add3A_709 = arith.addi %add3A_708, %scan3A_620 : i32
        %mul3A_710 = arith.constant 16 : i32
        %mul3A_711 = arith.muli %add3A_709, %mul3A_710 : i32
        %get3A_712 = arith.index_cast %mul3A_711 : i32 to index
        %get3A_713 = tpu.vector_load %arg12[%get3A_712] {strides = array<i32>} : memref<4096xi32, #tpu.memory_space<vmem>>, vector<16xi32>,
        %add3A_714 = arith.constant 192 : i32
        %add3A_715 = arith.addi %add3A_714, %scan3A_620 : i32
        %mul3A_716 = arith.constant 16 : i32
        %mul3A_717 = arith.muli %add3A_715, %mul3A_716 : i32
        %get3A_718 = arith.index_cast %mul3A_717 : i32 to index
        %get3A_719 = tpu.vector_load %arg13[%get3A_718] {strides = array<i32>} : memref<4096xf32, #tpu.memory_space<vmem>>, vector<16xf32>,
        %shift_right_arithmetic3A_720 = arith.constant 18 : i32
        %shift_right_arithmetic3A_721 = vector.broadcast %shift_right_arithmetic3A_720 : i32 to vector<16xi32>
        %shift_right_arithmetic3A_722 = arith.shrsi %get3A_713, %shift_right_arithmetic3A_721 : vector<16xi32>
        %eq3A_723 = vector.broadcast %add3A : i32 to vector<16xi32>
        %eq3A_724 = arith.cmpi eq, %shift_right_arithmetic3A_722, %eq3A_723 : vector<16xi32>
        %add3A_725 = arith.constant 3840 : i32
        %add3A_726 = arith.addi %add3A_725, %scan3A_624 : i32
        %swap3A_727 = arith.index_cast %add3A_726 : i32 to index
        %swap3A_728 = tpu.vector_load %arg16[%swap3A_727] masked %eq3A_724 {strides = array<i32>} : memref<5120xi32, #tpu.memory_space<vmem>>, vector<16xi32>, vector<16xi1>
        tpu.vector_store %arg16[%swap3A_727], %get3A_713 masked %eq3A_724 {strides = array<i32>} : memref<5120xi32, #tpu.memory_space<vmem>>, vector<16xi32>, vector<16xi1>
        %add3A_729 = arith.constant 3840 : i32
        %add3A_730 = arith.addi %add3A_729, %scan3A_624 : i32
        %swap3A_731 = arith.index_cast %add3A_730 : i32 to index
        %swap3A_732 = tpu.vector_load %arg17[%swap3A_731] masked %eq3A_724 {strides = array<i32>} : memref<5120xf32, #tpu.memory_space<vmem>>, vector<16xf32>, vector<16xi1>
        tpu.vector_store %arg17[%swap3A_731], %get3A_719 masked %eq3A_724 {strides = array<i32>} : memref<5120xf32, #tpu.memory_space<vmem>>, vector<16xf32>, vector<16xi1>
        %all_reduce_population_count3A_733 = tpu.all_reduce %eq3A_724 {dim = 0 : i64, kind = #tpu.reduction_kind<sum>} : vector<16xi1> -> vector<16xi32>
        %slice3A_734 = vector.extract_strided_slice %all_reduce_population_count3A_733 {offsets = [0], sizes = [1], strides = [1]} : vector<16xi32> to vector<1xi32>
        %squeeze3A_735 = vector.extract %slice3A_734[0] : i32 from vector<1xi32>
        %add3A_736 = arith.addi %scan3A_624, %squeeze3A_735 : i32
        scf.yield %add3A_649, %add3A_678, %add3A_707, %add3A_736 : i32, i32, i32, i32
      }
      %scan3A_208 = arith.constant 64 : i32
      %mul3A_209 = arith.constant 4 : i32
      %mul3A_210 = arith.muli %mul3A_164, %mul3A_209 : i32
      %add3A_211 = arith.constant 0 : i32
      %add3A_212 = arith.addi %mul3A_210, %add3A_211 : i32
      %swap3A_213 = arith.index_cast %add3A_212 : i32 to index
      %swap3A_214 = memref.load %arg22[%swap3A_213] : memref<256xi32, #tpu.memory_space<smem>>
      memref.store %scan3A_207#0, %arg22[%swap3A_213] : memref<256xi32, #tpu.memory_space<smem>>
      %mul3A_215 = arith.constant 4 : i32
      %mul3A_216 = arith.muli %mul3A_164, %mul3A_215 : i32
      %add3A_217 = arith.constant 1 : i32
      %add3A_218 = arith.addi %mul3A_216, %add3A_217 : i32
      %swap3A_219 = arith.index_cast %add3A_218 : i32 to index
      %swap3A_220 = memref.load %arg22[%swap3A_219] : memref<256xi32, #tpu.memory_space<smem>>
      memref.store %scan3A_207#1, %arg22[%swap3A_219] : memref<256xi32, #tpu.memory_space<smem>>
      %mul3A_221 = arith.constant 4 : i32
      %mul3A_222 = arith.muli %mul3A_164, %mul3A_221 : i32
      %add3A_223 = arith.constant 2 : i32
      %add3A_224 = arith.addi %mul3A_222, %add3A_223 : i32
      %swap3A_225 = arith.index_cast %add3A_224 : i32 to index
      %swap3A_226 = memref.load %arg22[%swap3A_225] : memref<256xi32, #tpu.memory_space<smem>>
      memref.store %scan3A_207#2, %arg22[%swap3A_225] : memref<256xi32, #tpu.memory_space<smem>>
      %mul3A_227 = arith.constant 4 : i32
      %mul3A_228 = arith.muli %mul3A_164, %mul3A_227 : i32
      %add3A_229 = arith.constant 3 : i32
      %add3A_230 = arith.addi %mul3A_228, %add3A_229 : i32
      %swap3A_231 = arith.index_cast %add3A_230 : i32 to index
      %swap3A_232 = memref.load %arg22[%swap3A_231] : memref<256xi32, #tpu.memory_space<smem>>
      memref.store %scan3A_207#3, %arg22[%swap3A_231] : memref<256xi32, #tpu.memory_space<smem>>
      %add3A_233 = arith.constant 256 : i32
      %add3A_234 = arith.addi %scan3A_207#0, %add3A_233 : i32
      %sub3A_235 = arith.constant 1 : i32
      %sub3A_236 = arith.subi %add3A_234, %sub3A_235 : i32
      %jit3A_237 = arith.constant 256 : i32
      %div3A = arith.divsi %sub3A_236, %jit3A_237 : i32
      %sign3A = arith.constant 0 : i32
      %sign3A_238 = arith.cmpi sgt, %sub3A_236, %sign3A : i32
      %sign3A_239 = arith.extui %sign3A_238 : i1 to i32
      %sign3A_240 = arith.constant 0 : i32
      %sign3A_241 = arith.cmpi slt, %sub3A_236, %sign3A_240 : i32
      %sign3A_242 = arith.extui %sign3A_241 : i1 to i32
      %sign3A_243 = arith.subi %sign3A_239, %sign3A_242 : i32
      %sign3A_244 = arith.constant 0 : i32
      %sign3A_245 = arith.cmpi sgt, %jit3A_237, %sign3A_244 : i32
      %sign3A_246 = arith.extui %sign3A_245 : i1 to i32
      %sign3A_247 = arith.constant 0 : i32
      %sign3A_248 = arith.cmpi slt, %jit3A_237, %sign3A_247 : i32
      %sign3A_249 = arith.extui %sign3A_248 : i1 to i32
      %sign3A_250 = arith.subi %sign3A_246, %sign3A_249 : i32
      %ne3A = arith.cmpi ne, %sign3A_243, %sign3A_250 : i32
      %rem3A = arith.remsi %sub3A_236, %jit3A_237 : i32
      %ne3A_251 = arith.constant 0 : i32
      %ne3A_252 = arith.cmpi ne, %rem3A, %ne3A_251 : i32
      %and3A = arith.andi %ne3A, %ne3A_252 : i1
      %sub3A_253 = arith.constant 1 : i32
      %sub3A_254 = arith.subi %div3A, %sub3A_253 : i32
      %select_n3A_255 = arith.select %and3A, %sub3A_254, %div3A : i32
      %while3A_256 = arith.constant 0 : i32
      %while3A_257 = arith.constant 0 : i32
      %while3A_258 = arith.subi %select_n3A_255, %while3A_256 : i32
      %while3A_259 = arith.addi %while3A_256, %while3A_258 : i32
      %while3A_260 = arith.constant 1 : i32
      %while3A_261 = arith.divsi %while3A_258, %while3A_260 : i32
      %while3A_262 = arith.muli %while3A_261, %while3A_260 : i32
      %while3A_263 = arith.addi %while3A_256, %while3A_262 : i32
      %while3A_264 = arith.constant 1 : i32
      %while3A_265 = scf.for %while3A_620 = %while3A_256 to %while3A_263 step %while3A_264 iter_args(%while3A_621 = %while3A_257) -> (i32)  : i32 {
        %mul3A_622 = arith.constant 256 : i32
        %mul3A_623 = arith.muli %while3A_620, %mul3A_622 : i32
        %add3A_624 = arith.constant 0 : i32
        %add3A_625 = arith.addi %add3A_624, %mul3A_623 : i32
        %mul3A_626 = arith.constant 256 : i32
        %mul3A_627 = arith.muli %while3A_620, %mul3A_626 : i32
        %add3A_628 = arith.constant 0 : i32
        %add3A_629 = arith.addi %add3A_628, %mul3A_627 : i32
        %dma_start3A_630 = tpu.memref_slice %arg16[%add3A_625] : memref<5120xi32, #tpu.memory_space<vmem>> -> memref<256xi32, #tpu.memory_space<vmem>>
        %dma_start3A_631 = tpu.memref_slice %arg8[%add3A, %mul3A_164, %add3A_629] : memref<32x64x4096xi32, #tpu.memory_space<hbm>> -> memref<1x1x256xi32, #tpu.memory_space<hbm>>
        %dma_start3A_632 = tpu.memref_squeeze %dma_start3A_631 : memref<1x1x256xi32, #tpu.memory_space<hbm>> -> memref<256xi32, #tpu.memory_space<hbm>>
        %dma_start3A_633 = tpu.memref_slice %arg8[%add3A, %mul3A_164, %add3A_629] : memref<32x64x4096xi32, #tpu.memory_space<hbm>> -> memref<1x1x256xi32, #tpu.memory_space<hbm>>
        %dma_start3A_634 = tpu.memref_squeeze %dma_start3A_633 : memref<1x1x256xi32, #tpu.memory_space<hbm>> -> memref<256xi32, #tpu.memory_space<hbm>>
        %dma_start3A_635 = tpu.memref_slice %arg16[%add3A_625] : memref<5120xi32, #tpu.memory_space<vmem>> -> memref<256xi32, #tpu.memory_space<vmem>>
        tpu.enqueue_dma source(%dma_start3A_635 : memref<256xi32, #tpu.memory_space<vmem>>) target(%dma_start3A_634 : memref<256xi32, #tpu.memory_space<hbm>>) target_semaphore(%arg24 : memref<!tpu.dma_semaphore, #tpu.memory_space<semaphore_mem>>)
        %mul3A_636 = arith.constant 256 : i32
        %mul3A_637 = arith.muli %while3A_620, %mul3A_636 : i32
        %add3A_638 = arith.constant 0 : i32
        %add3A_639 = arith.addi %add3A_638, %mul3A_637 : i32
        %mul3A_640 = arith.constant 256 : i32
        %mul3A_641 = arith.muli %while3A_620, %mul3A_640 : i32
        %add3A_642 = arith.constant 0 : i32
        %add3A_643 = arith.addi %add3A_642, %mul3A_641 : i32
        %dma_start3A_644 = tpu.memref_slice %arg17[%add3A_639] : memref<5120xf32, #tpu.memory_space<vmem>> -> memref<256xf32, #tpu.memory_space<vmem>>
        %dma_start3A_645 = tpu.memref_slice %arg9[%add3A, %mul3A_164, %add3A_643] : memref<32x64x4096xf32, #tpu.memory_space<hbm>> -> memref<1x1x256xf32, #tpu.memory_space<hbm>>
        %dma_start3A_646 = tpu.memref_squeeze %dma_start3A_645 : memref<1x1x256xf32, #tpu.memory_space<hbm>> -> memref<256xf32, #tpu.memory_space<hbm>>
        %dma_start3A_647 = tpu.memref_slice %arg9[%add3A, %mul3A_164, %add3A_643] : memref<32x64x4096xf32, #tpu.memory_space<hbm>> -> memref<1x1x256xf32, #tpu.memory_space<hbm>>
        %dma_start3A_648 = tpu.memref_squeeze %dma_start3A_647 : memref<1x1x256xf32, #tpu.memory_space<hbm>> -> memref<256xf32, #tpu.memory_space<hbm>>
        %dma_start3A_649 = tpu.memref_slice %arg17[%add3A_639] : memref<5120xf32, #tpu.memory_space<vmem>> -> memref<256xf32, #tpu.memory_space<vmem>>
        tpu.enqueue_dma source(%dma_start3A_649 : memref<256xf32, #tpu.memory_space<vmem>>) target(%dma_start3A_648 : memref<256xf32, #tpu.memory_space<hbm>>) target_semaphore(%arg24 : memref<!tpu.dma_semaphore, #tpu.memory_space<semaphore_mem>>)
        %while3A_650 = arith.constant 0 : i32
        scf.yield %while3A_650 : i32
      }
      %while3A_266 = arith.constant 1 : i32
      %while3A_267 = scf.for %while3A_620 = %while3A_263 to %while3A_259 step %while3A_266 iter_args(%while3A_621 = %while3A_265) -> (i32)  : i32 {
        %mul3A_622 = arith.constant 256 : i32
        %mul3A_623 = arith.muli %while3A_620, %mul3A_622 : i32
        %add3A_624 = arith.constant 0 : i32
        %add3A_625 = arith.addi %add3A_624, %mul3A_623 : i32
        %mul3A_626 = arith.constant 256 : i32
        %mul3A_627 = arith.muli %while3A_620, %mul3A_626 : i32
        %add3A_628 = arith.constant 0 : i32
        %add3A_629 = arith.addi %add3A_628, %mul3A_627 : i32
        %dma_start3A_630 = tpu.memref_slice %arg16[%add3A_625] : memref<5120xi32, #tpu.memory_space<vmem>> -> memref<256xi32, #tpu.memory_space<vmem>>
        %dma_start3A_631 = tpu.memref_slice %arg8[%add3A, %mul3A_164, %add3A_629] : memref<32x64x4096xi32, #tpu.memory_space<hbm>> -> memref<1x1x256xi32, #tpu.memory_space<hbm>>
        %dma_start3A_632 = tpu.memref_squeeze %dma_start3A_631 : memref<1x1x256xi32, #tpu.memory_space<hbm>> -> memref<256xi32, #tpu.memory_space<hbm>>
        %dma_start3A_633 = tpu.memref_slice %arg8[%add3A, %mul3A_164, %add3A_629] : memref<32x64x4096xi32, #tpu.memory_space<hbm>> -> memref<1x1x256xi32, #tpu.memory_space<hbm>>
        %dma_start3A_634 = tpu.memref_squeeze %dma_start3A_633 : memref<1x1x256xi32, #tpu.memory_space<hbm>> -> memref<256xi32, #tpu.memory_space<hbm>>
        %dma_start3A_635 = tpu.memref_slice %arg16[%add3A_625] : memref<5120xi32, #tpu.memory_space<vmem>> -> memref<256xi32, #tpu.memory_space<vmem>>
        tpu.enqueue_dma source(%dma_start3A_635 : memref<256xi32, #tpu.memory_space<vmem>>) target(%dma_start3A_634 : memref<256xi32, #tpu.memory_space<hbm>>) target_semaphore(%arg24 : memref<!tpu.dma_semaphore, #tpu.memory_space<semaphore_mem>>)
        %mul3A_636 = arith.constant 256 : i32
        %mul3A_637 = arith.muli %while3A_620, %mul3A_636 : i32
        %add3A_638 = arith.constant 0 : i32
        %add3A_639 = arith.addi %add3A_638, %mul3A_637 : i32
        %mul3A_640 = arith.constant 256 : i32
        %mul3A_641 = arith.muli %while3A_620, %mul3A_640 : i32
        %add3A_642 = arith.constant 0 : i32
        %add3A_643 = arith.addi %add3A_642, %mul3A_641 : i32
        %dma_start3A_644 = tpu.memref_slice %arg17[%add3A_639] : memref<5120xf32, #tpu.memory_space<vmem>> -> memref<256xf32, #tpu.memory_space<vmem>>
        %dma_start3A_645 = tpu.memref_slice %arg9[%add3A, %mul3A_164, %add3A_643] : memref<32x64x4096xf32, #tpu.memory_space<hbm>> -> memref<1x1x256xf32, #tpu.memory_space<hbm>>
        %dma_start3A_646 = tpu.memref_squeeze %dma_start3A_645 : memref<1x1x256xf32, #tpu.memory_space<hbm>> -> memref<256xf32, #tpu.memory_space<hbm>>
        %dma_start3A_647 = tpu.memref_slice %arg9[%add3A, %mul3A_164, %add3A_643] : memref<32x64x4096xf32, #tpu.memory_space<hbm>> -> memref<1x1x256xf32, #tpu.memory_space<hbm>>
        %dma_start3A_648 = tpu.memref_squeeze %dma_start3A_647 : memref<1x1x256xf32, #tpu.memory_space<hbm>> -> memref<256xf32, #tpu.memory_space<hbm>>
        %dma_start3A_649 = tpu.memref_slice %arg17[%add3A_639] : memref<5120xf32, #tpu.memory_space<vmem>> -> memref<256xf32, #tpu.memory_space<vmem>>
        tpu.enqueue_dma source(%dma_start3A_649 : memref<256xf32, #tpu.memory_space<vmem>>) target(%dma_start3A_648 : memref<256xf32, #tpu.memory_space<hbm>>) target_semaphore(%arg24 : memref<!tpu.dma_semaphore, #tpu.memory_space<semaphore_mem>>)
        %while3A_650 = arith.constant 0 : i32
        scf.yield %while3A_650 : i32
      }
      %add3A_268 = arith.constant 0 : i32
      %add3A_269 = arith.addi %add3A_268, %select_n3A_255 : i32
      %add3A_270 = arith.constant 256 : i32
      %add3A_271 = arith.addi %scan3A_207#1, %add3A_270 : i32
      %sub3A_272 = arith.constant 1 : i32
      %sub3A_273 = arith.subi %add3A_271, %sub3A_272 : i32
      %jit3A_274 = arith.constant 256 : i32
      %div3A_275 = arith.divsi %sub3A_273, %jit3A_274 : i32
      %sign3A_276 = arith.constant 0 : i32
      %sign3A_277 = arith.cmpi sgt, %sub3A_273, %sign3A_276 : i32
      %sign3A_278 = arith.extui %sign3A_277 : i1 to i32
      %sign3A_279 = arith.constant 0 : i32
      %sign3A_280 = arith.cmpi slt, %sub3A_273, %sign3A_279 : i32
      %sign3A_281 = arith.extui %sign3A_280 : i1 to i32
      %sign3A_282 = arith.subi %sign3A_278, %sign3A_281 : i32
      %sign3A_283 = arith.constant 0 : i32
      %sign3A_284 = arith.cmpi sgt, %jit3A_274, %sign3A_283 : i32
      %sign3A_285 = arith.extui %sign3A_284 : i1 to i32
      %sign3A_286 = arith.constant 0 : i32
      %sign3A_287 = arith.cmpi slt, %jit3A_274, %sign3A_286 : i32
      %sign3A_288 = arith.extui %sign3A_287 : i1 to i32
      %sign3A_289 = arith.subi %sign3A_285, %sign3A_288 : i32
      %ne3A_290 = arith.cmpi ne, %sign3A_282, %sign3A_289 : i32
      %rem3A_291 = arith.remsi %sub3A_273, %jit3A_274 : i32
      %ne3A_292 = arith.constant 0 : i32
      %ne3A_293 = arith.cmpi ne, %rem3A_291, %ne3A_292 : i32
      %and3A_294 = arith.andi %ne3A_290, %ne3A_293 : i1
      %sub3A_295 = arith.constant 1 : i32
      %sub3A_296 = arith.subi %div3A_275, %sub3A_295 : i32
      %select_n3A_297 = arith.select %and3A_294, %sub3A_296, %div3A_275 : i32
      %while3A_298 = arith.constant 0 : i32
      %while3A_299 = arith.constant 0 : i32
      %while3A_300 = arith.subi %select_n3A_297, %while3A_298 : i32
      %while3A_301 = arith.addi %while3A_298, %while3A_300 : i32
      %while3A_302 = arith.constant 1 : i32
      %while3A_303 = arith.divsi %while3A_300, %while3A_302 : i32
      %while3A_304 = arith.muli %while3A_303, %while3A_302 : i32
      %while3A_305 = arith.addi %while3A_298, %while3A_304 : i32
      %while3A_306 = arith.constant 1 : i32
      %while3A_307 = scf.for %while3A_620 = %while3A_298 to %while3A_305 step %while3A_306 iter_args(%while3A_621 = %while3A_299) -> (i32)  : i32 {
        %mul3A_622 = arith.constant 256 : i32
        %mul3A_623 = arith.muli %while3A_620, %mul3A_622 : i32
        %add3A_624 = arith.constant 1280 : i32
        %add3A_625 = arith.addi %add3A_624, %mul3A_623 : i32
        %mul3A_626 = arith.constant 256 : i32
        %mul3A_627 = arith.muli %while3A_620, %mul3A_626 : i32
        %add3A_628 = arith.constant 1024 : i32
        %add3A_629 = arith.addi %add3A_628, %mul3A_627 : i32
        %dma_start3A_630 = tpu.memref_slice %arg16[%add3A_625] : memref<5120xi32, #tpu.memory_space<vmem>> -> memref<256xi32, #tpu.memory_space<vmem>>
        %dma_start3A_631 = tpu.memref_slice %arg8[%add3A, %mul3A_164, %add3A_629] : memref<32x64x4096xi32, #tpu.memory_space<hbm>> -> memref<1x1x256xi32, #tpu.memory_space<hbm>>
        %dma_start3A_632 = tpu.memref_squeeze %dma_start3A_631 : memref<1x1x256xi32, #tpu.memory_space<hbm>> -> memref<256xi32, #tpu.memory_space<hbm>>
        %dma_start3A_633 = tpu.memref_slice %arg8[%add3A, %mul3A_164, %add3A_629] : memref<32x64x4096xi32, #tpu.memory_space<hbm>> -> memref<1x1x256xi32, #tpu.memory_space<hbm>>
        %dma_start3A_634 = tpu.memref_squeeze %dma_start3A_633 : memref<1x1x256xi32, #tpu.memory_space<hbm>> -> memref<256xi32, #tpu.memory_space<hbm>>
        %dma_start3A_635 = tpu.memref_slice %arg16[%add3A_625] : memref<5120xi32, #tpu.memory_space<vmem>> -> memref<256xi32, #tpu.memory_space<vmem>>
        tpu.enqueue_dma source(%dma_start3A_635 : memref<256xi32, #tpu.memory_space<vmem>>) target(%dma_start3A_634 : memref<256xi32, #tpu.memory_space<hbm>>) target_semaphore(%arg24 : memref<!tpu.dma_semaphore, #tpu.memory_space<semaphore_mem>>)
        %mul3A_636 = arith.constant 256 : i32
        %mul3A_637 = arith.muli %while3A_620, %mul3A_636 : i32
        %add3A_638 = arith.constant 1280 : i32
        %add3A_639 = arith.addi %add3A_638, %mul3A_637 : i32
        %mul3A_640 = arith.constant 256 : i32
        %mul3A_641 = arith.muli %while3A_620, %mul3A_640 : i32
        %add3A_642 = arith.constant 1024 : i32
        %add3A_643 = arith.addi %add3A_642, %mul3A_641 : i32
        %dma_start3A_644 = tpu.memref_slice %arg17[%add3A_639] : memref<5120xf32, #tpu.memory_space<vmem>> -> memref<256xf32, #tpu.memory_space<vmem>>
        %dma_start3A_645 = tpu.memref_slice %arg9[%add3A, %mul3A_164, %add3A_643] : memref<32x64x4096xf32, #tpu.memory_space<hbm>> -> memref<1x1x256xf32, #tpu.memory_space<hbm>>
        %dma_start3A_646 = tpu.memref_squeeze %dma_start3A_645 : memref<1x1x256xf32, #tpu.memory_space<hbm>> -> memref<256xf32, #tpu.memory_space<hbm>>
        %dma_start3A_647 = tpu.memref_slice %arg9[%add3A, %mul3A_164, %add3A_643] : memref<32x64x4096xf32, #tpu.memory_space<hbm>> -> memref<1x1x256xf32, #tpu.memory_space<hbm>>
        %dma_start3A_648 = tpu.memref_squeeze %dma_start3A_647 : memref<1x1x256xf32, #tpu.memory_space<hbm>> -> memref<256xf32, #tpu.memory_space<hbm>>
        %dma_start3A_649 = tpu.memref_slice %arg17[%add3A_639] : memref<5120xf32, #tpu.memory_space<vmem>> -> memref<256xf32, #tpu.memory_space<vmem>>
        tpu.enqueue_dma source(%dma_start3A_649 : memref<256xf32, #tpu.memory_space<vmem>>) target(%dma_start3A_648 : memref<256xf32, #tpu.memory_space<hbm>>) target_semaphore(%arg24 : memref<!tpu.dma_semaphore, #tpu.memory_space<semaphore_mem>>)
        %while3A_650 = arith.constant 0 : i32
        scf.yield %while3A_650 : i32
      }
      %while3A_308 = arith.constant 1 : i32
      %while3A_309 = scf.for %while3A_620 = %while3A_305 to %while3A_301 step %while3A_308 iter_args(%while3A_621 = %while3A_307) -> (i32)  : i32 {
        %mul3A_622 = arith.constant 256 : i32
        %mul3A_623 = arith.muli %while3A_620, %mul3A_622 : i32
        %add3A_624 = arith.constant 1280 : i32
        %add3A_625 = arith.addi %add3A_624, %mul3A_623 : i32
        %mul3A_626 = arith.constant 256 : i32
        %mul3A_627 = arith.muli %while3A_620, %mul3A_626 : i32
        %add3A_628 = arith.constant 1024 : i32
        %add3A_629 = arith.addi %add3A_628, %mul3A_627 : i32
        %dma_start3A_630 = tpu.memref_slice %arg16[%add3A_625] : memref<5120xi32, #tpu.memory_space<vmem>> -> memref<256xi32, #tpu.memory_space<vmem>>
        %dma_start3A_631 = tpu.memref_slice %arg8[%add3A, %mul3A_164, %add3A_629] : memref<32x64x4096xi32, #tpu.memory_space<hbm>> -> memref<1x1x256xi32, #tpu.memory_space<hbm>>
        %dma_start3A_632 = tpu.memref_squeeze %dma_start3A_631 : memref<1x1x256xi32, #tpu.memory_space<hbm>> -> memref<256xi32, #tpu.memory_space<hbm>>
        %dma_start3A_633 = tpu.memref_slice %arg8[%add3A, %mul3A_164, %add3A_629] : memref<32x64x4096xi32, #tpu.memory_space<hbm>> -> memref<1x1x256xi32, #tpu.memory_space<hbm>>
        %dma_start3A_634 = tpu.memref_squeeze %dma_start3A_633 : memref<1x1x256xi32, #tpu.memory_space<hbm>> -> memref<256xi32, #tpu.memory_space<hbm>>
        %dma_start3A_635 = tpu.memref_slice %arg16[%add3A_625] : memref<5120xi32, #tpu.memory_space<vmem>> -> memref<256xi32, #tpu.memory_space<vmem>>
        tpu.enqueue_dma source(%dma_start3A_635 : memref<256xi32, #tpu.memory_space<vmem>>) target(%dma_start3A_634 : memref<256xi32, #tpu.memory_space<hbm>>) target_semaphore(%arg24 : memref<!tpu.dma_semaphore, #tpu.memory_space<semaphore_mem>>)
        %mul3A_636 = arith.constant 256 : i32
        %mul3A_637 = arith.muli %while3A_620, %mul3A_636 : i32
        %add3A_638 = arith.constant 1280 : i32
        %add3A_639 = arith.addi %add3A_638, %mul3A_637 : i32
        %mul3A_640 = arith.constant 256 : i32
        %mul3A_641 = arith.muli %while3A_620, %mul3A_640 : i32
        %add3A_642 = arith.constant 1024 : i32
        %add3A_643 = arith.addi %add3A_642, %mul3A_641 : i32
        %dma_start3A_644 = tpu.memref_slice %arg17[%add3A_639] : memref<5120xf32, #tpu.memory_space<vmem>> -> memref<256xf32, #tpu.memory_space<vmem>>
        %dma_start3A_645 = tpu.memref_slice %arg9[%add3A, %mul3A_164, %add3A_643] : memref<32x64x4096xf32, #tpu.memory_space<hbm>> -> memref<1x1x256xf32, #tpu.memory_space<hbm>>
        %dma_start3A_646 = tpu.memref_squeeze %dma_start3A_645 : memref<1x1x256xf32, #tpu.memory_space<hbm>> -> memref<256xf32, #tpu.memory_space<hbm>>
        %dma_start3A_647 = tpu.memref_slice %arg9[%add3A, %mul3A_164, %add3A_643] : memref<32x64x4096xf32, #tpu.memory_space<hbm>> -> memref<1x1x256xf32, #tpu.memory_space<hbm>>
        %dma_start3A_648 = tpu.memref_squeeze %dma_start3A_647 : memref<1x1x256xf32, #tpu.memory_space<hbm>> -> memref<256xf32, #tpu.memory_space<hbm>>
        %dma_start3A_649 = tpu.memref_slice %arg17[%add3A_639] : memref<5120xf32, #tpu.memory_space<vmem>> -> memref<256xf32, #tpu.memory_space<vmem>>
        tpu.enqueue_dma source(%dma_start3A_649 : memref<256xf32, #tpu.memory_space<vmem>>) target(%dma_start3A_648 : memref<256xf32, #tpu.memory_space<hbm>>) target_semaphore(%arg24 : memref<!tpu.dma_semaphore, #tpu.memory_space<semaphore_mem>>)
        %while3A_650 = arith.constant 0 : i32
        scf.yield %while3A_650 : i32
      }
      %add3A_310 = arith.addi %add3A_269, %select_n3A_297 : i32
      %add3A_311 = arith.constant 256 : i32
      %add3A_312 = arith.addi %scan3A_207#2, %add3A_311 : i32
      %sub3A_313 = arith.constant 1 : i32
      %sub3A_314 = arith.subi %add3A_312, %sub3A_313 : i32
      %jit3A_315 = arith.constant 256 : i32
      %div3A_316 = arith.divsi %sub3A_314, %jit3A_315 : i32
      %sign3A_317 = arith.constant 0 : i32
      %sign3A_318 = arith.cmpi sgt, %sub3A_314, %sign3A_317 : i32
      %sign3A_319 = arith.extui %sign3A_318 : i1 to i32
      %sign3A_320 = arith.constant 0 : i32
      %sign3A_321 = arith.cmpi slt, %sub3A_314, %sign3A_320 : i32
      %sign3A_322 = arith.extui %sign3A_321 : i1 to i32
      %sign3A_323 = arith.subi %sign3A_319, %sign3A_322 : i32
      %sign3A_324 = arith.constant 0 : i32
      %sign3A_325 = arith.cmpi sgt, %jit3A_315, %sign3A_324 : i32
      %sign3A_326 = arith.extui %sign3A_325 : i1 to i32
      %sign3A_327 = arith.constant 0 : i32
      %sign3A_328 = arith.cmpi slt, %jit3A_315, %sign3A_327 : i32
      %sign3A_329 = arith.extui %sign3A_328 : i1 to i32
      %sign3A_330 = arith.subi %sign3A_326, %sign3A_329 : i32
      %ne3A_331 = arith.cmpi ne, %sign3A_323, %sign3A_330 : i32
      %rem3A_332 = arith.remsi %sub3A_314, %jit3A_315 : i32
      %ne3A_333 = arith.constant 0 : i32
      %ne3A_334 = arith.cmpi ne, %rem3A_332, %ne3A_333 : i32
      %and3A_335 = arith.andi %ne3A_331, %ne3A_334 : i1
      %sub3A_336 = arith.constant 1 : i32
      %sub3A_337 = arith.subi %div3A_316, %sub3A_336 : i32
      %select_n3A_338 = arith.select %and3A_335, %sub3A_337, %div3A_316 : i32
      %while3A_339 = arith.constant 0 : i32
      %while3A_340 = arith.constant 0 : i32
      %while3A_341 = arith.subi %select_n3A_338, %while3A_339 : i32
      %while3A_342 = arith.addi %while3A_339, %while3A_341 : i32
      %while3A_343 = arith.constant 1 : i32
      %while3A_344 = arith.divsi %while3A_341, %while3A_343 : i32
      %while3A_345 = arith.muli %while3A_344, %while3A_343 : i32
      %while3A_346 = arith.addi %while3A_339, %while3A_345 : i32
      %while3A_347 = arith.constant 1 : i32
      %while3A_348 = scf.for %while3A_620 = %while3A_339 to %while3A_346 step %while3A_347 iter_args(%while3A_621 = %while3A_340) -> (i32)  : i32 {
        %mul3A_622 = arith.constant 256 : i32
        %mul3A_623 = arith.muli %while3A_620, %mul3A_622 : i32
        %add3A_624 = arith.constant 2560 : i32
        %add3A_625 = arith.addi %add3A_624, %mul3A_623 : i32
        %mul3A_626 = arith.constant 256 : i32
        %mul3A_627 = arith.muli %while3A_620, %mul3A_626 : i32
        %add3A_628 = arith.constant 2048 : i32
        %add3A_629 = arith.addi %add3A_628, %mul3A_627 : i32
        %dma_start3A_630 = tpu.memref_slice %arg16[%add3A_625] : memref<5120xi32, #tpu.memory_space<vmem>> -> memref<256xi32, #tpu.memory_space<vmem>>
        %dma_start3A_631 = tpu.memref_slice %arg8[%add3A, %mul3A_164, %add3A_629] : memref<32x64x4096xi32, #tpu.memory_space<hbm>> -> memref<1x1x256xi32, #tpu.memory_space<hbm>>
        %dma_start3A_632 = tpu.memref_squeeze %dma_start3A_631 : memref<1x1x256xi32, #tpu.memory_space<hbm>> -> memref<256xi32, #tpu.memory_space<hbm>>
        %dma_start3A_633 = tpu.memref_slice %arg8[%add3A, %mul3A_164, %add3A_629] : memref<32x64x4096xi32, #tpu.memory_space<hbm>> -> memref<1x1x256xi32, #tpu.memory_space<hbm>>
        %dma_start3A_634 = tpu.memref_squeeze %dma_start3A_633 : memref<1x1x256xi32, #tpu.memory_space<hbm>> -> memref<256xi32, #tpu.memory_space<hbm>>
        %dma_start3A_635 = tpu.memref_slice %arg16[%add3A_625] : memref<5120xi32, #tpu.memory_space<vmem>> -> memref<256xi32, #tpu.memory_space<vmem>>
        tpu.enqueue_dma source(%dma_start3A_635 : memref<256xi32, #tpu.memory_space<vmem>>) target(%dma_start3A_634 : memref<256xi32, #tpu.memory_space<hbm>>) target_semaphore(%arg24 : memref<!tpu.dma_semaphore, #tpu.memory_space<semaphore_mem>>)
        %mul3A_636 = arith.constant 256 : i32
        %mul3A_637 = arith.muli %while3A_620, %mul3A_636 : i32
        %add3A_638 = arith.constant 2560 : i32
        %add3A_639 = arith.addi %add3A_638, %mul3A_637 : i32
        %mul3A_640 = arith.constant 256 : i32
        %mul3A_641 = arith.muli %while3A_620, %mul3A_640 : i32
        %add3A_642 = arith.constant 2048 : i32
        %add3A_643 = arith.addi %add3A_642, %mul3A_641 : i32
        %dma_start3A_644 = tpu.memref_slice %arg17[%add3A_639] : memref<5120xf32, #tpu.memory_space<vmem>> -> memref<256xf32, #tpu.memory_space<vmem>>
        %dma_start3A_645 = tpu.memref_slice %arg9[%add3A, %mul3A_164, %add3A_643] : memref<32x64x4096xf32, #tpu.memory_space<hbm>> -> memref<1x1x256xf32, #tpu.memory_space<hbm>>
        %dma_start3A_646 = tpu.memref_squeeze %dma_start3A_645 : memref<1x1x256xf32, #tpu.memory_space<hbm>> -> memref<256xf32, #tpu.memory_space<hbm>>
        %dma_start3A_647 = tpu.memref_slice %arg9[%add3A, %mul3A_164, %add3A_643] : memref<32x64x4096xf32, #tpu.memory_space<hbm>> -> memref<1x1x256xf32, #tpu.memory_space<hbm>>
        %dma_start3A_648 = tpu.memref_squeeze %dma_start3A_647 : memref<1x1x256xf32, #tpu.memory_space<hbm>> -> memref<256xf32, #tpu.memory_space<hbm>>
        %dma_start3A_649 = tpu.memref_slice %arg17[%add3A_639] : memref<5120xf32, #tpu.memory_space<vmem>> -> memref<256xf32, #tpu.memory_space<vmem>>
        tpu.enqueue_dma source(%dma_start3A_649 : memref<256xf32, #tpu.memory_space<vmem>>) target(%dma_start3A_648 : memref<256xf32, #tpu.memory_space<hbm>>) target_semaphore(%arg24 : memref<!tpu.dma_semaphore, #tpu.memory_space<semaphore_mem>>)
        %while3A_650 = arith.constant 0 : i32
        scf.yield %while3A_650 : i32
      }
      %while3A_349 = arith.constant 1 : i32
      %while3A_350 = scf.for %while3A_620 = %while3A_346 to %while3A_342 step %while3A_349 iter_args(%while3A_621 = %while3A_348) -> (i32)  : i32 {
        %mul3A_622 = arith.constant 256 : i32
        %mul3A_623 = arith.muli %while3A_620, %mul3A_622 : i32
        %add3A_624 = arith.constant 2560 : i32
        %add3A_625 = arith.addi %add3A_624, %mul3A_623 : i32
        %mul3A_626 = arith.constant 256 : i32
        %mul3A_627 = arith.muli %while3A_620, %mul3A_626 : i32
        %add3A_628 = arith.constant 2048 : i32
        %add3A_629 = arith.addi %add3A_628, %mul3A_627 : i32
        %dma_start3A_630 = tpu.memref_slice %arg16[%add3A_625] : memref<5120xi32, #tpu.memory_space<vmem>> -> memref<256xi32, #tpu.memory_space<vmem>>
        %dma_start3A_631 = tpu.memref_slice %arg8[%add3A, %mul3A_164, %add3A_629] : memref<32x64x4096xi32, #tpu.memory_space<hbm>> -> memref<1x1x256xi32, #tpu.memory_space<hbm>>
        %dma_start3A_632 = tpu.memref_squeeze %dma_start3A_631 : memref<1x1x256xi32, #tpu.memory_space<hbm>> -> memref<256xi32, #tpu.memory_space<hbm>>
        %dma_start3A_633 = tpu.memref_slice %arg8[%add3A, %mul3A_164, %add3A_629] : memref<32x64x4096xi32, #tpu.memory_space<hbm>> -> memref<1x1x256xi32, #tpu.memory_space<hbm>>
        %dma_start3A_634 = tpu.memref_squeeze %dma_start3A_633 : memref<1x1x256xi32, #tpu.memory_space<hbm>> -> memref<256xi32, #tpu.memory_space<hbm>>
        %dma_start3A_635 = tpu.memref_slice %arg16[%add3A_625] : memref<5120xi32, #tpu.memory_space<vmem>> -> memref<256xi32, #tpu.memory_space<vmem>>
        tpu.enqueue_dma source(%dma_start3A_635 : memref<256xi32, #tpu.memory_space<vmem>>) target(%dma_start3A_634 : memref<256xi32, #tpu.memory_space<hbm>>) target_semaphore(%arg24 : memref<!tpu.dma_semaphore, #tpu.memory_space<semaphore_mem>>)
        %mul3A_636 = arith.constant 256 : i32
        %mul3A_637 = arith.muli %while3A_620, %mul3A_636 : i32
        %add3A_638 = arith.constant 2560 : i32
        %add3A_639 = arith.addi %add3A_638, %mul3A_637 : i32
        %mul3A_640 = arith.constant 256 : i32
        %mul3A_641 = arith.muli %while3A_620, %mul3A_640 : i32
        %add3A_642 = arith.constant 2048 : i32
        %add3A_643 = arith.addi %add3A_642, %mul3A_641 : i32
        %dma_start3A_644 = tpu.memref_slice %arg17[%add3A_639] : memref<5120xf32, #tpu.memory_space<vmem>> -> memref<256xf32, #tpu.memory_space<vmem>>
        %dma_start3A_645 = tpu.memref_slice %arg9[%add3A, %mul3A_164, %add3A_643] : memref<32x64x4096xf32, #tpu.memory_space<hbm>> -> memref<1x1x256xf32, #tpu.memory_space<hbm>>
        %dma_start3A_646 = tpu.memref_squeeze %dma_start3A_645 : memref<1x1x256xf32, #tpu.memory_space<hbm>> -> memref<256xf32, #tpu.memory_space<hbm>>
        %dma_start3A_647 = tpu.memref_slice %arg9[%add3A, %mul3A_164, %add3A_643] : memref<32x64x4096xf32, #tpu.memory_space<hbm>> -> memref<1x1x256xf32, #tpu.memory_space<hbm>>
        %dma_start3A_648 = tpu.memref_squeeze %dma_start3A_647 : memref<1x1x256xf32, #tpu.memory_space<hbm>> -> memref<256xf32, #tpu.memory_space<hbm>>
        %dma_start3A_649 = tpu.memref_slice %arg17[%add3A_639] : memref<5120xf32, #tpu.memory_space<vmem>> -> memref<256xf32, #tpu.memory_space<vmem>>
        tpu.enqueue_dma source(%dma_start3A_649 : memref<256xf32, #tpu.memory_space<vmem>>) target(%dma_start3A_648 : memref<256xf32, #tpu.memory_space<hbm>>) target_semaphore(%arg24 : memref<!tpu.dma_semaphore, #tpu.memory_space<semaphore_mem>>)
        %while3A_650 = arith.constant 0 : i32
        scf.yield %while3A_650 : i32
      }
      %add3A_351 = arith.addi %add3A_310, %select_n3A_338 : i32
      %add3A_352 = arith.constant 256 : i32
      %add3A_353 = arith.addi %scan3A_207#3, %add3A_352 : i32
      %sub3A_354 = arith.constant 1 : i32
      %sub3A_355 = arith.subi %add3A_353, %sub3A_354 : i32
      %jit3A_356 = arith.constant 256 : i32
      %div3A_357 = arith.divsi %sub3A_355, %jit3A_356 : i32
      %sign3A_358 = arith.constant 0 : i32
      %sign3A_359 = arith.cmpi sgt, %sub3A_355, %sign3A_358 : i32
      %sign3A_360 = arith.extui %sign3A_359 : i1 to i32
      %sign3A_361 = arith.constant 0 : i32
      %sign3A_362 = arith.cmpi slt, %sub3A_355, %sign3A_361 : i32
      %sign3A_363 = arith.extui %sign3A_362 : i1 to i32
      %sign3A_364 = arith.subi %sign3A_360, %sign3A_363 : i32
      %sign3A_365 = arith.constant 0 : i32
      %sign3A_366 = arith.cmpi sgt, %jit3A_356, %sign3A_365 : i32
      %sign3A_367 = arith.extui %sign3A_366 : i1 to i32
      %sign3A_368 = arith.constant 0 : i32
      %sign3A_369 = arith.cmpi slt, %jit3A_356, %sign3A_368 : i32
      %sign3A_370 = arith.extui %sign3A_369 : i1 to i32
      %sign3A_371 = arith.subi %sign3A_367, %sign3A_370 : i32
      %ne3A_372 = arith.cmpi ne, %sign3A_364, %sign3A_371 : i32
      %rem3A_373 = arith.remsi %sub3A_355, %jit3A_356 : i32
      %ne3A_374 = arith.constant 0 : i32
      %ne3A_375 = arith.cmpi ne, %rem3A_373, %ne3A_374 : i32
      %and3A_376 = arith.andi %ne3A_372, %ne3A_375 : i1
      %sub3A_377 = arith.constant 1 : i32
      %sub3A_378 = arith.subi %div3A_357, %sub3A_377 : i32
      %select_n3A_379 = arith.select %and3A_376, %sub3A_378, %div3A_357 : i32
      %while3A_380 = arith.constant 0 : i32
      %while3A_381 = arith.constant 0 : i32
      %while3A_382 = arith.subi %select_n3A_379, %while3A_380 : i32
      %while3A_383 = arith.addi %while3A_380, %while3A_382 : i32
      %while3A_384 = arith.constant 1 : i32
      %while3A_385 = arith.divsi %while3A_382, %while3A_384 : i32
      %while3A_386 = arith.muli %while3A_385, %while3A_384 : i32
      %while3A_387 = arith.addi %while3A_380, %while3A_386 : i32
      %while3A_388 = arith.constant 1 : i32
      %while3A_389 = scf.for %while3A_620 = %while3A_380 to %while3A_387 step %while3A_388 iter_args(%while3A_621 = %while3A_381) -> (i32)  : i32 {
        %mul3A_622 = arith.constant 256 : i32
        %mul3A_623 = arith.muli %while3A_620, %mul3A_622 : i32
        %add3A_624 = arith.constant 3840 : i32
        %add3A_625 = arith.addi %add3A_624, %mul3A_623 : i32
        %mul3A_626 = arith.constant 256 : i32
        %mul3A_627 = arith.muli %while3A_620, %mul3A_626 : i32
        %add3A_628 = arith.constant 3072 : i32
        %add3A_629 = arith.addi %add3A_628, %mul3A_627 : i32
        %dma_start3A_630 = tpu.memref_slice %arg16[%add3A_625] : memref<5120xi32, #tpu.memory_space<vmem>> -> memref<256xi32, #tpu.memory_space<vmem>>
        %dma_start3A_631 = tpu.memref_slice %arg8[%add3A, %mul3A_164, %add3A_629] : memref<32x64x4096xi32, #tpu.memory_space<hbm>> -> memref<1x1x256xi32, #tpu.memory_space<hbm>>
        %dma_start3A_632 = tpu.memref_squeeze %dma_start3A_631 : memref<1x1x256xi32, #tpu.memory_space<hbm>> -> memref<256xi32, #tpu.memory_space<hbm>>
        %dma_start3A_633 = tpu.memref_slice %arg8[%add3A, %mul3A_164, %add3A_629] : memref<32x64x4096xi32, #tpu.memory_space<hbm>> -> memref<1x1x256xi32, #tpu.memory_space<hbm>>
        %dma_start3A_634 = tpu.memref_squeeze %dma_start3A_633 : memref<1x1x256xi32, #tpu.memory_space<hbm>> -> memref<256xi32, #tpu.memory_space<hbm>>
        %dma_start3A_635 = tpu.memref_slice %arg16[%add3A_625] : memref<5120xi32, #tpu.memory_space<vmem>> -> memref<256xi32, #tpu.memory_space<vmem>>
        tpu.enqueue_dma source(%dma_start3A_635 : memref<256xi32, #tpu.memory_space<vmem>>) target(%dma_start3A_634 : memref<256xi32, #tpu.memory_space<hbm>>) target_semaphore(%arg24 : memref<!tpu.dma_semaphore, #tpu.memory_space<semaphore_mem>>)
        %mul3A_636 = arith.constant 256 : i32
        %mul3A_637 = arith.muli %while3A_620, %mul3A_636 : i32
        %add3A_638 = arith.constant 3840 : i32
        %add3A_639 = arith.addi %add3A_638, %mul3A_637 : i32
        %mul3A_640 = arith.constant 256 : i32
        %mul3A_641 = arith.muli %while3A_620, %mul3A_640 : i32
        %add3A_642 = arith.constant 3072 : i32
        %add3A_643 = arith.addi %add3A_642, %mul3A_641 : i32
        %dma_start3A_644 = tpu.memref_slice %arg17[%add3A_639] : memref<5120xf32, #tpu.memory_space<vmem>> -> memref<256xf32, #tpu.memory_space<vmem>>
        %dma_start3A_645 = tpu.memref_slice %arg9[%add3A, %mul3A_164, %add3A_643] : memref<32x64x4096xf32, #tpu.memory_space<hbm>> -> memref<1x1x256xf32, #tpu.memory_space<hbm>>
        %dma_start3A_646 = tpu.memref_squeeze %dma_start3A_645 : memref<1x1x256xf32, #tpu.memory_space<hbm>> -> memref<256xf32, #tpu.memory_space<hbm>>
        %dma_start3A_647 = tpu.memref_slice %arg9[%add3A, %mul3A_164, %add3A_643] : memref<32x64x4096xf32, #tpu.memory_space<hbm>> -> memref<1x1x256xf32, #tpu.memory_space<hbm>>
        %dma_start3A_648 = tpu.memref_squeeze %dma_start3A_647 : memref<1x1x256xf32, #tpu.memory_space<hbm>> -> memref<256xf32, #tpu.memory_space<hbm>>
        %dma_start3A_649 = tpu.memref_slice %arg17[%add3A_639] : memref<5120xf32, #tpu.memory_space<vmem>> -> memref<256xf32, #tpu.memory_space<vmem>>
        tpu.enqueue_dma source(%dma_start3A_649 : memref<256xf32, #tpu.memory_space<vmem>>) target(%dma_start3A_648 : memref<256xf32, #tpu.memory_space<hbm>>) target_semaphore(%arg24 : memref<!tpu.dma_semaphore, #tpu.memory_space<semaphore_mem>>)
        %while3A_650 = arith.constant 0 : i32
        scf.yield %while3A_650 : i32
      }
      %while3A_390 = arith.constant 1 : i32
      %while3A_391 = scf.for %while3A_620 = %while3A_387 to %while3A_383 step %while3A_390 iter_args(%while3A_621 = %while3A_389) -> (i32)  : i32 {
        %mul3A_622 = arith.constant 256 : i32
        %mul3A_623 = arith.muli %while3A_620, %mul3A_622 : i32
        %add3A_624 = arith.constant 3840 : i32
        %add3A_625 = arith.addi %add3A_624, %mul3A_623 : i32
        %mul3A_626 = arith.constant 256 : i32
        %mul3A_627 = arith.muli %while3A_620, %mul3A_626 : i32
        %add3A_628 = arith.constant 3072 : i32
        %add3A_629 = arith.addi %add3A_628, %mul3A_627 : i32
        %dma_start3A_630 = tpu.memref_slice %arg16[%add3A_625] : memref<5120xi32, #tpu.memory_space<vmem>> -> memref<256xi32, #tpu.memory_space<vmem>>
        %dma_start3A_631 = tpu.memref_slice %arg8[%add3A, %mul3A_164, %add3A_629] : memref<32x64x4096xi32, #tpu.memory_space<hbm>> -> memref<1x1x256xi32, #tpu.memory_space<hbm>>
        %dma_start3A_632 = tpu.memref_squeeze %dma_start3A_631 : memref<1x1x256xi32, #tpu.memory_space<hbm>> -> memref<256xi32, #tpu.memory_space<hbm>>
        %dma_start3A_633 = tpu.memref_slice %arg8[%add3A, %mul3A_164, %add3A_629] : memref<32x64x4096xi32, #tpu.memory_space<hbm>> -> memref<1x1x256xi32, #tpu.memory_space<hbm>>
        %dma_start3A_634 = tpu.memref_squeeze %dma_start3A_633 : memref<1x1x256xi32, #tpu.memory_space<hbm>> -> memref<256xi32, #tpu.memory_space<hbm>>
        %dma_start3A_635 = tpu.memref_slice %arg16[%add3A_625] : memref<5120xi32, #tpu.memory_space<vmem>> -> memref<256xi32, #tpu.memory_space<vmem>>
        tpu.enqueue_dma source(%dma_start3A_635 : memref<256xi32, #tpu.memory_space<vmem>>) target(%dma_start3A_634 : memref<256xi32, #tpu.memory_space<hbm>>) target_semaphore(%arg24 : memref<!tpu.dma_semaphore, #tpu.memory_space<semaphore_mem>>)
        %mul3A_636 = arith.constant 256 : i32
        %mul3A_637 = arith.muli %while3A_620, %mul3A_636 : i32
        %add3A_638 = arith.constant 3840 : i32
        %add3A_639 = arith.addi %add3A_638, %mul3A_637 : i32
        %mul3A_640 = arith.constant 256 : i32
        %mul3A_641 = arith.muli %while3A_620, %mul3A_640 : i32
        %add3A_642 = arith.constant 3072 : i32
        %add3A_643 = arith.addi %add3A_642, %mul3A_641 : i32
        %dma_start3A_644 = tpu.memref_slice %arg17[%add3A_639] : memref<5120xf32, #tpu.memory_space<vmem>> -> memref<256xf32, #tpu.memory_space<vmem>>
        %dma_start3A_645 = tpu.memref_slice %arg9[%add3A, %mul3A_164, %add3A_643] : memref<32x64x4096xf32, #tpu.memory_space<hbm>> -> memref<1x1x256xf32, #tpu.memory_space<hbm>>
        %dma_start3A_646 = tpu.memref_squeeze %dma_start3A_645 : memref<1x1x256xf32, #tpu.memory_space<hbm>> -> memref<256xf32, #tpu.memory_space<hbm>>
        %dma_start3A_647 = tpu.memref_slice %arg9[%add3A, %mul3A_164, %add3A_643] : memref<32x64x4096xf32, #tpu.memory_space<hbm>> -> memref<1x1x256xf32, #tpu.memory_space<hbm>>
        %dma_start3A_648 = tpu.memref_squeeze %dma_start3A_647 : memref<1x1x256xf32, #tpu.memory_space<hbm>> -> memref<256xf32, #tpu.memory_space<hbm>>
        %dma_start3A_649 = tpu.memref_slice %arg17[%add3A_639] : memref<5120xf32, #tpu.memory_space<vmem>> -> memref<256xf32, #tpu.memory_space<vmem>>
        tpu.enqueue_dma source(%dma_start3A_649 : memref<256xf32, #tpu.memory_space<vmem>>) target(%dma_start3A_648 : memref<256xf32, #tpu.memory_space<hbm>>) target_semaphore(%arg24 : memref<!tpu.dma_semaphore, #tpu.memory_space<semaphore_mem>>)
        %while3A_650 = arith.constant 0 : i32
        scf.yield %while3A_650 : i32
      }
      %add3A_392 = arith.addi %add3A_351, %select_n3A_379 : i32
      %add3A_393 = arith.constant 1 : i32
      %add3A_394 = arith.addi %mul3A_164, %add3A_393 : i32
      %add3A_395 = arith.constant 1 : i32
      %add3A_396 = arith.addi %add3A_394, %add3A_395 : i32
      %lt3A = arith.constant 64 : i32
      %lt3A_397 = arith.cmpi slt, %add3A_396, %lt3A : i32
      %convert_element_type3A = arith.extui %lt3A_397 : i1 to i32
      %cond3A = arith.constant 0 : i32
      %cond3A_398 = arith.cmpi ne, %convert_element_type3A, %cond3A : i32
      scf.if %cond3A_398 {
        %add3A_620 = arith.constant 1 : i32
        %add3A_621 = arith.addi %add3A_394, %add3A_620 : i32
        %mul3A_622 = arith.constant 4096 : i32
        %mul3A_623 = arith.muli %add3A_621, %mul3A_622 : i32
        %dma_start3A_624 = tpu.memref_slice %arg4[%mul3A_623] : memref<262144xi32, #tpu.memory_space<hbm>> -> memref<4096xi32, #tpu.memory_space<hbm>>
        %dma_start3A_625 = tpu.memref_slice %arg4[%mul3A_623] : memref<262144xi32, #tpu.memory_space<hbm>> -> memref<4096xi32, #tpu.memory_space<hbm>>
        tpu.enqueue_dma source(%dma_start3A_625 : memref<4096xi32, #tpu.memory_space<hbm>>) target(%arg12 : memref<4096xi32, #tpu.memory_space<vmem>>) target_semaphore(%arg23 : memref<!tpu.dma_semaphore, #tpu.memory_space<semaphore_mem>>)
        %mul3A_626 = arith.constant 4096 : i32
        %mul3A_627 = arith.muli %add3A_621, %mul3A_626 : i32
        %dma_start3A_628 = tpu.memref_slice %arg5[%min3A_40, %mul3A_627] : memref<32x262144xf32, #tpu.memory_space<hbm>> -> memref<1x4096xf32, #tpu.memory_space<hbm>>
        %dma_start3A_629 = tpu.memref_squeeze %dma_start3A_628 : memref<1x4096xf32, #tpu.memory_space<hbm>> -> memref<4096xf32, #tpu.memory_space<hbm>>
        %dma_start3A_630 = tpu.memref_slice %arg5[%min3A_40, %mul3A_627] : memref<32x262144xf32, #tpu.memory_space<hbm>> -> memref<1x4096xf32, #tpu.memory_space<hbm>>
        %dma_start3A_631 = tpu.memref_squeeze %dma_start3A_630 : memref<1x4096xf32, #tpu.memory_space<hbm>> -> memref<4096xf32, #tpu.memory_space<hbm>>
        tpu.enqueue_dma source(%dma_start3A_631 : memref<4096xf32, #tpu.memory_space<hbm>>) target(%arg13 : memref<4096xf32, #tpu.memory_space<vmem>>) target_semaphore(%arg23 : memref<!tpu.dma_semaphore, #tpu.memory_space<semaphore_mem>>)
      } else {
      }
      %mul3A_399 = arith.constant 4096 : i32
      %mul3A_400 = arith.muli %add3A_394, %mul3A_399 : i32
      %dma_wait3A_401 = tpu.memref_slice %arg4[%mul3A_400] : memref<262144xi32, #tpu.memory_space<hbm>> -> memref<4096xi32, #tpu.memory_space<hbm>>
      %dma_wait3A_402 = tpu.memref_slice %arg4[%mul3A_400] : memref<262144xi32, #tpu.memory_space<hbm>> -> memref<4096xi32, #tpu.memory_space<hbm>>
      tpu.wait_dma2 semaphore(%arg23 : memref<!tpu.dma_semaphore, #tpu.memory_space<semaphore_mem>>) src(%dma_wait3A_402 : memref<4096xi32, #tpu.memory_space<hbm>>) dst(%arg14 : memref<4096xi32, #tpu.memory_space<vmem>>)
      %mul3A_403 = arith.constant 4096 : i32
      %mul3A_404 = arith.muli %add3A_394, %mul3A_403 : i32
      %dma_wait3A_405 = tpu.memref_slice %arg5[%min3A_40, %mul3A_404] : memref<32x262144xf32, #tpu.memory_space<hbm>> -> memref<1x4096xf32, #tpu.memory_space<hbm>>
      %dma_wait3A_406 = tpu.memref_squeeze %dma_wait3A_405 : memref<1x4096xf32, #tpu.memory_space<hbm>> -> memref<4096xf32, #tpu.memory_space<hbm>>
      %dma_wait3A_407 = tpu.memref_slice %arg5[%min3A_40, %mul3A_404] : memref<32x262144xf32, #tpu.memory_space<hbm>> -> memref<1x4096xf32, #tpu.memory_space<hbm>>
      %dma_wait3A_408 = tpu.memref_squeeze %dma_wait3A_407 : memref<1x4096xf32, #tpu.memory_space<hbm>> -> memref<4096xf32, #tpu.memory_space<hbm>>
      tpu.wait_dma2 semaphore(%arg23 : memref<!tpu.dma_semaphore, #tpu.memory_space<semaphore_mem>>) src(%dma_wait3A_408 : memref<4096xf32, #tpu.memory_space<hbm>>) dst(%arg15 : memref<4096xf32, #tpu.memory_space<vmem>>)
      %while3A_409 = arith.constant 0 : i32
      %while3A_410 = arith.constant 0 : i32
      %while3A_411 = arith.subi %add3A_392, %while3A_409 : i32
      %while3A_412 = arith.addi %while3A_409, %while3A_411 : i32
      %while3A_413 = arith.constant 1 : i32
      %while3A_414 = arith.divsi %while3A_411, %while3A_413 : i32
      %while3A_415 = arith.muli %while3A_414, %while3A_413 : i32
      %while3A_416 = arith.addi %while3A_409, %while3A_415 : i32
      %while3A_417 = arith.constant 1 : i32
      %while3A_418 = scf.for %while3A_620 = %while3A_409 to %while3A_416 step %while3A_417 iter_args(%while3A_621 = %while3A_410) -> (i32)  : i32 {
        %dma_wait3A_622 = arith.constant 0 : i32
        %dma_wait3A_623 = arith.constant 0 : i32
        %dma_wait3A_624 = tpu.memref_slice %arg16[%dma_wait3A_623] : memref<5120xi32, #tpu.memory_space<vmem>> -> memref<256xi32, #tpu.memory_space<vmem>>
        %dma_wait3A_625 = arith.constant 0 : i32
        %dma_wait3A_626 = tpu.memref_slice %arg8[%add3A, %dma_wait3A_622, %dma_wait3A_625] : memref<32x64x4096xi32, #tpu.memory_space<hbm>> -> memref<1x1x256xi32, #tpu.memory_space<hbm>>
        %dma_wait3A_627 = tpu.memref_squeeze %dma_wait3A_626 : memref<1x1x256xi32, #tpu.memory_space<hbm>> -> memref<256xi32, #tpu.memory_space<hbm>>
        %dma_wait3A_628 = arith.constant 0 : i32
        %dma_wait3A_629 = tpu.memref_slice %arg8[%add3A, %dma_wait3A_622, %dma_wait3A_628] : memref<32x64x4096xi32, #tpu.memory_space<hbm>> -> memref<1x1x256xi32, #tpu.memory_space<hbm>>
        %dma_wait3A_630 = tpu.memref_squeeze %dma_wait3A_629 : memref<1x1x256xi32, #tpu.memory_space<hbm>> -> memref<256xi32, #tpu.memory_space<hbm>>
        %dma_wait3A_631 = arith.constant 0 : i32
        %dma_wait3A_632 = tpu.memref_slice %arg16[%dma_wait3A_631] : memref<5120xi32, #tpu.memory_space<vmem>> -> memref<256xi32, #tpu.memory_space<vmem>>
        tpu.wait_dma2 semaphore(%arg24 : memref<!tpu.dma_semaphore, #tpu.memory_space<semaphore_mem>>) src(%dma_wait3A_632 : memref<256xi32, #tpu.memory_space<vmem>>) dst(%dma_wait3A_630 : memref<256xi32, #tpu.memory_space<hbm>>)
        %dma_wait3A_633 = arith.constant 0 : i32
        %dma_wait3A_634 = arith.constant 0 : i32
        %dma_wait3A_635 = tpu.memref_slice %arg17[%dma_wait3A_634] : memref<5120xf32, #tpu.memory_space<vmem>> -> memref<256xf32, #tpu.memory_space<vmem>>
        %dma_wait3A_636 = arith.constant 0 : i32
        %dma_wait3A_637 = tpu.memref_slice %arg9[%add3A, %dma_wait3A_633, %dma_wait3A_636] : memref<32x64x4096xf32, #tpu.memory_space<hbm>> -> memref<1x1x256xf32, #tpu.memory_space<hbm>>
        %dma_wait3A_638 = tpu.memref_squeeze %dma_wait3A_637 : memref<1x1x256xf32, #tpu.memory_space<hbm>> -> memref<256xf32, #tpu.memory_space<hbm>>
        %dma_wait3A_639 = arith.constant 0 : i32
        %dma_wait3A_640 = tpu.memref_slice %arg9[%add3A, %dma_wait3A_633, %dma_wait3A_639] : memref<32x64x4096xf32, #tpu.memory_space<hbm>> -> memref<1x1x256xf32, #tpu.memory_space<hbm>>
        %dma_wait3A_641 = tpu.memref_squeeze %dma_wait3A_640 : memref<1x1x256xf32, #tpu.memory_space<hbm>> -> memref<256xf32, #tpu.memory_space<hbm>>
        %dma_wait3A_642 = arith.constant 0 : i32
        %dma_wait3A_643 = tpu.memref_slice %arg17[%dma_wait3A_642] : memref<5120xf32, #tpu.memory_space<vmem>> -> memref<256xf32, #tpu.memory_space<vmem>>
        tpu.wait_dma2 semaphore(%arg24 : memref<!tpu.dma_semaphore, #tpu.memory_space<semaphore_mem>>) src(%dma_wait3A_643 : memref<256xf32, #tpu.memory_space<vmem>>) dst(%dma_wait3A_641 : memref<256xf32, #tpu.memory_space<hbm>>)
        %while3A_644 = arith.constant 0 : i32
        scf.yield %while3A_644 : i32
      }
      %while3A_419 = arith.constant 1 : i32
      %while3A_420 = scf.for %while3A_620 = %while3A_416 to %while3A_412 step %while3A_419 iter_args(%while3A_621 = %while3A_418) -> (i32)  : i32 {
        %dma_wait3A_622 = arith.constant 0 : i32
        %dma_wait3A_623 = arith.constant 0 : i32
        %dma_wait3A_624 = tpu.memref_slice %arg16[%dma_wait3A_623] : memref<5120xi32, #tpu.memory_space<vmem>> -> memref<256xi32, #tpu.memory_space<vmem>>
        %dma_wait3A_625 = arith.constant 0 : i32
        %dma_wait3A_626 = tpu.memref_slice %arg8[%add3A, %dma_wait3A_622, %dma_wait3A_625] : memref<32x64x4096xi32, #tpu.memory_space<hbm>> -> memref<1x1x256xi32, #tpu.memory_space<hbm>>
        %dma_wait3A_627 = tpu.memref_squeeze %dma_wait3A_626 : memref<1x1x256xi32, #tpu.memory_space<hbm>> -> memref<256xi32, #tpu.memory_space<hbm>>
        %dma_wait3A_628 = arith.constant 0 : i32
        %dma_wait3A_629 = tpu.memref_slice %arg8[%add3A, %dma_wait3A_622, %dma_wait3A_628] : memref<32x64x4096xi32, #tpu.memory_space<hbm>> -> memref<1x1x256xi32, #tpu.memory_space<hbm>>
        %dma_wait3A_630 = tpu.memref_squeeze %dma_wait3A_629 : memref<1x1x256xi32, #tpu.memory_space<hbm>> -> memref<256xi32, #tpu.memory_space<hbm>>
        %dma_wait3A_631 = arith.constant 0 : i32
        %dma_wait3A_632 = tpu.memref_slice %arg16[%dma_wait3A_631] : memref<5120xi32, #tpu.memory_space<vmem>> -> memref<256xi32, #tpu.memory_space<vmem>>
        tpu.wait_dma2 semaphore(%arg24 : memref<!tpu.dma_semaphore, #tpu.memory_space<semaphore_mem>>) src(%dma_wait3A_632 : memref<256xi32, #tpu.memory_space<vmem>>) dst(%dma_wait3A_630 : memref<256xi32, #tpu.memory_space<hbm>>)
        %dma_wait3A_633 = arith.constant 0 : i32
        %dma_wait3A_634 = arith.constant 0 : i32
        %dma_wait3A_635 = tpu.memref_slice %arg17[%dma_wait3A_634] : memref<5120xf32, #tpu.memory_space<vmem>> -> memref<256xf32, #tpu.memory_space<vmem>>
        %dma_wait3A_636 = arith.constant 0 : i32
        %dma_wait3A_637 = tpu.memref_slice %arg9[%add3A, %dma_wait3A_633, %dma_wait3A_636] : memref<32x64x4096xf32, #tpu.memory_space<hbm>> -> memref<1x1x256xf32, #tpu.memory_space<hbm>>
        %dma_wait3A_638 = tpu.memref_squeeze %dma_wait3A_637 : memref<1x1x256xf32, #tpu.memory_space<hbm>> -> memref<256xf32, #tpu.memory_space<hbm>>
        %dma_wait3A_639 = arith.constant 0 : i32
        %dma_wait3A_640 = tpu.memref_slice %arg9[%add3A, %dma_wait3A_633, %dma_wait3A_639] : memref<32x64x4096xf32, #tpu.memory_space<hbm>> -> memref<1x1x256xf32, #tpu.memory_space<hbm>>
        %dma_wait3A_641 = tpu.memref_squeeze %dma_wait3A_640 : memref<1x1x256xf32, #tpu.memory_space<hbm>> -> memref<256xf32, #tpu.memory_space<hbm>>
        %dma_wait3A_642 = arith.constant 0 : i32
        %dma_wait3A_643 = tpu.memref_slice %arg17[%dma_wait3A_642] : memref<5120xf32, #tpu.memory_space<vmem>> -> memref<256xf32, #tpu.memory_space<vmem>>
        tpu.wait_dma2 semaphore(%arg24 : memref<!tpu.dma_semaphore, #tpu.memory_space<semaphore_mem>>) src(%dma_wait3A_643 : memref<256xf32, #tpu.memory_space<vmem>>) dst(%dma_wait3A_641 : memref<256xf32, #tpu.memory_space<hbm>>)
        %while3A_644 = arith.constant 0 : i32
        scf.yield %while3A_644 : i32
      }
      %scan3A_421 = arith.constant 0 : i32
      %scan3A_422 = arith.constant 0 : i32
      %scan3A_423 = arith.constant 0 : i32
      %scan3A_424 = arith.constant 0 : i32
      %scan3A_425 = arith.constant 0 : i32
      %scan3A_426 = arith.constant 64 : i32
      %scan3A_427 = arith.addi %scan3A_425, %scan3A_426 : i32
      %scan3A_428 = arith.constant 1 : i32
      %scan3A_429:4 = scf.for %scan3A_620 = %scan3A_425 to %scan3A_427 step %scan3A_428 iter_args(%scan3A_621 = %scan3A_421, %scan3A_622 = %scan3A_422, %scan3A_623 = %scan3A_423, %scan3A_624 = %scan3A_424) -> (i32, i32, i32, i32)  : i32 {
        %add3A_625 = arith.constant 0 : i32
        %add3A_626 = arith.addi %add3A_625, %scan3A_620 : i32
        %mul3A_627 = arith.constant 16 : i32
        %mul3A_628 = arith.muli %add3A_626, %mul3A_627 : i32
        %get3A_629 = arith.index_cast %mul3A_628 : i32 to index
        %get3A_630 = tpu.vector_load %arg14[%get3A_629] {strides = array<i32>} : memref<4096xi32, #tpu.memory_space<vmem>>, vector<16xi32>,
        %add3A_631 = arith.constant 0 : i32
        %add3A_632 = arith.addi %add3A_631, %scan3A_620 : i32
        %mul3A_633 = arith.constant 16 : i32
        %mul3A_634 = arith.muli %add3A_632, %mul3A_633 : i32
        %get3A_635 = arith.index_cast %mul3A_634 : i32 to index
        %get3A_636 = tpu.vector_load %arg15[%get3A_635] {strides = array<i32>} : memref<4096xf32, #tpu.memory_space<vmem>>, vector<16xf32>,
        %shift_right_arithmetic3A = arith.constant 18 : i32
        %shift_right_arithmetic3A_637 = vector.broadcast %shift_right_arithmetic3A : i32 to vector<16xi32>
        %shift_right_arithmetic3A_638 = arith.shrsi %get3A_630, %shift_right_arithmetic3A_637 : vector<16xi32>
        %eq3A_639 = vector.broadcast %add3A : i32 to vector<16xi32>
        %eq3A_640 = arith.cmpi eq, %shift_right_arithmetic3A_638, %eq3A_639 : vector<16xi32>
        %add3A_641 = arith.constant 0 : i32
        %add3A_642 = arith.addi %add3A_641, %scan3A_621 : i32
        %swap3A_643 = arith.index_cast %add3A_642 : i32 to index
        %swap3A_644 = tpu.vector_load %arg16[%swap3A_643] masked %eq3A_640 {strides = array<i32>} : memref<5120xi32, #tpu.memory_space<vmem>>, vector<16xi32>, vector<16xi1>
        tpu.vector_store %arg16[%swap3A_643], %get3A_630 masked %eq3A_640 {strides = array<i32>} : memref<5120xi32, #tpu.memory_space<vmem>>, vector<16xi32>, vector<16xi1>
        %add3A_645 = arith.constant 0 : i32
        %add3A_646 = arith.addi %add3A_645, %scan3A_621 : i32
        %swap3A_647 = arith.index_cast %add3A_646 : i32 to index
        %swap3A_648 = tpu.vector_load %arg17[%swap3A_647] masked %eq3A_640 {strides = array<i32>} : memref<5120xf32, #tpu.memory_space<vmem>>, vector<16xf32>, vector<16xi1>
        tpu.vector_store %arg17[%swap3A_647], %get3A_636 masked %eq3A_640 {strides = array<i32>} : memref<5120xf32, #tpu.memory_space<vmem>>, vector<16xf32>, vector<16xi1>
        %all_reduce_population_count3A = tpu.all_reduce %eq3A_640 {dim = 0 : i64, kind = #tpu.reduction_kind<sum>} : vector<16xi1> -> vector<16xi32>
        %slice3A = vector.extract_strided_slice %all_reduce_population_count3A {offsets = [0], sizes = [1], strides = [1]} : vector<16xi32> to vector<1xi32>
        %squeeze3A = vector.extract %slice3A[0] : i32 from vector<1xi32>
        %add3A_649 = arith.addi %scan3A_621, %squeeze3A : i32
        %add3A_650 = arith.constant 64 : i32
        %add3A_651 = arith.addi %add3A_650, %scan3A_620 : i32
        %mul3A_652 = arith.constant 16 : i32
        %mul3A_653 = arith.muli %add3A_651, %mul3A_652 : i32
        %get3A_654 = arith.index_cast %mul3A_653 : i32 to index
        %get3A_655 = tpu.vector_load %arg14[%get3A_654] {strides = array<i32>} : memref<4096xi32, #tpu.memory_space<vmem>>, vector<16xi32>,
        %add3A_656 = arith.constant 64 : i32
        %add3A_657 = arith.addi %add3A_656, %scan3A_620 : i32
        %mul3A_658 = arith.constant 16 : i32
        %mul3A_659 = arith.muli %add3A_657, %mul3A_658 : i32
        %get3A_660 = arith.index_cast %mul3A_659 : i32 to index
        %get3A_661 = tpu.vector_load %arg15[%get3A_660] {strides = array<i32>} : memref<4096xf32, #tpu.memory_space<vmem>>, vector<16xf32>,
        %shift_right_arithmetic3A_662 = arith.constant 18 : i32
        %shift_right_arithmetic3A_663 = vector.broadcast %shift_right_arithmetic3A_662 : i32 to vector<16xi32>
        %shift_right_arithmetic3A_664 = arith.shrsi %get3A_655, %shift_right_arithmetic3A_663 : vector<16xi32>
        %eq3A_665 = vector.broadcast %add3A : i32 to vector<16xi32>
        %eq3A_666 = arith.cmpi eq, %shift_right_arithmetic3A_664, %eq3A_665 : vector<16xi32>
        %add3A_667 = arith.constant 1280 : i32
        %add3A_668 = arith.addi %add3A_667, %scan3A_622 : i32
        %swap3A_669 = arith.index_cast %add3A_668 : i32 to index
        %swap3A_670 = tpu.vector_load %arg16[%swap3A_669] masked %eq3A_666 {strides = array<i32>} : memref<5120xi32, #tpu.memory_space<vmem>>, vector<16xi32>, vector<16xi1>
        tpu.vector_store %arg16[%swap3A_669], %get3A_655 masked %eq3A_666 {strides = array<i32>} : memref<5120xi32, #tpu.memory_space<vmem>>, vector<16xi32>, vector<16xi1>
        %add3A_671 = arith.constant 1280 : i32
        %add3A_672 = arith.addi %add3A_671, %scan3A_622 : i32
        %swap3A_673 = arith.index_cast %add3A_672 : i32 to index
        %swap3A_674 = tpu.vector_load %arg17[%swap3A_673] masked %eq3A_666 {strides = array<i32>} : memref<5120xf32, #tpu.memory_space<vmem>>, vector<16xf32>, vector<16xi1>
        tpu.vector_store %arg17[%swap3A_673], %get3A_661 masked %eq3A_666 {strides = array<i32>} : memref<5120xf32, #tpu.memory_space<vmem>>, vector<16xf32>, vector<16xi1>
        %all_reduce_population_count3A_675 = tpu.all_reduce %eq3A_666 {dim = 0 : i64, kind = #tpu.reduction_kind<sum>} : vector<16xi1> -> vector<16xi32>
        %slice3A_676 = vector.extract_strided_slice %all_reduce_population_count3A_675 {offsets = [0], sizes = [1], strides = [1]} : vector<16xi32> to vector<1xi32>
        %squeeze3A_677 = vector.extract %slice3A_676[0] : i32 from vector<1xi32>
        %add3A_678 = arith.addi %scan3A_622, %squeeze3A_677 : i32
        %add3A_679 = arith.constant 128 : i32
        %add3A_680 = arith.addi %add3A_679, %scan3A_620 : i32
        %mul3A_681 = arith.constant 16 : i32
        %mul3A_682 = arith.muli %add3A_680, %mul3A_681 : i32
        %get3A_683 = arith.index_cast %mul3A_682 : i32 to index
        %get3A_684 = tpu.vector_load %arg14[%get3A_683] {strides = array<i32>} : memref<4096xi32, #tpu.memory_space<vmem>>, vector<16xi32>,
        %add3A_685 = arith.constant 128 : i32
        %add3A_686 = arith.addi %add3A_685, %scan3A_620 : i32
        %mul3A_687 = arith.constant 16 : i32
        %mul3A_688 = arith.muli %add3A_686, %mul3A_687 : i32
        %get3A_689 = arith.index_cast %mul3A_688 : i32 to index
        %get3A_690 = tpu.vector_load %arg15[%get3A_689] {strides = array<i32>} : memref<4096xf32, #tpu.memory_space<vmem>>, vector<16xf32>,
        %shift_right_arithmetic3A_691 = arith.constant 18 : i32
        %shift_right_arithmetic3A_692 = vector.broadcast %shift_right_arithmetic3A_691 : i32 to vector<16xi32>
        %shift_right_arithmetic3A_693 = arith.shrsi %get3A_684, %shift_right_arithmetic3A_692 : vector<16xi32>
        %eq3A_694 = vector.broadcast %add3A : i32 to vector<16xi32>
        %eq3A_695 = arith.cmpi eq, %shift_right_arithmetic3A_693, %eq3A_694 : vector<16xi32>
        %add3A_696 = arith.constant 2560 : i32
        %add3A_697 = arith.addi %add3A_696, %scan3A_623 : i32
        %swap3A_698 = arith.index_cast %add3A_697 : i32 to index
        %swap3A_699 = tpu.vector_load %arg16[%swap3A_698] masked %eq3A_695 {strides = array<i32>} : memref<5120xi32, #tpu.memory_space<vmem>>, vector<16xi32>, vector<16xi1>
        tpu.vector_store %arg16[%swap3A_698], %get3A_684 masked %eq3A_695 {strides = array<i32>} : memref<5120xi32, #tpu.memory_space<vmem>>, vector<16xi32>, vector<16xi1>
        %add3A_700 = arith.constant 2560 : i32
        %add3A_701 = arith.addi %add3A_700, %scan3A_623 : i32
        %swap3A_702 = arith.index_cast %add3A_701 : i32 to index
        %swap3A_703 = tpu.vector_load %arg17[%swap3A_702] masked %eq3A_695 {strides = array<i32>} : memref<5120xf32, #tpu.memory_space<vmem>>, vector<16xf32>, vector<16xi1>
        tpu.vector_store %arg17[%swap3A_702], %get3A_690 masked %eq3A_695 {strides = array<i32>} : memref<5120xf32, #tpu.memory_space<vmem>>, vector<16xf32>, vector<16xi1>
        %all_reduce_population_count3A_704 = tpu.all_reduce %eq3A_695 {dim = 0 : i64, kind = #tpu.reduction_kind<sum>} : vector<16xi1> -> vector<16xi32>
        %slice3A_705 = vector.extract_strided_slice %all_reduce_population_count3A_704 {offsets = [0], sizes = [1], strides = [1]} : vector<16xi32> to vector<1xi32>
        %squeeze3A_706 = vector.extract %slice3A_705[0] : i32 from vector<1xi32>
        %add3A_707 = arith.addi %scan3A_623, %squeeze3A_706 : i32
        %add3A_708 = arith.constant 192 : i32
        %add3A_709 = arith.addi %add3A_708, %scan3A_620 : i32
        %mul3A_710 = arith.constant 16 : i32
        %mul3A_711 = arith.muli %add3A_709, %mul3A_710 : i32
        %get3A_712 = arith.index_cast %mul3A_711 : i32 to index
        %get3A_713 = tpu.vector_load %arg14[%get3A_712] {strides = array<i32>} : memref<4096xi32, #tpu.memory_space<vmem>>, vector<16xi32>,
        %add3A_714 = arith.constant 192 : i32
        %add3A_715 = arith.addi %add3A_714, %scan3A_620 : i32
        %mul3A_716 = arith.constant 16 : i32
        %mul3A_717 = arith.muli %add3A_715, %mul3A_716 : i32
        %get3A_718 = arith.index_cast %mul3A_717 : i32 to index
        %get3A_719 = tpu.vector_load %arg15[%get3A_718] {strides = array<i32>} : memref<4096xf32, #tpu.memory_space<vmem>>, vector<16xf32>,
        %shift_right_arithmetic3A_720 = arith.constant 18 : i32
        %shift_right_arithmetic3A_721 = vector.broadcast %shift_right_arithmetic3A_720 : i32 to vector<16xi32>
        %shift_right_arithmetic3A_722 = arith.shrsi %get3A_713, %shift_right_arithmetic3A_721 : vector<16xi32>
        %eq3A_723 = vector.broadcast %add3A : i32 to vector<16xi32>
        %eq3A_724 = arith.cmpi eq, %shift_right_arithmetic3A_722, %eq3A_723 : vector<16xi32>
        %add3A_725 = arith.constant 3840 : i32
        %add3A_726 = arith.addi %add3A_725, %scan3A_624 : i32
        %swap3A_727 = arith.index_cast %add3A_726 : i32 to index
        %swap3A_728 = tpu.vector_load %arg16[%swap3A_727] masked %eq3A_724 {strides = array<i32>} : memref<5120xi32, #tpu.memory_space<vmem>>, vector<16xi32>, vector<16xi1>
        tpu.vector_store %arg16[%swap3A_727], %get3A_713 masked %eq3A_724 {strides = array<i32>} : memref<5120xi32, #tpu.memory_space<vmem>>, vector<16xi32>, vector<16xi1>
        %add3A_729 = arith.constant 3840 : i32
        %add3A_730 = arith.addi %add3A_729, %scan3A_624 : i32
        %swap3A_731 = arith.index_cast %add3A_730 : i32 to index
        %swap3A_732 = tpu.vector_load %arg17[%swap3A_731] masked %eq3A_724 {strides = array<i32>} : memref<5120xf32, #tpu.memory_space<vmem>>, vector<16xf32>, vector<16xi1>
        tpu.vector_store %arg17[%swap3A_731], %get3A_719 masked %eq3A_724 {strides = array<i32>} : memref<5120xf32, #tpu.memory_space<vmem>>, vector<16xf32>, vector<16xi1>
        %all_reduce_population_count3A_733 = tpu.all_reduce %eq3A_724 {dim = 0 : i64, kind = #tpu.reduction_kind<sum>} : vector<16xi1> -> vector<16xi32>
        %slice3A_734 = vector.extract_strided_slice %all_reduce_population_count3A_733 {offsets = [0], sizes = [1], strides = [1]} : vector<16xi32> to vector<1xi32>
        %squeeze3A_735 = vector.extract %slice3A_734[0] : i32 from vector<1xi32>
        %add3A_736 = arith.addi %scan3A_624, %squeeze3A_735 : i32
        scf.yield %add3A_649, %add3A_678, %add3A_707, %add3A_736 : i32, i32, i32, i32
      }
      %scan3A_430 = arith.constant 64 : i32
      %mul3A_431 = arith.constant 4 : i32
      %mul3A_432 = arith.muli %add3A_394, %mul3A_431 : i32
      %add3A_433 = arith.constant 0 : i32
      %add3A_434 = arith.addi %mul3A_432, %add3A_433 : i32
      %swap3A_435 = arith.index_cast %add3A_434 : i32 to index
      %swap3A_436 = memref.load %arg22[%swap3A_435] : memref<256xi32, #tpu.memory_space<smem>>
      memref.store %scan3A_429#0, %arg22[%swap3A_435] : memref<256xi32, #tpu.memory_space<smem>>
      %mul3A_437 = arith.constant 4 : i32
      %mul3A_438 = arith.muli %add3A_394, %mul3A_437 : i32
      %add3A_439 = arith.constant 1 : i32
      %add3A_440 = arith.addi %mul3A_438, %add3A_439 : i32
      %swap3A_441 = arith.index_cast %add3A_440 : i32 to index
      %swap3A_442 = memref.load %arg22[%swap3A_441] : memref<256xi32, #tpu.memory_space<smem>>
      memref.store %scan3A_429#1, %arg22[%swap3A_441] : memref<256xi32, #tpu.memory_space<smem>>
      %mul3A_443 = arith.constant 4 : i32
      %mul3A_444 = arith.muli %add3A_394, %mul3A_443 : i32
      %add3A_445 = arith.constant 2 : i32
      %add3A_446 = arith.addi %mul3A_444, %add3A_445 : i32
      %swap3A_447 = arith.index_cast %add3A_446 : i32 to index
      %swap3A_448 = memref.load %arg22[%swap3A_447] : memref<256xi32, #tpu.memory_space<smem>>
      memref.store %scan3A_429#2, %arg22[%swap3A_447] : memref<256xi32, #tpu.memory_space<smem>>
      %mul3A_449 = arith.constant 4 : i32
      %mul3A_450 = arith.muli %add3A_394, %mul3A_449 : i32
      %add3A_451 = arith.constant 3 : i32
      %add3A_452 = arith.addi %mul3A_450, %add3A_451 : i32
      %swap3A_453 = arith.index_cast %add3A_452 : i32 to index
      %swap3A_454 = memref.load %arg22[%swap3A_453] : memref<256xi32, #tpu.memory_space<smem>>
      memref.store %scan3A_429#3, %arg22[%swap3A_453] : memref<256xi32, #tpu.memory_space<smem>>
      %add3A_455 = arith.constant 256 : i32
      %add3A_456 = arith.addi %scan3A_429#0, %add3A_455 : i32
      %sub3A_457 = arith.constant 1 : i32
      %sub3A_458 = arith.subi %add3A_456, %sub3A_457 : i32
      %jit3A_459 = arith.constant 256 : i32
      %div3A_460 = arith.divsi %sub3A_458, %jit3A_459 : i32
      %sign3A_461 = arith.constant 0 : i32
      %sign3A_462 = arith.cmpi sgt, %sub3A_458, %sign3A_461 : i32
      %sign3A_463 = arith.extui %sign3A_462 : i1 to i32
      %sign3A_464 = arith.constant 0 : i32
      %sign3A_465 = arith.cmpi slt, %sub3A_458, %sign3A_464 : i32
      %sign3A_466 = arith.extui %sign3A_465 : i1 to i32
      %sign3A_467 = arith.subi %sign3A_463, %sign3A_466 : i32
      %sign3A_468 = arith.constant 0 : i32
      %sign3A_469 = arith.cmpi sgt, %jit3A_459, %sign3A_468 : i32
      %sign3A_470 = arith.extui %sign3A_469 : i1 to i32
      %sign3A_471 = arith.constant 0 : i32
      %sign3A_472 = arith.cmpi slt, %jit3A_459, %sign3A_471 : i32
      %sign3A_473 = arith.extui %sign3A_472 : i1 to i32
      %sign3A_474 = arith.subi %sign3A_470, %sign3A_473 : i32
      %ne3A_475 = arith.cmpi ne, %sign3A_467, %sign3A_474 : i32
      %rem3A_476 = arith.remsi %sub3A_458, %jit3A_459 : i32
      %ne3A_477 = arith.constant 0 : i32
      %ne3A_478 = arith.cmpi ne, %rem3A_476, %ne3A_477 : i32
      %and3A_479 = arith.andi %ne3A_475, %ne3A_478 : i1
      %sub3A_480 = arith.constant 1 : i32
      %sub3A_481 = arith.subi %div3A_460, %sub3A_480 : i32
      %select_n3A_482 = arith.select %and3A_479, %sub3A_481, %div3A_460 : i32
      %while3A_483 = arith.constant 0 : i32
      %while3A_484 = arith.constant 0 : i32
      %while3A_485 = arith.subi %select_n3A_482, %while3A_483 : i32
      %while3A_486 = arith.addi %while3A_483, %while3A_485 : i32
      %while3A_487 = arith.constant 1 : i32
      %while3A_488 = arith.divsi %while3A_485, %while3A_487 : i32
      %while3A_489 = arith.muli %while3A_488, %while3A_487 : i32
      %while3A_490 = arith.addi %while3A_483, %while3A_489 : i32
      %while3A_491 = arith.constant 1 : i32
      %while3A_492 = scf.for %while3A_620 = %while3A_483 to %while3A_490 step %while3A_491 iter_args(%while3A_621 = %while3A_484) -> (i32)  : i32 {
        %mul3A_622 = arith.constant 256 : i32
        %mul3A_623 = arith.muli %while3A_620, %mul3A_622 : i32
        %add3A_624 = arith.constant 0 : i32
        %add3A_625 = arith.addi %add3A_624, %mul3A_623 : i32
        %mul3A_626 = arith.constant 256 : i32
        %mul3A_627 = arith.muli %while3A_620, %mul3A_626 : i32
        %add3A_628 = arith.constant 0 : i32
        %add3A_629 = arith.addi %add3A_628, %mul3A_627 : i32
        %dma_start3A_630 = tpu.memref_slice %arg16[%add3A_625] : memref<5120xi32, #tpu.memory_space<vmem>> -> memref<256xi32, #tpu.memory_space<vmem>>
        %dma_start3A_631 = tpu.memref_slice %arg8[%add3A, %add3A_394, %add3A_629] : memref<32x64x4096xi32, #tpu.memory_space<hbm>> -> memref<1x1x256xi32, #tpu.memory_space<hbm>>
        %dma_start3A_632 = tpu.memref_squeeze %dma_start3A_631 : memref<1x1x256xi32, #tpu.memory_space<hbm>> -> memref<256xi32, #tpu.memory_space<hbm>>
        %dma_start3A_633 = tpu.memref_slice %arg8[%add3A, %add3A_394, %add3A_629] : memref<32x64x4096xi32, #tpu.memory_space<hbm>> -> memref<1x1x256xi32, #tpu.memory_space<hbm>>
        %dma_start3A_634 = tpu.memref_squeeze %dma_start3A_633 : memref<1x1x256xi32, #tpu.memory_space<hbm>> -> memref<256xi32, #tpu.memory_space<hbm>>
        %dma_start3A_635 = tpu.memref_slice %arg16[%add3A_625] : memref<5120xi32, #tpu.memory_space<vmem>> -> memref<256xi32, #tpu.memory_space<vmem>>
        tpu.enqueue_dma source(%dma_start3A_635 : memref<256xi32, #tpu.memory_space<vmem>>) target(%dma_start3A_634 : memref<256xi32, #tpu.memory_space<hbm>>) target_semaphore(%arg24 : memref<!tpu.dma_semaphore, #tpu.memory_space<semaphore_mem>>)
        %mul3A_636 = arith.constant 256 : i32
        %mul3A_637 = arith.muli %while3A_620, %mul3A_636 : i32
        %add3A_638 = arith.constant 0 : i32
        %add3A_639 = arith.addi %add3A_638, %mul3A_637 : i32
        %mul3A_640 = arith.constant 256 : i32
        %mul3A_641 = arith.muli %while3A_620, %mul3A_640 : i32
        %add3A_642 = arith.constant 0 : i32
        %add3A_643 = arith.addi %add3A_642, %mul3A_641 : i32
        %dma_start3A_644 = tpu.memref_slice %arg17[%add3A_639] : memref<5120xf32, #tpu.memory_space<vmem>> -> memref<256xf32, #tpu.memory_space<vmem>>
        %dma_start3A_645 = tpu.memref_slice %arg9[%add3A, %add3A_394, %add3A_643] : memref<32x64x4096xf32, #tpu.memory_space<hbm>> -> memref<1x1x256xf32, #tpu.memory_space<hbm>>
        %dma_start3A_646 = tpu.memref_squeeze %dma_start3A_645 : memref<1x1x256xf32, #tpu.memory_space<hbm>> -> memref<256xf32, #tpu.memory_space<hbm>>
        %dma_start3A_647 = tpu.memref_slice %arg9[%add3A, %add3A_394, %add3A_643] : memref<32x64x4096xf32, #tpu.memory_space<hbm>> -> memref<1x1x256xf32, #tpu.memory_space<hbm>>
        %dma_start3A_648 = tpu.memref_squeeze %dma_start3A_647 : memref<1x1x256xf32, #tpu.memory_space<hbm>> -> memref<256xf32, #tpu.memory_space<hbm>>
        %dma_start3A_649 = tpu.memref_slice %arg17[%add3A_639] : memref<5120xf32, #tpu.memory_space<vmem>> -> memref<256xf32, #tpu.memory_space<vmem>>
        tpu.enqueue_dma source(%dma_start3A_649 : memref<256xf32, #tpu.memory_space<vmem>>) target(%dma_start3A_648 : memref<256xf32, #tpu.memory_space<hbm>>) target_semaphore(%arg24 : memref<!tpu.dma_semaphore, #tpu.memory_space<semaphore_mem>>)
        %while3A_650 = arith.constant 0 : i32
        scf.yield %while3A_650 : i32
      }
      %while3A_493 = arith.constant 1 : i32
      %while3A_494 = scf.for %while3A_620 = %while3A_490 to %while3A_486 step %while3A_493 iter_args(%while3A_621 = %while3A_492) -> (i32)  : i32 {
        %mul3A_622 = arith.constant 256 : i32
        %mul3A_623 = arith.muli %while3A_620, %mul3A_622 : i32
        %add3A_624 = arith.constant 0 : i32
        %add3A_625 = arith.addi %add3A_624, %mul3A_623 : i32
        %mul3A_626 = arith.constant 256 : i32
        %mul3A_627 = arith.muli %while3A_620, %mul3A_626 : i32
        %add3A_628 = arith.constant 0 : i32
        %add3A_629 = arith.addi %add3A_628, %mul3A_627 : i32
        %dma_start3A_630 = tpu.memref_slice %arg16[%add3A_625] : memref<5120xi32, #tpu.memory_space<vmem>> -> memref<256xi32, #tpu.memory_space<vmem>>
        %dma_start3A_631 = tpu.memref_slice %arg8[%add3A, %add3A_394, %add3A_629] : memref<32x64x4096xi32, #tpu.memory_space<hbm>> -> memref<1x1x256xi32, #tpu.memory_space<hbm>>
        %dma_start3A_632 = tpu.memref_squeeze %dma_start3A_631 : memref<1x1x256xi32, #tpu.memory_space<hbm>> -> memref<256xi32, #tpu.memory_space<hbm>>
        %dma_start3A_633 = tpu.memref_slice %arg8[%add3A, %add3A_394, %add3A_629] : memref<32x64x4096xi32, #tpu.memory_space<hbm>> -> memref<1x1x256xi32, #tpu.memory_space<hbm>>
        %dma_start3A_634 = tpu.memref_squeeze %dma_start3A_633 : memref<1x1x256xi32, #tpu.memory_space<hbm>> -> memref<256xi32, #tpu.memory_space<hbm>>
        %dma_start3A_635 = tpu.memref_slice %arg16[%add3A_625] : memref<5120xi32, #tpu.memory_space<vmem>> -> memref<256xi32, #tpu.memory_space<vmem>>
        tpu.enqueue_dma source(%dma_start3A_635 : memref<256xi32, #tpu.memory_space<vmem>>) target(%dma_start3A_634 : memref<256xi32, #tpu.memory_space<hbm>>) target_semaphore(%arg24 : memref<!tpu.dma_semaphore, #tpu.memory_space<semaphore_mem>>)
        %mul3A_636 = arith.constant 256 : i32
        %mul3A_637 = arith.muli %while3A_620, %mul3A_636 : i32
        %add3A_638 = arith.constant 0 : i32
        %add3A_639 = arith.addi %add3A_638, %mul3A_637 : i32
        %mul3A_640 = arith.constant 256 : i32
        %mul3A_641 = arith.muli %while3A_620, %mul3A_640 : i32
        %add3A_642 = arith.constant 0 : i32
        %add3A_643 = arith.addi %add3A_642, %mul3A_641 : i32
        %dma_start3A_644 = tpu.memref_slice %arg17[%add3A_639] : memref<5120xf32, #tpu.memory_space<vmem>> -> memref<256xf32, #tpu.memory_space<vmem>>
        %dma_start3A_645 = tpu.memref_slice %arg9[%add3A, %add3A_394, %add3A_643] : memref<32x64x4096xf32, #tpu.memory_space<hbm>> -> memref<1x1x256xf32, #tpu.memory_space<hbm>>
        %dma_start3A_646 = tpu.memref_squeeze %dma_start3A_645 : memref<1x1x256xf32, #tpu.memory_space<hbm>> -> memref<256xf32, #tpu.memory_space<hbm>>
        %dma_start3A_647 = tpu.memref_slice %arg9[%add3A, %add3A_394, %add3A_643] : memref<32x64x4096xf32, #tpu.memory_space<hbm>> -> memref<1x1x256xf32, #tpu.memory_space<hbm>>
        %dma_start3A_648 = tpu.memref_squeeze %dma_start3A_647 : memref<1x1x256xf32, #tpu.memory_space<hbm>> -> memref<256xf32, #tpu.memory_space<hbm>>
        %dma_start3A_649 = tpu.memref_slice %arg17[%add3A_639] : memref<5120xf32, #tpu.memory_space<vmem>> -> memref<256xf32, #tpu.memory_space<vmem>>
        tpu.enqueue_dma source(%dma_start3A_649 : memref<256xf32, #tpu.memory_space<vmem>>) target(%dma_start3A_648 : memref<256xf32, #tpu.memory_space<hbm>>) target_semaphore(%arg24 : memref<!tpu.dma_semaphore, #tpu.memory_space<semaphore_mem>>)
        %while3A_650 = arith.constant 0 : i32
        scf.yield %while3A_650 : i32
      }
      %add3A_495 = arith.constant 0 : i32
      %add3A_496 = arith.addi %add3A_495, %select_n3A_482 : i32
      %add3A_497 = arith.constant 256 : i32
      %add3A_498 = arith.addi %scan3A_429#1, %add3A_497 : i32
      %sub3A_499 = arith.constant 1 : i32
      %sub3A_500 = arith.subi %add3A_498, %sub3A_499 : i32
      %jit3A_501 = arith.constant 256 : i32
      %div3A_502 = arith.divsi %sub3A_500, %jit3A_501 : i32
      %sign3A_503 = arith.constant 0 : i32
      %sign3A_504 = arith.cmpi sgt, %sub3A_500, %sign3A_503 : i32
      %sign3A_505 = arith.extui %sign3A_504 : i1 to i32
      %sign3A_506 = arith.constant 0 : i32
      %sign3A_507 = arith.cmpi slt, %sub3A_500, %sign3A_506 : i32
      %sign3A_508 = arith.extui %sign3A_507 : i1 to i32
      %sign3A_509 = arith.subi %sign3A_505, %sign3A_508 : i32
      %sign3A_510 = arith.constant 0 : i32
      %sign3A_511 = arith.cmpi sgt, %jit3A_501, %sign3A_510 : i32
      %sign3A_512 = arith.extui %sign3A_511 : i1 to i32
      %sign3A_513 = arith.constant 0 : i32
      %sign3A_514 = arith.cmpi slt, %jit3A_501, %sign3A_513 : i32
      %sign3A_515 = arith.extui %sign3A_514 : i1 to i32
      %sign3A_516 = arith.subi %sign3A_512, %sign3A_515 : i32
      %ne3A_517 = arith.cmpi ne, %sign3A_509, %sign3A_516 : i32
      %rem3A_518 = arith.remsi %sub3A_500, %jit3A_501 : i32
      %ne3A_519 = arith.constant 0 : i32
      %ne3A_520 = arith.cmpi ne, %rem3A_518, %ne3A_519 : i32
      %and3A_521 = arith.andi %ne3A_517, %ne3A_520 : i1
      %sub3A_522 = arith.constant 1 : i32
      %sub3A_523 = arith.subi %div3A_502, %sub3A_522 : i32
      %select_n3A_524 = arith.select %and3A_521, %sub3A_523, %div3A_502 : i32
      %while3A_525 = arith.constant 0 : i32
      %while3A_526 = arith.constant 0 : i32
      %while3A_527 = arith.subi %select_n3A_524, %while3A_525 : i32
      %while3A_528 = arith.addi %while3A_525, %while3A_527 : i32
      %while3A_529 = arith.constant 1 : i32
      %while3A_530 = arith.divsi %while3A_527, %while3A_529 : i32
      %while3A_531 = arith.muli %while3A_530, %while3A_529 : i32
      %while3A_532 = arith.addi %while3A_525, %while3A_531 : i32
      %while3A_533 = arith.constant 1 : i32
      %while3A_534 = scf.for %while3A_620 = %while3A_525 to %while3A_532 step %while3A_533 iter_args(%while3A_621 = %while3A_526) -> (i32)  : i32 {
        %mul3A_622 = arith.constant 256 : i32
        %mul3A_623 = arith.muli %while3A_620, %mul3A_622 : i32
        %add3A_624 = arith.constant 1280 : i32
        %add3A_625 = arith.addi %add3A_624, %mul3A_623 : i32
        %mul3A_626 = arith.constant 256 : i32
        %mul3A_627 = arith.muli %while3A_620, %mul3A_626 : i32
        %add3A_628 = arith.constant 1024 : i32
        %add3A_629 = arith.addi %add3A_628, %mul3A_627 : i32
        %dma_start3A_630 = tpu.memref_slice %arg16[%add3A_625] : memref<5120xi32, #tpu.memory_space<vmem>> -> memref<256xi32, #tpu.memory_space<vmem>>
        %dma_start3A_631 = tpu.memref_slice %arg8[%add3A, %add3A_394, %add3A_629] : memref<32x64x4096xi32, #tpu.memory_space<hbm>> -> memref<1x1x256xi32, #tpu.memory_space<hbm>>
        %dma_start3A_632 = tpu.memref_squeeze %dma_start3A_631 : memref<1x1x256xi32, #tpu.memory_space<hbm>> -> memref<256xi32, #tpu.memory_space<hbm>>
        %dma_start3A_633 = tpu.memref_slice %arg8[%add3A, %add3A_394, %add3A_629] : memref<32x64x4096xi32, #tpu.memory_space<hbm>> -> memref<1x1x256xi32, #tpu.memory_space<hbm>>
        %dma_start3A_634 = tpu.memref_squeeze %dma_start3A_633 : memref<1x1x256xi32, #tpu.memory_space<hbm>> -> memref<256xi32, #tpu.memory_space<hbm>>
        %dma_start3A_635 = tpu.memref_slice %arg16[%add3A_625] : memref<5120xi32, #tpu.memory_space<vmem>> -> memref<256xi32, #tpu.memory_space<vmem>>
        tpu.enqueue_dma source(%dma_start3A_635 : memref<256xi32, #tpu.memory_space<vmem>>) target(%dma_start3A_634 : memref<256xi32, #tpu.memory_space<hbm>>) target_semaphore(%arg24 : memref<!tpu.dma_semaphore, #tpu.memory_space<semaphore_mem>>)
        %mul3A_636 = arith.constant 256 : i32
        %mul3A_637 = arith.muli %while3A_620, %mul3A_636 : i32
        %add3A_638 = arith.constant 1280 : i32
        %add3A_639 = arith.addi %add3A_638, %mul3A_637 : i32
        %mul3A_640 = arith.constant 256 : i32
        %mul3A_641 = arith.muli %while3A_620, %mul3A_640 : i32
        %add3A_642 = arith.constant 1024 : i32
        %add3A_643 = arith.addi %add3A_642, %mul3A_641 : i32
        %dma_start3A_644 = tpu.memref_slice %arg17[%add3A_639] : memref<5120xf32, #tpu.memory_space<vmem>> -> memref<256xf32, #tpu.memory_space<vmem>>
        %dma_start3A_645 = tpu.memref_slice %arg9[%add3A, %add3A_394, %add3A_643] : memref<32x64x4096xf32, #tpu.memory_space<hbm>> -> memref<1x1x256xf32, #tpu.memory_space<hbm>>
        %dma_start3A_646 = tpu.memref_squeeze %dma_start3A_645 : memref<1x1x256xf32, #tpu.memory_space<hbm>> -> memref<256xf32, #tpu.memory_space<hbm>>
        %dma_start3A_647 = tpu.memref_slice %arg9[%add3A, %add3A_394, %add3A_643] : memref<32x64x4096xf32, #tpu.memory_space<hbm>> -> memref<1x1x256xf32, #tpu.memory_space<hbm>>
        %dma_start3A_648 = tpu.memref_squeeze %dma_start3A_647 : memref<1x1x256xf32, #tpu.memory_space<hbm>> -> memref<256xf32, #tpu.memory_space<hbm>>
        %dma_start3A_649 = tpu.memref_slice %arg17[%add3A_639] : memref<5120xf32, #tpu.memory_space<vmem>> -> memref<256xf32, #tpu.memory_space<vmem>>
        tpu.enqueue_dma source(%dma_start3A_649 : memref<256xf32, #tpu.memory_space<vmem>>) target(%dma_start3A_648 : memref<256xf32, #tpu.memory_space<hbm>>) target_semaphore(%arg24 : memref<!tpu.dma_semaphore, #tpu.memory_space<semaphore_mem>>)
        %while3A_650 = arith.constant 0 : i32
        scf.yield %while3A_650 : i32
      }
      %while3A_535 = arith.constant 1 : i32
      %while3A_536 = scf.for %while3A_620 = %while3A_532 to %while3A_528 step %while3A_535 iter_args(%while3A_621 = %while3A_534) -> (i32)  : i32 {
        %mul3A_622 = arith.constant 256 : i32
        %mul3A_623 = arith.muli %while3A_620, %mul3A_622 : i32
        %add3A_624 = arith.constant 1280 : i32
        %add3A_625 = arith.addi %add3A_624, %mul3A_623 : i32
        %mul3A_626 = arith.constant 256 : i32
        %mul3A_627 = arith.muli %while3A_620, %mul3A_626 : i32
        %add3A_628 = arith.constant 1024 : i32
        %add3A_629 = arith.addi %add3A_628, %mul3A_627 : i32
        %dma_start3A_630 = tpu.memref_slice %arg16[%add3A_625] : memref<5120xi32, #tpu.memory_space<vmem>> -> memref<256xi32, #tpu.memory_space<vmem>>
        %dma_start3A_631 = tpu.memref_slice %arg8[%add3A, %add3A_394, %add3A_629] : memref<32x64x4096xi32, #tpu.memory_space<hbm>> -> memref<1x1x256xi32, #tpu.memory_space<hbm>>
        %dma_start3A_632 = tpu.memref_squeeze %dma_start3A_631 : memref<1x1x256xi32, #tpu.memory_space<hbm>> -> memref<256xi32, #tpu.memory_space<hbm>>
        %dma_start3A_633 = tpu.memref_slice %arg8[%add3A, %add3A_394, %add3A_629] : memref<32x64x4096xi32, #tpu.memory_space<hbm>> -> memref<1x1x256xi32, #tpu.memory_space<hbm>>
        %dma_start3A_634 = tpu.memref_squeeze %dma_start3A_633 : memref<1x1x256xi32, #tpu.memory_space<hbm>> -> memref<256xi32, #tpu.memory_space<hbm>>
        %dma_start3A_635 = tpu.memref_slice %arg16[%add3A_625] : memref<5120xi32, #tpu.memory_space<vmem>> -> memref<256xi32, #tpu.memory_space<vmem>>
        tpu.enqueue_dma source(%dma_start3A_635 : memref<256xi32, #tpu.memory_space<vmem>>) target(%dma_start3A_634 : memref<256xi32, #tpu.memory_space<hbm>>) target_semaphore(%arg24 : memref<!tpu.dma_semaphore, #tpu.memory_space<semaphore_mem>>)
        %mul3A_636 = arith.constant 256 : i32
        %mul3A_637 = arith.muli %while3A_620, %mul3A_636 : i32
        %add3A_638 = arith.constant 1280 : i32
        %add3A_639 = arith.addi %add3A_638, %mul3A_637 : i32
        %mul3A_640 = arith.constant 256 : i32
        %mul3A_641 = arith.muli %while3A_620, %mul3A_640 : i32
        %add3A_642 = arith.constant 1024 : i32
        %add3A_643 = arith.addi %add3A_642, %mul3A_641 : i32
        %dma_start3A_644 = tpu.memref_slice %arg17[%add3A_639] : memref<5120xf32, #tpu.memory_space<vmem>> -> memref<256xf32, #tpu.memory_space<vmem>>
        %dma_start3A_645 = tpu.memref_slice %arg9[%add3A, %add3A_394, %add3A_643] : memref<32x64x4096xf32, #tpu.memory_space<hbm>> -> memref<1x1x256xf32, #tpu.memory_space<hbm>>
        %dma_start3A_646 = tpu.memref_squeeze %dma_start3A_645 : memref<1x1x256xf32, #tpu.memory_space<hbm>> -> memref<256xf32, #tpu.memory_space<hbm>>
        %dma_start3A_647 = tpu.memref_slice %arg9[%add3A, %add3A_394, %add3A_643] : memref<32x64x4096xf32, #tpu.memory_space<hbm>> -> memref<1x1x256xf32, #tpu.memory_space<hbm>>
        %dma_start3A_648 = tpu.memref_squeeze %dma_start3A_647 : memref<1x1x256xf32, #tpu.memory_space<hbm>> -> memref<256xf32, #tpu.memory_space<hbm>>
        %dma_start3A_649 = tpu.memref_slice %arg17[%add3A_639] : memref<5120xf32, #tpu.memory_space<vmem>> -> memref<256xf32, #tpu.memory_space<vmem>>
        tpu.enqueue_dma source(%dma_start3A_649 : memref<256xf32, #tpu.memory_space<vmem>>) target(%dma_start3A_648 : memref<256xf32, #tpu.memory_space<hbm>>) target_semaphore(%arg24 : memref<!tpu.dma_semaphore, #tpu.memory_space<semaphore_mem>>)
        %while3A_650 = arith.constant 0 : i32
        scf.yield %while3A_650 : i32
      }
      %add3A_537 = arith.addi %add3A_496, %select_n3A_524 : i32
      %add3A_538 = arith.constant 256 : i32
      %add3A_539 = arith.addi %scan3A_429#2, %add3A_538 : i32
      %sub3A_540 = arith.constant 1 : i32
      %sub3A_541 = arith.subi %add3A_539, %sub3A_540 : i32
      %jit3A_542 = arith.constant 256 : i32
      %div3A_543 = arith.divsi %sub3A_541, %jit3A_542 : i32
      %sign3A_544 = arith.constant 0 : i32
      %sign3A_545 = arith.cmpi sgt, %sub3A_541, %sign3A_544 : i32
      %sign3A_546 = arith.extui %sign3A_545 : i1 to i32
      %sign3A_547 = arith.constant 0 : i32
      %sign3A_548 = arith.cmpi slt, %sub3A_541, %sign3A_547 : i32
      %sign3A_549 = arith.extui %sign3A_548 : i1 to i32
      %sign3A_550 = arith.subi %sign3A_546, %sign3A_549 : i32
      %sign3A_551 = arith.constant 0 : i32
      %sign3A_552 = arith.cmpi sgt, %jit3A_542, %sign3A_551 : i32
      %sign3A_553 = arith.extui %sign3A_552 : i1 to i32
      %sign3A_554 = arith.constant 0 : i32
      %sign3A_555 = arith.cmpi slt, %jit3A_542, %sign3A_554 : i32
      %sign3A_556 = arith.extui %sign3A_555 : i1 to i32
      %sign3A_557 = arith.subi %sign3A_553, %sign3A_556 : i32
      %ne3A_558 = arith.cmpi ne, %sign3A_550, %sign3A_557 : i32
      %rem3A_559 = arith.remsi %sub3A_541, %jit3A_542 : i32
      %ne3A_560 = arith.constant 0 : i32
      %ne3A_561 = arith.cmpi ne, %rem3A_559, %ne3A_560 : i32
      %and3A_562 = arith.andi %ne3A_558, %ne3A_561 : i1
      %sub3A_563 = arith.constant 1 : i32
      %sub3A_564 = arith.subi %div3A_543, %sub3A_563 : i32
      %select_n3A_565 = arith.select %and3A_562, %sub3A_564, %div3A_543 : i32
      %while3A_566 = arith.constant 0 : i32
      %while3A_567 = arith.constant 0 : i32
      %while3A_568 = arith.subi %select_n3A_565, %while3A_566 : i32
      %while3A_569 = arith.addi %while3A_566, %while3A_568 : i32
      %while3A_570 = arith.constant 1 : i32
      %while3A_571 = arith.divsi %while3A_568, %while3A_570 : i32
      %while3A_572 = arith.muli %while3A_571, %while3A_570 : i32
      %while3A_573 = arith.addi %while3A_566, %while3A_572 : i32
      %while3A_574 = arith.constant 1 : i32
      %while3A_575 = scf.for %while3A_620 = %while3A_566 to %while3A_573 step %while3A_574 iter_args(%while3A_621 = %while3A_567) -> (i32)  : i32 {
        %mul3A_622 = arith.constant 256 : i32
        %mul3A_623 = arith.muli %while3A_620, %mul3A_622 : i32
        %add3A_624 = arith.constant 2560 : i32
        %add3A_625 = arith.addi %add3A_624, %mul3A_623 : i32
        %mul3A_626 = arith.constant 256 : i32
        %mul3A_627 = arith.muli %while3A_620, %mul3A_626 : i32
        %add3A_628 = arith.constant 2048 : i32
        %add3A_629 = arith.addi %add3A_628, %mul3A_627 : i32
        %dma_start3A_630 = tpu.memref_slice %arg16[%add3A_625] : memref<5120xi32, #tpu.memory_space<vmem>> -> memref<256xi32, #tpu.memory_space<vmem>>
        %dma_start3A_631 = tpu.memref_slice %arg8[%add3A, %add3A_394, %add3A_629] : memref<32x64x4096xi32, #tpu.memory_space<hbm>> -> memref<1x1x256xi32, #tpu.memory_space<hbm>>
        %dma_start3A_632 = tpu.memref_squeeze %dma_start3A_631 : memref<1x1x256xi32, #tpu.memory_space<hbm>> -> memref<256xi32, #tpu.memory_space<hbm>>
        %dma_start3A_633 = tpu.memref_slice %arg8[%add3A, %add3A_394, %add3A_629] : memref<32x64x4096xi32, #tpu.memory_space<hbm>> -> memref<1x1x256xi32, #tpu.memory_space<hbm>>
        %dma_start3A_634 = tpu.memref_squeeze %dma_start3A_633 : memref<1x1x256xi32, #tpu.memory_space<hbm>> -> memref<256xi32, #tpu.memory_space<hbm>>
        %dma_start3A_635 = tpu.memref_slice %arg16[%add3A_625] : memref<5120xi32, #tpu.memory_space<vmem>> -> memref<256xi32, #tpu.memory_space<vmem>>
        tpu.enqueue_dma source(%dma_start3A_635 : memref<256xi32, #tpu.memory_space<vmem>>) target(%dma_start3A_634 : memref<256xi32, #tpu.memory_space<hbm>>) target_semaphore(%arg24 : memref<!tpu.dma_semaphore, #tpu.memory_space<semaphore_mem>>)
        %mul3A_636 = arith.constant 256 : i32
        %mul3A_637 = arith.muli %while3A_620, %mul3A_636 : i32
        %add3A_638 = arith.constant 2560 : i32
        %add3A_639 = arith.addi %add3A_638, %mul3A_637 : i32
        %mul3A_640 = arith.constant 256 : i32
        %mul3A_641 = arith.muli %while3A_620, %mul3A_640 : i32
        %add3A_642 = arith.constant 2048 : i32
        %add3A_643 = arith.addi %add3A_642, %mul3A_641 : i32
        %dma_start3A_644 = tpu.memref_slice %arg17[%add3A_639] : memref<5120xf32, #tpu.memory_space<vmem>> -> memref<256xf32, #tpu.memory_space<vmem>>
        %dma_start3A_645 = tpu.memref_slice %arg9[%add3A, %add3A_394, %add3A_643] : memref<32x64x4096xf32, #tpu.memory_space<hbm>> -> memref<1x1x256xf32, #tpu.memory_space<hbm>>
        %dma_start3A_646 = tpu.memref_squeeze %dma_start3A_645 : memref<1x1x256xf32, #tpu.memory_space<hbm>> -> memref<256xf32, #tpu.memory_space<hbm>>
        %dma_start3A_647 = tpu.memref_slice %arg9[%add3A, %add3A_394, %add3A_643] : memref<32x64x4096xf32, #tpu.memory_space<hbm>> -> memref<1x1x256xf32, #tpu.memory_space<hbm>>
        %dma_start3A_648 = tpu.memref_squeeze %dma_start3A_647 : memref<1x1x256xf32, #tpu.memory_space<hbm>> -> memref<256xf32, #tpu.memory_space<hbm>>
        %dma_start3A_649 = tpu.memref_slice %arg17[%add3A_639] : memref<5120xf32, #tpu.memory_space<vmem>> -> memref<256xf32, #tpu.memory_space<vmem>>
        tpu.enqueue_dma source(%dma_start3A_649 : memref<256xf32, #tpu.memory_space<vmem>>) target(%dma_start3A_648 : memref<256xf32, #tpu.memory_space<hbm>>) target_semaphore(%arg24 : memref<!tpu.dma_semaphore, #tpu.memory_space<semaphore_mem>>)
        %while3A_650 = arith.constant 0 : i32
        scf.yield %while3A_650 : i32
      }
      %while3A_576 = arith.constant 1 : i32
      %while3A_577 = scf.for %while3A_620 = %while3A_573 to %while3A_569 step %while3A_576 iter_args(%while3A_621 = %while3A_575) -> (i32)  : i32 {
        %mul3A_622 = arith.constant 256 : i32
        %mul3A_623 = arith.muli %while3A_620, %mul3A_622 : i32
        %add3A_624 = arith.constant 2560 : i32
        %add3A_625 = arith.addi %add3A_624, %mul3A_623 : i32
        %mul3A_626 = arith.constant 256 : i32
        %mul3A_627 = arith.muli %while3A_620, %mul3A_626 : i32
        %add3A_628 = arith.constant 2048 : i32
        %add3A_629 = arith.addi %add3A_628, %mul3A_627 : i32
        %dma_start3A_630 = tpu.memref_slice %arg16[%add3A_625] : memref<5120xi32, #tpu.memory_space<vmem>> -> memref<256xi32, #tpu.memory_space<vmem>>
        %dma_start3A_631 = tpu.memref_slice %arg8[%add3A, %add3A_394, %add3A_629] : memref<32x64x4096xi32, #tpu.memory_space<hbm>> -> memref<1x1x256xi32, #tpu.memory_space<hbm>>
        %dma_start3A_632 = tpu.memref_squeeze %dma_start3A_631 : memref<1x1x256xi32, #tpu.memory_space<hbm>> -> memref<256xi32, #tpu.memory_space<hbm>>
        %dma_start3A_633 = tpu.memref_slice %arg8[%add3A, %add3A_394, %add3A_629] : memref<32x64x4096xi32, #tpu.memory_space<hbm>> -> memref<1x1x256xi32, #tpu.memory_space<hbm>>
        %dma_start3A_634 = tpu.memref_squeeze %dma_start3A_633 : memref<1x1x256xi32, #tpu.memory_space<hbm>> -> memref<256xi32, #tpu.memory_space<hbm>>
        %dma_start3A_635 = tpu.memref_slice %arg16[%add3A_625] : memref<5120xi32, #tpu.memory_space<vmem>> -> memref<256xi32, #tpu.memory_space<vmem>>
        tpu.enqueue_dma source(%dma_start3A_635 : memref<256xi32, #tpu.memory_space<vmem>>) target(%dma_start3A_634 : memref<256xi32, #tpu.memory_space<hbm>>) target_semaphore(%arg24 : memref<!tpu.dma_semaphore, #tpu.memory_space<semaphore_mem>>)
        %mul3A_636 = arith.constant 256 : i32
        %mul3A_637 = arith.muli %while3A_620, %mul3A_636 : i32
        %add3A_638 = arith.constant 2560 : i32
        %add3A_639 = arith.addi %add3A_638, %mul3A_637 : i32
        %mul3A_640 = arith.constant 256 : i32
        %mul3A_641 = arith.muli %while3A_620, %mul3A_640 : i32
        %add3A_642 = arith.constant 2048 : i32
        %add3A_643 = arith.addi %add3A_642, %mul3A_641 : i32
        %dma_start3A_644 = tpu.memref_slice %arg17[%add3A_639] : memref<5120xf32, #tpu.memory_space<vmem>> -> memref<256xf32, #tpu.memory_space<vmem>>
        %dma_start3A_645 = tpu.memref_slice %arg9[%add3A, %add3A_394, %add3A_643] : memref<32x64x4096xf32, #tpu.memory_space<hbm>> -> memref<1x1x256xf32, #tpu.memory_space<hbm>>
        %dma_start3A_646 = tpu.memref_squeeze %dma_start3A_645 : memref<1x1x256xf32, #tpu.memory_space<hbm>> -> memref<256xf32, #tpu.memory_space<hbm>>
        %dma_start3A_647 = tpu.memref_slice %arg9[%add3A, %add3A_394, %add3A_643] : memref<32x64x4096xf32, #tpu.memory_space<hbm>> -> memref<1x1x256xf32, #tpu.memory_space<hbm>>
        %dma_start3A_648 = tpu.memref_squeeze %dma_start3A_647 : memref<1x1x256xf32, #tpu.memory_space<hbm>> -> memref<256xf32, #tpu.memory_space<hbm>>
        %dma_start3A_649 = tpu.memref_slice %arg17[%add3A_639] : memref<5120xf32, #tpu.memory_space<vmem>> -> memref<256xf32, #tpu.memory_space<vmem>>
        tpu.enqueue_dma source(%dma_start3A_649 : memref<256xf32, #tpu.memory_space<vmem>>) target(%dma_start3A_648 : memref<256xf32, #tpu.memory_space<hbm>>) target_semaphore(%arg24 : memref<!tpu.dma_semaphore, #tpu.memory_space<semaphore_mem>>)
        %while3A_650 = arith.constant 0 : i32
        scf.yield %while3A_650 : i32
      }
      %add3A_578 = arith.addi %add3A_537, %select_n3A_565 : i32
      %add3A_579 = arith.constant 256 : i32
      %add3A_580 = arith.addi %scan3A_429#3, %add3A_579 : i32
      %sub3A_581 = arith.constant 1 : i32
      %sub3A_582 = arith.subi %add3A_580, %sub3A_581 : i32
      %jit3A_583 = arith.constant 256 : i32
      %div3A_584 = arith.divsi %sub3A_582, %jit3A_583 : i32
      %sign3A_585 = arith.constant 0 : i32
      %sign3A_586 = arith.cmpi sgt, %sub3A_582, %sign3A_585 : i32
      %sign3A_587 = arith.extui %sign3A_586 : i1 to i32
      %sign3A_588 = arith.constant 0 : i32
      %sign3A_589 = arith.cmpi slt, %sub3A_582, %sign3A_588 : i32
      %sign3A_590 = arith.extui %sign3A_589 : i1 to i32
      %sign3A_591 = arith.subi %sign3A_587, %sign3A_590 : i32
      %sign3A_592 = arith.constant 0 : i32
      %sign3A_593 = arith.cmpi sgt, %jit3A_583, %sign3A_592 : i32
      %sign3A_594 = arith.extui %sign3A_593 : i1 to i32
      %sign3A_595 = arith.constant 0 : i32
      %sign3A_596 = arith.cmpi slt, %jit3A_583, %sign3A_595 : i32
      %sign3A_597 = arith.extui %sign3A_596 : i1 to i32
      %sign3A_598 = arith.subi %sign3A_594, %sign3A_597 : i32
      %ne3A_599 = arith.cmpi ne, %sign3A_591, %sign3A_598 : i32
      %rem3A_600 = arith.remsi %sub3A_582, %jit3A_583 : i32
      %ne3A_601 = arith.constant 0 : i32
      %ne3A_602 = arith.cmpi ne, %rem3A_600, %ne3A_601 : i32
      %and3A_603 = arith.andi %ne3A_599, %ne3A_602 : i1
      %sub3A_604 = arith.constant 1 : i32
      %sub3A_605 = arith.subi %div3A_584, %sub3A_604 : i32
      %select_n3A_606 = arith.select %and3A_603, %sub3A_605, %div3A_584 : i32
      %while3A_607 = arith.constant 0 : i32
      %while3A_608 = arith.constant 0 : i32
      %while3A_609 = arith.subi %select_n3A_606, %while3A_607 : i32
      %while3A_610 = arith.addi %while3A_607, %while3A_609 : i32
      %while3A_611 = arith.constant 1 : i32
      %while3A_612 = arith.divsi %while3A_609, %while3A_611 : i32
      %while3A_613 = arith.muli %while3A_612, %while3A_611 : i32
      %while3A_614 = arith.addi %while3A_607, %while3A_613 : i32
      %while3A_615 = arith.constant 1 : i32
      %while3A_616 = scf.for %while3A_620 = %while3A_607 to %while3A_614 step %while3A_615 iter_args(%while3A_621 = %while3A_608) -> (i32)  : i32 {
        %mul3A_622 = arith.constant 256 : i32
        %mul3A_623 = arith.muli %while3A_620, %mul3A_622 : i32
        %add3A_624 = arith.constant 3840 : i32
        %add3A_625 = arith.addi %add3A_624, %mul3A_623 : i32
        %mul3A_626 = arith.constant 256 : i32
        %mul3A_627 = arith.muli %while3A_620, %mul3A_626 : i32
        %add3A_628 = arith.constant 3072 : i32
        %add3A_629 = arith.addi %add3A_628, %mul3A_627 : i32
        %dma_start3A_630 = tpu.memref_slice %arg16[%add3A_625] : memref<5120xi32, #tpu.memory_space<vmem>> -> memref<256xi32, #tpu.memory_space<vmem>>
        %dma_start3A_631 = tpu.memref_slice %arg8[%add3A, %add3A_394, %add3A_629] : memref<32x64x4096xi32, #tpu.memory_space<hbm>> -> memref<1x1x256xi32, #tpu.memory_space<hbm>>
        %dma_start3A_632 = tpu.memref_squeeze %dma_start3A_631 : memref<1x1x256xi32, #tpu.memory_space<hbm>> -> memref<256xi32, #tpu.memory_space<hbm>>
        %dma_start3A_633 = tpu.memref_slice %arg8[%add3A, %add3A_394, %add3A_629] : memref<32x64x4096xi32, #tpu.memory_space<hbm>> -> memref<1x1x256xi32, #tpu.memory_space<hbm>>
        %dma_start3A_634 = tpu.memref_squeeze %dma_start3A_633 : memref<1x1x256xi32, #tpu.memory_space<hbm>> -> memref<256xi32, #tpu.memory_space<hbm>>
        %dma_start3A_635 = tpu.memref_slice %arg16[%add3A_625] : memref<5120xi32, #tpu.memory_space<vmem>> -> memref<256xi32, #tpu.memory_space<vmem>>
        tpu.enqueue_dma source(%dma_start3A_635 : memref<256xi32, #tpu.memory_space<vmem>>) target(%dma_start3A_634 : memref<256xi32, #tpu.memory_space<hbm>>) target_semaphore(%arg24 : memref<!tpu.dma_semaphore, #tpu.memory_space<semaphore_mem>>)
        %mul3A_636 = arith.constant 256 : i32
        %mul3A_637 = arith.muli %while3A_620, %mul3A_636 : i32
        %add3A_638 = arith.constant 3840 : i32
        %add3A_639 = arith.addi %add3A_638, %mul3A_637 : i32
        %mul3A_640 = arith.constant 256 : i32
        %mul3A_641 = arith.muli %while3A_620, %mul3A_640 : i32
        %add3A_642 = arith.constant 3072 : i32
        %add3A_643 = arith.addi %add3A_642, %mul3A_641 : i32
        %dma_start3A_644 = tpu.memref_slice %arg17[%add3A_639] : memref<5120xf32, #tpu.memory_space<vmem>> -> memref<256xf32, #tpu.memory_space<vmem>>
        %dma_start3A_645 = tpu.memref_slice %arg9[%add3A, %add3A_394, %add3A_643] : memref<32x64x4096xf32, #tpu.memory_space<hbm>> -> memref<1x1x256xf32, #tpu.memory_space<hbm>>
        %dma_start3A_646 = tpu.memref_squeeze %dma_start3A_645 : memref<1x1x256xf32, #tpu.memory_space<hbm>> -> memref<256xf32, #tpu.memory_space<hbm>>
        %dma_start3A_647 = tpu.memref_slice %arg9[%add3A, %add3A_394, %add3A_643] : memref<32x64x4096xf32, #tpu.memory_space<hbm>> -> memref<1x1x256xf32, #tpu.memory_space<hbm>>
        %dma_start3A_648 = tpu.memref_squeeze %dma_start3A_647 : memref<1x1x256xf32, #tpu.memory_space<hbm>> -> memref<256xf32, #tpu.memory_space<hbm>>
        %dma_start3A_649 = tpu.memref_slice %arg17[%add3A_639] : memref<5120xf32, #tpu.memory_space<vmem>> -> memref<256xf32, #tpu.memory_space<vmem>>
        tpu.enqueue_dma source(%dma_start3A_649 : memref<256xf32, #tpu.memory_space<vmem>>) target(%dma_start3A_648 : memref<256xf32, #tpu.memory_space<hbm>>) target_semaphore(%arg24 : memref<!tpu.dma_semaphore, #tpu.memory_space<semaphore_mem>>)
        %while3A_650 = arith.constant 0 : i32
        scf.yield %while3A_650 : i32
      }
      %while3A_617 = arith.constant 1 : i32
      %while3A_618 = scf.for %while3A_620 = %while3A_614 to %while3A_610 step %while3A_617 iter_args(%while3A_621 = %while3A_616) -> (i32)  : i32 {
        %mul3A_622 = arith.constant 256 : i32
        %mul3A_623 = arith.muli %while3A_620, %mul3A_622 : i32
        %add3A_624 = arith.constant 3840 : i32
        %add3A_625 = arith.addi %add3A_624, %mul3A_623 : i32
        %mul3A_626 = arith.constant 256 : i32
        %mul3A_627 = arith.muli %while3A_620, %mul3A_626 : i32
        %add3A_628 = arith.constant 3072 : i32
        %add3A_629 = arith.addi %add3A_628, %mul3A_627 : i32
        %dma_start3A_630 = tpu.memref_slice %arg16[%add3A_625] : memref<5120xi32, #tpu.memory_space<vmem>> -> memref<256xi32, #tpu.memory_space<vmem>>
        %dma_start3A_631 = tpu.memref_slice %arg8[%add3A, %add3A_394, %add3A_629] : memref<32x64x4096xi32, #tpu.memory_space<hbm>> -> memref<1x1x256xi32, #tpu.memory_space<hbm>>
        %dma_start3A_632 = tpu.memref_squeeze %dma_start3A_631 : memref<1x1x256xi32, #tpu.memory_space<hbm>> -> memref<256xi32, #tpu.memory_space<hbm>>
        %dma_start3A_633 = tpu.memref_slice %arg8[%add3A, %add3A_394, %add3A_629] : memref<32x64x4096xi32, #tpu.memory_space<hbm>> -> memref<1x1x256xi32, #tpu.memory_space<hbm>>
        %dma_start3A_634 = tpu.memref_squeeze %dma_start3A_633 : memref<1x1x256xi32, #tpu.memory_space<hbm>> -> memref<256xi32, #tpu.memory_space<hbm>>
        %dma_start3A_635 = tpu.memref_slice %arg16[%add3A_625] : memref<5120xi32, #tpu.memory_space<vmem>> -> memref<256xi32, #tpu.memory_space<vmem>>
        tpu.enqueue_dma source(%dma_start3A_635 : memref<256xi32, #tpu.memory_space<vmem>>) target(%dma_start3A_634 : memref<256xi32, #tpu.memory_space<hbm>>) target_semaphore(%arg24 : memref<!tpu.dma_semaphore, #tpu.memory_space<semaphore_mem>>)
        %mul3A_636 = arith.constant 256 : i32
        %mul3A_637 = arith.muli %while3A_620, %mul3A_636 : i32
        %add3A_638 = arith.constant 3840 : i32
        %add3A_639 = arith.addi %add3A_638, %mul3A_637 : i32
        %mul3A_640 = arith.constant 256 : i32
        %mul3A_641 = arith.muli %while3A_620, %mul3A_640 : i32
        %add3A_642 = arith.constant 3072 : i32
        %add3A_643 = arith.addi %add3A_642, %mul3A_641 : i32
        %dma_start3A_644 = tpu.memref_slice %arg17[%add3A_639] : memref<5120xf32, #tpu.memory_space<vmem>> -> memref<256xf32, #tpu.memory_space<vmem>>
        %dma_start3A_645 = tpu.memref_slice %arg9[%add3A, %add3A_394, %add3A_643] : memref<32x64x4096xf32, #tpu.memory_space<hbm>> -> memref<1x1x256xf32, #tpu.memory_space<hbm>>
        %dma_start3A_646 = tpu.memref_squeeze %dma_start3A_645 : memref<1x1x256xf32, #tpu.memory_space<hbm>> -> memref<256xf32, #tpu.memory_space<hbm>>
        %dma_start3A_647 = tpu.memref_slice %arg9[%add3A, %add3A_394, %add3A_643] : memref<32x64x4096xf32, #tpu.memory_space<hbm>> -> memref<1x1x256xf32, #tpu.memory_space<hbm>>
        %dma_start3A_648 = tpu.memref_squeeze %dma_start3A_647 : memref<1x1x256xf32, #tpu.memory_space<hbm>> -> memref<256xf32, #tpu.memory_space<hbm>>
        %dma_start3A_649 = tpu.memref_slice %arg17[%add3A_639] : memref<5120xf32, #tpu.memory_space<vmem>> -> memref<256xf32, #tpu.memory_space<vmem>>
        tpu.enqueue_dma source(%dma_start3A_649 : memref<256xf32, #tpu.memory_space<vmem>>) target(%dma_start3A_648 : memref<256xf32, #tpu.memory_space<hbm>>) target_semaphore(%arg24 : memref<!tpu.dma_semaphore, #tpu.memory_space<semaphore_mem>>)
        %while3A_650 = arith.constant 0 : i32
        scf.yield %while3A_650 : i32
      }
      %add3A_619 = arith.addi %add3A_578, %select_n3A_606 : i32
      scf.yield %add3A_619 : i32
    }
    %scan3A_58 = arith.constant 32 : i32
    %while3A = arith.constant 0 : i32
    %while3A_59 = arith.constant 0 : i32
    %while3A_60 = arith.subi %scan3A_57, %while3A : i32
    %while3A_61 = arith.addi %while3A, %while3A_60 : i32
    %while3A_62 = arith.constant 1 : i32
    %while3A_63 = arith.divsi %while3A_60, %while3A_62 : i32
    %while3A_64 = arith.muli %while3A_63, %while3A_62 : i32
    %while3A_65 = arith.addi %while3A, %while3A_64 : i32
    %while3A_66 = arith.constant 1 : i32
    %while3A_67 = scf.for %while3A_161 = %while3A to %while3A_65 step %while3A_66 iter_args(%while3A_162 = %while3A_59) -> (i32)  : i32 {
      %dma_wait3A_163 = arith.constant 0 : i32
      %dma_wait3A_164 = arith.constant 0 : i32
      %dma_wait3A_165 = tpu.memref_slice %arg16[%dma_wait3A_164] : memref<5120xi32, #tpu.memory_space<vmem>> -> memref<256xi32, #tpu.memory_space<vmem>>
      %dma_wait3A_166 = arith.constant 0 : i32
      %dma_wait3A_167 = tpu.memref_slice %arg8[%add3A, %dma_wait3A_163, %dma_wait3A_166] : memref<32x64x4096xi32, #tpu.memory_space<hbm>> -> memref<1x1x256xi32, #tpu.memory_space<hbm>>
      %dma_wait3A_168 = tpu.memref_squeeze %dma_wait3A_167 : memref<1x1x256xi32, #tpu.memory_space<hbm>> -> memref<256xi32, #tpu.memory_space<hbm>>
      %dma_wait3A_169 = arith.constant 0 : i32
      %dma_wait3A_170 = tpu.memref_slice %arg8[%add3A, %dma_wait3A_163, %dma_wait3A_169] : memref<32x64x4096xi32, #tpu.memory_space<hbm>> -> memref<1x1x256xi32, #tpu.memory_space<hbm>>
      %dma_wait3A_171 = tpu.memref_squeeze %dma_wait3A_170 : memref<1x1x256xi32, #tpu.memory_space<hbm>> -> memref<256xi32, #tpu.memory_space<hbm>>
      %dma_wait3A_172 = arith.constant 0 : i32
      %dma_wait3A_173 = tpu.memref_slice %arg16[%dma_wait3A_172] : memref<5120xi32, #tpu.memory_space<vmem>> -> memref<256xi32, #tpu.memory_space<vmem>>
      tpu.wait_dma2 semaphore(%arg24 : memref<!tpu.dma_semaphore, #tpu.memory_space<semaphore_mem>>) src(%dma_wait3A_173 : memref<256xi32, #tpu.memory_space<vmem>>) dst(%dma_wait3A_171 : memref<256xi32, #tpu.memory_space<hbm>>)
      %dma_wait3A_174 = arith.constant 0 : i32
      %dma_wait3A_175 = arith.constant 0 : i32
      %dma_wait3A_176 = tpu.memref_slice %arg17[%dma_wait3A_175] : memref<5120xf32, #tpu.memory_space<vmem>> -> memref<256xf32, #tpu.memory_space<vmem>>
      %dma_wait3A_177 = arith.constant 0 : i32
      %dma_wait3A_178 = tpu.memref_slice %arg9[%add3A, %dma_wait3A_174, %dma_wait3A_177] : memref<32x64x4096xf32, #tpu.memory_space<hbm>> -> memref<1x1x256xf32, #tpu.memory_space<hbm>>
      %dma_wait3A_179 = tpu.memref_squeeze %dma_wait3A_178 : memref<1x1x256xf32, #tpu.memory_space<hbm>> -> memref<256xf32, #tpu.memory_space<hbm>>
      %dma_wait3A_180 = arith.constant 0 : i32
      %dma_wait3A_181 = tpu.memref_slice %arg9[%add3A, %dma_wait3A_174, %dma_wait3A_180] : memref<32x64x4096xf32, #tpu.memory_space<hbm>> -> memref<1x1x256xf32, #tpu.memory_space<hbm>>
      %dma_wait3A_182 = tpu.memref_squeeze %dma_wait3A_181 : memref<1x1x256xf32, #tpu.memory_space<hbm>> -> memref<256xf32, #tpu.memory_space<hbm>>
      %dma_wait3A_183 = arith.constant 0 : i32
      %dma_wait3A_184 = tpu.memref_slice %arg17[%dma_wait3A_183] : memref<5120xf32, #tpu.memory_space<vmem>> -> memref<256xf32, #tpu.memory_space<vmem>>
      tpu.wait_dma2 semaphore(%arg24 : memref<!tpu.dma_semaphore, #tpu.memory_space<semaphore_mem>>) src(%dma_wait3A_184 : memref<256xf32, #tpu.memory_space<vmem>>) dst(%dma_wait3A_182 : memref<256xf32, #tpu.memory_space<hbm>>)
      %while3A_185 = arith.constant 0 : i32
      scf.yield %while3A_185 : i32
    }
    %while3A_68 = arith.constant 1 : i32
    %while3A_69 = scf.for %while3A_161 = %while3A_65 to %while3A_61 step %while3A_68 iter_args(%while3A_162 = %while3A_67) -> (i32)  : i32 {
      %dma_wait3A_163 = arith.constant 0 : i32
      %dma_wait3A_164 = arith.constant 0 : i32
      %dma_wait3A_165 = tpu.memref_slice %arg16[%dma_wait3A_164] : memref<5120xi32, #tpu.memory_space<vmem>> -> memref<256xi32, #tpu.memory_space<vmem>>
      %dma_wait3A_166 = arith.constant 0 : i32
      %dma_wait3A_167 = tpu.memref_slice %arg8[%add3A, %dma_wait3A_163, %dma_wait3A_166] : memref<32x64x4096xi32, #tpu.memory_space<hbm>> -> memref<1x1x256xi32, #tpu.memory_space<hbm>>
      %dma_wait3A_168 = tpu.memref_squeeze %dma_wait3A_167 : memref<1x1x256xi32, #tpu.memory_space<hbm>> -> memref<256xi32, #tpu.memory_space<hbm>>
      %dma_wait3A_169 = arith.constant 0 : i32
      %dma_wait3A_170 = tpu.memref_slice %arg8[%add3A, %dma_wait3A_163, %dma_wait3A_169] : memref<32x64x4096xi32, #tpu.memory_space<hbm>> -> memref<1x1x256xi32, #tpu.memory_space<hbm>>
      %dma_wait3A_171 = tpu.memref_squeeze %dma_wait3A_170 : memref<1x1x256xi32, #tpu.memory_space<hbm>> -> memref<256xi32, #tpu.memory_space<hbm>>
      %dma_wait3A_172 = arith.constant 0 : i32
      %dma_wait3A_173 = tpu.memref_slice %arg16[%dma_wait3A_172] : memref<5120xi32, #tpu.memory_space<vmem>> -> memref<256xi32, #tpu.memory_space<vmem>>
      tpu.wait_dma2 semaphore(%arg24 : memref<!tpu.dma_semaphore, #tpu.memory_space<semaphore_mem>>) src(%dma_wait3A_173 : memref<256xi32, #tpu.memory_space<vmem>>) dst(%dma_wait3A_171 : memref<256xi32, #tpu.memory_space<hbm>>)
      %dma_wait3A_174 = arith.constant 0 : i32
      %dma_wait3A_175 = arith.constant 0 : i32
      %dma_wait3A_176 = tpu.memref_slice %arg17[%dma_wait3A_175] : memref<5120xf32, #tpu.memory_space<vmem>> -> memref<256xf32, #tpu.memory_space<vmem>>
      %dma_wait3A_177 = arith.constant 0 : i32
      %dma_wait3A_178 = tpu.memref_slice %arg9[%add3A, %dma_wait3A_174, %dma_wait3A_177] : memref<32x64x4096xf32, #tpu.memory_space<hbm>> -> memref<1x1x256xf32, #tpu.memory_space<hbm>>
      %dma_wait3A_179 = tpu.memref_squeeze %dma_wait3A_178 : memref<1x1x256xf32, #tpu.memory_space<hbm>> -> memref<256xf32, #tpu.memory_space<hbm>>
      %dma_wait3A_180 = arith.constant 0 : i32
      %dma_wait3A_181 = tpu.memref_slice %arg9[%add3A, %dma_wait3A_174, %dma_wait3A_180] : memref<32x64x4096xf32, #tpu.memory_space<hbm>> -> memref<1x1x256xf32, #tpu.memory_space<hbm>>
      %dma_wait3A_182 = tpu.memref_squeeze %dma_wait3A_181 : memref<1x1x256xf32, #tpu.memory_space<hbm>> -> memref<256xf32, #tpu.memory_space<hbm>>
      %dma_wait3A_183 = arith.constant 0 : i32
      %dma_wait3A_184 = tpu.memref_slice %arg17[%dma_wait3A_183] : memref<5120xf32, #tpu.memory_space<vmem>> -> memref<256xf32, #tpu.memory_space<vmem>>
      tpu.wait_dma2 semaphore(%arg24 : memref<!tpu.dma_semaphore, #tpu.memory_space<semaphore_mem>>) src(%dma_wait3A_184 : memref<256xf32, #tpu.memory_space<vmem>>) dst(%dma_wait3A_182 : memref<256xf32, #tpu.memory_space<hbm>>)
      %while3A_185 = arith.constant 0 : i32
      scf.yield %while3A_185 : i32
    }
    %scan3A_70 = arith.constant 0 : i32
    %scan3A_71 = arith.constant 0 : i32
    %scan3A_72 = arith.constant 256 : i32
    %scan3A_73 = arith.addi %scan3A_71, %scan3A_72 : i32
    %scan3A_74 = arith.constant 1 : i32
    %scan3A_75 = scf.for %scan3A_161 = %scan3A_71 to %scan3A_73 step %scan3A_74 iter_args(%scan3A_162 = %scan3A_70) -> (i32)  : i32 {
      %shift_right_arithmetic3A = arith.constant 2 : i32
      %shift_right_arithmetic3A_163 = arith.shrsi %scan3A_161, %shift_right_arithmetic3A : i32
      %and3A = arith.constant 3 : i32
      %and3A_164 = arith.andi %scan3A_161, %and3A : i32
      %mul3A_165 = arith.constant 1024 : i32
      %mul3A_166 = arith.muli %and3A_164, %mul3A_165 : i32
      %mul3A_167 = arith.constant 64 : i32
      %mul3A_168 = arith.muli %scan3A_161, %mul3A_167 : i32
      %dma_start3A_169 = tpu.memref_slice %arg19[%mul3A_168] : memref<16384xi32, #tpu.memory_space<vmem>> -> memref<64xi32, #tpu.memory_space<vmem>>
      %dma_start3A_170 = tpu.memref_slice %arg8[%add3A, %shift_right_arithmetic3A_163, %mul3A_166] : memref<32x64x4096xi32, #tpu.memory_space<hbm>> -> memref<1x1x64xi32, #tpu.memory_space<hbm>>
      %dma_start3A_171 = tpu.memref_squeeze %dma_start3A_170 : memref<1x1x64xi32, #tpu.memory_space<hbm>> -> memref<64xi32, #tpu.memory_space<hbm>>
      %dma_start3A_172 = tpu.memref_slice %arg19[%mul3A_168] : memref<16384xi32, #tpu.memory_space<vmem>> -> memref<64xi32, #tpu.memory_space<vmem>>
      %dma_start3A_173 = tpu.memref_slice %arg8[%add3A, %shift_right_arithmetic3A_163, %mul3A_166] : memref<32x64x4096xi32, #tpu.memory_space<hbm>> -> memref<1x1x64xi32, #tpu.memory_space<hbm>>
      %dma_start3A_174 = tpu.memref_squeeze %dma_start3A_173 : memref<1x1x64xi32, #tpu.memory_space<hbm>> -> memref<64xi32, #tpu.memory_space<hbm>>
      tpu.enqueue_dma source(%dma_start3A_174 : memref<64xi32, #tpu.memory_space<hbm>>) target(%dma_start3A_172 : memref<64xi32, #tpu.memory_space<vmem>>) target_semaphore(%arg25 : memref<!tpu.dma_semaphore, #tpu.memory_space<semaphore_mem>>)
      %mul3A_175 = arith.constant 64 : i32
      %mul3A_176 = arith.muli %scan3A_161, %mul3A_175 : i32
      %dma_start3A_177 = tpu.memref_slice %arg20[%mul3A_176] : memref<16384xf32, #tpu.memory_space<vmem>> -> memref<64xf32, #tpu.memory_space<vmem>>
      %dma_start3A_178 = tpu.memref_slice %arg9[%add3A, %shift_right_arithmetic3A_163, %mul3A_166] : memref<32x64x4096xf32, #tpu.memory_space<hbm>> -> memref<1x1x64xf32, #tpu.memory_space<hbm>>
      %dma_start3A_179 = tpu.memref_squeeze %dma_start3A_178 : memref<1x1x64xf32, #tpu.memory_space<hbm>> -> memref<64xf32, #tpu.memory_space<hbm>>
      %dma_start3A_180 = tpu.memref_slice %arg20[%mul3A_176] : memref<16384xf32, #tpu.memory_space<vmem>> -> memref<64xf32, #tpu.memory_space<vmem>>
      %dma_start3A_181 = tpu.memref_slice %arg9[%add3A, %shift_right_arithmetic3A_163, %mul3A_166] : memref<32x64x4096xf32, #tpu.memory_space<hbm>> -> memref<1x1x64xf32, #tpu.memory_space<hbm>>
      %dma_start3A_182 = tpu.memref_squeeze %dma_start3A_181 : memref<1x1x64xf32, #tpu.memory_space<hbm>> -> memref<64xf32, #tpu.memory_space<hbm>>
      tpu.enqueue_dma source(%dma_start3A_182 : memref<64xf32, #tpu.memory_space<hbm>>) target(%dma_start3A_180 : memref<64xf32, #tpu.memory_space<vmem>>) target_semaphore(%arg25 : memref<!tpu.dma_semaphore, #tpu.memory_space<semaphore_mem>>)
      %scan3A_183 = arith.constant 0 : i32
      scf.yield %scan3A_183 : i32
    }
    %scan3A_76 = arith.constant 256 : i32
    %mul3A_77 = arith.constant 262144 : i32
    %mul3A_78 = arith.muli %add3A, %mul3A_77 : i32
    %dma_start3A_79 = tpu.memref_slice %arg2[%mul3A_78] : memref<8388608xf32, #tpu.memory_space<hbm>> -> memref<65536xf32, #tpu.memory_space<hbm>>
    %dma_start3A_80 = tpu.memref_slice %arg2[%mul3A_78] : memref<8388608xf32, #tpu.memory_space<hbm>> -> memref<65536xf32, #tpu.memory_space<hbm>>
    tpu.enqueue_dma source(%dma_start3A_80 : memref<65536xf32, #tpu.memory_space<hbm>>) target(%arg18 : memref<65536xf32, #tpu.memory_space<vmem>>) target_semaphore(%arg25 : memref<!tpu.dma_semaphore, #tpu.memory_space<semaphore_mem>>)
    %scan3A_81 = arith.constant 0 : i32
    %scan3A_82 = arith.constant 0 : i32
    %scan3A_83 = arith.constant 256 : i32
    %scan3A_84 = arith.addi %scan3A_82, %scan3A_83 : i32
    %scan3A_85 = arith.constant 1 : i32
    %scan3A_86 = scf.for %scan3A_161 = %scan3A_82 to %scan3A_84 step %scan3A_85 iter_args(%scan3A_162 = %scan3A_81) -> (i32)  : i32 {
      %dma_wait3A_163 = arith.constant 0 : i32
      %dma_wait3A_164 = arith.constant 0 : i32
      %dma_wait3A_165 = tpu.memref_slice %arg19[%dma_wait3A_164] : memref<16384xi32, #tpu.memory_space<vmem>> -> memref<64xi32, #tpu.memory_space<vmem>>
      %dma_wait3A_166 = arith.constant 0 : i32
      %dma_wait3A_167 = tpu.memref_slice %arg8[%add3A, %dma_wait3A_163, %dma_wait3A_166] : memref<32x64x4096xi32, #tpu.memory_space<hbm>> -> memref<1x1x64xi32, #tpu.memory_space<hbm>>
      %dma_wait3A_168 = tpu.memref_squeeze %dma_wait3A_167 : memref<1x1x64xi32, #tpu.memory_space<hbm>> -> memref<64xi32, #tpu.memory_space<hbm>>
      %dma_wait3A_169 = arith.constant 0 : i32
      %dma_wait3A_170 = tpu.memref_slice %arg19[%dma_wait3A_169] : memref<16384xi32, #tpu.memory_space<vmem>> -> memref<64xi32, #tpu.memory_space<vmem>>
      %dma_wait3A_171 = arith.constant 0 : i32
      %dma_wait3A_172 = tpu.memref_slice %arg8[%add3A, %dma_wait3A_163, %dma_wait3A_171] : memref<32x64x4096xi32, #tpu.memory_space<hbm>> -> memref<1x1x64xi32, #tpu.memory_space<hbm>>
      %dma_wait3A_173 = tpu.memref_squeeze %dma_wait3A_172 : memref<1x1x64xi32, #tpu.memory_space<hbm>> -> memref<64xi32, #tpu.memory_space<hbm>>
      tpu.wait_dma2 semaphore(%arg25 : memref<!tpu.dma_semaphore, #tpu.memory_space<semaphore_mem>>) src(%dma_wait3A_173 : memref<64xi32, #tpu.memory_space<hbm>>) dst(%dma_wait3A_170 : memref<64xi32, #tpu.memory_space<vmem>>)
      %dma_wait3A_174 = arith.constant 0 : i32
      %dma_wait3A_175 = arith.constant 0 : i32
      %dma_wait3A_176 = tpu.memref_slice %arg20[%dma_wait3A_175] : memref<16384xf32, #tpu.memory_space<vmem>> -> memref<64xf32, #tpu.memory_space<vmem>>
      %dma_wait3A_177 = arith.constant 0 : i32
      %dma_wait3A_178 = tpu.memref_slice %arg9[%add3A, %dma_wait3A_174, %dma_wait3A_177] : memref<32x64x4096xf32, #tpu.memory_space<hbm>> -> memref<1x1x64xf32, #tpu.memory_space<hbm>>
      %dma_wait3A_179 = tpu.memref_squeeze %dma_wait3A_178 : memref<1x1x64xf32, #tpu.memory_space<hbm>> -> memref<64xf32, #tpu.memory_space<hbm>>
      %dma_wait3A_180 = arith.constant 0 : i32
      %dma_wait3A_181 = tpu.memref_slice %arg20[%dma_wait3A_180] : memref<16384xf32, #tpu.memory_space<vmem>> -> memref<64xf32, #tpu.memory_space<vmem>>
      %dma_wait3A_182 = arith.constant 0 : i32
      %dma_wait3A_183 = tpu.memref_slice %arg9[%add3A, %dma_wait3A_174, %dma_wait3A_182] : memref<32x64x4096xf32, #tpu.memory_space<hbm>> -> memref<1x1x64xf32, #tpu.memory_space<hbm>>
      %dma_wait3A_184 = tpu.memref_squeeze %dma_wait3A_183 : memref<1x1x64xf32, #tpu.memory_space<hbm>> -> memref<64xf32, #tpu.memory_space<hbm>>
      tpu.wait_dma2 semaphore(%arg25 : memref<!tpu.dma_semaphore, #tpu.memory_space<semaphore_mem>>) src(%dma_wait3A_184 : memref<64xf32, #tpu.memory_space<hbm>>) dst(%dma_wait3A_181 : memref<64xf32, #tpu.memory_space<vmem>>)
      %scan3A_185 = arith.constant 0 : i32
      scf.yield %scan3A_185 : i32
    }
    %scan3A_87 = arith.constant 256 : i32
    %mul3A_88 = arith.constant 262144 : i32
    %mul3A_89 = arith.muli %add3A, %mul3A_88 : i32
    %dma_wait3A = tpu.memref_slice %arg2[%mul3A_89] : memref<8388608xf32, #tpu.memory_space<hbm>> -> memref<65536xf32, #tpu.memory_space<hbm>>
    %dma_wait3A_90 = tpu.memref_slice %arg2[%mul3A_89] : memref<8388608xf32, #tpu.memory_space<hbm>> -> memref<65536xf32, #tpu.memory_space<hbm>>
    tpu.wait_dma2 semaphore(%arg25 : memref<!tpu.dma_semaphore, #tpu.memory_space<semaphore_mem>>) src(%dma_wait3A_90 : memref<65536xf32, #tpu.memory_space<hbm>>) dst(%arg18 : memref<65536xf32, #tpu.memory_space<vmem>>)
    %mul3A_91 = arith.constant 262144 : i32
    %mul3A_92 = arith.muli %add3A, %mul3A_91 : i32
    %add3A_93 = arith.constant 0 : i32
    %add3A_94 = arith.addi %mul3A_92, %add3A_93 : i32
    %scan3A_95 = arith.constant 0 : i32
    %scan3A_96 = arith.constant 0 : i32
    %scan3A_97 = arith.constant 256 : i32
    %scan3A_98 = arith.addi %scan3A_96, %scan3A_97 : i32
    %scan3A_99 = arith.constant 1 : i32
    %scan3A_100 = scf.for %scan3A_161 = %scan3A_96 to %scan3A_98 step %scan3A_99 iter_args(%scan3A_162 = %scan3A_95) -> (i32)  : i32 {
      %shift_right_arithmetic3A = arith.constant 2 : i32
      %shift_right_arithmetic3A_163 = arith.shrsi %scan3A_161, %shift_right_arithmetic3A : i32
      %and3A = arith.constant 3 : i32
      %and3A_164 = arith.andi %scan3A_161, %and3A : i32
      %mul3A_165 = arith.constant 1024 : i32
      %mul3A_166 = arith.muli %and3A_164, %mul3A_165 : i32
      %get3A_167 = arith.index_cast %scan3A_161 : i32 to index
      %get3A_168 = memref.load %arg22[%get3A_167] : memref<256xi32, #tpu.memory_space<smem>>
      %min3A_169 = arith.constant 64 : i32
      %min3A_170 = arith.minsi %get3A_168, %min3A_169 : i32
      %add3A_171 = arith.constant 15 : i32
      %add3A_172 = arith.addi %min3A_170, %add3A_171 : i32
      %jit3A_173 = arith.constant 16 : i32
      %div3A = arith.divsi %add3A_172, %jit3A_173 : i32
      %sign3A = arith.constant 0 : i32
      %sign3A_174 = arith.cmpi sgt, %add3A_172, %sign3A : i32
      %sign3A_175 = arith.extui %sign3A_174 : i1 to i32
      %sign3A_176 = arith.constant 0 : i32
      %sign3A_177 = arith.cmpi slt, %add3A_172, %sign3A_176 : i32
      %sign3A_178 = arith.extui %sign3A_177 : i1 to i32
      %sign3A_179 = arith.subi %sign3A_175, %sign3A_178 : i32
      %sign3A_180 = arith.constant 0 : i32
      %sign3A_181 = arith.cmpi sgt, %jit3A_173, %sign3A_180 : i32
      %sign3A_182 = arith.extui %sign3A_181 : i1 to i32
      %sign3A_183 = arith.constant 0 : i32
      %sign3A_184 = arith.cmpi slt, %jit3A_173, %sign3A_183 : i32
      %sign3A_185 = arith.extui %sign3A_184 : i1 to i32
      %sign3A_186 = arith.subi %sign3A_182, %sign3A_185 : i32
      %ne3A = arith.cmpi ne, %sign3A_179, %sign3A_186 : i32
      %rem3A = arith.remsi %add3A_172, %jit3A_173 : i32
      %ne3A_187 = arith.constant 0 : i32
      %ne3A_188 = arith.cmpi ne, %rem3A, %ne3A_187 : i32
      %and3A_189 = arith.andi %ne3A, %ne3A_188 : i1
      %sub3A_190 = arith.constant 1 : i32
      %sub3A_191 = arith.subi %div3A, %sub3A_190 : i32
      %select_n3A_192 = arith.select %and3A_189, %sub3A_191, %div3A : i32
      %while3A_193 = arith.constant 0 : i32
      %while3A_194 = arith.constant 0 : i32
      %while3A_195 = arith.subi %select_n3A_192, %while3A_193 : i32
      %while3A_196 = arith.addi %while3A_193, %while3A_195 : i32
      %while3A_197 = arith.constant 1 : i32
      %while3A_198 = arith.divsi %while3A_195, %while3A_197 : i32
      %while3A_199 = arith.muli %while3A_198, %while3A_197 : i32
      %while3A_200 = arith.addi %while3A_193, %while3A_199 : i32
      %while3A_201 = arith.constant 1 : i32
      %while3A_202 = scf.for %while3A_208 = %while3A_193 to %while3A_200 step %while3A_201 iter_args(%while3A_209 = %while3A_194) -> (i32)  : i32 {
        %mul3A_210 = arith.constant 64 : i32
        %mul3A_211 = arith.muli %scan3A_161, %mul3A_210 : i32
        %mul3A_212 = arith.constant 16 : i32
        %mul3A_213 = arith.muli %while3A_208, %mul3A_212 : i32
        %add3A_214 = arith.addi %mul3A_211, %mul3A_213 : i32
        %get3A_215 = arith.index_cast %add3A_214 : i32 to index
        %get3A_216 = tpu.vector_load %arg19[%get3A_215] {strides = array<i32>} : memref<16384xi32, #tpu.memory_space<vmem>>, vector<16xi32>,
        %mul3A_217 = arith.constant 64 : i32
        %mul3A_218 = arith.muli %scan3A_161, %mul3A_217 : i32
        %mul3A_219 = arith.constant 16 : i32
        %mul3A_220 = arith.muli %while3A_208, %mul3A_219 : i32
        %add3A_221 = arith.addi %mul3A_218, %mul3A_220 : i32
        %get3A_222 = arith.index_cast %add3A_221 : i32 to index
        %get3A_223 = tpu.vector_load %arg20[%get3A_222] {strides = array<i32>} : memref<16384xf32, #tpu.memory_space<vmem>>, vector<16xf32>,
        %mul3A_224 = arith.constant 16 : i32
        %mul3A_225 = arith.muli %while3A_208, %mul3A_224 : i32
        %add3A_226 = vector.broadcast %mul3A_225 : i32 to vector<16xi32>
        %add3A_227 = arith.addi %add3A_226, %iota3A : vector<16xi32>
        %lt3A = vector.broadcast %min3A_170 : i32 to vector<16xi32>
        %lt3A_228 = arith.cmpi slt, %add3A_227, %lt3A : vector<16xi32>
        %and3A_229 = arith.constant 262143 : i32
        %and3A_230 = vector.broadcast %and3A_229 : i32 to vector<16xi32>
        %and3A_231 = arith.andi %get3A_216, %and3A_230 : vector<16xi32>
        %shift_right_arithmetic3A_232 = arith.constant 16 : i32
        %shift_right_arithmetic3A_233 = vector.broadcast %shift_right_arithmetic3A_232 : i32 to vector<16xi32>
        %shift_right_arithmetic3A_234 = arith.shrsi %and3A_231, %shift_right_arithmetic3A_233 : vector<16xi32>
        %eq3A_235 = arith.constant 0 : i32
        %eq3A_236 = vector.broadcast %eq3A_235 : i32 to vector<16xi32>
        %eq3A_237 = arith.cmpi eq, %shift_right_arithmetic3A_234, %eq3A_236 : vector<16xi32>
        %and3A_238 = arith.andi %lt3A_228, %eq3A_237 : vector<16xi1>
        %and3A_239 = arith.constant 65535 : i32
        %and3A_240 = vector.broadcast %and3A_239 : i32 to vector<16xi32>
        %and3A_241 = arith.andi %and3A_231, %and3A_240 : vector<16xi32>
        %shift_left3A = arith.constant 4 : i32
        %shift_left3A_242 = vector.broadcast %shift_left3A : i32 to vector<16xi32>
        %shift_left3A_243 = arith.shli %and3A_241, %shift_left3A_242 : vector<16xi32>
        %or3A = arith.ori %shift_left3A_243, %iota3A : vector<16xi32>
        %jit3A_244 = arith.constant 1073741824 : i32
        %broadcast_in_dim3A_245 = vector.broadcast %jit3A_244 : i32 to vector<16xi32>
        %select_n3A_246 = arith.select %and3A_238, %or3A, %broadcast_in_dim3A_245 : vector<16xi1>, vector<16xi32>
        %masked_sort3A = arith.constant dense<true> : vector<16xi1>
        %masked_sort3A_247 = arith.constant -2147483648 : i32
        %masked_sort3A_248 = vector.broadcast %masked_sort3A_247 : i32 to vector<16xi32>
        %masked_sort3A_249 = arith.xori %select_n3A_246, %masked_sort3A_248 : vector<16xi32>
        %masked_sort3A_250, %masked_sort3A_251, %masked_sort3A_252 = tpu.sort %masked_sort3A_249, %get3A_223 masked %masked_sort3A : (vector<16xi32>, vector<16xf32>, vector<16xi1>) -> (vector<16xi1>, vector<16xi32>, vector<16xf32>)
        %masked_sort3A_253 = arith.xori %masked_sort3A_251, %masked_sort3A_248 : vector<16xi32>
        %swap3A_254 = arith.constant 0 : index
        %swap3A_255 = tpu.vector_load %arg21[%swap3A_254] {strides = array<i32>} : memref<32xi32, #tpu.memory_space<vmem>>, vector<16xi32>,
        tpu.vector_store %arg21[%swap3A_254], %masked_sort3A_253 {strides = array<i32>} : memref<32xi32, #tpu.memory_space<vmem>>, vector<16xi32>,
        %get3A_256 = arith.constant 1 : index
        %get3A_257 = tpu.vector_load %arg21[%get3A_256] {strides = array<i32>} : memref<32xi32, #tpu.memory_space<vmem>>, vector<16xi32>,
        %lt3A_258 = arith.constant 1073741824 : i32
        %lt3A_259 = vector.broadcast %lt3A_258 : i32 to vector<16xi32>
        %lt3A_260 = arith.cmpi slt, %masked_sort3A_253, %lt3A_259 : vector<16xi32>
        %shift_right_arithmetic3A_261 = arith.constant 4 : i32
        %shift_right_arithmetic3A_262 = vector.broadcast %shift_right_arithmetic3A_261 : i32 to vector<16xi32>
        %shift_right_arithmetic3A_263 = arith.shrsi %masked_sort3A_253, %shift_right_arithmetic3A_262 : vector<16xi32>
        %shift_right_arithmetic3A_264 = arith.constant 4 : i32
        %shift_right_arithmetic3A_265 = vector.broadcast %shift_right_arithmetic3A_264 : i32 to vector<16xi32>
        %shift_right_arithmetic3A_266 = arith.shrsi %get3A_257, %shift_right_arithmetic3A_265 : vector<16xi32>
        %ne3A_267 = arith.cmpi ne, %shift_right_arithmetic3A_263, %shift_right_arithmetic3A_266 : vector<16xi32>
        %and3A_268 = arith.andi %lt3A_260, %ne3A_267 : vector<16xi1>
        %shift_right_arithmetic3A_269 = arith.constant 4 : i32
        %shift_right_arithmetic3A_270 = vector.broadcast %shift_right_arithmetic3A_269 : i32 to vector<16xi32>
        %shift_right_arithmetic3A_271 = arith.shrsi %masked_sort3A_253, %shift_right_arithmetic3A_270 : vector<16xi32>
        %min3A_272 = arith.constant 65535 : i32
        %min3A_273 = vector.broadcast %min3A_272 : i32 to vector<16xi32>
        %min3A_274 = arith.minsi %shift_right_arithmetic3A_271, %min3A_273 : vector<16xi32>
        tpu.vector_store_idx %arg18[%min3A_274], %masked_sort3A_252 masked %and3A_268 : memref<65536xf32, #tpu.memory_space<vmem>>[vector<16xi32>], vector<16xf32>, vector<16xi1>
        %while3A_275 = arith.constant 0 : i32
        scf.yield %while3A_275 : i32
      }
      %while3A_203 = arith.constant 1 : i32
      %while3A_204 = scf.for %while3A_208 = %while3A_200 to %while3A_196 step %while3A_203 iter_args(%while3A_209 = %while3A_202) -> (i32)  : i32 {
        %mul3A_210 = arith.constant 64 : i32
        %mul3A_211 = arith.muli %scan3A_161, %mul3A_210 : i32
        %mul3A_212 = arith.constant 16 : i32
        %mul3A_213 = arith.muli %while3A_208, %mul3A_212 : i32
        %add3A_214 = arith.addi %mul3A_211, %mul3A_213 : i32
        %get3A_215 = arith.index_cast %add3A_214 : i32 to index
        %get3A_216 = tpu.vector_load %arg19[%get3A_215] {strides = array<i32>} : memref<16384xi32, #tpu.memory_space<vmem>>, vector<16xi32>,
        %mul3A_217 = arith.constant 64 : i32
        %mul3A_218 = arith.muli %scan3A_161, %mul3A_217 : i32
        %mul3A_219 = arith.constant 16 : i32
        %mul3A_220 = arith.muli %while3A_208, %mul3A_219 : i32
        %add3A_221 = arith.addi %mul3A_218, %mul3A_220 : i32
        %get3A_222 = arith.index_cast %add3A_221 : i32 to index
        %get3A_223 = tpu.vector_load %arg20[%get3A_222] {strides = array<i32>} : memref<16384xf32, #tpu.memory_space<vmem>>, vector<16xf32>,
        %mul3A_224 = arith.constant 16 : i32
        %mul3A_225 = arith.muli %while3A_208, %mul3A_224 : i32
        %add3A_226 = vector.broadcast %mul3A_225 : i32 to vector<16xi32>
        %add3A_227 = arith.addi %add3A_226, %iota3A : vector<16xi32>
        %lt3A = vector.broadcast %min3A_170 : i32 to vector<16xi32>
        %lt3A_228 = arith.cmpi slt, %add3A_227, %lt3A : vector<16xi32>
        %and3A_229 = arith.constant 262143 : i32
        %and3A_230 = vector.broadcast %and3A_229 : i32 to vector<16xi32>
        %and3A_231 = arith.andi %get3A_216, %and3A_230 : vector<16xi32>
        %shift_right_arithmetic3A_232 = arith.constant 16 : i32
        %shift_right_arithmetic3A_233 = vector.broadcast %shift_right_arithmetic3A_232 : i32 to vector<16xi32>
        %shift_right_arithmetic3A_234 = arith.shrsi %and3A_231, %shift_right_arithmetic3A_233 : vector<16xi32>
        %eq3A_235 = arith.constant 0 : i32
        %eq3A_236 = vector.broadcast %eq3A_235 : i32 to vector<16xi32>
        %eq3A_237 = arith.cmpi eq, %shift_right_arithmetic3A_234, %eq3A_236 : vector<16xi32>
        %and3A_238 = arith.andi %lt3A_228, %eq3A_237 : vector<16xi1>
        %and3A_239 = arith.constant 65535 : i32
        %and3A_240 = vector.broadcast %and3A_239 : i32 to vector<16xi32>
        %and3A_241 = arith.andi %and3A_231, %and3A_240 : vector<16xi32>
        %shift_left3A = arith.constant 4 : i32
        %shift_left3A_242 = vector.broadcast %shift_left3A : i32 to vector<16xi32>
        %shift_left3A_243 = arith.shli %and3A_241, %shift_left3A_242 : vector<16xi32>
        %or3A = arith.ori %shift_left3A_243, %iota3A : vector<16xi32>
        %jit3A_244 = arith.constant 1073741824 : i32
        %broadcast_in_dim3A_245 = vector.broadcast %jit3A_244 : i32 to vector<16xi32>
        %select_n3A_246 = arith.select %and3A_238, %or3A, %broadcast_in_dim3A_245 : vector<16xi1>, vector<16xi32>
        %masked_sort3A = arith.constant dense<true> : vector<16xi1>
        %masked_sort3A_247 = arith.constant -2147483648 : i32
        %masked_sort3A_248 = vector.broadcast %masked_sort3A_247 : i32 to vector<16xi32>
        %masked_sort3A_249 = arith.xori %select_n3A_246, %masked_sort3A_248 : vector<16xi32>
        %masked_sort3A_250, %masked_sort3A_251, %masked_sort3A_252 = tpu.sort %masked_sort3A_249, %get3A_223 masked %masked_sort3A : (vector<16xi32>, vector<16xf32>, vector<16xi1>) -> (vector<16xi1>, vector<16xi32>, vector<16xf32>)
        %masked_sort3A_253 = arith.xori %masked_sort3A_251, %masked_sort3A_248 : vector<16xi32>
        %swap3A_254 = arith.constant 0 : index
        %swap3A_255 = tpu.vector_load %arg21[%swap3A_254] {strides = array<i32>} : memref<32xi32, #tpu.memory_space<vmem>>, vector<16xi32>,
        tpu.vector_store %arg21[%swap3A_254], %masked_sort3A_253 {strides = array<i32>} : memref<32xi32, #tpu.memory_space<vmem>>, vector<16xi32>,
        %get3A_256 = arith.constant 1 : index
        %get3A_257 = tpu.vector_load %arg21[%get3A_256] {strides = array<i32>} : memref<32xi32, #tpu.memory_space<vmem>>, vector<16xi32>,
        %lt3A_258 = arith.constant 1073741824 : i32
        %lt3A_259 = vector.broadcast %lt3A_258 : i32 to vector<16xi32>
        %lt3A_260 = arith.cmpi slt, %masked_sort3A_253, %lt3A_259 : vector<16xi32>
        %shift_right_arithmetic3A_261 = arith.constant 4 : i32
        %shift_right_arithmetic3A_262 = vector.broadcast %shift_right_arithmetic3A_261 : i32 to vector<16xi32>
        %shift_right_arithmetic3A_263 = arith.shrsi %masked_sort3A_253, %shift_right_arithmetic3A_262 : vector<16xi32>
        %shift_right_arithmetic3A_264 = arith.constant 4 : i32
        %shift_right_arithmetic3A_265 = vector.broadcast %shift_right_arithmetic3A_264 : i32 to vector<16xi32>
        %shift_right_arithmetic3A_266 = arith.shrsi %get3A_257, %shift_right_arithmetic3A_265 : vector<16xi32>
        %ne3A_267 = arith.cmpi ne, %shift_right_arithmetic3A_263, %shift_right_arithmetic3A_266 : vector<16xi32>
        %and3A_268 = arith.andi %lt3A_260, %ne3A_267 : vector<16xi1>
        %shift_right_arithmetic3A_269 = arith.constant 4 : i32
        %shift_right_arithmetic3A_270 = vector.broadcast %shift_right_arithmetic3A_269 : i32 to vector<16xi32>
        %shift_right_arithmetic3A_271 = arith.shrsi %masked_sort3A_253, %shift_right_arithmetic3A_270 : vector<16xi32>
        %min3A_272 = arith.constant 65535 : i32
        %min3A_273 = vector.broadcast %min3A_272 : i32 to vector<16xi32>
        %min3A_274 = arith.minsi %shift_right_arithmetic3A_271, %min3A_273 : vector<16xi32>
        tpu.vector_store_idx %arg18[%min3A_274], %masked_sort3A_252 masked %and3A_268 : memref<65536xf32, #tpu.memory_space<vmem>>[vector<16xi32>], vector<16xf32>, vector<16xi1>
        %while3A_275 = arith.constant 0 : i32
        scf.yield %while3A_275 : i32
      }
      %gt3A = arith.constant 64 : i32
      %gt3A_205 = arith.cmpi sgt, %get3A_168, %gt3A : i32
      %convert_element_type3A = arith.extui %gt3A_205 : i1 to i32
      %cond3A = arith.constant 0 : i32
      %cond3A_206 = arith.cmpi ne, %convert_element_type3A, %cond3A : i32
      scf.if %cond3A_206 {
        %add3A_208 = arith.constant 256 : i32
        %add3A_209 = arith.addi %get3A_168, %add3A_208 : i32
        %sub3A_210 = arith.constant 1 : i32
        %sub3A_211 = arith.subi %add3A_209, %sub3A_210 : i32
        %jit3A_212 = arith.constant 256 : i32
        %div3A_213 = arith.divsi %sub3A_211, %jit3A_212 : i32
        %sign3A_214 = arith.constant 0 : i32
        %sign3A_215 = arith.cmpi sgt, %sub3A_211, %sign3A_214 : i32
        %sign3A_216 = arith.extui %sign3A_215 : i1 to i32
        %sign3A_217 = arith.constant 0 : i32
        %sign3A_218 = arith.cmpi slt, %sub3A_211, %sign3A_217 : i32
        %sign3A_219 = arith.extui %sign3A_218 : i1 to i32
        %sign3A_220 = arith.subi %sign3A_216, %sign3A_219 : i32
        %sign3A_221 = arith.constant 0 : i32
        %sign3A_222 = arith.cmpi sgt, %jit3A_212, %sign3A_221 : i32
        %sign3A_223 = arith.extui %sign3A_222 : i1 to i32
        %sign3A_224 = arith.constant 0 : i32
        %sign3A_225 = arith.cmpi slt, %jit3A_212, %sign3A_224 : i32
        %sign3A_226 = arith.extui %sign3A_225 : i1 to i32
        %sign3A_227 = arith.subi %sign3A_223, %sign3A_226 : i32
        %ne3A_228 = arith.cmpi ne, %sign3A_220, %sign3A_227 : i32
        %rem3A_229 = arith.remsi %sub3A_211, %jit3A_212 : i32
        %ne3A_230 = arith.constant 0 : i32
        %ne3A_231 = arith.cmpi ne, %rem3A_229, %ne3A_230 : i32
        %and3A_232 = arith.andi %ne3A_228, %ne3A_231 : i1
        %sub3A_233 = arith.constant 1 : i32
        %sub3A_234 = arith.subi %div3A_213, %sub3A_233 : i32
        %select_n3A_235 = arith.select %and3A_232, %sub3A_234, %div3A_213 : i32
        %while3A_236 = arith.constant 0 : i32
        %while3A_237 = arith.constant 0 : i32
        %while3A_238 = arith.subi %select_n3A_235, %while3A_236 : i32
        %while3A_239 = arith.addi %while3A_236, %while3A_238 : i32
        %while3A_240 = arith.constant 1 : i32
        %while3A_241 = arith.divsi %while3A_238, %while3A_240 : i32
        %while3A_242 = arith.muli %while3A_241, %while3A_240 : i32
        %while3A_243 = arith.addi %while3A_236, %while3A_242 : i32
        %while3A_244 = arith.constant 1 : i32
        %while3A_245 = scf.for %while3A_286 = %while3A_236 to %while3A_243 step %while3A_244 iter_args(%while3A_287 = %while3A_237) -> (i32)  : i32 {
          %mul3A_288 = arith.constant 256 : i32
          %mul3A_289 = arith.muli %while3A_286, %mul3A_288 : i32
          %add3A_290 = arith.addi %mul3A_166, %mul3A_289 : i32
          %mul3A_291 = arith.constant 256 : i32
          %mul3A_292 = arith.muli %while3A_286, %mul3A_291 : i32
          "tpu.region"() ({
            %run_scoped3A = tpu.sem_alloc : memref<!tpu.dma_semaphore, #tpu.memory_space<semaphore_mem>>
            %dma_start3A_299 = tpu.memref_slice %arg12[%mul3A_292] : memref<4096xi32, #tpu.memory_space<vmem>> -> memref<256xi32, #tpu.memory_space<vmem>>
            %dma_start3A_300 = tpu.memref_slice %arg8[%add3A, %shift_right_arithmetic3A_163, %add3A_290] : memref<32x64x4096xi32, #tpu.memory_space<hbm>> -> memref<1x1x256xi32, #tpu.memory_space<hbm>>
            %dma_start3A_301 = tpu.memref_squeeze %dma_start3A_300 : memref<1x1x256xi32, #tpu.memory_space<hbm>> -> memref<256xi32, #tpu.memory_space<hbm>>
            %dma_start3A_302 = tpu.memref_slice %arg12[%mul3A_292] : memref<4096xi32, #tpu.memory_space<vmem>> -> memref<256xi32, #tpu.memory_space<vmem>>
            %dma_start3A_303 = tpu.memref_slice %arg8[%add3A, %shift_right_arithmetic3A_163, %add3A_290] : memref<32x64x4096xi32, #tpu.memory_space<hbm>> -> memref<1x1x256xi32, #tpu.memory_space<hbm>>
            %dma_start3A_304 = tpu.memref_squeeze %dma_start3A_303 : memref<1x1x256xi32, #tpu.memory_space<hbm>> -> memref<256xi32, #tpu.memory_space<hbm>>
            tpu.enqueue_dma source(%dma_start3A_304 : memref<256xi32, #tpu.memory_space<hbm>>) target(%dma_start3A_302 : memref<256xi32, #tpu.memory_space<vmem>>) target_semaphore(%run_scoped3A : memref<!tpu.dma_semaphore, #tpu.memory_space<semaphore_mem>>)
            %dma_wait3A_305 = tpu.memref_slice %arg12[%mul3A_292] : memref<4096xi32, #tpu.memory_space<vmem>> -> memref<256xi32, #tpu.memory_space<vmem>>
            %dma_wait3A_306 = tpu.memref_slice %arg8[%add3A, %shift_right_arithmetic3A_163, %add3A_290] : memref<32x64x4096xi32, #tpu.memory_space<hbm>> -> memref<1x1x256xi32, #tpu.memory_space<hbm>>
            %dma_wait3A_307 = tpu.memref_squeeze %dma_wait3A_306 : memref<1x1x256xi32, #tpu.memory_space<hbm>> -> memref<256xi32, #tpu.memory_space<hbm>>
            %dma_wait3A_308 = tpu.memref_slice %arg12[%mul3A_292] : memref<4096xi32, #tpu.memory_space<vmem>> -> memref<256xi32, #tpu.memory_space<vmem>>
            %dma_wait3A_309 = tpu.memref_slice %arg8[%add3A, %shift_right_arithmetic3A_163, %add3A_290] : memref<32x64x4096xi32, #tpu.memory_space<hbm>> -> memref<1x1x256xi32, #tpu.memory_space<hbm>>
            %dma_wait3A_310 = tpu.memref_squeeze %dma_wait3A_309 : memref<1x1x256xi32, #tpu.memory_space<hbm>> -> memref<256xi32, #tpu.memory_space<hbm>>
            tpu.wait_dma2 semaphore(%run_scoped3A : memref<!tpu.dma_semaphore, #tpu.memory_space<semaphore_mem>>) src(%dma_wait3A_310 : memref<256xi32, #tpu.memory_space<hbm>>) dst(%dma_wait3A_308 : memref<256xi32, #tpu.memory_space<vmem>>)
            tpu.yield
          }) : () -> ()
          %mul3A_293 = arith.constant 256 : i32
          %mul3A_294 = arith.muli %while3A_286, %mul3A_293 : i32
          %add3A_295 = arith.addi %mul3A_166, %mul3A_294 : i32
          %mul3A_296 = arith.constant 256 : i32
          %mul3A_297 = arith.muli %while3A_286, %mul3A_296 : i32
          "tpu.region"() ({
            %run_scoped3A = tpu.sem_alloc : memref<!tpu.dma_semaphore, #tpu.memory_space<semaphore_mem>>
            %dma_start3A_299 = tpu.memref_slice %arg13[%mul3A_297] : memref<4096xf32, #tpu.memory_space<vmem>> -> memref<256xf32, #tpu.memory_space<vmem>>
            %dma_start3A_300 = tpu.memref_slice %arg9[%add3A, %shift_right_arithmetic3A_163, %add3A_295] : memref<32x64x4096xf32, #tpu.memory_space<hbm>> -> memref<1x1x256xf32, #tpu.memory_space<hbm>>
            %dma_start3A_301 = tpu.memref_squeeze %dma_start3A_300 : memref<1x1x256xf32, #tpu.memory_space<hbm>> -> memref<256xf32, #tpu.memory_space<hbm>>
            %dma_start3A_302 = tpu.memref_slice %arg13[%mul3A_297] : memref<4096xf32, #tpu.memory_space<vmem>> -> memref<256xf32, #tpu.memory_space<vmem>>
            %dma_start3A_303 = tpu.memref_slice %arg9[%add3A, %shift_right_arithmetic3A_163, %add3A_295] : memref<32x64x4096xf32, #tpu.memory_space<hbm>> -> memref<1x1x256xf32, #tpu.memory_space<hbm>>
            %dma_start3A_304 = tpu.memref_squeeze %dma_start3A_303 : memref<1x1x256xf32, #tpu.memory_space<hbm>> -> memref<256xf32, #tpu.memory_space<hbm>>
            tpu.enqueue_dma source(%dma_start3A_304 : memref<256xf32, #tpu.memory_space<hbm>>) target(%dma_start3A_302 : memref<256xf32, #tpu.memory_space<vmem>>) target_semaphore(%run_scoped3A : memref<!tpu.dma_semaphore, #tpu.memory_space<semaphore_mem>>)
            %dma_wait3A_305 = tpu.memref_slice %arg13[%mul3A_297] : memref<4096xf32, #tpu.memory_space<vmem>> -> memref<256xf32, #tpu.memory_space<vmem>>
            %dma_wait3A_306 = tpu.memref_slice %arg9[%add3A, %shift_right_arithmetic3A_163, %add3A_295] : memref<32x64x4096xf32, #tpu.memory_space<hbm>> -> memref<1x1x256xf32, #tpu.memory_space<hbm>>
            %dma_wait3A_307 = tpu.memref_squeeze %dma_wait3A_306 : memref<1x1x256xf32, #tpu.memory_space<hbm>> -> memref<256xf32, #tpu.memory_space<hbm>>
            %dma_wait3A_308 = tpu.memref_slice %arg13[%mul3A_297] : memref<4096xf32, #tpu.memory_space<vmem>> -> memref<256xf32, #tpu.memory_space<vmem>>
            %dma_wait3A_309 = tpu.memref_slice %arg9[%add3A, %shift_right_arithmetic3A_163, %add3A_295] : memref<32x64x4096xf32, #tpu.memory_space<hbm>> -> memref<1x1x256xf32, #tpu.memory_space<hbm>>
            %dma_wait3A_310 = tpu.memref_squeeze %dma_wait3A_309 : memref<1x1x256xf32, #tpu.memory_space<hbm>> -> memref<256xf32, #tpu.memory_space<hbm>>
            tpu.wait_dma2 semaphore(%run_scoped3A : memref<!tpu.dma_semaphore, #tpu.memory_space<semaphore_mem>>) src(%dma_wait3A_310 : memref<256xf32, #tpu.memory_space<hbm>>) dst(%dma_wait3A_308 : memref<256xf32, #tpu.memory_space<vmem>>)
            tpu.yield
          }) : () -> ()
          %while3A_298 = arith.constant 0 : i32
          scf.yield %while3A_298 : i32
        }
        %while3A_246 = arith.constant 1 : i32
        %while3A_247 = scf.for %while3A_286 = %while3A_243 to %while3A_239 step %while3A_246 iter_args(%while3A_287 = %while3A_245) -> (i32)  : i32 {
          %mul3A_288 = arith.constant 256 : i32
          %mul3A_289 = arith.muli %while3A_286, %mul3A_288 : i32
          %add3A_290 = arith.addi %mul3A_166, %mul3A_289 : i32
          %mul3A_291 = arith.constant 256 : i32
          %mul3A_292 = arith.muli %while3A_286, %mul3A_291 : i32
          "tpu.region"() ({
            %run_scoped3A = tpu.sem_alloc : memref<!tpu.dma_semaphore, #tpu.memory_space<semaphore_mem>>
            %dma_start3A_299 = tpu.memref_slice %arg12[%mul3A_292] : memref<4096xi32, #tpu.memory_space<vmem>> -> memref<256xi32, #tpu.memory_space<vmem>>
            %dma_start3A_300 = tpu.memref_slice %arg8[%add3A, %shift_right_arithmetic3A_163, %add3A_290] : memref<32x64x4096xi32, #tpu.memory_space<hbm>> -> memref<1x1x256xi32, #tpu.memory_space<hbm>>
            %dma_start3A_301 = tpu.memref_squeeze %dma_start3A_300 : memref<1x1x256xi32, #tpu.memory_space<hbm>> -> memref<256xi32, #tpu.memory_space<hbm>>
            %dma_start3A_302 = tpu.memref_slice %arg12[%mul3A_292] : memref<4096xi32, #tpu.memory_space<vmem>> -> memref<256xi32, #tpu.memory_space<vmem>>
            %dma_start3A_303 = tpu.memref_slice %arg8[%add3A, %shift_right_arithmetic3A_163, %add3A_290] : memref<32x64x4096xi32, #tpu.memory_space<hbm>> -> memref<1x1x256xi32, #tpu.memory_space<hbm>>
            %dma_start3A_304 = tpu.memref_squeeze %dma_start3A_303 : memref<1x1x256xi32, #tpu.memory_space<hbm>> -> memref<256xi32, #tpu.memory_space<hbm>>
            tpu.enqueue_dma source(%dma_start3A_304 : memref<256xi32, #tpu.memory_space<hbm>>) target(%dma_start3A_302 : memref<256xi32, #tpu.memory_space<vmem>>) target_semaphore(%run_scoped3A : memref<!tpu.dma_semaphore, #tpu.memory_space<semaphore_mem>>)
            %dma_wait3A_305 = tpu.memref_slice %arg12[%mul3A_292] : memref<4096xi32, #tpu.memory_space<vmem>> -> memref<256xi32, #tpu.memory_space<vmem>>
            %dma_wait3A_306 = tpu.memref_slice %arg8[%add3A, %shift_right_arithmetic3A_163, %add3A_290] : memref<32x64x4096xi32, #tpu.memory_space<hbm>> -> memref<1x1x256xi32, #tpu.memory_space<hbm>>
            %dma_wait3A_307 = tpu.memref_squeeze %dma_wait3A_306 : memref<1x1x256xi32, #tpu.memory_space<hbm>> -> memref<256xi32, #tpu.memory_space<hbm>>
            %dma_wait3A_308 = tpu.memref_slice %arg12[%mul3A_292] : memref<4096xi32, #tpu.memory_space<vmem>> -> memref<256xi32, #tpu.memory_space<vmem>>
            %dma_wait3A_309 = tpu.memref_slice %arg8[%add3A, %shift_right_arithmetic3A_163, %add3A_290] : memref<32x64x4096xi32, #tpu.memory_space<hbm>> -> memref<1x1x256xi32, #tpu.memory_space<hbm>>
            %dma_wait3A_310 = tpu.memref_squeeze %dma_wait3A_309 : memref<1x1x256xi32, #tpu.memory_space<hbm>> -> memref<256xi32, #tpu.memory_space<hbm>>
            tpu.wait_dma2 semaphore(%run_scoped3A : memref<!tpu.dma_semaphore, #tpu.memory_space<semaphore_mem>>) src(%dma_wait3A_310 : memref<256xi32, #tpu.memory_space<hbm>>) dst(%dma_wait3A_308 : memref<256xi32, #tpu.memory_space<vmem>>)
            tpu.yield
          }) : () -> ()
          %mul3A_293 = arith.constant 256 : i32
          %mul3A_294 = arith.muli %while3A_286, %mul3A_293 : i32
          %add3A_295 = arith.addi %mul3A_166, %mul3A_294 : i32
          %mul3A_296 = arith.constant 256 : i32
          %mul3A_297 = arith.muli %while3A_286, %mul3A_296 : i32
          "tpu.region"() ({
            %run_scoped3A = tpu.sem_alloc : memref<!tpu.dma_semaphore, #tpu.memory_space<semaphore_mem>>
            %dma_start3A_299 = tpu.memref_slice %arg13[%mul3A_297] : memref<4096xf32, #tpu.memory_space<vmem>> -> memref<256xf32, #tpu.memory_space<vmem>>
            %dma_start3A_300 = tpu.memref_slice %arg9[%add3A, %shift_right_arithmetic3A_163, %add3A_295] : memref<32x64x4096xf32, #tpu.memory_space<hbm>> -> memref<1x1x256xf32, #tpu.memory_space<hbm>>
            %dma_start3A_301 = tpu.memref_squeeze %dma_start3A_300 : memref<1x1x256xf32, #tpu.memory_space<hbm>> -> memref<256xf32, #tpu.memory_space<hbm>>
            %dma_start3A_302 = tpu.memref_slice %arg13[%mul3A_297] : memref<4096xf32, #tpu.memory_space<vmem>> -> memref<256xf32, #tpu.memory_space<vmem>>
            %dma_start3A_303 = tpu.memref_slice %arg9[%add3A, %shift_right_arithmetic3A_163, %add3A_295] : memref<32x64x4096xf32, #tpu.memory_space<hbm>> -> memref<1x1x256xf32, #tpu.memory_space<hbm>>
            %dma_start3A_304 = tpu.memref_squeeze %dma_start3A_303 : memref<1x1x256xf32, #tpu.memory_space<hbm>> -> memref<256xf32, #tpu.memory_space<hbm>>
            tpu.enqueue_dma source(%dma_start3A_304 : memref<256xf32, #tpu.memory_space<hbm>>) target(%dma_start3A_302 : memref<256xf32, #tpu.memory_space<vmem>>) target_semaphore(%run_scoped3A : memref<!tpu.dma_semaphore, #tpu.memory_space<semaphore_mem>>)
            %dma_wait3A_305 = tpu.memref_slice %arg13[%mul3A_297] : memref<4096xf32, #tpu.memory_space<vmem>> -> memref<256xf32, #tpu.memory_space<vmem>>
            %dma_wait3A_306 = tpu.memref_slice %arg9[%add3A, %shift_right_arithmetic3A_163, %add3A_295] : memref<32x64x4096xf32, #tpu.memory_space<hbm>> -> memref<1x1x256xf32, #tpu.memory_space<hbm>>
            %dma_wait3A_307 = tpu.memref_squeeze %dma_wait3A_306 : memref<1x1x256xf32, #tpu.memory_space<hbm>> -> memref<256xf32, #tpu.memory_space<hbm>>
            %dma_wait3A_308 = tpu.memref_slice %arg13[%mul3A_297] : memref<4096xf32, #tpu.memory_space<vmem>> -> memref<256xf32, #tpu.memory_space<vmem>>
            %dma_wait3A_309 = tpu.memref_slice %arg9[%add3A, %shift_right_arithmetic3A_163, %add3A_295] : memref<32x64x4096xf32, #tpu.memory_space<hbm>> -> memref<1x1x256xf32, #tpu.memory_space<hbm>>
            %dma_wait3A_310 = tpu.memref_squeeze %dma_wait3A_309 : memref<1x1x256xf32, #tpu.memory_space<hbm>> -> memref<256xf32, #tpu.memory_space<hbm>>
            tpu.wait_dma2 semaphore(%run_scoped3A : memref<!tpu.dma_semaphore, #tpu.memory_space<semaphore_mem>>) src(%dma_wait3A_310 : memref<256xf32, #tpu.memory_space<hbm>>) dst(%dma_wait3A_308 : memref<256xf32, #tpu.memory_space<vmem>>)
            tpu.yield
          }) : () -> ()
          %while3A_298 = arith.constant 0 : i32
          scf.yield %while3A_298 : i32
        }
        %add3A_248 = arith.constant 15 : i32
        %add3A_249 = arith.addi %get3A_168, %add3A_248 : i32
        %jit3A_250 = arith.constant 16 : i32
        %div3A_251 = arith.divsi %add3A_249, %jit3A_250 : i32
        %sign3A_252 = arith.constant 0 : i32
        %sign3A_253 = arith.cmpi sgt, %add3A_249, %sign3A_252 : i32
        %sign3A_254 = arith.extui %sign3A_253 : i1 to i32
        %sign3A_255 = arith.constant 0 : i32
        %sign3A_256 = arith.cmpi slt, %add3A_249, %sign3A_255 : i32
        %sign3A_257 = arith.extui %sign3A_256 : i1 to i32
        %sign3A_258 = arith.subi %sign3A_254, %sign3A_257 : i32
        %sign3A_259 = arith.constant 0 : i32
        %sign3A_260 = arith.cmpi sgt, %jit3A_250, %sign3A_259 : i32
        %sign3A_261 = arith.extui %sign3A_260 : i1 to i32
        %sign3A_262 = arith.constant 0 : i32
        %sign3A_263 = arith.cmpi slt, %jit3A_250, %sign3A_262 : i32
        %sign3A_264 = arith.extui %sign3A_263 : i1 to i32
        %sign3A_265 = arith.subi %sign3A_261, %sign3A_264 : i32
        %ne3A_266 = arith.cmpi ne, %sign3A_258, %sign3A_265 : i32
        %rem3A_267 = arith.remsi %add3A_249, %jit3A_250 : i32
        %ne3A_268 = arith.constant 0 : i32
        %ne3A_269 = arith.cmpi ne, %rem3A_267, %ne3A_268 : i32
        %and3A_270 = arith.andi %ne3A_266, %ne3A_269 : i1
        %sub3A_271 = arith.constant 1 : i32
        %sub3A_272 = arith.subi %div3A_251, %sub3A_271 : i32
        %select_n3A_273 = arith.select %and3A_270, %sub3A_272, %div3A_251 : i32
        %while3A_274 = arith.constant 4 : i32
        %while3A_275 = arith.constant 0 : i32
        %while3A_276 = arith.subi %select_n3A_273, %while3A_274 : i32
        %while3A_277 = arith.addi %while3A_274, %while3A_276 : i32
        %while3A_278 = arith.constant 1 : i32
        %while3A_279 = arith.divsi %while3A_276, %while3A_278 : i32
        %while3A_280 = arith.muli %while3A_279, %while3A_278 : i32
        %while3A_281 = arith.addi %while3A_274, %while3A_280 : i32
        %while3A_282 = arith.constant 1 : i32
        %while3A_283 = scf.for %while3A_286 = %while3A_274 to %while3A_281 step %while3A_282 iter_args(%while3A_287 = %while3A_275) -> (i32)  : i32 {
          %mul3A_288 = arith.constant 16 : i32
          %mul3A_289 = arith.muli %while3A_286, %mul3A_288 : i32
          %get3A_290 = arith.index_cast %mul3A_289 : i32 to index
          %get3A_291 = tpu.vector_load %arg12[%get3A_290] {strides = array<i32>} : memref<4096xi32, #tpu.memory_space<vmem>>, vector<16xi32>,
          %mul3A_292 = arith.constant 16 : i32
          %mul3A_293 = arith.muli %while3A_286, %mul3A_292 : i32
          %get3A_294 = arith.index_cast %mul3A_293 : i32 to index
          %get3A_295 = tpu.vector_load %arg13[%get3A_294] {strides = array<i32>} : memref<4096xf32, #tpu.memory_space<vmem>>, vector<16xf32>,
          %mul3A_296 = arith.constant 16 : i32
          %mul3A_297 = arith.muli %while3A_286, %mul3A_296 : i32
          %add3A_298 = vector.broadcast %mul3A_297 : i32 to vector<16xi32>
          %add3A_299 = arith.addi %add3A_298, %iota3A : vector<16xi32>
          %lt3A = vector.broadcast %get3A_168 : i32 to vector<16xi32>
          %lt3A_300 = arith.cmpi slt, %add3A_299, %lt3A : vector<16xi32>
          %and3A_301 = arith.constant 262143 : i32
          %and3A_302 = vector.broadcast %and3A_301 : i32 to vector<16xi32>
          %and3A_303 = arith.andi %get3A_291, %and3A_302 : vector<16xi32>
          %shift_right_arithmetic3A_304 = arith.constant 16 : i32
          %shift_right_arithmetic3A_305 = vector.broadcast %shift_right_arithmetic3A_304 : i32 to vector<16xi32>
          %shift_right_arithmetic3A_306 = arith.shrsi %and3A_303, %shift_right_arithmetic3A_305 : vector<16xi32>
          %eq3A_307 = arith.constant 0 : i32
          %eq3A_308 = vector.broadcast %eq3A_307 : i32 to vector<16xi32>
          %eq3A_309 = arith.cmpi eq, %shift_right_arithmetic3A_306, %eq3A_308 : vector<16xi32>
          %and3A_310 = arith.andi %lt3A_300, %eq3A_309 : vector<16xi1>
          %and3A_311 = arith.constant 65535 : i32
          %and3A_312 = vector.broadcast %and3A_311 : i32 to vector<16xi32>
          %and3A_313 = arith.andi %and3A_303, %and3A_312 : vector<16xi32>
          %shift_left3A = arith.constant 4 : i32
          %shift_left3A_314 = vector.broadcast %shift_left3A : i32 to vector<16xi32>
          %shift_left3A_315 = arith.shli %and3A_313, %shift_left3A_314 : vector<16xi32>
          %or3A = arith.ori %shift_left3A_315, %iota3A : vector<16xi32>
          %jit3A_316 = arith.constant 1073741824 : i32
          %broadcast_in_dim3A_317 = vector.broadcast %jit3A_316 : i32 to vector<16xi32>
          %select_n3A_318 = arith.select %and3A_310, %or3A, %broadcast_in_dim3A_317 : vector<16xi1>, vector<16xi32>
          %masked_sort3A = arith.constant dense<true> : vector<16xi1>
          %masked_sort3A_319 = arith.constant -2147483648 : i32
          %masked_sort3A_320 = vector.broadcast %masked_sort3A_319 : i32 to vector<16xi32>
          %masked_sort3A_321 = arith.xori %select_n3A_318, %masked_sort3A_320 : vector<16xi32>
          %masked_sort3A_322, %masked_sort3A_323, %masked_sort3A_324 = tpu.sort %masked_sort3A_321, %get3A_295 masked %masked_sort3A : (vector<16xi32>, vector<16xf32>, vector<16xi1>) -> (vector<16xi1>, vector<16xi32>, vector<16xf32>)
          %masked_sort3A_325 = arith.xori %masked_sort3A_323, %masked_sort3A_320 : vector<16xi32>
          %swap3A_326 = arith.constant 0 : index
          %swap3A_327 = tpu.vector_load %arg21[%swap3A_326] {strides = array<i32>} : memref<32xi32, #tpu.memory_space<vmem>>, vector<16xi32>,
          tpu.vector_store %arg21[%swap3A_326], %masked_sort3A_325 {strides = array<i32>} : memref<32xi32, #tpu.memory_space<vmem>>, vector<16xi32>,
          %get3A_328 = arith.constant 1 : index
          %get3A_329 = tpu.vector_load %arg21[%get3A_328] {strides = array<i32>} : memref<32xi32, #tpu.memory_space<vmem>>, vector<16xi32>,
          %lt3A_330 = arith.constant 1073741824 : i32
          %lt3A_331 = vector.broadcast %lt3A_330 : i32 to vector<16xi32>
          %lt3A_332 = arith.cmpi slt, %masked_sort3A_325, %lt3A_331 : vector<16xi32>
          %shift_right_arithmetic3A_333 = arith.constant 4 : i32
          %shift_right_arithmetic3A_334 = vector.broadcast %shift_right_arithmetic3A_333 : i32 to vector<16xi32>
          %shift_right_arithmetic3A_335 = arith.shrsi %masked_sort3A_325, %shift_right_arithmetic3A_334 : vector<16xi32>
          %shift_right_arithmetic3A_336 = arith.constant 4 : i32
          %shift_right_arithmetic3A_337 = vector.broadcast %shift_right_arithmetic3A_336 : i32 to vector<16xi32>
          %shift_right_arithmetic3A_338 = arith.shrsi %get3A_329, %shift_right_arithmetic3A_337 : vector<16xi32>
          %ne3A_339 = arith.cmpi ne, %shift_right_arithmetic3A_335, %shift_right_arithmetic3A_338 : vector<16xi32>
          %and3A_340 = arith.andi %lt3A_332, %ne3A_339 : vector<16xi1>
          %shift_right_arithmetic3A_341 = arith.constant 4 : i32
          %shift_right_arithmetic3A_342 = vector.broadcast %shift_right_arithmetic3A_341 : i32 to vector<16xi32>
          %shift_right_arithmetic3A_343 = arith.shrsi %masked_sort3A_325, %shift_right_arithmetic3A_342 : vector<16xi32>
          %min3A_344 = arith.constant 65535 : i32
          %min3A_345 = vector.broadcast %min3A_344 : i32 to vector<16xi32>
          %min3A_346 = arith.minsi %shift_right_arithmetic3A_343, %min3A_345 : vector<16xi32>
          tpu.vector_store_idx %arg18[%min3A_346], %masked_sort3A_324 masked %and3A_340 : memref<65536xf32, #tpu.memory_space<vmem>>[vector<16xi32>], vector<16xf32>, vector<16xi1>
          %while3A_347 = arith.constant 0 : i32
          scf.yield %while3A_347 : i32
        }
        %while3A_284 = arith.constant 1 : i32
        %while3A_285 = scf.for %while3A_286 = %while3A_281 to %while3A_277 step %while3A_284 iter_args(%while3A_287 = %while3A_283) -> (i32)  : i32 {
          %mul3A_288 = arith.constant 16 : i32
          %mul3A_289 = arith.muli %while3A_286, %mul3A_288 : i32
          %get3A_290 = arith.index_cast %mul3A_289 : i32 to index
          %get3A_291 = tpu.vector_load %arg12[%get3A_290] {strides = array<i32>} : memref<4096xi32, #tpu.memory_space<vmem>>, vector<16xi32>,
          %mul3A_292 = arith.constant 16 : i32
          %mul3A_293 = arith.muli %while3A_286, %mul3A_292 : i32
          %get3A_294 = arith.index_cast %mul3A_293 : i32 to index
          %get3A_295 = tpu.vector_load %arg13[%get3A_294] {strides = array<i32>} : memref<4096xf32, #tpu.memory_space<vmem>>, vector<16xf32>,
          %mul3A_296 = arith.constant 16 : i32
          %mul3A_297 = arith.muli %while3A_286, %mul3A_296 : i32
          %add3A_298 = vector.broadcast %mul3A_297 : i32 to vector<16xi32>
          %add3A_299 = arith.addi %add3A_298, %iota3A : vector<16xi32>
          %lt3A = vector.broadcast %get3A_168 : i32 to vector<16xi32>
          %lt3A_300 = arith.cmpi slt, %add3A_299, %lt3A : vector<16xi32>
          %and3A_301 = arith.constant 262143 : i32
          %and3A_302 = vector.broadcast %and3A_301 : i32 to vector<16xi32>
          %and3A_303 = arith.andi %get3A_291, %and3A_302 : vector<16xi32>
          %shift_right_arithmetic3A_304 = arith.constant 16 : i32
          %shift_right_arithmetic3A_305 = vector.broadcast %shift_right_arithmetic3A_304 : i32 to vector<16xi32>
          %shift_right_arithmetic3A_306 = arith.shrsi %and3A_303, %shift_right_arithmetic3A_305 : vector<16xi32>
          %eq3A_307 = arith.constant 0 : i32
          %eq3A_308 = vector.broadcast %eq3A_307 : i32 to vector<16xi32>
          %eq3A_309 = arith.cmpi eq, %shift_right_arithmetic3A_306, %eq3A_308 : vector<16xi32>
          %and3A_310 = arith.andi %lt3A_300, %eq3A_309 : vector<16xi1>
          %and3A_311 = arith.constant 65535 : i32
          %and3A_312 = vector.broadcast %and3A_311 : i32 to vector<16xi32>
          %and3A_313 = arith.andi %and3A_303, %and3A_312 : vector<16xi32>
          %shift_left3A = arith.constant 4 : i32
          %shift_left3A_314 = vector.broadcast %shift_left3A : i32 to vector<16xi32>
          %shift_left3A_315 = arith.shli %and3A_313, %shift_left3A_314 : vector<16xi32>
          %or3A = arith.ori %shift_left3A_315, %iota3A : vector<16xi32>
          %jit3A_316 = arith.constant 1073741824 : i32
          %broadcast_in_dim3A_317 = vector.broadcast %jit3A_316 : i32 to vector<16xi32>
          %select_n3A_318 = arith.select %and3A_310, %or3A, %broadcast_in_dim3A_317 : vector<16xi1>, vector<16xi32>
          %masked_sort3A = arith.constant dense<true> : vector<16xi1>
          %masked_sort3A_319 = arith.constant -2147483648 : i32
          %masked_sort3A_320 = vector.broadcast %masked_sort3A_319 : i32 to vector<16xi32>
          %masked_sort3A_321 = arith.xori %select_n3A_318, %masked_sort3A_320 : vector<16xi32>
          %masked_sort3A_322, %masked_sort3A_323, %masked_sort3A_324 = tpu.sort %masked_sort3A_321, %get3A_295 masked %masked_sort3A : (vector<16xi32>, vector<16xf32>, vector<16xi1>) -> (vector<16xi1>, vector<16xi32>, vector<16xf32>)
          %masked_sort3A_325 = arith.xori %masked_sort3A_323, %masked_sort3A_320 : vector<16xi32>
          %swap3A_326 = arith.constant 0 : index
          %swap3A_327 = tpu.vector_load %arg21[%swap3A_326] {strides = array<i32>} : memref<32xi32, #tpu.memory_space<vmem>>, vector<16xi32>,
          tpu.vector_store %arg21[%swap3A_326], %masked_sort3A_325 {strides = array<i32>} : memref<32xi32, #tpu.memory_space<vmem>>, vector<16xi32>,
          %get3A_328 = arith.constant 1 : index
          %get3A_329 = tpu.vector_load %arg21[%get3A_328] {strides = array<i32>} : memref<32xi32, #tpu.memory_space<vmem>>, vector<16xi32>,
          %lt3A_330 = arith.constant 1073741824 : i32
          %lt3A_331 = vector.broadcast %lt3A_330 : i32 to vector<16xi32>
          %lt3A_332 = arith.cmpi slt, %masked_sort3A_325, %lt3A_331 : vector<16xi32>
          %shift_right_arithmetic3A_333 = arith.constant 4 : i32
          %shift_right_arithmetic3A_334 = vector.broadcast %shift_right_arithmetic3A_333 : i32 to vector<16xi32>
          %shift_right_arithmetic3A_335 = arith.shrsi %masked_sort3A_325, %shift_right_arithmetic3A_334 : vector<16xi32>
          %shift_right_arithmetic3A_336 = arith.constant 4 : i32
          %shift_right_arithmetic3A_337 = vector.broadcast %shift_right_arithmetic3A_336 : i32 to vector<16xi32>
          %shift_right_arithmetic3A_338 = arith.shrsi %get3A_329, %shift_right_arithmetic3A_337 : vector<16xi32>
          %ne3A_339 = arith.cmpi ne, %shift_right_arithmetic3A_335, %shift_right_arithmetic3A_338 : vector<16xi32>
          %and3A_340 = arith.andi %lt3A_332, %ne3A_339 : vector<16xi1>
          %shift_right_arithmetic3A_341 = arith.constant 4 : i32
          %shift_right_arithmetic3A_342 = vector.broadcast %shift_right_arithmetic3A_341 : i32 to vector<16xi32>
          %shift_right_arithmetic3A_343 = arith.shrsi %masked_sort3A_325, %shift_right_arithmetic3A_342 : vector<16xi32>
          %min3A_344 = arith.constant 65535 : i32
          %min3A_345 = vector.broadcast %min3A_344 : i32 to vector<16xi32>
          %min3A_346 = arith.minsi %shift_right_arithmetic3A_343, %min3A_345 : vector<16xi32>
          tpu.vector_store_idx %arg18[%min3A_346], %masked_sort3A_324 masked %and3A_340 : memref<65536xf32, #tpu.memory_space<vmem>>[vector<16xi32>], vector<16xf32>, vector<16xi1>
          %while3A_347 = arith.constant 0 : i32
          scf.yield %while3A_347 : i32
        }
      } else {
      }
      %scan3A_207 = arith.constant 0 : i32
      scf.yield %scan3A_207 : i32
    }
    %scan3A_101 = arith.constant 256 : i32
    %dma_start3A_102 = tpu.memref_slice %arg7[%add3A_94] : memref<8388608xf32, #tpu.memory_space<hbm>> -> memref<65536xf32, #tpu.memory_space<hbm>>
    %dma_start3A_103 = tpu.memref_slice %arg7[%add3A_94] : memref<8388608xf32, #tpu.memory_space<hbm>> -> memref<65536xf32, #tpu.memory_space<hbm>>
    tpu.enqueue_dma source(%arg18 : memref<65536xf32, #tpu.memory_space<vmem>>) target(%dma_start3A_103 : memref<65536xf32, #tpu.memory_space<hbm>>) target_semaphore(%arg26 : memref<!tpu.dma_semaphore, #tpu.memory_space<semaphore_mem>>)
    %dma_wait3A_104 = tpu.memref_slice %arg7[%add3A_94] : memref<8388608xf32, #tpu.memory_space<hbm>> -> memref<65536xf32, #tpu.memory_space<hbm>>
    %dma_wait3A_105 = tpu.memref_slice %arg7[%add3A_94] : memref<8388608xf32, #tpu.memory_space<hbm>> -> memref<65536xf32, #tpu.memory_space<hbm>>
    tpu.wait_dma2 semaphore(%arg26 : memref<!tpu.dma_semaphore, #tpu.memory_space<semaphore_mem>>) src(%arg18 : memref<65536xf32, #tpu.memory_space<vmem>>) dst(%dma_wait3A_105 : memref<65536xf32, #tpu.memory_space<hbm>>)
    %add3A_106 = arith.constant 65536 : i32
    %add3A_107 = arith.addi %add3A_94, %add3A_106 : i32
    "tpu.region"() ({
      %run_scoped3A = tpu.sem_alloc : memref<!tpu.dma_semaphore, #tpu.memory_space<semaphore_mem>>
      %dma_start3A_161 = tpu.memref_slice %arg2[%add3A_107] : memref<8388608xf32, #tpu.memory_space<hbm>> -> memref<65536xf32, #tpu.memory_space<hbm>>
      %dma_start3A_162 = tpu.memref_slice %arg2[%add3A_107] : memref<8388608xf32, #tpu.memory_space<hbm>> -> memref<65536xf32, #tpu.memory_space<hbm>>
      tpu.enqueue_dma source(%dma_start3A_162 : memref<65536xf32, #tpu.memory_space<hbm>>) target(%arg18 : memref<65536xf32, #tpu.memory_space<vmem>>) target_semaphore(%run_scoped3A : memref<!tpu.dma_semaphore, #tpu.memory_space<semaphore_mem>>)
      %dma_wait3A_163 = tpu.memref_slice %arg2[%add3A_107] : memref<8388608xf32, #tpu.memory_space<hbm>> -> memref<65536xf32, #tpu.memory_space<hbm>>
      %dma_wait3A_164 = tpu.memref_slice %arg2[%add3A_107] : memref<8388608xf32, #tpu.memory_space<hbm>> -> memref<65536xf32, #tpu.memory_space<hbm>>
      tpu.wait_dma2 semaphore(%run_scoped3A : memref<!tpu.dma_semaphore, #tpu.memory_space<semaphore_mem>>) src(%dma_wait3A_164 : memref<65536xf32, #tpu.memory_space<hbm>>) dst(%arg18 : memref<65536xf32, #tpu.memory_space<vmem>>)
      tpu.yield
    }) : () -> ()
    %mul3A_108 = arith.constant 262144 : i32
    %mul3A_109 = arith.muli %add3A, %mul3A_108 : i32
    %add3A_110 = arith.constant 65536 : i32
    %add3A_111 = arith.addi %mul3A_109, %add3A_110 : i32
    %scan3A_112 = arith.constant 0 : i32
    %scan3A_113 = arith.constant 0 : i32
    %scan3A_114 = arith.constant 256 : i32
    %scan3A_115 = arith.addi %scan3A_113, %scan3A_114 : i32
    %scan3A_116 = arith.constant 1 : i32
    %scan3A_117 = scf.for %scan3A_161 = %scan3A_113 to %scan3A_115 step %scan3A_116 iter_args(%scan3A_162 = %scan3A_112) -> (i32)  : i32 {
      %shift_right_arithmetic3A = arith.constant 2 : i32
      %shift_right_arithmetic3A_163 = arith.shrsi %scan3A_161, %shift_right_arithmetic3A : i32
      %and3A = arith.constant 3 : i32
      %and3A_164 = arith.andi %scan3A_161, %and3A : i32
      %mul3A_165 = arith.constant 1024 : i32
      %mul3A_166 = arith.muli %and3A_164, %mul3A_165 : i32
      %get3A_167 = arith.index_cast %scan3A_161 : i32 to index
      %get3A_168 = memref.load %arg22[%get3A_167] : memref<256xi32, #tpu.memory_space<smem>>
      %min3A_169 = arith.constant 64 : i32
      %min3A_170 = arith.minsi %get3A_168, %min3A_169 : i32
      %add3A_171 = arith.constant 15 : i32
      %add3A_172 = arith.addi %min3A_170, %add3A_171 : i32
      %jit3A_173 = arith.constant 16 : i32
      %div3A = arith.divsi %add3A_172, %jit3A_173 : i32
      %sign3A = arith.constant 0 : i32
      %sign3A_174 = arith.cmpi sgt, %add3A_172, %sign3A : i32
      %sign3A_175 = arith.extui %sign3A_174 : i1 to i32
      %sign3A_176 = arith.constant 0 : i32
      %sign3A_177 = arith.cmpi slt, %add3A_172, %sign3A_176 : i32
      %sign3A_178 = arith.extui %sign3A_177 : i1 to i32
      %sign3A_179 = arith.subi %sign3A_175, %sign3A_178 : i32
      %sign3A_180 = arith.constant 0 : i32
      %sign3A_181 = arith.cmpi sgt, %jit3A_173, %sign3A_180 : i32
      %sign3A_182 = arith.extui %sign3A_181 : i1 to i32
      %sign3A_183 = arith.constant 0 : i32
      %sign3A_184 = arith.cmpi slt, %jit3A_173, %sign3A_183 : i32
      %sign3A_185 = arith.extui %sign3A_184 : i1 to i32
      %sign3A_186 = arith.subi %sign3A_182, %sign3A_185 : i32
      %ne3A = arith.cmpi ne, %sign3A_179, %sign3A_186 : i32
      %rem3A = arith.remsi %add3A_172, %jit3A_173 : i32
      %ne3A_187 = arith.constant 0 : i32
      %ne3A_188 = arith.cmpi ne, %rem3A, %ne3A_187 : i32
      %and3A_189 = arith.andi %ne3A, %ne3A_188 : i1
      %sub3A_190 = arith.constant 1 : i32
      %sub3A_191 = arith.subi %div3A, %sub3A_190 : i32
      %select_n3A_192 = arith.select %and3A_189, %sub3A_191, %div3A : i32
      %while3A_193 = arith.constant 0 : i32
      %while3A_194 = arith.constant 0 : i32
      %while3A_195 = arith.subi %select_n3A_192, %while3A_193 : i32
      %while3A_196 = arith.addi %while3A_193, %while3A_195 : i32
      %while3A_197 = arith.constant 1 : i32
      %while3A_198 = arith.divsi %while3A_195, %while3A_197 : i32
      %while3A_199 = arith.muli %while3A_198, %while3A_197 : i32
      %while3A_200 = arith.addi %while3A_193, %while3A_199 : i32
      %while3A_201 = arith.constant 1 : i32
      %while3A_202 = scf.for %while3A_208 = %while3A_193 to %while3A_200 step %while3A_201 iter_args(%while3A_209 = %while3A_194) -> (i32)  : i32 {
        %mul3A_210 = arith.constant 64 : i32
        %mul3A_211 = arith.muli %scan3A_161, %mul3A_210 : i32
        %mul3A_212 = arith.constant 16 : i32
        %mul3A_213 = arith.muli %while3A_208, %mul3A_212 : i32
        %add3A_214 = arith.addi %mul3A_211, %mul3A_213 : i32
        %get3A_215 = arith.index_cast %add3A_214 : i32 to index
        %get3A_216 = tpu.vector_load %arg19[%get3A_215] {strides = array<i32>} : memref<16384xi32, #tpu.memory_space<vmem>>, vector<16xi32>,
        %mul3A_217 = arith.constant 64 : i32
        %mul3A_218 = arith.muli %scan3A_161, %mul3A_217 : i32
        %mul3A_219 = arith.constant 16 : i32
        %mul3A_220 = arith.muli %while3A_208, %mul3A_219 : i32
        %add3A_221 = arith.addi %mul3A_218, %mul3A_220 : i32
        %get3A_222 = arith.index_cast %add3A_221 : i32 to index
        %get3A_223 = tpu.vector_load %arg20[%get3A_222] {strides = array<i32>} : memref<16384xf32, #tpu.memory_space<vmem>>, vector<16xf32>,
        %mul3A_224 = arith.constant 16 : i32
        %mul3A_225 = arith.muli %while3A_208, %mul3A_224 : i32
        %add3A_226 = vector.broadcast %mul3A_225 : i32 to vector<16xi32>
        %add3A_227 = arith.addi %add3A_226, %iota3A : vector<16xi32>
        %lt3A = vector.broadcast %min3A_170 : i32 to vector<16xi32>
        %lt3A_228 = arith.cmpi slt, %add3A_227, %lt3A : vector<16xi32>
        %and3A_229 = arith.constant 262143 : i32
        %and3A_230 = vector.broadcast %and3A_229 : i32 to vector<16xi32>
        %and3A_231 = arith.andi %get3A_216, %and3A_230 : vector<16xi32>
        %shift_right_arithmetic3A_232 = arith.constant 16 : i32
        %shift_right_arithmetic3A_233 = vector.broadcast %shift_right_arithmetic3A_232 : i32 to vector<16xi32>
        %shift_right_arithmetic3A_234 = arith.shrsi %and3A_231, %shift_right_arithmetic3A_233 : vector<16xi32>
        %eq3A_235 = arith.constant 1 : i32
        %eq3A_236 = vector.broadcast %eq3A_235 : i32 to vector<16xi32>
        %eq3A_237 = arith.cmpi eq, %shift_right_arithmetic3A_234, %eq3A_236 : vector<16xi32>
        %and3A_238 = arith.andi %lt3A_228, %eq3A_237 : vector<16xi1>
        %and3A_239 = arith.constant 65535 : i32
        %and3A_240 = vector.broadcast %and3A_239 : i32 to vector<16xi32>
        %and3A_241 = arith.andi %and3A_231, %and3A_240 : vector<16xi32>
        %shift_left3A = arith.constant 4 : i32
        %shift_left3A_242 = vector.broadcast %shift_left3A : i32 to vector<16xi32>
        %shift_left3A_243 = arith.shli %and3A_241, %shift_left3A_242 : vector<16xi32>
        %or3A = arith.ori %shift_left3A_243, %iota3A : vector<16xi32>
        %jit3A_244 = arith.constant 1073741824 : i32
        %broadcast_in_dim3A_245 = vector.broadcast %jit3A_244 : i32 to vector<16xi32>
        %select_n3A_246 = arith.select %and3A_238, %or3A, %broadcast_in_dim3A_245 : vector<16xi1>, vector<16xi32>
        %masked_sort3A = arith.constant dense<true> : vector<16xi1>
        %masked_sort3A_247 = arith.constant -2147483648 : i32
        %masked_sort3A_248 = vector.broadcast %masked_sort3A_247 : i32 to vector<16xi32>
        %masked_sort3A_249 = arith.xori %select_n3A_246, %masked_sort3A_248 : vector<16xi32>
        %masked_sort3A_250, %masked_sort3A_251, %masked_sort3A_252 = tpu.sort %masked_sort3A_249, %get3A_223 masked %masked_sort3A : (vector<16xi32>, vector<16xf32>, vector<16xi1>) -> (vector<16xi1>, vector<16xi32>, vector<16xf32>)
        %masked_sort3A_253 = arith.xori %masked_sort3A_251, %masked_sort3A_248 : vector<16xi32>
        %swap3A_254 = arith.constant 0 : index
        %swap3A_255 = tpu.vector_load %arg21[%swap3A_254] {strides = array<i32>} : memref<32xi32, #tpu.memory_space<vmem>>, vector<16xi32>,
        tpu.vector_store %arg21[%swap3A_254], %masked_sort3A_253 {strides = array<i32>} : memref<32xi32, #tpu.memory_space<vmem>>, vector<16xi32>,
        %get3A_256 = arith.constant 1 : index
        %get3A_257 = tpu.vector_load %arg21[%get3A_256] {strides = array<i32>} : memref<32xi32, #tpu.memory_space<vmem>>, vector<16xi32>,
        %lt3A_258 = arith.constant 1073741824 : i32
        %lt3A_259 = vector.broadcast %lt3A_258 : i32 to vector<16xi32>
        %lt3A_260 = arith.cmpi slt, %masked_sort3A_253, %lt3A_259 : vector<16xi32>
        %shift_right_arithmetic3A_261 = arith.constant 4 : i32
        %shift_right_arithmetic3A_262 = vector.broadcast %shift_right_arithmetic3A_261 : i32 to vector<16xi32>
        %shift_right_arithmetic3A_263 = arith.shrsi %masked_sort3A_253, %shift_right_arithmetic3A_262 : vector<16xi32>
        %shift_right_arithmetic3A_264 = arith.constant 4 : i32
        %shift_right_arithmetic3A_265 = vector.broadcast %shift_right_arithmetic3A_264 : i32 to vector<16xi32>
        %shift_right_arithmetic3A_266 = arith.shrsi %get3A_257, %shift_right_arithmetic3A_265 : vector<16xi32>
        %ne3A_267 = arith.cmpi ne, %shift_right_arithmetic3A_263, %shift_right_arithmetic3A_266 : vector<16xi32>
        %and3A_268 = arith.andi %lt3A_260, %ne3A_267 : vector<16xi1>
        %shift_right_arithmetic3A_269 = arith.constant 4 : i32
        %shift_right_arithmetic3A_270 = vector.broadcast %shift_right_arithmetic3A_269 : i32 to vector<16xi32>
        %shift_right_arithmetic3A_271 = arith.shrsi %masked_sort3A_253, %shift_right_arithmetic3A_270 : vector<16xi32>
        %min3A_272 = arith.constant 65535 : i32
        %min3A_273 = vector.broadcast %min3A_272 : i32 to vector<16xi32>
        %min3A_274 = arith.minsi %shift_right_arithmetic3A_271, %min3A_273 : vector<16xi32>
        tpu.vector_store_idx %arg18[%min3A_274], %masked_sort3A_252 masked %and3A_268 : memref<65536xf32, #tpu.memory_space<vmem>>[vector<16xi32>], vector<16xf32>, vector<16xi1>
        %while3A_275 = arith.constant 0 : i32
        scf.yield %while3A_275 : i32
      }
      %while3A_203 = arith.constant 1 : i32
      %while3A_204 = scf.for %while3A_208 = %while3A_200 to %while3A_196 step %while3A_203 iter_args(%while3A_209 = %while3A_202) -> (i32)  : i32 {
        %mul3A_210 = arith.constant 64 : i32
        %mul3A_211 = arith.muli %scan3A_161, %mul3A_210 : i32
        %mul3A_212 = arith.constant 16 : i32
        %mul3A_213 = arith.muli %while3A_208, %mul3A_212 : i32
        %add3A_214 = arith.addi %mul3A_211, %mul3A_213 : i32
        %get3A_215 = arith.index_cast %add3A_214 : i32 to index
        %get3A_216 = tpu.vector_load %arg19[%get3A_215] {strides = array<i32>} : memref<16384xi32, #tpu.memory_space<vmem>>, vector<16xi32>,
        %mul3A_217 = arith.constant 64 : i32
        %mul3A_218 = arith.muli %scan3A_161, %mul3A_217 : i32
        %mul3A_219 = arith.constant 16 : i32
        %mul3A_220 = arith.muli %while3A_208, %mul3A_219 : i32
        %add3A_221 = arith.addi %mul3A_218, %mul3A_220 : i32
        %get3A_222 = arith.index_cast %add3A_221 : i32 to index
        %get3A_223 = tpu.vector_load %arg20[%get3A_222] {strides = array<i32>} : memref<16384xf32, #tpu.memory_space<vmem>>, vector<16xf32>,
        %mul3A_224 = arith.constant 16 : i32
        %mul3A_225 = arith.muli %while3A_208, %mul3A_224 : i32
        %add3A_226 = vector.broadcast %mul3A_225 : i32 to vector<16xi32>
        %add3A_227 = arith.addi %add3A_226, %iota3A : vector<16xi32>
        %lt3A = vector.broadcast %min3A_170 : i32 to vector<16xi32>
        %lt3A_228 = arith.cmpi slt, %add3A_227, %lt3A : vector<16xi32>
        %and3A_229 = arith.constant 262143 : i32
        %and3A_230 = vector.broadcast %and3A_229 : i32 to vector<16xi32>
        %and3A_231 = arith.andi %get3A_216, %and3A_230 : vector<16xi32>
        %shift_right_arithmetic3A_232 = arith.constant 16 : i32
        %shift_right_arithmetic3A_233 = vector.broadcast %shift_right_arithmetic3A_232 : i32 to vector<16xi32>
        %shift_right_arithmetic3A_234 = arith.shrsi %and3A_231, %shift_right_arithmetic3A_233 : vector<16xi32>
        %eq3A_235 = arith.constant 1 : i32
        %eq3A_236 = vector.broadcast %eq3A_235 : i32 to vector<16xi32>
        %eq3A_237 = arith.cmpi eq, %shift_right_arithmetic3A_234, %eq3A_236 : vector<16xi32>
        %and3A_238 = arith.andi %lt3A_228, %eq3A_237 : vector<16xi1>
        %and3A_239 = arith.constant 65535 : i32
        %and3A_240 = vector.broadcast %and3A_239 : i32 to vector<16xi32>
        %and3A_241 = arith.andi %and3A_231, %and3A_240 : vector<16xi32>
        %shift_left3A = arith.constant 4 : i32
        %shift_left3A_242 = vector.broadcast %shift_left3A : i32 to vector<16xi32>
        %shift_left3A_243 = arith.shli %and3A_241, %shift_left3A_242 : vector<16xi32>
        %or3A = arith.ori %shift_left3A_243, %iota3A : vector<16xi32>
        %jit3A_244 = arith.constant 1073741824 : i32
        %broadcast_in_dim3A_245 = vector.broadcast %jit3A_244 : i32 to vector<16xi32>
        %select_n3A_246 = arith.select %and3A_238, %or3A, %broadcast_in_dim3A_245 : vector<16xi1>, vector<16xi32>
        %masked_sort3A = arith.constant dense<true> : vector<16xi1>
        %masked_sort3A_247 = arith.constant -2147483648 : i32
        %masked_sort3A_248 = vector.broadcast %masked_sort3A_247 : i32 to vector<16xi32>
        %masked_sort3A_249 = arith.xori %select_n3A_246, %masked_sort3A_248 : vector<16xi32>
        %masked_sort3A_250, %masked_sort3A_251, %masked_sort3A_252 = tpu.sort %masked_sort3A_249, %get3A_223 masked %masked_sort3A : (vector<16xi32>, vector<16xf32>, vector<16xi1>) -> (vector<16xi1>, vector<16xi32>, vector<16xf32>)
        %masked_sort3A_253 = arith.xori %masked_sort3A_251, %masked_sort3A_248 : vector<16xi32>
        %swap3A_254 = arith.constant 0 : index
        %swap3A_255 = tpu.vector_load %arg21[%swap3A_254] {strides = array<i32>} : memref<32xi32, #tpu.memory_space<vmem>>, vector<16xi32>,
        tpu.vector_store %arg21[%swap3A_254], %masked_sort3A_253 {strides = array<i32>} : memref<32xi32, #tpu.memory_space<vmem>>, vector<16xi32>,
        %get3A_256 = arith.constant 1 : index
        %get3A_257 = tpu.vector_load %arg21[%get3A_256] {strides = array<i32>} : memref<32xi32, #tpu.memory_space<vmem>>, vector<16xi32>,
        %lt3A_258 = arith.constant 1073741824 : i32
        %lt3A_259 = vector.broadcast %lt3A_258 : i32 to vector<16xi32>
        %lt3A_260 = arith.cmpi slt, %masked_sort3A_253, %lt3A_259 : vector<16xi32>
        %shift_right_arithmetic3A_261 = arith.constant 4 : i32
        %shift_right_arithmetic3A_262 = vector.broadcast %shift_right_arithmetic3A_261 : i32 to vector<16xi32>
        %shift_right_arithmetic3A_263 = arith.shrsi %masked_sort3A_253, %shift_right_arithmetic3A_262 : vector<16xi32>
        %shift_right_arithmetic3A_264 = arith.constant 4 : i32
        %shift_right_arithmetic3A_265 = vector.broadcast %shift_right_arithmetic3A_264 : i32 to vector<16xi32>
        %shift_right_arithmetic3A_266 = arith.shrsi %get3A_257, %shift_right_arithmetic3A_265 : vector<16xi32>
        %ne3A_267 = arith.cmpi ne, %shift_right_arithmetic3A_263, %shift_right_arithmetic3A_266 : vector<16xi32>
        %and3A_268 = arith.andi %lt3A_260, %ne3A_267 : vector<16xi1>
        %shift_right_arithmetic3A_269 = arith.constant 4 : i32
        %shift_right_arithmetic3A_270 = vector.broadcast %shift_right_arithmetic3A_269 : i32 to vector<16xi32>
        %shift_right_arithmetic3A_271 = arith.shrsi %masked_sort3A_253, %shift_right_arithmetic3A_270 : vector<16xi32>
        %min3A_272 = arith.constant 65535 : i32
        %min3A_273 = vector.broadcast %min3A_272 : i32 to vector<16xi32>
        %min3A_274 = arith.minsi %shift_right_arithmetic3A_271, %min3A_273 : vector<16xi32>
        tpu.vector_store_idx %arg18[%min3A_274], %masked_sort3A_252 masked %and3A_268 : memref<65536xf32, #tpu.memory_space<vmem>>[vector<16xi32>], vector<16xf32>, vector<16xi1>
        %while3A_275 = arith.constant 0 : i32
        scf.yield %while3A_275 : i32
      }
      %gt3A = arith.constant 64 : i32
      %gt3A_205 = arith.cmpi sgt, %get3A_168, %gt3A : i32
      %convert_element_type3A = arith.extui %gt3A_205 : i1 to i32
      %cond3A = arith.constant 0 : i32
      %cond3A_206 = arith.cmpi ne, %convert_element_type3A, %cond3A : i32
      scf.if %cond3A_206 {
        %add3A_208 = arith.constant 256 : i32
        %add3A_209 = arith.addi %get3A_168, %add3A_208 : i32
        %sub3A_210 = arith.constant 1 : i32
        %sub3A_211 = arith.subi %add3A_209, %sub3A_210 : i32
        %jit3A_212 = arith.constant 256 : i32
        %div3A_213 = arith.divsi %sub3A_211, %jit3A_212 : i32
        %sign3A_214 = arith.constant 0 : i32
        %sign3A_215 = arith.cmpi sgt, %sub3A_211, %sign3A_214 : i32
        %sign3A_216 = arith.extui %sign3A_215 : i1 to i32
        %sign3A_217 = arith.constant 0 : i32
        %sign3A_218 = arith.cmpi slt, %sub3A_211, %sign3A_217 : i32
        %sign3A_219 = arith.extui %sign3A_218 : i1 to i32
        %sign3A_220 = arith.subi %sign3A_216, %sign3A_219 : i32
        %sign3A_221 = arith.constant 0 : i32
        %sign3A_222 = arith.cmpi sgt, %jit3A_212, %sign3A_221 : i32
        %sign3A_223 = arith.extui %sign3A_222 : i1 to i32
        %sign3A_224 = arith.constant 0 : i32
        %sign3A_225 = arith.cmpi slt, %jit3A_212, %sign3A_224 : i32
        %sign3A_226 = arith.extui %sign3A_225 : i1 to i32
        %sign3A_227 = arith.subi %sign3A_223, %sign3A_226 : i32
        %ne3A_228 = arith.cmpi ne, %sign3A_220, %sign3A_227 : i32
        %rem3A_229 = arith.remsi %sub3A_211, %jit3A_212 : i32
        %ne3A_230 = arith.constant 0 : i32
        %ne3A_231 = arith.cmpi ne, %rem3A_229, %ne3A_230 : i32
        %and3A_232 = arith.andi %ne3A_228, %ne3A_231 : i1
        %sub3A_233 = arith.constant 1 : i32
        %sub3A_234 = arith.subi %div3A_213, %sub3A_233 : i32
        %select_n3A_235 = arith.select %and3A_232, %sub3A_234, %div3A_213 : i32
        %while3A_236 = arith.constant 0 : i32
        %while3A_237 = arith.constant 0 : i32
        %while3A_238 = arith.subi %select_n3A_235, %while3A_236 : i32
        %while3A_239 = arith.addi %while3A_236, %while3A_238 : i32
        %while3A_240 = arith.constant 1 : i32
        %while3A_241 = arith.divsi %while3A_238, %while3A_240 : i32
        %while3A_242 = arith.muli %while3A_241, %while3A_240 : i32
        %while3A_243 = arith.addi %while3A_236, %while3A_242 : i32
        %while3A_244 = arith.constant 1 : i32
        %while3A_245 = scf.for %while3A_286 = %while3A_236 to %while3A_243 step %while3A_244 iter_args(%while3A_287 = %while3A_237) -> (i32)  : i32 {
          %mul3A_288 = arith.constant 256 : i32
          %mul3A_289 = arith.muli %while3A_286, %mul3A_288 : i32
          %add3A_290 = arith.addi %mul3A_166, %mul3A_289 : i32
          %mul3A_291 = arith.constant 256 : i32
          %mul3A_292 = arith.muli %while3A_286, %mul3A_291 : i32
          "tpu.region"() ({
            %run_scoped3A = tpu.sem_alloc : memref<!tpu.dma_semaphore, #tpu.memory_space<semaphore_mem>>
            %dma_start3A_299 = tpu.memref_slice %arg12[%mul3A_292] : memref<4096xi32, #tpu.memory_space<vmem>> -> memref<256xi32, #tpu.memory_space<vmem>>
            %dma_start3A_300 = tpu.memref_slice %arg8[%add3A, %shift_right_arithmetic3A_163, %add3A_290] : memref<32x64x4096xi32, #tpu.memory_space<hbm>> -> memref<1x1x256xi32, #tpu.memory_space<hbm>>
            %dma_start3A_301 = tpu.memref_squeeze %dma_start3A_300 : memref<1x1x256xi32, #tpu.memory_space<hbm>> -> memref<256xi32, #tpu.memory_space<hbm>>
            %dma_start3A_302 = tpu.memref_slice %arg12[%mul3A_292] : memref<4096xi32, #tpu.memory_space<vmem>> -> memref<256xi32, #tpu.memory_space<vmem>>
            %dma_start3A_303 = tpu.memref_slice %arg8[%add3A, %shift_right_arithmetic3A_163, %add3A_290] : memref<32x64x4096xi32, #tpu.memory_space<hbm>> -> memref<1x1x256xi32, #tpu.memory_space<hbm>>
            %dma_start3A_304 = tpu.memref_squeeze %dma_start3A_303 : memref<1x1x256xi32, #tpu.memory_space<hbm>> -> memref<256xi32, #tpu.memory_space<hbm>>
            tpu.enqueue_dma source(%dma_start3A_304 : memref<256xi32, #tpu.memory_space<hbm>>) target(%dma_start3A_302 : memref<256xi32, #tpu.memory_space<vmem>>) target_semaphore(%run_scoped3A : memref<!tpu.dma_semaphore, #tpu.memory_space<semaphore_mem>>)
            %dma_wait3A_305 = tpu.memref_slice %arg12[%mul3A_292] : memref<4096xi32, #tpu.memory_space<vmem>> -> memref<256xi32, #tpu.memory_space<vmem>>
            %dma_wait3A_306 = tpu.memref_slice %arg8[%add3A, %shift_right_arithmetic3A_163, %add3A_290] : memref<32x64x4096xi32, #tpu.memory_space<hbm>> -> memref<1x1x256xi32, #tpu.memory_space<hbm>>
            %dma_wait3A_307 = tpu.memref_squeeze %dma_wait3A_306 : memref<1x1x256xi32, #tpu.memory_space<hbm>> -> memref<256xi32, #tpu.memory_space<hbm>>
            %dma_wait3A_308 = tpu.memref_slice %arg12[%mul3A_292] : memref<4096xi32, #tpu.memory_space<vmem>> -> memref<256xi32, #tpu.memory_space<vmem>>
            %dma_wait3A_309 = tpu.memref_slice %arg8[%add3A, %shift_right_arithmetic3A_163, %add3A_290] : memref<32x64x4096xi32, #tpu.memory_space<hbm>> -> memref<1x1x256xi32, #tpu.memory_space<hbm>>
            %dma_wait3A_310 = tpu.memref_squeeze %dma_wait3A_309 : memref<1x1x256xi32, #tpu.memory_space<hbm>> -> memref<256xi32, #tpu.memory_space<hbm>>
            tpu.wait_dma2 semaphore(%run_scoped3A : memref<!tpu.dma_semaphore, #tpu.memory_space<semaphore_mem>>) src(%dma_wait3A_310 : memref<256xi32, #tpu.memory_space<hbm>>) dst(%dma_wait3A_308 : memref<256xi32, #tpu.memory_space<vmem>>)
            tpu.yield
          }) : () -> ()
          %mul3A_293 = arith.constant 256 : i32
          %mul3A_294 = arith.muli %while3A_286, %mul3A_293 : i32
          %add3A_295 = arith.addi %mul3A_166, %mul3A_294 : i32
          %mul3A_296 = arith.constant 256 : i32
          %mul3A_297 = arith.muli %while3A_286, %mul3A_296 : i32
          "tpu.region"() ({
            %run_scoped3A = tpu.sem_alloc : memref<!tpu.dma_semaphore, #tpu.memory_space<semaphore_mem>>
            %dma_start3A_299 = tpu.memref_slice %arg13[%mul3A_297] : memref<4096xf32, #tpu.memory_space<vmem>> -> memref<256xf32, #tpu.memory_space<vmem>>
            %dma_start3A_300 = tpu.memref_slice %arg9[%add3A, %shift_right_arithmetic3A_163, %add3A_295] : memref<32x64x4096xf32, #tpu.memory_space<hbm>> -> memref<1x1x256xf32, #tpu.memory_space<hbm>>
            %dma_start3A_301 = tpu.memref_squeeze %dma_start3A_300 : memref<1x1x256xf32, #tpu.memory_space<hbm>> -> memref<256xf32, #tpu.memory_space<hbm>>
            %dma_start3A_302 = tpu.memref_slice %arg13[%mul3A_297] : memref<4096xf32, #tpu.memory_space<vmem>> -> memref<256xf32, #tpu.memory_space<vmem>>
            %dma_start3A_303 = tpu.memref_slice %arg9[%add3A, %shift_right_arithmetic3A_163, %add3A_295] : memref<32x64x4096xf32, #tpu.memory_space<hbm>> -> memref<1x1x256xf32, #tpu.memory_space<hbm>>
            %dma_start3A_304 = tpu.memref_squeeze %dma_start3A_303 : memref<1x1x256xf32, #tpu.memory_space<hbm>> -> memref<256xf32, #tpu.memory_space<hbm>>
            tpu.enqueue_dma source(%dma_start3A_304 : memref<256xf32, #tpu.memory_space<hbm>>) target(%dma_start3A_302 : memref<256xf32, #tpu.memory_space<vmem>>) target_semaphore(%run_scoped3A : memref<!tpu.dma_semaphore, #tpu.memory_space<semaphore_mem>>)
            %dma_wait3A_305 = tpu.memref_slice %arg13[%mul3A_297] : memref<4096xf32, #tpu.memory_space<vmem>> -> memref<256xf32, #tpu.memory_space<vmem>>
            %dma_wait3A_306 = tpu.memref_slice %arg9[%add3A, %shift_right_arithmetic3A_163, %add3A_295] : memref<32x64x4096xf32, #tpu.memory_space<hbm>> -> memref<1x1x256xf32, #tpu.memory_space<hbm>>
            %dma_wait3A_307 = tpu.memref_squeeze %dma_wait3A_306 : memref<1x1x256xf32, #tpu.memory_space<hbm>> -> memref<256xf32, #tpu.memory_space<hbm>>
            %dma_wait3A_308 = tpu.memref_slice %arg13[%mul3A_297] : memref<4096xf32, #tpu.memory_space<vmem>> -> memref<256xf32, #tpu.memory_space<vmem>>
            %dma_wait3A_309 = tpu.memref_slice %arg9[%add3A, %shift_right_arithmetic3A_163, %add3A_295] : memref<32x64x4096xf32, #tpu.memory_space<hbm>> -> memref<1x1x256xf32, #tpu.memory_space<hbm>>
            %dma_wait3A_310 = tpu.memref_squeeze %dma_wait3A_309 : memref<1x1x256xf32, #tpu.memory_space<hbm>> -> memref<256xf32, #tpu.memory_space<hbm>>
            tpu.wait_dma2 semaphore(%run_scoped3A : memref<!tpu.dma_semaphore, #tpu.memory_space<semaphore_mem>>) src(%dma_wait3A_310 : memref<256xf32, #tpu.memory_space<hbm>>) dst(%dma_wait3A_308 : memref<256xf32, #tpu.memory_space<vmem>>)
            tpu.yield
          }) : () -> ()
          %while3A_298 = arith.constant 0 : i32
          scf.yield %while3A_298 : i32
        }
        %while3A_246 = arith.constant 1 : i32
        %while3A_247 = scf.for %while3A_286 = %while3A_243 to %while3A_239 step %while3A_246 iter_args(%while3A_287 = %while3A_245) -> (i32)  : i32 {
          %mul3A_288 = arith.constant 256 : i32
          %mul3A_289 = arith.muli %while3A_286, %mul3A_288 : i32
          %add3A_290 = arith.addi %mul3A_166, %mul3A_289 : i32
          %mul3A_291 = arith.constant 256 : i32
          %mul3A_292 = arith.muli %while3A_286, %mul3A_291 : i32
          "tpu.region"() ({
            %run_scoped3A = tpu.sem_alloc : memref<!tpu.dma_semaphore, #tpu.memory_space<semaphore_mem>>
            %dma_start3A_299 = tpu.memref_slice %arg12[%mul3A_292] : memref<4096xi32, #tpu.memory_space<vmem>> -> memref<256xi32, #tpu.memory_space<vmem>>
            %dma_start3A_300 = tpu.memref_slice %arg8[%add3A, %shift_right_arithmetic3A_163, %add3A_290] : memref<32x64x4096xi32, #tpu.memory_space<hbm>> -> memref<1x1x256xi32, #tpu.memory_space<hbm>>
            %dma_start3A_301 = tpu.memref_squeeze %dma_start3A_300 : memref<1x1x256xi32, #tpu.memory_space<hbm>> -> memref<256xi32, #tpu.memory_space<hbm>>
            %dma_start3A_302 = tpu.memref_slice %arg12[%mul3A_292] : memref<4096xi32, #tpu.memory_space<vmem>> -> memref<256xi32, #tpu.memory_space<vmem>>
            %dma_start3A_303 = tpu.memref_slice %arg8[%add3A, %shift_right_arithmetic3A_163, %add3A_290] : memref<32x64x4096xi32, #tpu.memory_space<hbm>> -> memref<1x1x256xi32, #tpu.memory_space<hbm>>
            %dma_start3A_304 = tpu.memref_squeeze %dma_start3A_303 : memref<1x1x256xi32, #tpu.memory_space<hbm>> -> memref<256xi32, #tpu.memory_space<hbm>>
            tpu.enqueue_dma source(%dma_start3A_304 : memref<256xi32, #tpu.memory_space<hbm>>) target(%dma_start3A_302 : memref<256xi32, #tpu.memory_space<vmem>>) target_semaphore(%run_scoped3A : memref<!tpu.dma_semaphore, #tpu.memory_space<semaphore_mem>>)
            %dma_wait3A_305 = tpu.memref_slice %arg12[%mul3A_292] : memref<4096xi32, #tpu.memory_space<vmem>> -> memref<256xi32, #tpu.memory_space<vmem>>
            %dma_wait3A_306 = tpu.memref_slice %arg8[%add3A, %shift_right_arithmetic3A_163, %add3A_290] : memref<32x64x4096xi32, #tpu.memory_space<hbm>> -> memref<1x1x256xi32, #tpu.memory_space<hbm>>
            %dma_wait3A_307 = tpu.memref_squeeze %dma_wait3A_306 : memref<1x1x256xi32, #tpu.memory_space<hbm>> -> memref<256xi32, #tpu.memory_space<hbm>>
            %dma_wait3A_308 = tpu.memref_slice %arg12[%mul3A_292] : memref<4096xi32, #tpu.memory_space<vmem>> -> memref<256xi32, #tpu.memory_space<vmem>>
            %dma_wait3A_309 = tpu.memref_slice %arg8[%add3A, %shift_right_arithmetic3A_163, %add3A_290] : memref<32x64x4096xi32, #tpu.memory_space<hbm>> -> memref<1x1x256xi32, #tpu.memory_space<hbm>>
            %dma_wait3A_310 = tpu.memref_squeeze %dma_wait3A_309 : memref<1x1x256xi32, #tpu.memory_space<hbm>> -> memref<256xi32, #tpu.memory_space<hbm>>
            tpu.wait_dma2 semaphore(%run_scoped3A : memref<!tpu.dma_semaphore, #tpu.memory_space<semaphore_mem>>) src(%dma_wait3A_310 : memref<256xi32, #tpu.memory_space<hbm>>) dst(%dma_wait3A_308 : memref<256xi32, #tpu.memory_space<vmem>>)
            tpu.yield
          }) : () -> ()
          %mul3A_293 = arith.constant 256 : i32
          %mul3A_294 = arith.muli %while3A_286, %mul3A_293 : i32
          %add3A_295 = arith.addi %mul3A_166, %mul3A_294 : i32
          %mul3A_296 = arith.constant 256 : i32
          %mul3A_297 = arith.muli %while3A_286, %mul3A_296 : i32
          "tpu.region"() ({
            %run_scoped3A = tpu.sem_alloc : memref<!tpu.dma_semaphore, #tpu.memory_space<semaphore_mem>>
            %dma_start3A_299 = tpu.memref_slice %arg13[%mul3A_297] : memref<4096xf32, #tpu.memory_space<vmem>> -> memref<256xf32, #tpu.memory_space<vmem>>
            %dma_start3A_300 = tpu.memref_slice %arg9[%add3A, %shift_right_arithmetic3A_163, %add3A_295] : memref<32x64x4096xf32, #tpu.memory_space<hbm>> -> memref<1x1x256xf32, #tpu.memory_space<hbm>>
            %dma_start3A_301 = tpu.memref_squeeze %dma_start3A_300 : memref<1x1x256xf32, #tpu.memory_space<hbm>> -> memref<256xf32, #tpu.memory_space<hbm>>
            %dma_start3A_302 = tpu.memref_slice %arg13[%mul3A_297] : memref<4096xf32, #tpu.memory_space<vmem>> -> memref<256xf32, #tpu.memory_space<vmem>>
            %dma_start3A_303 = tpu.memref_slice %arg9[%add3A, %shift_right_arithmetic3A_163, %add3A_295] : memref<32x64x4096xf32, #tpu.memory_space<hbm>> -> memref<1x1x256xf32, #tpu.memory_space<hbm>>
            %dma_start3A_304 = tpu.memref_squeeze %dma_start3A_303 : memref<1x1x256xf32, #tpu.memory_space<hbm>> -> memref<256xf32, #tpu.memory_space<hbm>>
            tpu.enqueue_dma source(%dma_start3A_304 : memref<256xf32, #tpu.memory_space<hbm>>) target(%dma_start3A_302 : memref<256xf32, #tpu.memory_space<vmem>>) target_semaphore(%run_scoped3A : memref<!tpu.dma_semaphore, #tpu.memory_space<semaphore_mem>>)
            %dma_wait3A_305 = tpu.memref_slice %arg13[%mul3A_297] : memref<4096xf32, #tpu.memory_space<vmem>> -> memref<256xf32, #tpu.memory_space<vmem>>
            %dma_wait3A_306 = tpu.memref_slice %arg9[%add3A, %shift_right_arithmetic3A_163, %add3A_295] : memref<32x64x4096xf32, #tpu.memory_space<hbm>> -> memref<1x1x256xf32, #tpu.memory_space<hbm>>
            %dma_wait3A_307 = tpu.memref_squeeze %dma_wait3A_306 : memref<1x1x256xf32, #tpu.memory_space<hbm>> -> memref<256xf32, #tpu.memory_space<hbm>>
            %dma_wait3A_308 = tpu.memref_slice %arg13[%mul3A_297] : memref<4096xf32, #tpu.memory_space<vmem>> -> memref<256xf32, #tpu.memory_space<vmem>>
            %dma_wait3A_309 = tpu.memref_slice %arg9[%add3A, %shift_right_arithmetic3A_163, %add3A_295] : memref<32x64x4096xf32, #tpu.memory_space<hbm>> -> memref<1x1x256xf32, #tpu.memory_space<hbm>>
            %dma_wait3A_310 = tpu.memref_squeeze %dma_wait3A_309 : memref<1x1x256xf32, #tpu.memory_space<hbm>> -> memref<256xf32, #tpu.memory_space<hbm>>
            tpu.wait_dma2 semaphore(%run_scoped3A : memref<!tpu.dma_semaphore, #tpu.memory_space<semaphore_mem>>) src(%dma_wait3A_310 : memref<256xf32, #tpu.memory_space<hbm>>) dst(%dma_wait3A_308 : memref<256xf32, #tpu.memory_space<vmem>>)
            tpu.yield
          }) : () -> ()
          %while3A_298 = arith.constant 0 : i32
          scf.yield %while3A_298 : i32
        }
        %add3A_248 = arith.constant 15 : i32
        %add3A_249 = arith.addi %get3A_168, %add3A_248 : i32
        %jit3A_250 = arith.constant 16 : i32
        %div3A_251 = arith.divsi %add3A_249, %jit3A_250 : i32
        %sign3A_252 = arith.constant 0 : i32
        %sign3A_253 = arith.cmpi sgt, %add3A_249, %sign3A_252 : i32
        %sign3A_254 = arith.extui %sign3A_253 : i1 to i32
        %sign3A_255 = arith.constant 0 : i32
        %sign3A_256 = arith.cmpi slt, %add3A_249, %sign3A_255 : i32
        %sign3A_257 = arith.extui %sign3A_256 : i1 to i32
        %sign3A_258 = arith.subi %sign3A_254, %sign3A_257 : i32
        %sign3A_259 = arith.constant 0 : i32
        %sign3A_260 = arith.cmpi sgt, %jit3A_250, %sign3A_259 : i32
        %sign3A_261 = arith.extui %sign3A_260 : i1 to i32
        %sign3A_262 = arith.constant 0 : i32
        %sign3A_263 = arith.cmpi slt, %jit3A_250, %sign3A_262 : i32
        %sign3A_264 = arith.extui %sign3A_263 : i1 to i32
        %sign3A_265 = arith.subi %sign3A_261, %sign3A_264 : i32
        %ne3A_266 = arith.cmpi ne, %sign3A_258, %sign3A_265 : i32
        %rem3A_267 = arith.remsi %add3A_249, %jit3A_250 : i32
        %ne3A_268 = arith.constant 0 : i32
        %ne3A_269 = arith.cmpi ne, %rem3A_267, %ne3A_268 : i32
        %and3A_270 = arith.andi %ne3A_266, %ne3A_269 : i1
        %sub3A_271 = arith.constant 1 : i32
        %sub3A_272 = arith.subi %div3A_251, %sub3A_271 : i32
        %select_n3A_273 = arith.select %and3A_270, %sub3A_272, %div3A_251 : i32
        %while3A_274 = arith.constant 4 : i32
        %while3A_275 = arith.constant 0 : i32
        %while3A_276 = arith.subi %select_n3A_273, %while3A_274 : i32
        %while3A_277 = arith.addi %while3A_274, %while3A_276 : i32
        %while3A_278 = arith.constant 1 : i32
        %while3A_279 = arith.divsi %while3A_276, %while3A_278 : i32
        %while3A_280 = arith.muli %while3A_279, %while3A_278 : i32
        %while3A_281 = arith.addi %while3A_274, %while3A_280 : i32
        %while3A_282 = arith.constant 1 : i32
        %while3A_283 = scf.for %while3A_286 = %while3A_274 to %while3A_281 step %while3A_282 iter_args(%while3A_287 = %while3A_275) -> (i32)  : i32 {
          %mul3A_288 = arith.constant 16 : i32
          %mul3A_289 = arith.muli %while3A_286, %mul3A_288 : i32
          %get3A_290 = arith.index_cast %mul3A_289 : i32 to index
          %get3A_291 = tpu.vector_load %arg12[%get3A_290] {strides = array<i32>} : memref<4096xi32, #tpu.memory_space<vmem>>, vector<16xi32>,
          %mul3A_292 = arith.constant 16 : i32
          %mul3A_293 = arith.muli %while3A_286, %mul3A_292 : i32
          %get3A_294 = arith.index_cast %mul3A_293 : i32 to index
          %get3A_295 = tpu.vector_load %arg13[%get3A_294] {strides = array<i32>} : memref<4096xf32, #tpu.memory_space<vmem>>, vector<16xf32>,
          %mul3A_296 = arith.constant 16 : i32
          %mul3A_297 = arith.muli %while3A_286, %mul3A_296 : i32
          %add3A_298 = vector.broadcast %mul3A_297 : i32 to vector<16xi32>
          %add3A_299 = arith.addi %add3A_298, %iota3A : vector<16xi32>
          %lt3A = vector.broadcast %get3A_168 : i32 to vector<16xi32>
          %lt3A_300 = arith.cmpi slt, %add3A_299, %lt3A : vector<16xi32>
          %and3A_301 = arith.constant 262143 : i32
          %and3A_302 = vector.broadcast %and3A_301 : i32 to vector<16xi32>
          %and3A_303 = arith.andi %get3A_291, %and3A_302 : vector<16xi32>
          %shift_right_arithmetic3A_304 = arith.constant 16 : i32
          %shift_right_arithmetic3A_305 = vector.broadcast %shift_right_arithmetic3A_304 : i32 to vector<16xi32>
          %shift_right_arithmetic3A_306 = arith.shrsi %and3A_303, %shift_right_arithmetic3A_305 : vector<16xi32>
          %eq3A_307 = arith.constant 1 : i32
          %eq3A_308 = vector.broadcast %eq3A_307 : i32 to vector<16xi32>
          %eq3A_309 = arith.cmpi eq, %shift_right_arithmetic3A_306, %eq3A_308 : vector<16xi32>
          %and3A_310 = arith.andi %lt3A_300, %eq3A_309 : vector<16xi1>
          %and3A_311 = arith.constant 65535 : i32
          %and3A_312 = vector.broadcast %and3A_311 : i32 to vector<16xi32>
          %and3A_313 = arith.andi %and3A_303, %and3A_312 : vector<16xi32>
          %shift_left3A = arith.constant 4 : i32
          %shift_left3A_314 = vector.broadcast %shift_left3A : i32 to vector<16xi32>
          %shift_left3A_315 = arith.shli %and3A_313, %shift_left3A_314 : vector<16xi32>
          %or3A = arith.ori %shift_left3A_315, %iota3A : vector<16xi32>
          %jit3A_316 = arith.constant 1073741824 : i32
          %broadcast_in_dim3A_317 = vector.broadcast %jit3A_316 : i32 to vector<16xi32>
          %select_n3A_318 = arith.select %and3A_310, %or3A, %broadcast_in_dim3A_317 : vector<16xi1>, vector<16xi32>
          %masked_sort3A = arith.constant dense<true> : vector<16xi1>
          %masked_sort3A_319 = arith.constant -2147483648 : i32
          %masked_sort3A_320 = vector.broadcast %masked_sort3A_319 : i32 to vector<16xi32>
          %masked_sort3A_321 = arith.xori %select_n3A_318, %masked_sort3A_320 : vector<16xi32>
          %masked_sort3A_322, %masked_sort3A_323, %masked_sort3A_324 = tpu.sort %masked_sort3A_321, %get3A_295 masked %masked_sort3A : (vector<16xi32>, vector<16xf32>, vector<16xi1>) -> (vector<16xi1>, vector<16xi32>, vector<16xf32>)
          %masked_sort3A_325 = arith.xori %masked_sort3A_323, %masked_sort3A_320 : vector<16xi32>
          %swap3A_326 = arith.constant 0 : index
          %swap3A_327 = tpu.vector_load %arg21[%swap3A_326] {strides = array<i32>} : memref<32xi32, #tpu.memory_space<vmem>>, vector<16xi32>,
          tpu.vector_store %arg21[%swap3A_326], %masked_sort3A_325 {strides = array<i32>} : memref<32xi32, #tpu.memory_space<vmem>>, vector<16xi32>,
          %get3A_328 = arith.constant 1 : index
          %get3A_329 = tpu.vector_load %arg21[%get3A_328] {strides = array<i32>} : memref<32xi32, #tpu.memory_space<vmem>>, vector<16xi32>,
          %lt3A_330 = arith.constant 1073741824 : i32
          %lt3A_331 = vector.broadcast %lt3A_330 : i32 to vector<16xi32>
          %lt3A_332 = arith.cmpi slt, %masked_sort3A_325, %lt3A_331 : vector<16xi32>
          %shift_right_arithmetic3A_333 = arith.constant 4 : i32
          %shift_right_arithmetic3A_334 = vector.broadcast %shift_right_arithmetic3A_333 : i32 to vector<16xi32>
          %shift_right_arithmetic3A_335 = arith.shrsi %masked_sort3A_325, %shift_right_arithmetic3A_334 : vector<16xi32>
          %shift_right_arithmetic3A_336 = arith.constant 4 : i32
          %shift_right_arithmetic3A_337 = vector.broadcast %shift_right_arithmetic3A_336 : i32 to vector<16xi32>
          %shift_right_arithmetic3A_338 = arith.shrsi %get3A_329, %shift_right_arithmetic3A_337 : vector<16xi32>
          %ne3A_339 = arith.cmpi ne, %shift_right_arithmetic3A_335, %shift_right_arithmetic3A_338 : vector<16xi32>
          %and3A_340 = arith.andi %lt3A_332, %ne3A_339 : vector<16xi1>
          %shift_right_arithmetic3A_341 = arith.constant 4 : i32
          %shift_right_arithmetic3A_342 = vector.broadcast %shift_right_arithmetic3A_341 : i32 to vector<16xi32>
          %shift_right_arithmetic3A_343 = arith.shrsi %masked_sort3A_325, %shift_right_arithmetic3A_342 : vector<16xi32>
          %min3A_344 = arith.constant 65535 : i32
          %min3A_345 = vector.broadcast %min3A_344 : i32 to vector<16xi32>
          %min3A_346 = arith.minsi %shift_right_arithmetic3A_343, %min3A_345 : vector<16xi32>
          tpu.vector_store_idx %arg18[%min3A_346], %masked_sort3A_324 masked %and3A_340 : memref<65536xf32, #tpu.memory_space<vmem>>[vector<16xi32>], vector<16xf32>, vector<16xi1>
          %while3A_347 = arith.constant 0 : i32
          scf.yield %while3A_347 : i32
        }
        %while3A_284 = arith.constant 1 : i32
        %while3A_285 = scf.for %while3A_286 = %while3A_281 to %while3A_277 step %while3A_284 iter_args(%while3A_287 = %while3A_283) -> (i32)  : i32 {
          %mul3A_288 = arith.constant 16 : i32
          %mul3A_289 = arith.muli %while3A_286, %mul3A_288 : i32
          %get3A_290 = arith.index_cast %mul3A_289 : i32 to index
          %get3A_291 = tpu.vector_load %arg12[%get3A_290] {strides = array<i32>} : memref<4096xi32, #tpu.memory_space<vmem>>, vector<16xi32>,
          %mul3A_292 = arith.constant 16 : i32
          %mul3A_293 = arith.muli %while3A_286, %mul3A_292 : i32
          %get3A_294 = arith.index_cast %mul3A_293 : i32 to index
          %get3A_295 = tpu.vector_load %arg13[%get3A_294] {strides = array<i32>} : memref<4096xf32, #tpu.memory_space<vmem>>, vector<16xf32>,
          %mul3A_296 = arith.constant 16 : i32
          %mul3A_297 = arith.muli %while3A_286, %mul3A_296 : i32
          %add3A_298 = vector.broadcast %mul3A_297 : i32 to vector<16xi32>
          %add3A_299 = arith.addi %add3A_298, %iota3A : vector<16xi32>
          %lt3A = vector.broadcast %get3A_168 : i32 to vector<16xi32>
          %lt3A_300 = arith.cmpi slt, %add3A_299, %lt3A : vector<16xi32>
          %and3A_301 = arith.constant 262143 : i32
          %and3A_302 = vector.broadcast %and3A_301 : i32 to vector<16xi32>
          %and3A_303 = arith.andi %get3A_291, %and3A_302 : vector<16xi32>
          %shift_right_arithmetic3A_304 = arith.constant 16 : i32
          %shift_right_arithmetic3A_305 = vector.broadcast %shift_right_arithmetic3A_304 : i32 to vector<16xi32>
          %shift_right_arithmetic3A_306 = arith.shrsi %and3A_303, %shift_right_arithmetic3A_305 : vector<16xi32>
          %eq3A_307 = arith.constant 1 : i32
          %eq3A_308 = vector.broadcast %eq3A_307 : i32 to vector<16xi32>
          %eq3A_309 = arith.cmpi eq, %shift_right_arithmetic3A_306, %eq3A_308 : vector<16xi32>
          %and3A_310 = arith.andi %lt3A_300, %eq3A_309 : vector<16xi1>
          %and3A_311 = arith.constant 65535 : i32
          %and3A_312 = vector.broadcast %and3A_311 : i32 to vector<16xi32>
          %and3A_313 = arith.andi %and3A_303, %and3A_312 : vector<16xi32>
          %shift_left3A = arith.constant 4 : i32
          %shift_left3A_314 = vector.broadcast %shift_left3A : i32 to vector<16xi32>
          %shift_left3A_315 = arith.shli %and3A_313, %shift_left3A_314 : vector<16xi32>
          %or3A = arith.ori %shift_left3A_315, %iota3A : vector<16xi32>
          %jit3A_316 = arith.constant 1073741824 : i32
          %broadcast_in_dim3A_317 = vector.broadcast %jit3A_316 : i32 to vector<16xi32>
          %select_n3A_318 = arith.select %and3A_310, %or3A, %broadcast_in_dim3A_317 : vector<16xi1>, vector<16xi32>
          %masked_sort3A = arith.constant dense<true> : vector<16xi1>
          %masked_sort3A_319 = arith.constant -2147483648 : i32
          %masked_sort3A_320 = vector.broadcast %masked_sort3A_319 : i32 to vector<16xi32>
          %masked_sort3A_321 = arith.xori %select_n3A_318, %masked_sort3A_320 : vector<16xi32>
          %masked_sort3A_322, %masked_sort3A_323, %masked_sort3A_324 = tpu.sort %masked_sort3A_321, %get3A_295 masked %masked_sort3A : (vector<16xi32>, vector<16xf32>, vector<16xi1>) -> (vector<16xi1>, vector<16xi32>, vector<16xf32>)
          %masked_sort3A_325 = arith.xori %masked_sort3A_323, %masked_sort3A_320 : vector<16xi32>
          %swap3A_326 = arith.constant 0 : index
          %swap3A_327 = tpu.vector_load %arg21[%swap3A_326] {strides = array<i32>} : memref<32xi32, #tpu.memory_space<vmem>>, vector<16xi32>,
          tpu.vector_store %arg21[%swap3A_326], %masked_sort3A_325 {strides = array<i32>} : memref<32xi32, #tpu.memory_space<vmem>>, vector<16xi32>,
          %get3A_328 = arith.constant 1 : index
          %get3A_329 = tpu.vector_load %arg21[%get3A_328] {strides = array<i32>} : memref<32xi32, #tpu.memory_space<vmem>>, vector<16xi32>,
          %lt3A_330 = arith.constant 1073741824 : i32
          %lt3A_331 = vector.broadcast %lt3A_330 : i32 to vector<16xi32>
          %lt3A_332 = arith.cmpi slt, %masked_sort3A_325, %lt3A_331 : vector<16xi32>
          %shift_right_arithmetic3A_333 = arith.constant 4 : i32
          %shift_right_arithmetic3A_334 = vector.broadcast %shift_right_arithmetic3A_333 : i32 to vector<16xi32>
          %shift_right_arithmetic3A_335 = arith.shrsi %masked_sort3A_325, %shift_right_arithmetic3A_334 : vector<16xi32>
          %shift_right_arithmetic3A_336 = arith.constant 4 : i32
          %shift_right_arithmetic3A_337 = vector.broadcast %shift_right_arithmetic3A_336 : i32 to vector<16xi32>
          %shift_right_arithmetic3A_338 = arith.shrsi %get3A_329, %shift_right_arithmetic3A_337 : vector<16xi32>
          %ne3A_339 = arith.cmpi ne, %shift_right_arithmetic3A_335, %shift_right_arithmetic3A_338 : vector<16xi32>
          %and3A_340 = arith.andi %lt3A_332, %ne3A_339 : vector<16xi1>
          %shift_right_arithmetic3A_341 = arith.constant 4 : i32
          %shift_right_arithmetic3A_342 = vector.broadcast %shift_right_arithmetic3A_341 : i32 to vector<16xi32>
          %shift_right_arithmetic3A_343 = arith.shrsi %masked_sort3A_325, %shift_right_arithmetic3A_342 : vector<16xi32>
          %min3A_344 = arith.constant 65535 : i32
          %min3A_345 = vector.broadcast %min3A_344 : i32 to vector<16xi32>
          %min3A_346 = arith.minsi %shift_right_arithmetic3A_343, %min3A_345 : vector<16xi32>
          tpu.vector_store_idx %arg18[%min3A_346], %masked_sort3A_324 masked %and3A_340 : memref<65536xf32, #tpu.memory_space<vmem>>[vector<16xi32>], vector<16xf32>, vector<16xi1>
          %while3A_347 = arith.constant 0 : i32
          scf.yield %while3A_347 : i32
        }
      } else {
      }
      %scan3A_207 = arith.constant 0 : i32
      scf.yield %scan3A_207 : i32
    }
    %scan3A_118 = arith.constant 256 : i32
    %dma_start3A_119 = tpu.memref_slice %arg7[%add3A_111] : memref<8388608xf32, #tpu.memory_space<hbm>> -> memref<65536xf32, #tpu.memory_space<hbm>>
    %dma_start3A_120 = tpu.memref_slice %arg7[%add3A_111] : memref<8388608xf32, #tpu.memory_space<hbm>> -> memref<65536xf32, #tpu.memory_space<hbm>>
    tpu.enqueue_dma source(%arg18 : memref<65536xf32, #tpu.memory_space<vmem>>) target(%dma_start3A_120 : memref<65536xf32, #tpu.memory_space<hbm>>) target_semaphore(%arg26 : memref<!tpu.dma_semaphore, #tpu.memory_space<semaphore_mem>>)
    %dma_wait3A_121 = tpu.memref_slice %arg7[%add3A_111] : memref<8388608xf32, #tpu.memory_space<hbm>> -> memref<65536xf32, #tpu.memory_space<hbm>>
    %dma_wait3A_122 = tpu.memref_slice %arg7[%add3A_111] : memref<8388608xf32, #tpu.memory_space<hbm>> -> memref<65536xf32, #tpu.memory_space<hbm>>
    tpu.wait_dma2 semaphore(%arg26 : memref<!tpu.dma_semaphore, #tpu.memory_space<semaphore_mem>>) src(%arg18 : memref<65536xf32, #tpu.memory_space<vmem>>) dst(%dma_wait3A_122 : memref<65536xf32, #tpu.memory_space<hbm>>)
    %add3A_123 = arith.constant 65536 : i32
    %add3A_124 = arith.addi %add3A_111, %add3A_123 : i32
    "tpu.region"() ({
      %run_scoped3A = tpu.sem_alloc : memref<!tpu.dma_semaphore, #tpu.memory_space<semaphore_mem>>
      %dma_start3A_161 = tpu.memref_slice %arg2[%add3A_124] : memref<8388608xf32, #tpu.memory_space<hbm>> -> memref<65536xf32, #tpu.memory_space<hbm>>
      %dma_start3A_162 = tpu.memref_slice %arg2[%add3A_124] : memref<8388608xf32, #tpu.memory_space<hbm>> -> memref<65536xf32, #tpu.memory_space<hbm>>
      tpu.enqueue_dma source(%dma_start3A_162 : memref<65536xf32, #tpu.memory_space<hbm>>) target(%arg18 : memref<65536xf32, #tpu.memory_space<vmem>>) target_semaphore(%run_scoped3A : memref<!tpu.dma_semaphore, #tpu.memory_space<semaphore_mem>>)
      %dma_wait3A_163 = tpu.memref_slice %arg2[%add3A_124] : memref<8388608xf32, #tpu.memory_space<hbm>> -> memref<65536xf32, #tpu.memory_space<hbm>>
      %dma_wait3A_164 = tpu.memref_slice %arg2[%add3A_124] : memref<8388608xf32, #tpu.memory_space<hbm>> -> memref<65536xf32, #tpu.memory_space<hbm>>
      tpu.wait_dma2 semaphore(%run_scoped3A : memref<!tpu.dma_semaphore, #tpu.memory_space<semaphore_mem>>) src(%dma_wait3A_164 : memref<65536xf32, #tpu.memory_space<hbm>>) dst(%arg18 : memref<65536xf32, #tpu.memory_space<vmem>>)
      tpu.yield
    }) : () -> ()
    %mul3A_125 = arith.constant 262144 : i32
    %mul3A_126 = arith.muli %add3A, %mul3A_125 : i32
    %add3A_127 = arith.constant 131072 : i32
    %add3A_128 = arith.addi %mul3A_126, %add3A_127 : i32
    %scan3A_129 = arith.constant 0 : i32
    %scan3A_130 = arith.constant 0 : i32
    %scan3A_131 = arith.constant 256 : i32
    %scan3A_132 = arith.addi %scan3A_130, %scan3A_131 : i32
    %scan3A_133 = arith.constant 1 : i32
    %scan3A_134 = scf.for %scan3A_161 = %scan3A_130 to %scan3A_132 step %scan3A_133 iter_args(%scan3A_162 = %scan3A_129) -> (i32)  : i32 {
      %shift_right_arithmetic3A = arith.constant 2 : i32
      %shift_right_arithmetic3A_163 = arith.shrsi %scan3A_161, %shift_right_arithmetic3A : i32
      %and3A = arith.constant 3 : i32
      %and3A_164 = arith.andi %scan3A_161, %and3A : i32
      %mul3A_165 = arith.constant 1024 : i32
      %mul3A_166 = arith.muli %and3A_164, %mul3A_165 : i32
      %get3A_167 = arith.index_cast %scan3A_161 : i32 to index
      %get3A_168 = memref.load %arg22[%get3A_167] : memref<256xi32, #tpu.memory_space<smem>>
      %min3A_169 = arith.constant 64 : i32
      %min3A_170 = arith.minsi %get3A_168, %min3A_169 : i32
      %add3A_171 = arith.constant 15 : i32
      %add3A_172 = arith.addi %min3A_170, %add3A_171 : i32
      %jit3A_173 = arith.constant 16 : i32
      %div3A = arith.divsi %add3A_172, %jit3A_173 : i32
      %sign3A = arith.constant 0 : i32
      %sign3A_174 = arith.cmpi sgt, %add3A_172, %sign3A : i32
      %sign3A_175 = arith.extui %sign3A_174 : i1 to i32
      %sign3A_176 = arith.constant 0 : i32
      %sign3A_177 = arith.cmpi slt, %add3A_172, %sign3A_176 : i32
      %sign3A_178 = arith.extui %sign3A_177 : i1 to i32
      %sign3A_179 = arith.subi %sign3A_175, %sign3A_178 : i32
      %sign3A_180 = arith.constant 0 : i32
      %sign3A_181 = arith.cmpi sgt, %jit3A_173, %sign3A_180 : i32
      %sign3A_182 = arith.extui %sign3A_181 : i1 to i32
      %sign3A_183 = arith.constant 0 : i32
      %sign3A_184 = arith.cmpi slt, %jit3A_173, %sign3A_183 : i32
      %sign3A_185 = arith.extui %sign3A_184 : i1 to i32
      %sign3A_186 = arith.subi %sign3A_182, %sign3A_185 : i32
      %ne3A = arith.cmpi ne, %sign3A_179, %sign3A_186 : i32
      %rem3A = arith.remsi %add3A_172, %jit3A_173 : i32
      %ne3A_187 = arith.constant 0 : i32
      %ne3A_188 = arith.cmpi ne, %rem3A, %ne3A_187 : i32
      %and3A_189 = arith.andi %ne3A, %ne3A_188 : i1
      %sub3A_190 = arith.constant 1 : i32
      %sub3A_191 = arith.subi %div3A, %sub3A_190 : i32
      %select_n3A_192 = arith.select %and3A_189, %sub3A_191, %div3A : i32
      %while3A_193 = arith.constant 0 : i32
      %while3A_194 = arith.constant 0 : i32
      %while3A_195 = arith.subi %select_n3A_192, %while3A_193 : i32
      %while3A_196 = arith.addi %while3A_193, %while3A_195 : i32
      %while3A_197 = arith.constant 1 : i32
      %while3A_198 = arith.divsi %while3A_195, %while3A_197 : i32
      %while3A_199 = arith.muli %while3A_198, %while3A_197 : i32
      %while3A_200 = arith.addi %while3A_193, %while3A_199 : i32
      %while3A_201 = arith.constant 1 : i32
      %while3A_202 = scf.for %while3A_208 = %while3A_193 to %while3A_200 step %while3A_201 iter_args(%while3A_209 = %while3A_194) -> (i32)  : i32 {
        %mul3A_210 = arith.constant 64 : i32
        %mul3A_211 = arith.muli %scan3A_161, %mul3A_210 : i32
        %mul3A_212 = arith.constant 16 : i32
        %mul3A_213 = arith.muli %while3A_208, %mul3A_212 : i32
        %add3A_214 = arith.addi %mul3A_211, %mul3A_213 : i32
        %get3A_215 = arith.index_cast %add3A_214 : i32 to index
        %get3A_216 = tpu.vector_load %arg19[%get3A_215] {strides = array<i32>} : memref<16384xi32, #tpu.memory_space<vmem>>, vector<16xi32>,
        %mul3A_217 = arith.constant 64 : i32
        %mul3A_218 = arith.muli %scan3A_161, %mul3A_217 : i32
        %mul3A_219 = arith.constant 16 : i32
        %mul3A_220 = arith.muli %while3A_208, %mul3A_219 : i32
        %add3A_221 = arith.addi %mul3A_218, %mul3A_220 : i32
        %get3A_222 = arith.index_cast %add3A_221 : i32 to index
        %get3A_223 = tpu.vector_load %arg20[%get3A_222] {strides = array<i32>} : memref<16384xf32, #tpu.memory_space<vmem>>, vector<16xf32>,
        %mul3A_224 = arith.constant 16 : i32
        %mul3A_225 = arith.muli %while3A_208, %mul3A_224 : i32
        %add3A_226 = vector.broadcast %mul3A_225 : i32 to vector<16xi32>
        %add3A_227 = arith.addi %add3A_226, %iota3A : vector<16xi32>
        %lt3A = vector.broadcast %min3A_170 : i32 to vector<16xi32>
        %lt3A_228 = arith.cmpi slt, %add3A_227, %lt3A : vector<16xi32>
        %and3A_229 = arith.constant 262143 : i32
        %and3A_230 = vector.broadcast %and3A_229 : i32 to vector<16xi32>
        %and3A_231 = arith.andi %get3A_216, %and3A_230 : vector<16xi32>
        %shift_right_arithmetic3A_232 = arith.constant 16 : i32
        %shift_right_arithmetic3A_233 = vector.broadcast %shift_right_arithmetic3A_232 : i32 to vector<16xi32>
        %shift_right_arithmetic3A_234 = arith.shrsi %and3A_231, %shift_right_arithmetic3A_233 : vector<16xi32>
        %eq3A_235 = arith.constant 2 : i32
        %eq3A_236 = vector.broadcast %eq3A_235 : i32 to vector<16xi32>
        %eq3A_237 = arith.cmpi eq, %shift_right_arithmetic3A_234, %eq3A_236 : vector<16xi32>
        %and3A_238 = arith.andi %lt3A_228, %eq3A_237 : vector<16xi1>
        %and3A_239 = arith.constant 65535 : i32
        %and3A_240 = vector.broadcast %and3A_239 : i32 to vector<16xi32>
        %and3A_241 = arith.andi %and3A_231, %and3A_240 : vector<16xi32>
        %shift_left3A = arith.constant 4 : i32
        %shift_left3A_242 = vector.broadcast %shift_left3A : i32 to vector<16xi32>
        %shift_left3A_243 = arith.shli %and3A_241, %shift_left3A_242 : vector<16xi32>
        %or3A = arith.ori %shift_left3A_243, %iota3A : vector<16xi32>
        %jit3A_244 = arith.constant 1073741824 : i32
        %broadcast_in_dim3A_245 = vector.broadcast %jit3A_244 : i32 to vector<16xi32>
        %select_n3A_246 = arith.select %and3A_238, %or3A, %broadcast_in_dim3A_245 : vector<16xi1>, vector<16xi32>
        %masked_sort3A = arith.constant dense<true> : vector<16xi1>
        %masked_sort3A_247 = arith.constant -2147483648 : i32
        %masked_sort3A_248 = vector.broadcast %masked_sort3A_247 : i32 to vector<16xi32>
        %masked_sort3A_249 = arith.xori %select_n3A_246, %masked_sort3A_248 : vector<16xi32>
        %masked_sort3A_250, %masked_sort3A_251, %masked_sort3A_252 = tpu.sort %masked_sort3A_249, %get3A_223 masked %masked_sort3A : (vector<16xi32>, vector<16xf32>, vector<16xi1>) -> (vector<16xi1>, vector<16xi32>, vector<16xf32>)
        %masked_sort3A_253 = arith.xori %masked_sort3A_251, %masked_sort3A_248 : vector<16xi32>
        %swap3A_254 = arith.constant 0 : index
        %swap3A_255 = tpu.vector_load %arg21[%swap3A_254] {strides = array<i32>} : memref<32xi32, #tpu.memory_space<vmem>>, vector<16xi32>,
        tpu.vector_store %arg21[%swap3A_254], %masked_sort3A_253 {strides = array<i32>} : memref<32xi32, #tpu.memory_space<vmem>>, vector<16xi32>,
        %get3A_256 = arith.constant 1 : index
        %get3A_257 = tpu.vector_load %arg21[%get3A_256] {strides = array<i32>} : memref<32xi32, #tpu.memory_space<vmem>>, vector<16xi32>,
        %lt3A_258 = arith.constant 1073741824 : i32
        %lt3A_259 = vector.broadcast %lt3A_258 : i32 to vector<16xi32>
        %lt3A_260 = arith.cmpi slt, %masked_sort3A_253, %lt3A_259 : vector<16xi32>
        %shift_right_arithmetic3A_261 = arith.constant 4 : i32
        %shift_right_arithmetic3A_262 = vector.broadcast %shift_right_arithmetic3A_261 : i32 to vector<16xi32>
        %shift_right_arithmetic3A_263 = arith.shrsi %masked_sort3A_253, %shift_right_arithmetic3A_262 : vector<16xi32>
        %shift_right_arithmetic3A_264 = arith.constant 4 : i32
        %shift_right_arithmetic3A_265 = vector.broadcast %shift_right_arithmetic3A_264 : i32 to vector<16xi32>
        %shift_right_arithmetic3A_266 = arith.shrsi %get3A_257, %shift_right_arithmetic3A_265 : vector<16xi32>
        %ne3A_267 = arith.cmpi ne, %shift_right_arithmetic3A_263, %shift_right_arithmetic3A_266 : vector<16xi32>
        %and3A_268 = arith.andi %lt3A_260, %ne3A_267 : vector<16xi1>
        %shift_right_arithmetic3A_269 = arith.constant 4 : i32
        %shift_right_arithmetic3A_270 = vector.broadcast %shift_right_arithmetic3A_269 : i32 to vector<16xi32>
        %shift_right_arithmetic3A_271 = arith.shrsi %masked_sort3A_253, %shift_right_arithmetic3A_270 : vector<16xi32>
        %min3A_272 = arith.constant 65535 : i32
        %min3A_273 = vector.broadcast %min3A_272 : i32 to vector<16xi32>
        %min3A_274 = arith.minsi %shift_right_arithmetic3A_271, %min3A_273 : vector<16xi32>
        tpu.vector_store_idx %arg18[%min3A_274], %masked_sort3A_252 masked %and3A_268 : memref<65536xf32, #tpu.memory_space<vmem>>[vector<16xi32>], vector<16xf32>, vector<16xi1>
        %while3A_275 = arith.constant 0 : i32
        scf.yield %while3A_275 : i32
      }
      %while3A_203 = arith.constant 1 : i32
      %while3A_204 = scf.for %while3A_208 = %while3A_200 to %while3A_196 step %while3A_203 iter_args(%while3A_209 = %while3A_202) -> (i32)  : i32 {
        %mul3A_210 = arith.constant 64 : i32
        %mul3A_211 = arith.muli %scan3A_161, %mul3A_210 : i32
        %mul3A_212 = arith.constant 16 : i32
        %mul3A_213 = arith.muli %while3A_208, %mul3A_212 : i32
        %add3A_214 = arith.addi %mul3A_211, %mul3A_213 : i32
        %get3A_215 = arith.index_cast %add3A_214 : i32 to index
        %get3A_216 = tpu.vector_load %arg19[%get3A_215] {strides = array<i32>} : memref<16384xi32, #tpu.memory_space<vmem>>, vector<16xi32>,
        %mul3A_217 = arith.constant 64 : i32
        %mul3A_218 = arith.muli %scan3A_161, %mul3A_217 : i32
        %mul3A_219 = arith.constant 16 : i32
        %mul3A_220 = arith.muli %while3A_208, %mul3A_219 : i32
        %add3A_221 = arith.addi %mul3A_218, %mul3A_220 : i32
        %get3A_222 = arith.index_cast %add3A_221 : i32 to index
        %get3A_223 = tpu.vector_load %arg20[%get3A_222] {strides = array<i32>} : memref<16384xf32, #tpu.memory_space<vmem>>, vector<16xf32>,
        %mul3A_224 = arith.constant 16 : i32
        %mul3A_225 = arith.muli %while3A_208, %mul3A_224 : i32
        %add3A_226 = vector.broadcast %mul3A_225 : i32 to vector<16xi32>
        %add3A_227 = arith.addi %add3A_226, %iota3A : vector<16xi32>
        %lt3A = vector.broadcast %min3A_170 : i32 to vector<16xi32>
        %lt3A_228 = arith.cmpi slt, %add3A_227, %lt3A : vector<16xi32>
        %and3A_229 = arith.constant 262143 : i32
        %and3A_230 = vector.broadcast %and3A_229 : i32 to vector<16xi32>
        %and3A_231 = arith.andi %get3A_216, %and3A_230 : vector<16xi32>
        %shift_right_arithmetic3A_232 = arith.constant 16 : i32
        %shift_right_arithmetic3A_233 = vector.broadcast %shift_right_arithmetic3A_232 : i32 to vector<16xi32>
        %shift_right_arithmetic3A_234 = arith.shrsi %and3A_231, %shift_right_arithmetic3A_233 : vector<16xi32>
        %eq3A_235 = arith.constant 2 : i32
        %eq3A_236 = vector.broadcast %eq3A_235 : i32 to vector<16xi32>
        %eq3A_237 = arith.cmpi eq, %shift_right_arithmetic3A_234, %eq3A_236 : vector<16xi32>
        %and3A_238 = arith.andi %lt3A_228, %eq3A_237 : vector<16xi1>
        %and3A_239 = arith.constant 65535 : i32
        %and3A_240 = vector.broadcast %and3A_239 : i32 to vector<16xi32>
        %and3A_241 = arith.andi %and3A_231, %and3A_240 : vector<16xi32>
        %shift_left3A = arith.constant 4 : i32
        %shift_left3A_242 = vector.broadcast %shift_left3A : i32 to vector<16xi32>
        %shift_left3A_243 = arith.shli %and3A_241, %shift_left3A_242 : vector<16xi32>
        %or3A = arith.ori %shift_left3A_243, %iota3A : vector<16xi32>
        %jit3A_244 = arith.constant 1073741824 : i32
        %broadcast_in_dim3A_245 = vector.broadcast %jit3A_244 : i32 to vector<16xi32>
        %select_n3A_246 = arith.select %and3A_238, %or3A, %broadcast_in_dim3A_245 : vector<16xi1>, vector<16xi32>
        %masked_sort3A = arith.constant dense<true> : vector<16xi1>
        %masked_sort3A_247 = arith.constant -2147483648 : i32
        %masked_sort3A_248 = vector.broadcast %masked_sort3A_247 : i32 to vector<16xi32>
        %masked_sort3A_249 = arith.xori %select_n3A_246, %masked_sort3A_248 : vector<16xi32>
        %masked_sort3A_250, %masked_sort3A_251, %masked_sort3A_252 = tpu.sort %masked_sort3A_249, %get3A_223 masked %masked_sort3A : (vector<16xi32>, vector<16xf32>, vector<16xi1>) -> (vector<16xi1>, vector<16xi32>, vector<16xf32>)
        %masked_sort3A_253 = arith.xori %masked_sort3A_251, %masked_sort3A_248 : vector<16xi32>
        %swap3A_254 = arith.constant 0 : index
        %swap3A_255 = tpu.vector_load %arg21[%swap3A_254] {strides = array<i32>} : memref<32xi32, #tpu.memory_space<vmem>>, vector<16xi32>,
        tpu.vector_store %arg21[%swap3A_254], %masked_sort3A_253 {strides = array<i32>} : memref<32xi32, #tpu.memory_space<vmem>>, vector<16xi32>,
        %get3A_256 = arith.constant 1 : index
        %get3A_257 = tpu.vector_load %arg21[%get3A_256] {strides = array<i32>} : memref<32xi32, #tpu.memory_space<vmem>>, vector<16xi32>,
        %lt3A_258 = arith.constant 1073741824 : i32
        %lt3A_259 = vector.broadcast %lt3A_258 : i32 to vector<16xi32>
        %lt3A_260 = arith.cmpi slt, %masked_sort3A_253, %lt3A_259 : vector<16xi32>
        %shift_right_arithmetic3A_261 = arith.constant 4 : i32
        %shift_right_arithmetic3A_262 = vector.broadcast %shift_right_arithmetic3A_261 : i32 to vector<16xi32>
        %shift_right_arithmetic3A_263 = arith.shrsi %masked_sort3A_253, %shift_right_arithmetic3A_262 : vector<16xi32>
        %shift_right_arithmetic3A_264 = arith.constant 4 : i32
        %shift_right_arithmetic3A_265 = vector.broadcast %shift_right_arithmetic3A_264 : i32 to vector<16xi32>
        %shift_right_arithmetic3A_266 = arith.shrsi %get3A_257, %shift_right_arithmetic3A_265 : vector<16xi32>
        %ne3A_267 = arith.cmpi ne, %shift_right_arithmetic3A_263, %shift_right_arithmetic3A_266 : vector<16xi32>
        %and3A_268 = arith.andi %lt3A_260, %ne3A_267 : vector<16xi1>
        %shift_right_arithmetic3A_269 = arith.constant 4 : i32
        %shift_right_arithmetic3A_270 = vector.broadcast %shift_right_arithmetic3A_269 : i32 to vector<16xi32>
        %shift_right_arithmetic3A_271 = arith.shrsi %masked_sort3A_253, %shift_right_arithmetic3A_270 : vector<16xi32>
        %min3A_272 = arith.constant 65535 : i32
        %min3A_273 = vector.broadcast %min3A_272 : i32 to vector<16xi32>
        %min3A_274 = arith.minsi %shift_right_arithmetic3A_271, %min3A_273 : vector<16xi32>
        tpu.vector_store_idx %arg18[%min3A_274], %masked_sort3A_252 masked %and3A_268 : memref<65536xf32, #tpu.memory_space<vmem>>[vector<16xi32>], vector<16xf32>, vector<16xi1>
        %while3A_275 = arith.constant 0 : i32
        scf.yield %while3A_275 : i32
      }
      %gt3A = arith.constant 64 : i32
      %gt3A_205 = arith.cmpi sgt, %get3A_168, %gt3A : i32
      %convert_element_type3A = arith.extui %gt3A_205 : i1 to i32
      %cond3A = arith.constant 0 : i32
      %cond3A_206 = arith.cmpi ne, %convert_element_type3A, %cond3A : i32
      scf.if %cond3A_206 {
        %add3A_208 = arith.constant 256 : i32
        %add3A_209 = arith.addi %get3A_168, %add3A_208 : i32
        %sub3A_210 = arith.constant 1 : i32
        %sub3A_211 = arith.subi %add3A_209, %sub3A_210 : i32
        %jit3A_212 = arith.constant 256 : i32
        %div3A_213 = arith.divsi %sub3A_211, %jit3A_212 : i32
        %sign3A_214 = arith.constant 0 : i32
        %sign3A_215 = arith.cmpi sgt, %sub3A_211, %sign3A_214 : i32
        %sign3A_216 = arith.extui %sign3A_215 : i1 to i32
        %sign3A_217 = arith.constant 0 : i32
        %sign3A_218 = arith.cmpi slt, %sub3A_211, %sign3A_217 : i32
        %sign3A_219 = arith.extui %sign3A_218 : i1 to i32
        %sign3A_220 = arith.subi %sign3A_216, %sign3A_219 : i32
        %sign3A_221 = arith.constant 0 : i32
        %sign3A_222 = arith.cmpi sgt, %jit3A_212, %sign3A_221 : i32
        %sign3A_223 = arith.extui %sign3A_222 : i1 to i32
        %sign3A_224 = arith.constant 0 : i32
        %sign3A_225 = arith.cmpi slt, %jit3A_212, %sign3A_224 : i32
        %sign3A_226 = arith.extui %sign3A_225 : i1 to i32
        %sign3A_227 = arith.subi %sign3A_223, %sign3A_226 : i32
        %ne3A_228 = arith.cmpi ne, %sign3A_220, %sign3A_227 : i32
        %rem3A_229 = arith.remsi %sub3A_211, %jit3A_212 : i32
        %ne3A_230 = arith.constant 0 : i32
        %ne3A_231 = arith.cmpi ne, %rem3A_229, %ne3A_230 : i32
        %and3A_232 = arith.andi %ne3A_228, %ne3A_231 : i1
        %sub3A_233 = arith.constant 1 : i32
        %sub3A_234 = arith.subi %div3A_213, %sub3A_233 : i32
        %select_n3A_235 = arith.select %and3A_232, %sub3A_234, %div3A_213 : i32
        %while3A_236 = arith.constant 0 : i32
        %while3A_237 = arith.constant 0 : i32
        %while3A_238 = arith.subi %select_n3A_235, %while3A_236 : i32
        %while3A_239 = arith.addi %while3A_236, %while3A_238 : i32
        %while3A_240 = arith.constant 1 : i32
        %while3A_241 = arith.divsi %while3A_238, %while3A_240 : i32
        %while3A_242 = arith.muli %while3A_241, %while3A_240 : i32
        %while3A_243 = arith.addi %while3A_236, %while3A_242 : i32
        %while3A_244 = arith.constant 1 : i32
        %while3A_245 = scf.for %while3A_286 = %while3A_236 to %while3A_243 step %while3A_244 iter_args(%while3A_287 = %while3A_237) -> (i32)  : i32 {
          %mul3A_288 = arith.constant 256 : i32
          %mul3A_289 = arith.muli %while3A_286, %mul3A_288 : i32
          %add3A_290 = arith.addi %mul3A_166, %mul3A_289 : i32
          %mul3A_291 = arith.constant 256 : i32
          %mul3A_292 = arith.muli %while3A_286, %mul3A_291 : i32
          "tpu.region"() ({
            %run_scoped3A = tpu.sem_alloc : memref<!tpu.dma_semaphore, #tpu.memory_space<semaphore_mem>>
            %dma_start3A_299 = tpu.memref_slice %arg12[%mul3A_292] : memref<4096xi32, #tpu.memory_space<vmem>> -> memref<256xi32, #tpu.memory_space<vmem>>
            %dma_start3A_300 = tpu.memref_slice %arg8[%add3A, %shift_right_arithmetic3A_163, %add3A_290] : memref<32x64x4096xi32, #tpu.memory_space<hbm>> -> memref<1x1x256xi32, #tpu.memory_space<hbm>>
            %dma_start3A_301 = tpu.memref_squeeze %dma_start3A_300 : memref<1x1x256xi32, #tpu.memory_space<hbm>> -> memref<256xi32, #tpu.memory_space<hbm>>
            %dma_start3A_302 = tpu.memref_slice %arg12[%mul3A_292] : memref<4096xi32, #tpu.memory_space<vmem>> -> memref<256xi32, #tpu.memory_space<vmem>>
            %dma_start3A_303 = tpu.memref_slice %arg8[%add3A, %shift_right_arithmetic3A_163, %add3A_290] : memref<32x64x4096xi32, #tpu.memory_space<hbm>> -> memref<1x1x256xi32, #tpu.memory_space<hbm>>
            %dma_start3A_304 = tpu.memref_squeeze %dma_start3A_303 : memref<1x1x256xi32, #tpu.memory_space<hbm>> -> memref<256xi32, #tpu.memory_space<hbm>>
            tpu.enqueue_dma source(%dma_start3A_304 : memref<256xi32, #tpu.memory_space<hbm>>) target(%dma_start3A_302 : memref<256xi32, #tpu.memory_space<vmem>>) target_semaphore(%run_scoped3A : memref<!tpu.dma_semaphore, #tpu.memory_space<semaphore_mem>>)
            %dma_wait3A_305 = tpu.memref_slice %arg12[%mul3A_292] : memref<4096xi32, #tpu.memory_space<vmem>> -> memref<256xi32, #tpu.memory_space<vmem>>
            %dma_wait3A_306 = tpu.memref_slice %arg8[%add3A, %shift_right_arithmetic3A_163, %add3A_290] : memref<32x64x4096xi32, #tpu.memory_space<hbm>> -> memref<1x1x256xi32, #tpu.memory_space<hbm>>
            %dma_wait3A_307 = tpu.memref_squeeze %dma_wait3A_306 : memref<1x1x256xi32, #tpu.memory_space<hbm>> -> memref<256xi32, #tpu.memory_space<hbm>>
            %dma_wait3A_308 = tpu.memref_slice %arg12[%mul3A_292] : memref<4096xi32, #tpu.memory_space<vmem>> -> memref<256xi32, #tpu.memory_space<vmem>>
            %dma_wait3A_309 = tpu.memref_slice %arg8[%add3A, %shift_right_arithmetic3A_163, %add3A_290] : memref<32x64x4096xi32, #tpu.memory_space<hbm>> -> memref<1x1x256xi32, #tpu.memory_space<hbm>>
            %dma_wait3A_310 = tpu.memref_squeeze %dma_wait3A_309 : memref<1x1x256xi32, #tpu.memory_space<hbm>> -> memref<256xi32, #tpu.memory_space<hbm>>
            tpu.wait_dma2 semaphore(%run_scoped3A : memref<!tpu.dma_semaphore, #tpu.memory_space<semaphore_mem>>) src(%dma_wait3A_310 : memref<256xi32, #tpu.memory_space<hbm>>) dst(%dma_wait3A_308 : memref<256xi32, #tpu.memory_space<vmem>>)
            tpu.yield
          }) : () -> ()
          %mul3A_293 = arith.constant 256 : i32
          %mul3A_294 = arith.muli %while3A_286, %mul3A_293 : i32
          %add3A_295 = arith.addi %mul3A_166, %mul3A_294 : i32
          %mul3A_296 = arith.constant 256 : i32
          %mul3A_297 = arith.muli %while3A_286, %mul3A_296 : i32
          "tpu.region"() ({
            %run_scoped3A = tpu.sem_alloc : memref<!tpu.dma_semaphore, #tpu.memory_space<semaphore_mem>>
            %dma_start3A_299 = tpu.memref_slice %arg13[%mul3A_297] : memref<4096xf32, #tpu.memory_space<vmem>> -> memref<256xf32, #tpu.memory_space<vmem>>
            %dma_start3A_300 = tpu.memref_slice %arg9[%add3A, %shift_right_arithmetic3A_163, %add3A_295] : memref<32x64x4096xf32, #tpu.memory_space<hbm>> -> memref<1x1x256xf32, #tpu.memory_space<hbm>>
            %dma_start3A_301 = tpu.memref_squeeze %dma_start3A_300 : memref<1x1x256xf32, #tpu.memory_space<hbm>> -> memref<256xf32, #tpu.memory_space<hbm>>
            %dma_start3A_302 = tpu.memref_slice %arg13[%mul3A_297] : memref<4096xf32, #tpu.memory_space<vmem>> -> memref<256xf32, #tpu.memory_space<vmem>>
            %dma_start3A_303 = tpu.memref_slice %arg9[%add3A, %shift_right_arithmetic3A_163, %add3A_295] : memref<32x64x4096xf32, #tpu.memory_space<hbm>> -> memref<1x1x256xf32, #tpu.memory_space<hbm>>
            %dma_start3A_304 = tpu.memref_squeeze %dma_start3A_303 : memref<1x1x256xf32, #tpu.memory_space<hbm>> -> memref<256xf32, #tpu.memory_space<hbm>>
            tpu.enqueue_dma source(%dma_start3A_304 : memref<256xf32, #tpu.memory_space<hbm>>) target(%dma_start3A_302 : memref<256xf32, #tpu.memory_space<vmem>>) target_semaphore(%run_scoped3A : memref<!tpu.dma_semaphore, #tpu.memory_space<semaphore_mem>>)
            %dma_wait3A_305 = tpu.memref_slice %arg13[%mul3A_297] : memref<4096xf32, #tpu.memory_space<vmem>> -> memref<256xf32, #tpu.memory_space<vmem>>
            %dma_wait3A_306 = tpu.memref_slice %arg9[%add3A, %shift_right_arithmetic3A_163, %add3A_295] : memref<32x64x4096xf32, #tpu.memory_space<hbm>> -> memref<1x1x256xf32, #tpu.memory_space<hbm>>
            %dma_wait3A_307 = tpu.memref_squeeze %dma_wait3A_306 : memref<1x1x256xf32, #tpu.memory_space<hbm>> -> memref<256xf32, #tpu.memory_space<hbm>>
            %dma_wait3A_308 = tpu.memref_slice %arg13[%mul3A_297] : memref<4096xf32, #tpu.memory_space<vmem>> -> memref<256xf32, #tpu.memory_space<vmem>>
            %dma_wait3A_309 = tpu.memref_slice %arg9[%add3A, %shift_right_arithmetic3A_163, %add3A_295] : memref<32x64x4096xf32, #tpu.memory_space<hbm>> -> memref<1x1x256xf32, #tpu.memory_space<hbm>>
            %dma_wait3A_310 = tpu.memref_squeeze %dma_wait3A_309 : memref<1x1x256xf32, #tpu.memory_space<hbm>> -> memref<256xf32, #tpu.memory_space<hbm>>
            tpu.wait_dma2 semaphore(%run_scoped3A : memref<!tpu.dma_semaphore, #tpu.memory_space<semaphore_mem>>) src(%dma_wait3A_310 : memref<256xf32, #tpu.memory_space<hbm>>) dst(%dma_wait3A_308 : memref<256xf32, #tpu.memory_space<vmem>>)
            tpu.yield
          }) : () -> ()
          %while3A_298 = arith.constant 0 : i32
          scf.yield %while3A_298 : i32
        }
        %while3A_246 = arith.constant 1 : i32
        %while3A_247 = scf.for %while3A_286 = %while3A_243 to %while3A_239 step %while3A_246 iter_args(%while3A_287 = %while3A_245) -> (i32)  : i32 {
          %mul3A_288 = arith.constant 256 : i32
          %mul3A_289 = arith.muli %while3A_286, %mul3A_288 : i32
          %add3A_290 = arith.addi %mul3A_166, %mul3A_289 : i32
          %mul3A_291 = arith.constant 256 : i32
          %mul3A_292 = arith.muli %while3A_286, %mul3A_291 : i32
          "tpu.region"() ({
            %run_scoped3A = tpu.sem_alloc : memref<!tpu.dma_semaphore, #tpu.memory_space<semaphore_mem>>
            %dma_start3A_299 = tpu.memref_slice %arg12[%mul3A_292] : memref<4096xi32, #tpu.memory_space<vmem>> -> memref<256xi32, #tpu.memory_space<vmem>>
            %dma_start3A_300 = tpu.memref_slice %arg8[%add3A, %shift_right_arithmetic3A_163, %add3A_290] : memref<32x64x4096xi32, #tpu.memory_space<hbm>> -> memref<1x1x256xi32, #tpu.memory_space<hbm>>
            %dma_start3A_301 = tpu.memref_squeeze %dma_start3A_300 : memref<1x1x256xi32, #tpu.memory_space<hbm>> -> memref<256xi32, #tpu.memory_space<hbm>>
            %dma_start3A_302 = tpu.memref_slice %arg12[%mul3A_292] : memref<4096xi32, #tpu.memory_space<vmem>> -> memref<256xi32, #tpu.memory_space<vmem>>
            %dma_start3A_303 = tpu.memref_slice %arg8[%add3A, %shift_right_arithmetic3A_163, %add3A_290] : memref<32x64x4096xi32, #tpu.memory_space<hbm>> -> memref<1x1x256xi32, #tpu.memory_space<hbm>>
            %dma_start3A_304 = tpu.memref_squeeze %dma_start3A_303 : memref<1x1x256xi32, #tpu.memory_space<hbm>> -> memref<256xi32, #tpu.memory_space<hbm>>
            tpu.enqueue_dma source(%dma_start3A_304 : memref<256xi32, #tpu.memory_space<hbm>>) target(%dma_start3A_302 : memref<256xi32, #tpu.memory_space<vmem>>) target_semaphore(%run_scoped3A : memref<!tpu.dma_semaphore, #tpu.memory_space<semaphore_mem>>)
            %dma_wait3A_305 = tpu.memref_slice %arg12[%mul3A_292] : memref<4096xi32, #tpu.memory_space<vmem>> -> memref<256xi32, #tpu.memory_space<vmem>>
            %dma_wait3A_306 = tpu.memref_slice %arg8[%add3A, %shift_right_arithmetic3A_163, %add3A_290] : memref<32x64x4096xi32, #tpu.memory_space<hbm>> -> memref<1x1x256xi32, #tpu.memory_space<hbm>>
            %dma_wait3A_307 = tpu.memref_squeeze %dma_wait3A_306 : memref<1x1x256xi32, #tpu.memory_space<hbm>> -> memref<256xi32, #tpu.memory_space<hbm>>
            %dma_wait3A_308 = tpu.memref_slice %arg12[%mul3A_292] : memref<4096xi32, #tpu.memory_space<vmem>> -> memref<256xi32, #tpu.memory_space<vmem>>
            %dma_wait3A_309 = tpu.memref_slice %arg8[%add3A, %shift_right_arithmetic3A_163, %add3A_290] : memref<32x64x4096xi32, #tpu.memory_space<hbm>> -> memref<1x1x256xi32, #tpu.memory_space<hbm>>
            %dma_wait3A_310 = tpu.memref_squeeze %dma_wait3A_309 : memref<1x1x256xi32, #tpu.memory_space<hbm>> -> memref<256xi32, #tpu.memory_space<hbm>>
            tpu.wait_dma2 semaphore(%run_scoped3A : memref<!tpu.dma_semaphore, #tpu.memory_space<semaphore_mem>>) src(%dma_wait3A_310 : memref<256xi32, #tpu.memory_space<hbm>>) dst(%dma_wait3A_308 : memref<256xi32, #tpu.memory_space<vmem>>)
            tpu.yield
          }) : () -> ()
          %mul3A_293 = arith.constant 256 : i32
          %mul3A_294 = arith.muli %while3A_286, %mul3A_293 : i32
          %add3A_295 = arith.addi %mul3A_166, %mul3A_294 : i32
          %mul3A_296 = arith.constant 256 : i32
          %mul3A_297 = arith.muli %while3A_286, %mul3A_296 : i32
          "tpu.region"() ({
            %run_scoped3A = tpu.sem_alloc : memref<!tpu.dma_semaphore, #tpu.memory_space<semaphore_mem>>
            %dma_start3A_299 = tpu.memref_slice %arg13[%mul3A_297] : memref<4096xf32, #tpu.memory_space<vmem>> -> memref<256xf32, #tpu.memory_space<vmem>>
            %dma_start3A_300 = tpu.memref_slice %arg9[%add3A, %shift_right_arithmetic3A_163, %add3A_295] : memref<32x64x4096xf32, #tpu.memory_space<hbm>> -> memref<1x1x256xf32, #tpu.memory_space<hbm>>
            %dma_start3A_301 = tpu.memref_squeeze %dma_start3A_300 : memref<1x1x256xf32, #tpu.memory_space<hbm>> -> memref<256xf32, #tpu.memory_space<hbm>>
            %dma_start3A_302 = tpu.memref_slice %arg13[%mul3A_297] : memref<4096xf32, #tpu.memory_space<vmem>> -> memref<256xf32, #tpu.memory_space<vmem>>
            %dma_start3A_303 = tpu.memref_slice %arg9[%add3A, %shift_right_arithmetic3A_163, %add3A_295] : memref<32x64x4096xf32, #tpu.memory_space<hbm>> -> memref<1x1x256xf32, #tpu.memory_space<hbm>>
            %dma_start3A_304 = tpu.memref_squeeze %dma_start3A_303 : memref<1x1x256xf32, #tpu.memory_space<hbm>> -> memref<256xf32, #tpu.memory_space<hbm>>
            tpu.enqueue_dma source(%dma_start3A_304 : memref<256xf32, #tpu.memory_space<hbm>>) target(%dma_start3A_302 : memref<256xf32, #tpu.memory_space<vmem>>) target_semaphore(%run_scoped3A : memref<!tpu.dma_semaphore, #tpu.memory_space<semaphore_mem>>)
            %dma_wait3A_305 = tpu.memref_slice %arg13[%mul3A_297] : memref<4096xf32, #tpu.memory_space<vmem>> -> memref<256xf32, #tpu.memory_space<vmem>>
            %dma_wait3A_306 = tpu.memref_slice %arg9[%add3A, %shift_right_arithmetic3A_163, %add3A_295] : memref<32x64x4096xf32, #tpu.memory_space<hbm>> -> memref<1x1x256xf32, #tpu.memory_space<hbm>>
            %dma_wait3A_307 = tpu.memref_squeeze %dma_wait3A_306 : memref<1x1x256xf32, #tpu.memory_space<hbm>> -> memref<256xf32, #tpu.memory_space<hbm>>
            %dma_wait3A_308 = tpu.memref_slice %arg13[%mul3A_297] : memref<4096xf32, #tpu.memory_space<vmem>> -> memref<256xf32, #tpu.memory_space<vmem>>
            %dma_wait3A_309 = tpu.memref_slice %arg9[%add3A, %shift_right_arithmetic3A_163, %add3A_295] : memref<32x64x4096xf32, #tpu.memory_space<hbm>> -> memref<1x1x256xf32, #tpu.memory_space<hbm>>
            %dma_wait3A_310 = tpu.memref_squeeze %dma_wait3A_309 : memref<1x1x256xf32, #tpu.memory_space<hbm>> -> memref<256xf32, #tpu.memory_space<hbm>>
            tpu.wait_dma2 semaphore(%run_scoped3A : memref<!tpu.dma_semaphore, #tpu.memory_space<semaphore_mem>>) src(%dma_wait3A_310 : memref<256xf32, #tpu.memory_space<hbm>>) dst(%dma_wait3A_308 : memref<256xf32, #tpu.memory_space<vmem>>)
            tpu.yield
          }) : () -> ()
          %while3A_298 = arith.constant 0 : i32
          scf.yield %while3A_298 : i32
        }
        %add3A_248 = arith.constant 15 : i32
        %add3A_249 = arith.addi %get3A_168, %add3A_248 : i32
        %jit3A_250 = arith.constant 16 : i32
        %div3A_251 = arith.divsi %add3A_249, %jit3A_250 : i32
        %sign3A_252 = arith.constant 0 : i32
        %sign3A_253 = arith.cmpi sgt, %add3A_249, %sign3A_252 : i32
        %sign3A_254 = arith.extui %sign3A_253 : i1 to i32
        %sign3A_255 = arith.constant 0 : i32
        %sign3A_256 = arith.cmpi slt, %add3A_249, %sign3A_255 : i32
        %sign3A_257 = arith.extui %sign3A_256 : i1 to i32
        %sign3A_258 = arith.subi %sign3A_254, %sign3A_257 : i32
        %sign3A_259 = arith.constant 0 : i32
        %sign3A_260 = arith.cmpi sgt, %jit3A_250, %sign3A_259 : i32
        %sign3A_261 = arith.extui %sign3A_260 : i1 to i32
        %sign3A_262 = arith.constant 0 : i32
        %sign3A_263 = arith.cmpi slt, %jit3A_250, %sign3A_262 : i32
        %sign3A_264 = arith.extui %sign3A_263 : i1 to i32
        %sign3A_265 = arith.subi %sign3A_261, %sign3A_264 : i32
        %ne3A_266 = arith.cmpi ne, %sign3A_258, %sign3A_265 : i32
        %rem3A_267 = arith.remsi %add3A_249, %jit3A_250 : i32
        %ne3A_268 = arith.constant 0 : i32
        %ne3A_269 = arith.cmpi ne, %rem3A_267, %ne3A_268 : i32
        %and3A_270 = arith.andi %ne3A_266, %ne3A_269 : i1
        %sub3A_271 = arith.constant 1 : i32
        %sub3A_272 = arith.subi %div3A_251, %sub3A_271 : i32
        %select_n3A_273 = arith.select %and3A_270, %sub3A_272, %div3A_251 : i32
        %while3A_274 = arith.constant 4 : i32
        %while3A_275 = arith.constant 0 : i32
        %while3A_276 = arith.subi %select_n3A_273, %while3A_274 : i32
        %while3A_277 = arith.addi %while3A_274, %while3A_276 : i32
        %while3A_278 = arith.constant 1 : i32
        %while3A_279 = arith.divsi %while3A_276, %while3A_278 : i32
        %while3A_280 = arith.muli %while3A_279, %while3A_278 : i32
        %while3A_281 = arith.addi %while3A_274, %while3A_280 : i32
        %while3A_282 = arith.constant 1 : i32
        %while3A_283 = scf.for %while3A_286 = %while3A_274 to %while3A_281 step %while3A_282 iter_args(%while3A_287 = %while3A_275) -> (i32)  : i32 {
          %mul3A_288 = arith.constant 16 : i32
          %mul3A_289 = arith.muli %while3A_286, %mul3A_288 : i32
          %get3A_290 = arith.index_cast %mul3A_289 : i32 to index
          %get3A_291 = tpu.vector_load %arg12[%get3A_290] {strides = array<i32>} : memref<4096xi32, #tpu.memory_space<vmem>>, vector<16xi32>,
          %mul3A_292 = arith.constant 16 : i32
          %mul3A_293 = arith.muli %while3A_286, %mul3A_292 : i32
          %get3A_294 = arith.index_cast %mul3A_293 : i32 to index
          %get3A_295 = tpu.vector_load %arg13[%get3A_294] {strides = array<i32>} : memref<4096xf32, #tpu.memory_space<vmem>>, vector<16xf32>,
          %mul3A_296 = arith.constant 16 : i32
          %mul3A_297 = arith.muli %while3A_286, %mul3A_296 : i32
          %add3A_298 = vector.broadcast %mul3A_297 : i32 to vector<16xi32>
          %add3A_299 = arith.addi %add3A_298, %iota3A : vector<16xi32>
          %lt3A = vector.broadcast %get3A_168 : i32 to vector<16xi32>
          %lt3A_300 = arith.cmpi slt, %add3A_299, %lt3A : vector<16xi32>
          %and3A_301 = arith.constant 262143 : i32
          %and3A_302 = vector.broadcast %and3A_301 : i32 to vector<16xi32>
          %and3A_303 = arith.andi %get3A_291, %and3A_302 : vector<16xi32>
          %shift_right_arithmetic3A_304 = arith.constant 16 : i32
          %shift_right_arithmetic3A_305 = vector.broadcast %shift_right_arithmetic3A_304 : i32 to vector<16xi32>
          %shift_right_arithmetic3A_306 = arith.shrsi %and3A_303, %shift_right_arithmetic3A_305 : vector<16xi32>
          %eq3A_307 = arith.constant 2 : i32
          %eq3A_308 = vector.broadcast %eq3A_307 : i32 to vector<16xi32>
          %eq3A_309 = arith.cmpi eq, %shift_right_arithmetic3A_306, %eq3A_308 : vector<16xi32>
          %and3A_310 = arith.andi %lt3A_300, %eq3A_309 : vector<16xi1>
          %and3A_311 = arith.constant 65535 : i32
          %and3A_312 = vector.broadcast %and3A_311 : i32 to vector<16xi32>
          %and3A_313 = arith.andi %and3A_303, %and3A_312 : vector<16xi32>
          %shift_left3A = arith.constant 4 : i32
          %shift_left3A_314 = vector.broadcast %shift_left3A : i32 to vector<16xi32>
          %shift_left3A_315 = arith.shli %and3A_313, %shift_left3A_314 : vector<16xi32>
          %or3A = arith.ori %shift_left3A_315, %iota3A : vector<16xi32>
          %jit3A_316 = arith.constant 1073741824 : i32
          %broadcast_in_dim3A_317 = vector.broadcast %jit3A_316 : i32 to vector<16xi32>
          %select_n3A_318 = arith.select %and3A_310, %or3A, %broadcast_in_dim3A_317 : vector<16xi1>, vector<16xi32>
          %masked_sort3A = arith.constant dense<true> : vector<16xi1>
          %masked_sort3A_319 = arith.constant -2147483648 : i32
          %masked_sort3A_320 = vector.broadcast %masked_sort3A_319 : i32 to vector<16xi32>
          %masked_sort3A_321 = arith.xori %select_n3A_318, %masked_sort3A_320 : vector<16xi32>
          %masked_sort3A_322, %masked_sort3A_323, %masked_sort3A_324 = tpu.sort %masked_sort3A_321, %get3A_295 masked %masked_sort3A : (vector<16xi32>, vector<16xf32>, vector<16xi1>) -> (vector<16xi1>, vector<16xi32>, vector<16xf32>)
          %masked_sort3A_325 = arith.xori %masked_sort3A_323, %masked_sort3A_320 : vector<16xi32>
          %swap3A_326 = arith.constant 0 : index
          %swap3A_327 = tpu.vector_load %arg21[%swap3A_326] {strides = array<i32>} : memref<32xi32, #tpu.memory_space<vmem>>, vector<16xi32>,
          tpu.vector_store %arg21[%swap3A_326], %masked_sort3A_325 {strides = array<i32>} : memref<32xi32, #tpu.memory_space<vmem>>, vector<16xi32>,
          %get3A_328 = arith.constant 1 : index
          %get3A_329 = tpu.vector_load %arg21[%get3A_328] {strides = array<i32>} : memref<32xi32, #tpu.memory_space<vmem>>, vector<16xi32>,
          %lt3A_330 = arith.constant 1073741824 : i32
          %lt3A_331 = vector.broadcast %lt3A_330 : i32 to vector<16xi32>
          %lt3A_332 = arith.cmpi slt, %masked_sort3A_325, %lt3A_331 : vector<16xi32>
          %shift_right_arithmetic3A_333 = arith.constant 4 : i32
          %shift_right_arithmetic3A_334 = vector.broadcast %shift_right_arithmetic3A_333 : i32 to vector<16xi32>
          %shift_right_arithmetic3A_335 = arith.shrsi %masked_sort3A_325, %shift_right_arithmetic3A_334 : vector<16xi32>
          %shift_right_arithmetic3A_336 = arith.constant 4 : i32
          %shift_right_arithmetic3A_337 = vector.broadcast %shift_right_arithmetic3A_336 : i32 to vector<16xi32>
          %shift_right_arithmetic3A_338 = arith.shrsi %get3A_329, %shift_right_arithmetic3A_337 : vector<16xi32>
          %ne3A_339 = arith.cmpi ne, %shift_right_arithmetic3A_335, %shift_right_arithmetic3A_338 : vector<16xi32>
          %and3A_340 = arith.andi %lt3A_332, %ne3A_339 : vector<16xi1>
          %shift_right_arithmetic3A_341 = arith.constant 4 : i32
          %shift_right_arithmetic3A_342 = vector.broadcast %shift_right_arithmetic3A_341 : i32 to vector<16xi32>
          %shift_right_arithmetic3A_343 = arith.shrsi %masked_sort3A_325, %shift_right_arithmetic3A_342 : vector<16xi32>
          %min3A_344 = arith.constant 65535 : i32
          %min3A_345 = vector.broadcast %min3A_344 : i32 to vector<16xi32>
          %min3A_346 = arith.minsi %shift_right_arithmetic3A_343, %min3A_345 : vector<16xi32>
          tpu.vector_store_idx %arg18[%min3A_346], %masked_sort3A_324 masked %and3A_340 : memref<65536xf32, #tpu.memory_space<vmem>>[vector<16xi32>], vector<16xf32>, vector<16xi1>
          %while3A_347 = arith.constant 0 : i32
          scf.yield %while3A_347 : i32
        }
        %while3A_284 = arith.constant 1 : i32
        %while3A_285 = scf.for %while3A_286 = %while3A_281 to %while3A_277 step %while3A_284 iter_args(%while3A_287 = %while3A_283) -> (i32)  : i32 {
          %mul3A_288 = arith.constant 16 : i32
          %mul3A_289 = arith.muli %while3A_286, %mul3A_288 : i32
          %get3A_290 = arith.index_cast %mul3A_289 : i32 to index
          %get3A_291 = tpu.vector_load %arg12[%get3A_290] {strides = array<i32>} : memref<4096xi32, #tpu.memory_space<vmem>>, vector<16xi32>,
          %mul3A_292 = arith.constant 16 : i32
          %mul3A_293 = arith.muli %while3A_286, %mul3A_292 : i32
          %get3A_294 = arith.index_cast %mul3A_293 : i32 to index
          %get3A_295 = tpu.vector_load %arg13[%get3A_294] {strides = array<i32>} : memref<4096xf32, #tpu.memory_space<vmem>>, vector<16xf32>,
          %mul3A_296 = arith.constant 16 : i32
          %mul3A_297 = arith.muli %while3A_286, %mul3A_296 : i32
          %add3A_298 = vector.broadcast %mul3A_297 : i32 to vector<16xi32>
          %add3A_299 = arith.addi %add3A_298, %iota3A : vector<16xi32>
          %lt3A = vector.broadcast %get3A_168 : i32 to vector<16xi32>
          %lt3A_300 = arith.cmpi slt, %add3A_299, %lt3A : vector<16xi32>
          %and3A_301 = arith.constant 262143 : i32
          %and3A_302 = vector.broadcast %and3A_301 : i32 to vector<16xi32>
          %and3A_303 = arith.andi %get3A_291, %and3A_302 : vector<16xi32>
          %shift_right_arithmetic3A_304 = arith.constant 16 : i32
          %shift_right_arithmetic3A_305 = vector.broadcast %shift_right_arithmetic3A_304 : i32 to vector<16xi32>
          %shift_right_arithmetic3A_306 = arith.shrsi %and3A_303, %shift_right_arithmetic3A_305 : vector<16xi32>
          %eq3A_307 = arith.constant 2 : i32
          %eq3A_308 = vector.broadcast %eq3A_307 : i32 to vector<16xi32>
          %eq3A_309 = arith.cmpi eq, %shift_right_arithmetic3A_306, %eq3A_308 : vector<16xi32>
          %and3A_310 = arith.andi %lt3A_300, %eq3A_309 : vector<16xi1>
          %and3A_311 = arith.constant 65535 : i32
          %and3A_312 = vector.broadcast %and3A_311 : i32 to vector<16xi32>
          %and3A_313 = arith.andi %and3A_303, %and3A_312 : vector<16xi32>
          %shift_left3A = arith.constant 4 : i32
          %shift_left3A_314 = vector.broadcast %shift_left3A : i32 to vector<16xi32>
          %shift_left3A_315 = arith.shli %and3A_313, %shift_left3A_314 : vector<16xi32>
          %or3A = arith.ori %shift_left3A_315, %iota3A : vector<16xi32>
          %jit3A_316 = arith.constant 1073741824 : i32
          %broadcast_in_dim3A_317 = vector.broadcast %jit3A_316 : i32 to vector<16xi32>
          %select_n3A_318 = arith.select %and3A_310, %or3A, %broadcast_in_dim3A_317 : vector<16xi1>, vector<16xi32>
          %masked_sort3A = arith.constant dense<true> : vector<16xi1>
          %masked_sort3A_319 = arith.constant -2147483648 : i32
          %masked_sort3A_320 = vector.broadcast %masked_sort3A_319 : i32 to vector<16xi32>
          %masked_sort3A_321 = arith.xori %select_n3A_318, %masked_sort3A_320 : vector<16xi32>
          %masked_sort3A_322, %masked_sort3A_323, %masked_sort3A_324 = tpu.sort %masked_sort3A_321, %get3A_295 masked %masked_sort3A : (vector<16xi32>, vector<16xf32>, vector<16xi1>) -> (vector<16xi1>, vector<16xi32>, vector<16xf32>)
          %masked_sort3A_325 = arith.xori %masked_sort3A_323, %masked_sort3A_320 : vector<16xi32>
          %swap3A_326 = arith.constant 0 : index
          %swap3A_327 = tpu.vector_load %arg21[%swap3A_326] {strides = array<i32>} : memref<32xi32, #tpu.memory_space<vmem>>, vector<16xi32>,
          tpu.vector_store %arg21[%swap3A_326], %masked_sort3A_325 {strides = array<i32>} : memref<32xi32, #tpu.memory_space<vmem>>, vector<16xi32>,
          %get3A_328 = arith.constant 1 : index
          %get3A_329 = tpu.vector_load %arg21[%get3A_328] {strides = array<i32>} : memref<32xi32, #tpu.memory_space<vmem>>, vector<16xi32>,
          %lt3A_330 = arith.constant 1073741824 : i32
          %lt3A_331 = vector.broadcast %lt3A_330 : i32 to vector<16xi32>
          %lt3A_332 = arith.cmpi slt, %masked_sort3A_325, %lt3A_331 : vector<16xi32>
          %shift_right_arithmetic3A_333 = arith.constant 4 : i32
          %shift_right_arithmetic3A_334 = vector.broadcast %shift_right_arithmetic3A_333 : i32 to vector<16xi32>
          %shift_right_arithmetic3A_335 = arith.shrsi %masked_sort3A_325, %shift_right_arithmetic3A_334 : vector<16xi32>
          %shift_right_arithmetic3A_336 = arith.constant 4 : i32
          %shift_right_arithmetic3A_337 = vector.broadcast %shift_right_arithmetic3A_336 : i32 to vector<16xi32>
          %shift_right_arithmetic3A_338 = arith.shrsi %get3A_329, %shift_right_arithmetic3A_337 : vector<16xi32>
          %ne3A_339 = arith.cmpi ne, %shift_right_arithmetic3A_335, %shift_right_arithmetic3A_338 : vector<16xi32>
          %and3A_340 = arith.andi %lt3A_332, %ne3A_339 : vector<16xi1>
          %shift_right_arithmetic3A_341 = arith.constant 4 : i32
          %shift_right_arithmetic3A_342 = vector.broadcast %shift_right_arithmetic3A_341 : i32 to vector<16xi32>
          %shift_right_arithmetic3A_343 = arith.shrsi %masked_sort3A_325, %shift_right_arithmetic3A_342 : vector<16xi32>
          %min3A_344 = arith.constant 65535 : i32
          %min3A_345 = vector.broadcast %min3A_344 : i32 to vector<16xi32>
          %min3A_346 = arith.minsi %shift_right_arithmetic3A_343, %min3A_345 : vector<16xi32>
          tpu.vector_store_idx %arg18[%min3A_346], %masked_sort3A_324 masked %and3A_340 : memref<65536xf32, #tpu.memory_space<vmem>>[vector<16xi32>], vector<16xf32>, vector<16xi1>
          %while3A_347 = arith.constant 0 : i32
          scf.yield %while3A_347 : i32
        }
      } else {
      }
      %scan3A_207 = arith.constant 0 : i32
      scf.yield %scan3A_207 : i32
    }
    %scan3A_135 = arith.constant 256 : i32
    %dma_start3A_136 = tpu.memref_slice %arg7[%add3A_128] : memref<8388608xf32, #tpu.memory_space<hbm>> -> memref<65536xf32, #tpu.memory_space<hbm>>
    %dma_start3A_137 = tpu.memref_slice %arg7[%add3A_128] : memref<8388608xf32, #tpu.memory_space<hbm>> -> memref<65536xf32, #tpu.memory_space<hbm>>
    tpu.enqueue_dma source(%arg18 : memref<65536xf32, #tpu.memory_space<vmem>>) target(%dma_start3A_137 : memref<65536xf32, #tpu.memory_space<hbm>>) target_semaphore(%arg26 : memref<!tpu.dma_semaphore, #tpu.memory_space<semaphore_mem>>)
    %dma_wait3A_138 = tpu.memref_slice %arg7[%add3A_128] : memref<8388608xf32, #tpu.memory_space<hbm>> -> memref<65536xf32, #tpu.memory_space<hbm>>
    %dma_wait3A_139 = tpu.memref_slice %arg7[%add3A_128] : memref<8388608xf32, #tpu.memory_space<hbm>> -> memref<65536xf32, #tpu.memory_space<hbm>>
    tpu.wait_dma2 semaphore(%arg26 : memref<!tpu.dma_semaphore, #tpu.memory_space<semaphore_mem>>) src(%arg18 : memref<65536xf32, #tpu.memory_space<vmem>>) dst(%dma_wait3A_139 : memref<65536xf32, #tpu.memory_space<hbm>>)
    %add3A_140 = arith.constant 65536 : i32
    %add3A_141 = arith.addi %add3A_128, %add3A_140 : i32
    "tpu.region"() ({
      %run_scoped3A = tpu.sem_alloc : memref<!tpu.dma_semaphore, #tpu.memory_space<semaphore_mem>>
      %dma_start3A_161 = tpu.memref_slice %arg2[%add3A_141] : memref<8388608xf32, #tpu.memory_space<hbm>> -> memref<65536xf32, #tpu.memory_space<hbm>>
      %dma_start3A_162 = tpu.memref_slice %arg2[%add3A_141] : memref<8388608xf32, #tpu.memory_space<hbm>> -> memref<65536xf32, #tpu.memory_space<hbm>>
      tpu.enqueue_dma source(%dma_start3A_162 : memref<65536xf32, #tpu.memory_space<hbm>>) target(%arg18 : memref<65536xf32, #tpu.memory_space<vmem>>) target_semaphore(%run_scoped3A : memref<!tpu.dma_semaphore, #tpu.memory_space<semaphore_mem>>)
      %dma_wait3A_163 = tpu.memref_slice %arg2[%add3A_141] : memref<8388608xf32, #tpu.memory_space<hbm>> -> memref<65536xf32, #tpu.memory_space<hbm>>
      %dma_wait3A_164 = tpu.memref_slice %arg2[%add3A_141] : memref<8388608xf32, #tpu.memory_space<hbm>> -> memref<65536xf32, #tpu.memory_space<hbm>>
      tpu.wait_dma2 semaphore(%run_scoped3A : memref<!tpu.dma_semaphore, #tpu.memory_space<semaphore_mem>>) src(%dma_wait3A_164 : memref<65536xf32, #tpu.memory_space<hbm>>) dst(%arg18 : memref<65536xf32, #tpu.memory_space<vmem>>)
      tpu.yield
    }) : () -> ()
    %mul3A_142 = arith.constant 262144 : i32
    %mul3A_143 = arith.muli %add3A, %mul3A_142 : i32
    %add3A_144 = arith.constant 196608 : i32
    %add3A_145 = arith.addi %mul3A_143, %add3A_144 : i32
    %scan3A_146 = arith.constant 0 : i32
    %scan3A_147 = arith.constant 0 : i32
    %scan3A_148 = arith.constant 256 : i32
    %scan3A_149 = arith.addi %scan3A_147, %scan3A_148 : i32
    %scan3A_150 = arith.constant 1 : i32
    %scan3A_151 = scf.for %scan3A_161 = %scan3A_147 to %scan3A_149 step %scan3A_150 iter_args(%scan3A_162 = %scan3A_146) -> (i32)  : i32 {
      %shift_right_arithmetic3A = arith.constant 2 : i32
      %shift_right_arithmetic3A_163 = arith.shrsi %scan3A_161, %shift_right_arithmetic3A : i32
      %and3A = arith.constant 3 : i32
      %and3A_164 = arith.andi %scan3A_161, %and3A : i32
      %mul3A_165 = arith.constant 1024 : i32
      %mul3A_166 = arith.muli %and3A_164, %mul3A_165 : i32
      %get3A_167 = arith.index_cast %scan3A_161 : i32 to index
      %get3A_168 = memref.load %arg22[%get3A_167] : memref<256xi32, #tpu.memory_space<smem>>
      %min3A_169 = arith.constant 64 : i32
      %min3A_170 = arith.minsi %get3A_168, %min3A_169 : i32
      %add3A_171 = arith.constant 15 : i32
      %add3A_172 = arith.addi %min3A_170, %add3A_171 : i32
      %jit3A_173 = arith.constant 16 : i32
      %div3A = arith.divsi %add3A_172, %jit3A_173 : i32
      %sign3A = arith.constant 0 : i32
      %sign3A_174 = arith.cmpi sgt, %add3A_172, %sign3A : i32
      %sign3A_175 = arith.extui %sign3A_174 : i1 to i32
      %sign3A_176 = arith.constant 0 : i32
      %sign3A_177 = arith.cmpi slt, %add3A_172, %sign3A_176 : i32
      %sign3A_178 = arith.extui %sign3A_177 : i1 to i32
      %sign3A_179 = arith.subi %sign3A_175, %sign3A_178 : i32
      %sign3A_180 = arith.constant 0 : i32
      %sign3A_181 = arith.cmpi sgt, %jit3A_173, %sign3A_180 : i32
      %sign3A_182 = arith.extui %sign3A_181 : i1 to i32
      %sign3A_183 = arith.constant 0 : i32
      %sign3A_184 = arith.cmpi slt, %jit3A_173, %sign3A_183 : i32
      %sign3A_185 = arith.extui %sign3A_184 : i1 to i32
      %sign3A_186 = arith.subi %sign3A_182, %sign3A_185 : i32
      %ne3A = arith.cmpi ne, %sign3A_179, %sign3A_186 : i32
      %rem3A = arith.remsi %add3A_172, %jit3A_173 : i32
      %ne3A_187 = arith.constant 0 : i32
      %ne3A_188 = arith.cmpi ne, %rem3A, %ne3A_187 : i32
      %and3A_189 = arith.andi %ne3A, %ne3A_188 : i1
      %sub3A_190 = arith.constant 1 : i32
      %sub3A_191 = arith.subi %div3A, %sub3A_190 : i32
      %select_n3A_192 = arith.select %and3A_189, %sub3A_191, %div3A : i32
      %while3A_193 = arith.constant 0 : i32
      %while3A_194 = arith.constant 0 : i32
      %while3A_195 = arith.subi %select_n3A_192, %while3A_193 : i32
      %while3A_196 = arith.addi %while3A_193, %while3A_195 : i32
      %while3A_197 = arith.constant 1 : i32
      %while3A_198 = arith.divsi %while3A_195, %while3A_197 : i32
      %while3A_199 = arith.muli %while3A_198, %while3A_197 : i32
      %while3A_200 = arith.addi %while3A_193, %while3A_199 : i32
      %while3A_201 = arith.constant 1 : i32
      %while3A_202 = scf.for %while3A_208 = %while3A_193 to %while3A_200 step %while3A_201 iter_args(%while3A_209 = %while3A_194) -> (i32)  : i32 {
        %mul3A_210 = arith.constant 64 : i32
        %mul3A_211 = arith.muli %scan3A_161, %mul3A_210 : i32
        %mul3A_212 = arith.constant 16 : i32
        %mul3A_213 = arith.muli %while3A_208, %mul3A_212 : i32
        %add3A_214 = arith.addi %mul3A_211, %mul3A_213 : i32
        %get3A_215 = arith.index_cast %add3A_214 : i32 to index
        %get3A_216 = tpu.vector_load %arg19[%get3A_215] {strides = array<i32>} : memref<16384xi32, #tpu.memory_space<vmem>>, vector<16xi32>,
        %mul3A_217 = arith.constant 64 : i32
        %mul3A_218 = arith.muli %scan3A_161, %mul3A_217 : i32
        %mul3A_219 = arith.constant 16 : i32
        %mul3A_220 = arith.muli %while3A_208, %mul3A_219 : i32
        %add3A_221 = arith.addi %mul3A_218, %mul3A_220 : i32
        %get3A_222 = arith.index_cast %add3A_221 : i32 to index
        %get3A_223 = tpu.vector_load %arg20[%get3A_222] {strides = array<i32>} : memref<16384xf32, #tpu.memory_space<vmem>>, vector<16xf32>,
        %mul3A_224 = arith.constant 16 : i32
        %mul3A_225 = arith.muli %while3A_208, %mul3A_224 : i32
        %add3A_226 = vector.broadcast %mul3A_225 : i32 to vector<16xi32>
        %add3A_227 = arith.addi %add3A_226, %iota3A : vector<16xi32>
        %lt3A = vector.broadcast %min3A_170 : i32 to vector<16xi32>
        %lt3A_228 = arith.cmpi slt, %add3A_227, %lt3A : vector<16xi32>
        %and3A_229 = arith.constant 262143 : i32
        %and3A_230 = vector.broadcast %and3A_229 : i32 to vector<16xi32>
        %and3A_231 = arith.andi %get3A_216, %and3A_230 : vector<16xi32>
        %shift_right_arithmetic3A_232 = arith.constant 16 : i32
        %shift_right_arithmetic3A_233 = vector.broadcast %shift_right_arithmetic3A_232 : i32 to vector<16xi32>
        %shift_right_arithmetic3A_234 = arith.shrsi %and3A_231, %shift_right_arithmetic3A_233 : vector<16xi32>
        %eq3A_235 = arith.constant 3 : i32
        %eq3A_236 = vector.broadcast %eq3A_235 : i32 to vector<16xi32>
        %eq3A_237 = arith.cmpi eq, %shift_right_arithmetic3A_234, %eq3A_236 : vector<16xi32>
        %and3A_238 = arith.andi %lt3A_228, %eq3A_237 : vector<16xi1>
        %and3A_239 = arith.constant 65535 : i32
        %and3A_240 = vector.broadcast %and3A_239 : i32 to vector<16xi32>
        %and3A_241 = arith.andi %and3A_231, %and3A_240 : vector<16xi32>
        %shift_left3A = arith.constant 4 : i32
        %shift_left3A_242 = vector.broadcast %shift_left3A : i32 to vector<16xi32>
        %shift_left3A_243 = arith.shli %and3A_241, %shift_left3A_242 : vector<16xi32>
        %or3A = arith.ori %shift_left3A_243, %iota3A : vector<16xi32>
        %jit3A_244 = arith.constant 1073741824 : i32
        %broadcast_in_dim3A_245 = vector.broadcast %jit3A_244 : i32 to vector<16xi32>
        %select_n3A_246 = arith.select %and3A_238, %or3A, %broadcast_in_dim3A_245 : vector<16xi1>, vector<16xi32>
        %masked_sort3A = arith.constant dense<true> : vector<16xi1>
        %masked_sort3A_247 = arith.constant -2147483648 : i32
        %masked_sort3A_248 = vector.broadcast %masked_sort3A_247 : i32 to vector<16xi32>
        %masked_sort3A_249 = arith.xori %select_n3A_246, %masked_sort3A_248 : vector<16xi32>
        %masked_sort3A_250, %masked_sort3A_251, %masked_sort3A_252 = tpu.sort %masked_sort3A_249, %get3A_223 masked %masked_sort3A : (vector<16xi32>, vector<16xf32>, vector<16xi1>) -> (vector<16xi1>, vector<16xi32>, vector<16xf32>)
        %masked_sort3A_253 = arith.xori %masked_sort3A_251, %masked_sort3A_248 : vector<16xi32>
        %swap3A_254 = arith.constant 0 : index
        %swap3A_255 = tpu.vector_load %arg21[%swap3A_254] {strides = array<i32>} : memref<32xi32, #tpu.memory_space<vmem>>, vector<16xi32>,
        tpu.vector_store %arg21[%swap3A_254], %masked_sort3A_253 {strides = array<i32>} : memref<32xi32, #tpu.memory_space<vmem>>, vector<16xi32>,
        %get3A_256 = arith.constant 1 : index
        %get3A_257 = tpu.vector_load %arg21[%get3A_256] {strides = array<i32>} : memref<32xi32, #tpu.memory_space<vmem>>, vector<16xi32>,
        %lt3A_258 = arith.constant 1073741824 : i32
        %lt3A_259 = vector.broadcast %lt3A_258 : i32 to vector<16xi32>
        %lt3A_260 = arith.cmpi slt, %masked_sort3A_253, %lt3A_259 : vector<16xi32>
        %shift_right_arithmetic3A_261 = arith.constant 4 : i32
        %shift_right_arithmetic3A_262 = vector.broadcast %shift_right_arithmetic3A_261 : i32 to vector<16xi32>
        %shift_right_arithmetic3A_263 = arith.shrsi %masked_sort3A_253, %shift_right_arithmetic3A_262 : vector<16xi32>
        %shift_right_arithmetic3A_264 = arith.constant 4 : i32
        %shift_right_arithmetic3A_265 = vector.broadcast %shift_right_arithmetic3A_264 : i32 to vector<16xi32>
        %shift_right_arithmetic3A_266 = arith.shrsi %get3A_257, %shift_right_arithmetic3A_265 : vector<16xi32>
        %ne3A_267 = arith.cmpi ne, %shift_right_arithmetic3A_263, %shift_right_arithmetic3A_266 : vector<16xi32>
        %and3A_268 = arith.andi %lt3A_260, %ne3A_267 : vector<16xi1>
        %shift_right_arithmetic3A_269 = arith.constant 4 : i32
        %shift_right_arithmetic3A_270 = vector.broadcast %shift_right_arithmetic3A_269 : i32 to vector<16xi32>
        %shift_right_arithmetic3A_271 = arith.shrsi %masked_sort3A_253, %shift_right_arithmetic3A_270 : vector<16xi32>
        %min3A_272 = arith.constant 65535 : i32
        %min3A_273 = vector.broadcast %min3A_272 : i32 to vector<16xi32>
        %min3A_274 = arith.minsi %shift_right_arithmetic3A_271, %min3A_273 : vector<16xi32>
        tpu.vector_store_idx %arg18[%min3A_274], %masked_sort3A_252 masked %and3A_268 : memref<65536xf32, #tpu.memory_space<vmem>>[vector<16xi32>], vector<16xf32>, vector<16xi1>
        %while3A_275 = arith.constant 0 : i32
        scf.yield %while3A_275 : i32
      }
      %while3A_203 = arith.constant 1 : i32
      %while3A_204 = scf.for %while3A_208 = %while3A_200 to %while3A_196 step %while3A_203 iter_args(%while3A_209 = %while3A_202) -> (i32)  : i32 {
        %mul3A_210 = arith.constant 64 : i32
        %mul3A_211 = arith.muli %scan3A_161, %mul3A_210 : i32
        %mul3A_212 = arith.constant 16 : i32
        %mul3A_213 = arith.muli %while3A_208, %mul3A_212 : i32
        %add3A_214 = arith.addi %mul3A_211, %mul3A_213 : i32
        %get3A_215 = arith.index_cast %add3A_214 : i32 to index
        %get3A_216 = tpu.vector_load %arg19[%get3A_215] {strides = array<i32>} : memref<16384xi32, #tpu.memory_space<vmem>>, vector<16xi32>,
        %mul3A_217 = arith.constant 64 : i32
        %mul3A_218 = arith.muli %scan3A_161, %mul3A_217 : i32
        %mul3A_219 = arith.constant 16 : i32
        %mul3A_220 = arith.muli %while3A_208, %mul3A_219 : i32
        %add3A_221 = arith.addi %mul3A_218, %mul3A_220 : i32
        %get3A_222 = arith.index_cast %add3A_221 : i32 to index
        %get3A_223 = tpu.vector_load %arg20[%get3A_222] {strides = array<i32>} : memref<16384xf32, #tpu.memory_space<vmem>>, vector<16xf32>,
        %mul3A_224 = arith.constant 16 : i32
        %mul3A_225 = arith.muli %while3A_208, %mul3A_224 : i32
        %add3A_226 = vector.broadcast %mul3A_225 : i32 to vector<16xi32>
        %add3A_227 = arith.addi %add3A_226, %iota3A : vector<16xi32>
        %lt3A = vector.broadcast %min3A_170 : i32 to vector<16xi32>
        %lt3A_228 = arith.cmpi slt, %add3A_227, %lt3A : vector<16xi32>
        %and3A_229 = arith.constant 262143 : i32
        %and3A_230 = vector.broadcast %and3A_229 : i32 to vector<16xi32>
        %and3A_231 = arith.andi %get3A_216, %and3A_230 : vector<16xi32>
        %shift_right_arithmetic3A_232 = arith.constant 16 : i32
        %shift_right_arithmetic3A_233 = vector.broadcast %shift_right_arithmetic3A_232 : i32 to vector<16xi32>
        %shift_right_arithmetic3A_234 = arith.shrsi %and3A_231, %shift_right_arithmetic3A_233 : vector<16xi32>
        %eq3A_235 = arith.constant 3 : i32
        %eq3A_236 = vector.broadcast %eq3A_235 : i32 to vector<16xi32>
        %eq3A_237 = arith.cmpi eq, %shift_right_arithmetic3A_234, %eq3A_236 : vector<16xi32>
        %and3A_238 = arith.andi %lt3A_228, %eq3A_237 : vector<16xi1>
        %and3A_239 = arith.constant 65535 : i32
        %and3A_240 = vector.broadcast %and3A_239 : i32 to vector<16xi32>
        %and3A_241 = arith.andi %and3A_231, %and3A_240 : vector<16xi32>
        %shift_left3A = arith.constant 4 : i32
        %shift_left3A_242 = vector.broadcast %shift_left3A : i32 to vector<16xi32>
        %shift_left3A_243 = arith.shli %and3A_241, %shift_left3A_242 : vector<16xi32>
        %or3A = arith.ori %shift_left3A_243, %iota3A : vector<16xi32>
        %jit3A_244 = arith.constant 1073741824 : i32
        %broadcast_in_dim3A_245 = vector.broadcast %jit3A_244 : i32 to vector<16xi32>
        %select_n3A_246 = arith.select %and3A_238, %or3A, %broadcast_in_dim3A_245 : vector<16xi1>, vector<16xi32>
        %masked_sort3A = arith.constant dense<true> : vector<16xi1>
        %masked_sort3A_247 = arith.constant -2147483648 : i32
        %masked_sort3A_248 = vector.broadcast %masked_sort3A_247 : i32 to vector<16xi32>
        %masked_sort3A_249 = arith.xori %select_n3A_246, %masked_sort3A_248 : vector<16xi32>
        %masked_sort3A_250, %masked_sort3A_251, %masked_sort3A_252 = tpu.sort %masked_sort3A_249, %get3A_223 masked %masked_sort3A : (vector<16xi32>, vector<16xf32>, vector<16xi1>) -> (vector<16xi1>, vector<16xi32>, vector<16xf32>)
        %masked_sort3A_253 = arith.xori %masked_sort3A_251, %masked_sort3A_248 : vector<16xi32>
        %swap3A_254 = arith.constant 0 : index
        %swap3A_255 = tpu.vector_load %arg21[%swap3A_254] {strides = array<i32>} : memref<32xi32, #tpu.memory_space<vmem>>, vector<16xi32>,
        tpu.vector_store %arg21[%swap3A_254], %masked_sort3A_253 {strides = array<i32>} : memref<32xi32, #tpu.memory_space<vmem>>, vector<16xi32>,
        %get3A_256 = arith.constant 1 : index
        %get3A_257 = tpu.vector_load %arg21[%get3A_256] {strides = array<i32>} : memref<32xi32, #tpu.memory_space<vmem>>, vector<16xi32>,
        %lt3A_258 = arith.constant 1073741824 : i32
        %lt3A_259 = vector.broadcast %lt3A_258 : i32 to vector<16xi32>
        %lt3A_260 = arith.cmpi slt, %masked_sort3A_253, %lt3A_259 : vector<16xi32>
        %shift_right_arithmetic3A_261 = arith.constant 4 : i32
        %shift_right_arithmetic3A_262 = vector.broadcast %shift_right_arithmetic3A_261 : i32 to vector<16xi32>
        %shift_right_arithmetic3A_263 = arith.shrsi %masked_sort3A_253, %shift_right_arithmetic3A_262 : vector<16xi32>
        %shift_right_arithmetic3A_264 = arith.constant 4 : i32
        %shift_right_arithmetic3A_265 = vector.broadcast %shift_right_arithmetic3A_264 : i32 to vector<16xi32>
        %shift_right_arithmetic3A_266 = arith.shrsi %get3A_257, %shift_right_arithmetic3A_265 : vector<16xi32>
        %ne3A_267 = arith.cmpi ne, %shift_right_arithmetic3A_263, %shift_right_arithmetic3A_266 : vector<16xi32>
        %and3A_268 = arith.andi %lt3A_260, %ne3A_267 : vector<16xi1>
        %shift_right_arithmetic3A_269 = arith.constant 4 : i32
        %shift_right_arithmetic3A_270 = vector.broadcast %shift_right_arithmetic3A_269 : i32 to vector<16xi32>
        %shift_right_arithmetic3A_271 = arith.shrsi %masked_sort3A_253, %shift_right_arithmetic3A_270 : vector<16xi32>
        %min3A_272 = arith.constant 65535 : i32
        %min3A_273 = vector.broadcast %min3A_272 : i32 to vector<16xi32>
        %min3A_274 = arith.minsi %shift_right_arithmetic3A_271, %min3A_273 : vector<16xi32>
        tpu.vector_store_idx %arg18[%min3A_274], %masked_sort3A_252 masked %and3A_268 : memref<65536xf32, #tpu.memory_space<vmem>>[vector<16xi32>], vector<16xf32>, vector<16xi1>
        %while3A_275 = arith.constant 0 : i32
        scf.yield %while3A_275 : i32
      }
      %gt3A = arith.constant 64 : i32
      %gt3A_205 = arith.cmpi sgt, %get3A_168, %gt3A : i32
      %convert_element_type3A = arith.extui %gt3A_205 : i1 to i32
      %cond3A = arith.constant 0 : i32
      %cond3A_206 = arith.cmpi ne, %convert_element_type3A, %cond3A : i32
      scf.if %cond3A_206 {
        %add3A_208 = arith.constant 256 : i32
        %add3A_209 = arith.addi %get3A_168, %add3A_208 : i32
        %sub3A_210 = arith.constant 1 : i32
        %sub3A_211 = arith.subi %add3A_209, %sub3A_210 : i32
        %jit3A_212 = arith.constant 256 : i32
        %div3A_213 = arith.divsi %sub3A_211, %jit3A_212 : i32
        %sign3A_214 = arith.constant 0 : i32
        %sign3A_215 = arith.cmpi sgt, %sub3A_211, %sign3A_214 : i32
        %sign3A_216 = arith.extui %sign3A_215 : i1 to i32
        %sign3A_217 = arith.constant 0 : i32
        %sign3A_218 = arith.cmpi slt, %sub3A_211, %sign3A_217 : i32
        %sign3A_219 = arith.extui %sign3A_218 : i1 to i32
        %sign3A_220 = arith.subi %sign3A_216, %sign3A_219 : i32
        %sign3A_221 = arith.constant 0 : i32
        %sign3A_222 = arith.cmpi sgt, %jit3A_212, %sign3A_221 : i32
        %sign3A_223 = arith.extui %sign3A_222 : i1 to i32
        %sign3A_224 = arith.constant 0 : i32
        %sign3A_225 = arith.cmpi slt, %jit3A_212, %sign3A_224 : i32
        %sign3A_226 = arith.extui %sign3A_225 : i1 to i32
        %sign3A_227 = arith.subi %sign3A_223, %sign3A_226 : i32
        %ne3A_228 = arith.cmpi ne, %sign3A_220, %sign3A_227 : i32
        %rem3A_229 = arith.remsi %sub3A_211, %jit3A_212 : i32
        %ne3A_230 = arith.constant 0 : i32
        %ne3A_231 = arith.cmpi ne, %rem3A_229, %ne3A_230 : i32
        %and3A_232 = arith.andi %ne3A_228, %ne3A_231 : i1
        %sub3A_233 = arith.constant 1 : i32
        %sub3A_234 = arith.subi %div3A_213, %sub3A_233 : i32
        %select_n3A_235 = arith.select %and3A_232, %sub3A_234, %div3A_213 : i32
        %while3A_236 = arith.constant 0 : i32
        %while3A_237 = arith.constant 0 : i32
        %while3A_238 = arith.subi %select_n3A_235, %while3A_236 : i32
        %while3A_239 = arith.addi %while3A_236, %while3A_238 : i32
        %while3A_240 = arith.constant 1 : i32
        %while3A_241 = arith.divsi %while3A_238, %while3A_240 : i32
        %while3A_242 = arith.muli %while3A_241, %while3A_240 : i32
        %while3A_243 = arith.addi %while3A_236, %while3A_242 : i32
        %while3A_244 = arith.constant 1 : i32
        %while3A_245 = scf.for %while3A_286 = %while3A_236 to %while3A_243 step %while3A_244 iter_args(%while3A_287 = %while3A_237) -> (i32)  : i32 {
          %mul3A_288 = arith.constant 256 : i32
          %mul3A_289 = arith.muli %while3A_286, %mul3A_288 : i32
          %add3A_290 = arith.addi %mul3A_166, %mul3A_289 : i32
          %mul3A_291 = arith.constant 256 : i32
          %mul3A_292 = arith.muli %while3A_286, %mul3A_291 : i32
          "tpu.region"() ({
            %run_scoped3A = tpu.sem_alloc : memref<!tpu.dma_semaphore, #tpu.memory_space<semaphore_mem>>
            %dma_start3A_299 = tpu.memref_slice %arg12[%mul3A_292] : memref<4096xi32, #tpu.memory_space<vmem>> -> memref<256xi32, #tpu.memory_space<vmem>>
            %dma_start3A_300 = tpu.memref_slice %arg8[%add3A, %shift_right_arithmetic3A_163, %add3A_290] : memref<32x64x4096xi32, #tpu.memory_space<hbm>> -> memref<1x1x256xi32, #tpu.memory_space<hbm>>
            %dma_start3A_301 = tpu.memref_squeeze %dma_start3A_300 : memref<1x1x256xi32, #tpu.memory_space<hbm>> -> memref<256xi32, #tpu.memory_space<hbm>>
            %dma_start3A_302 = tpu.memref_slice %arg12[%mul3A_292] : memref<4096xi32, #tpu.memory_space<vmem>> -> memref<256xi32, #tpu.memory_space<vmem>>
            %dma_start3A_303 = tpu.memref_slice %arg8[%add3A, %shift_right_arithmetic3A_163, %add3A_290] : memref<32x64x4096xi32, #tpu.memory_space<hbm>> -> memref<1x1x256xi32, #tpu.memory_space<hbm>>
            %dma_start3A_304 = tpu.memref_squeeze %dma_start3A_303 : memref<1x1x256xi32, #tpu.memory_space<hbm>> -> memref<256xi32, #tpu.memory_space<hbm>>
            tpu.enqueue_dma source(%dma_start3A_304 : memref<256xi32, #tpu.memory_space<hbm>>) target(%dma_start3A_302 : memref<256xi32, #tpu.memory_space<vmem>>) target_semaphore(%run_scoped3A : memref<!tpu.dma_semaphore, #tpu.memory_space<semaphore_mem>>)
            %dma_wait3A_305 = tpu.memref_slice %arg12[%mul3A_292] : memref<4096xi32, #tpu.memory_space<vmem>> -> memref<256xi32, #tpu.memory_space<vmem>>
            %dma_wait3A_306 = tpu.memref_slice %arg8[%add3A, %shift_right_arithmetic3A_163, %add3A_290] : memref<32x64x4096xi32, #tpu.memory_space<hbm>> -> memref<1x1x256xi32, #tpu.memory_space<hbm>>
            %dma_wait3A_307 = tpu.memref_squeeze %dma_wait3A_306 : memref<1x1x256xi32, #tpu.memory_space<hbm>> -> memref<256xi32, #tpu.memory_space<hbm>>
            %dma_wait3A_308 = tpu.memref_slice %arg12[%mul3A_292] : memref<4096xi32, #tpu.memory_space<vmem>> -> memref<256xi32, #tpu.memory_space<vmem>>
            %dma_wait3A_309 = tpu.memref_slice %arg8[%add3A, %shift_right_arithmetic3A_163, %add3A_290] : memref<32x64x4096xi32, #tpu.memory_space<hbm>> -> memref<1x1x256xi32, #tpu.memory_space<hbm>>
            %dma_wait3A_310 = tpu.memref_squeeze %dma_wait3A_309 : memref<1x1x256xi32, #tpu.memory_space<hbm>> -> memref<256xi32, #tpu.memory_space<hbm>>
            tpu.wait_dma2 semaphore(%run_scoped3A : memref<!tpu.dma_semaphore, #tpu.memory_space<semaphore_mem>>) src(%dma_wait3A_310 : memref<256xi32, #tpu.memory_space<hbm>>) dst(%dma_wait3A_308 : memref<256xi32, #tpu.memory_space<vmem>>)
            tpu.yield
          }) : () -> ()
          %mul3A_293 = arith.constant 256 : i32
          %mul3A_294 = arith.muli %while3A_286, %mul3A_293 : i32
          %add3A_295 = arith.addi %mul3A_166, %mul3A_294 : i32
          %mul3A_296 = arith.constant 256 : i32
          %mul3A_297 = arith.muli %while3A_286, %mul3A_296 : i32
          "tpu.region"() ({
            %run_scoped3A = tpu.sem_alloc : memref<!tpu.dma_semaphore, #tpu.memory_space<semaphore_mem>>
            %dma_start3A_299 = tpu.memref_slice %arg13[%mul3A_297] : memref<4096xf32, #tpu.memory_space<vmem>> -> memref<256xf32, #tpu.memory_space<vmem>>
            %dma_start3A_300 = tpu.memref_slice %arg9[%add3A, %shift_right_arithmetic3A_163, %add3A_295] : memref<32x64x4096xf32, #tpu.memory_space<hbm>> -> memref<1x1x256xf32, #tpu.memory_space<hbm>>
            %dma_start3A_301 = tpu.memref_squeeze %dma_start3A_300 : memref<1x1x256xf32, #tpu.memory_space<hbm>> -> memref<256xf32, #tpu.memory_space<hbm>>
            %dma_start3A_302 = tpu.memref_slice %arg13[%mul3A_297] : memref<4096xf32, #tpu.memory_space<vmem>> -> memref<256xf32, #tpu.memory_space<vmem>>
            %dma_start3A_303 = tpu.memref_slice %arg9[%add3A, %shift_right_arithmetic3A_163, %add3A_295] : memref<32x64x4096xf32, #tpu.memory_space<hbm>> -> memref<1x1x256xf32, #tpu.memory_space<hbm>>
            %dma_start3A_304 = tpu.memref_squeeze %dma_start3A_303 : memref<1x1x256xf32, #tpu.memory_space<hbm>> -> memref<256xf32, #tpu.memory_space<hbm>>
            tpu.enqueue_dma source(%dma_start3A_304 : memref<256xf32, #tpu.memory_space<hbm>>) target(%dma_start3A_302 : memref<256xf32, #tpu.memory_space<vmem>>) target_semaphore(%run_scoped3A : memref<!tpu.dma_semaphore, #tpu.memory_space<semaphore_mem>>)
            %dma_wait3A_305 = tpu.memref_slice %arg13[%mul3A_297] : memref<4096xf32, #tpu.memory_space<vmem>> -> memref<256xf32, #tpu.memory_space<vmem>>
            %dma_wait3A_306 = tpu.memref_slice %arg9[%add3A, %shift_right_arithmetic3A_163, %add3A_295] : memref<32x64x4096xf32, #tpu.memory_space<hbm>> -> memref<1x1x256xf32, #tpu.memory_space<hbm>>
            %dma_wait3A_307 = tpu.memref_squeeze %dma_wait3A_306 : memref<1x1x256xf32, #tpu.memory_space<hbm>> -> memref<256xf32, #tpu.memory_space<hbm>>
            %dma_wait3A_308 = tpu.memref_slice %arg13[%mul3A_297] : memref<4096xf32, #tpu.memory_space<vmem>> -> memref<256xf32, #tpu.memory_space<vmem>>
            %dma_wait3A_309 = tpu.memref_slice %arg9[%add3A, %shift_right_arithmetic3A_163, %add3A_295] : memref<32x64x4096xf32, #tpu.memory_space<hbm>> -> memref<1x1x256xf32, #tpu.memory_space<hbm>>
            %dma_wait3A_310 = tpu.memref_squeeze %dma_wait3A_309 : memref<1x1x256xf32, #tpu.memory_space<hbm>> -> memref<256xf32, #tpu.memory_space<hbm>>
            tpu.wait_dma2 semaphore(%run_scoped3A : memref<!tpu.dma_semaphore, #tpu.memory_space<semaphore_mem>>) src(%dma_wait3A_310 : memref<256xf32, #tpu.memory_space<hbm>>) dst(%dma_wait3A_308 : memref<256xf32, #tpu.memory_space<vmem>>)
            tpu.yield
          }) : () -> ()
          %while3A_298 = arith.constant 0 : i32
          scf.yield %while3A_298 : i32
        }
        %while3A_246 = arith.constant 1 : i32
        %while3A_247 = scf.for %while3A_286 = %while3A_243 to %while3A_239 step %while3A_246 iter_args(%while3A_287 = %while3A_245) -> (i32)  : i32 {
          %mul3A_288 = arith.constant 256 : i32
          %mul3A_289 = arith.muli %while3A_286, %mul3A_288 : i32
          %add3A_290 = arith.addi %mul3A_166, %mul3A_289 : i32
          %mul3A_291 = arith.constant 256 : i32
          %mul3A_292 = arith.muli %while3A_286, %mul3A_291 : i32
          "tpu.region"() ({
            %run_scoped3A = tpu.sem_alloc : memref<!tpu.dma_semaphore, #tpu.memory_space<semaphore_mem>>
            %dma_start3A_299 = tpu.memref_slice %arg12[%mul3A_292] : memref<4096xi32, #tpu.memory_space<vmem>> -> memref<256xi32, #tpu.memory_space<vmem>>
            %dma_start3A_300 = tpu.memref_slice %arg8[%add3A, %shift_right_arithmetic3A_163, %add3A_290] : memref<32x64x4096xi32, #tpu.memory_space<hbm>> -> memref<1x1x256xi32, #tpu.memory_space<hbm>>
            %dma_start3A_301 = tpu.memref_squeeze %dma_start3A_300 : memref<1x1x256xi32, #tpu.memory_space<hbm>> -> memref<256xi32, #tpu.memory_space<hbm>>
            %dma_start3A_302 = tpu.memref_slice %arg12[%mul3A_292] : memref<4096xi32, #tpu.memory_space<vmem>> -> memref<256xi32, #tpu.memory_space<vmem>>
            %dma_start3A_303 = tpu.memref_slice %arg8[%add3A, %shift_right_arithmetic3A_163, %add3A_290] : memref<32x64x4096xi32, #tpu.memory_space<hbm>> -> memref<1x1x256xi32, #tpu.memory_space<hbm>>
            %dma_start3A_304 = tpu.memref_squeeze %dma_start3A_303 : memref<1x1x256xi32, #tpu.memory_space<hbm>> -> memref<256xi32, #tpu.memory_space<hbm>>
            tpu.enqueue_dma source(%dma_start3A_304 : memref<256xi32, #tpu.memory_space<hbm>>) target(%dma_start3A_302 : memref<256xi32, #tpu.memory_space<vmem>>) target_semaphore(%run_scoped3A : memref<!tpu.dma_semaphore, #tpu.memory_space<semaphore_mem>>)
            %dma_wait3A_305 = tpu.memref_slice %arg12[%mul3A_292] : memref<4096xi32, #tpu.memory_space<vmem>> -> memref<256xi32, #tpu.memory_space<vmem>>
            %dma_wait3A_306 = tpu.memref_slice %arg8[%add3A, %shift_right_arithmetic3A_163, %add3A_290] : memref<32x64x4096xi32, #tpu.memory_space<hbm>> -> memref<1x1x256xi32, #tpu.memory_space<hbm>>
            %dma_wait3A_307 = tpu.memref_squeeze %dma_wait3A_306 : memref<1x1x256xi32, #tpu.memory_space<hbm>> -> memref<256xi32, #tpu.memory_space<hbm>>
            %dma_wait3A_308 = tpu.memref_slice %arg12[%mul3A_292] : memref<4096xi32, #tpu.memory_space<vmem>> -> memref<256xi32, #tpu.memory_space<vmem>>
            %dma_wait3A_309 = tpu.memref_slice %arg8[%add3A, %shift_right_arithmetic3A_163, %add3A_290] : memref<32x64x4096xi32, #tpu.memory_space<hbm>> -> memref<1x1x256xi32, #tpu.memory_space<hbm>>
            %dma_wait3A_310 = tpu.memref_squeeze %dma_wait3A_309 : memref<1x1x256xi32, #tpu.memory_space<hbm>> -> memref<256xi32, #tpu.memory_space<hbm>>
            tpu.wait_dma2 semaphore(%run_scoped3A : memref<!tpu.dma_semaphore, #tpu.memory_space<semaphore_mem>>) src(%dma_wait3A_310 : memref<256xi32, #tpu.memory_space<hbm>>) dst(%dma_wait3A_308 : memref<256xi32, #tpu.memory_space<vmem>>)
            tpu.yield
          }) : () -> ()
          %mul3A_293 = arith.constant 256 : i32
          %mul3A_294 = arith.muli %while3A_286, %mul3A_293 : i32
          %add3A_295 = arith.addi %mul3A_166, %mul3A_294 : i32
          %mul3A_296 = arith.constant 256 : i32
          %mul3A_297 = arith.muli %while3A_286, %mul3A_296 : i32
          "tpu.region"() ({
            %run_scoped3A = tpu.sem_alloc : memref<!tpu.dma_semaphore, #tpu.memory_space<semaphore_mem>>
            %dma_start3A_299 = tpu.memref_slice %arg13[%mul3A_297] : memref<4096xf32, #tpu.memory_space<vmem>> -> memref<256xf32, #tpu.memory_space<vmem>>
            %dma_start3A_300 = tpu.memref_slice %arg9[%add3A, %shift_right_arithmetic3A_163, %add3A_295] : memref<32x64x4096xf32, #tpu.memory_space<hbm>> -> memref<1x1x256xf32, #tpu.memory_space<hbm>>
            %dma_start3A_301 = tpu.memref_squeeze %dma_start3A_300 : memref<1x1x256xf32, #tpu.memory_space<hbm>> -> memref<256xf32, #tpu.memory_space<hbm>>
            %dma_start3A_302 = tpu.memref_slice %arg13[%mul3A_297] : memref<4096xf32, #tpu.memory_space<vmem>> -> memref<256xf32, #tpu.memory_space<vmem>>
            %dma_start3A_303 = tpu.memref_slice %arg9[%add3A, %shift_right_arithmetic3A_163, %add3A_295] : memref<32x64x4096xf32, #tpu.memory_space<hbm>> -> memref<1x1x256xf32, #tpu.memory_space<hbm>>
            %dma_start3A_304 = tpu.memref_squeeze %dma_start3A_303 : memref<1x1x256xf32, #tpu.memory_space<hbm>> -> memref<256xf32, #tpu.memory_space<hbm>>
            tpu.enqueue_dma source(%dma_start3A_304 : memref<256xf32, #tpu.memory_space<hbm>>) target(%dma_start3A_302 : memref<256xf32, #tpu.memory_space<vmem>>) target_semaphore(%run_scoped3A : memref<!tpu.dma_semaphore, #tpu.memory_space<semaphore_mem>>)
            %dma_wait3A_305 = tpu.memref_slice %arg13[%mul3A_297] : memref<4096xf32, #tpu.memory_space<vmem>> -> memref<256xf32, #tpu.memory_space<vmem>>
            %dma_wait3A_306 = tpu.memref_slice %arg9[%add3A, %shift_right_arithmetic3A_163, %add3A_295] : memref<32x64x4096xf32, #tpu.memory_space<hbm>> -> memref<1x1x256xf32, #tpu.memory_space<hbm>>
            %dma_wait3A_307 = tpu.memref_squeeze %dma_wait3A_306 : memref<1x1x256xf32, #tpu.memory_space<hbm>> -> memref<256xf32, #tpu.memory_space<hbm>>
            %dma_wait3A_308 = tpu.memref_slice %arg13[%mul3A_297] : memref<4096xf32, #tpu.memory_space<vmem>> -> memref<256xf32, #tpu.memory_space<vmem>>
            %dma_wait3A_309 = tpu.memref_slice %arg9[%add3A, %shift_right_arithmetic3A_163, %add3A_295] : memref<32x64x4096xf32, #tpu.memory_space<hbm>> -> memref<1x1x256xf32, #tpu.memory_space<hbm>>
            %dma_wait3A_310 = tpu.memref_squeeze %dma_wait3A_309 : memref<1x1x256xf32, #tpu.memory_space<hbm>> -> memref<256xf32, #tpu.memory_space<hbm>>
            tpu.wait_dma2 semaphore(%run_scoped3A : memref<!tpu.dma_semaphore, #tpu.memory_space<semaphore_mem>>) src(%dma_wait3A_310 : memref<256xf32, #tpu.memory_space<hbm>>) dst(%dma_wait3A_308 : memref<256xf32, #tpu.memory_space<vmem>>)
            tpu.yield
          }) : () -> ()
          %while3A_298 = arith.constant 0 : i32
          scf.yield %while3A_298 : i32
        }
        %add3A_248 = arith.constant 15 : i32
        %add3A_249 = arith.addi %get3A_168, %add3A_248 : i32
        %jit3A_250 = arith.constant 16 : i32
        %div3A_251 = arith.divsi %add3A_249, %jit3A_250 : i32
        %sign3A_252 = arith.constant 0 : i32
        %sign3A_253 = arith.cmpi sgt, %add3A_249, %sign3A_252 : i32
        %sign3A_254 = arith.extui %sign3A_253 : i1 to i32
        %sign3A_255 = arith.constant 0 : i32
        %sign3A_256 = arith.cmpi slt, %add3A_249, %sign3A_255 : i32
        %sign3A_257 = arith.extui %sign3A_256 : i1 to i32
        %sign3A_258 = arith.subi %sign3A_254, %sign3A_257 : i32
        %sign3A_259 = arith.constant 0 : i32
        %sign3A_260 = arith.cmpi sgt, %jit3A_250, %sign3A_259 : i32
        %sign3A_261 = arith.extui %sign3A_260 : i1 to i32
        %sign3A_262 = arith.constant 0 : i32
        %sign3A_263 = arith.cmpi slt, %jit3A_250, %sign3A_262 : i32
        %sign3A_264 = arith.extui %sign3A_263 : i1 to i32
        %sign3A_265 = arith.subi %sign3A_261, %sign3A_264 : i32
        %ne3A_266 = arith.cmpi ne, %sign3A_258, %sign3A_265 : i32
        %rem3A_267 = arith.remsi %add3A_249, %jit3A_250 : i32
        %ne3A_268 = arith.constant 0 : i32
        %ne3A_269 = arith.cmpi ne, %rem3A_267, %ne3A_268 : i32
        %and3A_270 = arith.andi %ne3A_266, %ne3A_269 : i1
        %sub3A_271 = arith.constant 1 : i32
        %sub3A_272 = arith.subi %div3A_251, %sub3A_271 : i32
        %select_n3A_273 = arith.select %and3A_270, %sub3A_272, %div3A_251 : i32
        %while3A_274 = arith.constant 4 : i32
        %while3A_275 = arith.constant 0 : i32
        %while3A_276 = arith.subi %select_n3A_273, %while3A_274 : i32
        %while3A_277 = arith.addi %while3A_274, %while3A_276 : i32
        %while3A_278 = arith.constant 1 : i32
        %while3A_279 = arith.divsi %while3A_276, %while3A_278 : i32
        %while3A_280 = arith.muli %while3A_279, %while3A_278 : i32
        %while3A_281 = arith.addi %while3A_274, %while3A_280 : i32
        %while3A_282 = arith.constant 1 : i32
        %while3A_283 = scf.for %while3A_286 = %while3A_274 to %while3A_281 step %while3A_282 iter_args(%while3A_287 = %while3A_275) -> (i32)  : i32 {
          %mul3A_288 = arith.constant 16 : i32
          %mul3A_289 = arith.muli %while3A_286, %mul3A_288 : i32
          %get3A_290 = arith.index_cast %mul3A_289 : i32 to index
          %get3A_291 = tpu.vector_load %arg12[%get3A_290] {strides = array<i32>} : memref<4096xi32, #tpu.memory_space<vmem>>, vector<16xi32>,
          %mul3A_292 = arith.constant 16 : i32
          %mul3A_293 = arith.muli %while3A_286, %mul3A_292 : i32
          %get3A_294 = arith.index_cast %mul3A_293 : i32 to index
          %get3A_295 = tpu.vector_load %arg13[%get3A_294] {strides = array<i32>} : memref<4096xf32, #tpu.memory_space<vmem>>, vector<16xf32>,
          %mul3A_296 = arith.constant 16 : i32
          %mul3A_297 = arith.muli %while3A_286, %mul3A_296 : i32
          %add3A_298 = vector.broadcast %mul3A_297 : i32 to vector<16xi32>
          %add3A_299 = arith.addi %add3A_298, %iota3A : vector<16xi32>
          %lt3A = vector.broadcast %get3A_168 : i32 to vector<16xi32>
          %lt3A_300 = arith.cmpi slt, %add3A_299, %lt3A : vector<16xi32>
          %and3A_301 = arith.constant 262143 : i32
          %and3A_302 = vector.broadcast %and3A_301 : i32 to vector<16xi32>
          %and3A_303 = arith.andi %get3A_291, %and3A_302 : vector<16xi32>
          %shift_right_arithmetic3A_304 = arith.constant 16 : i32
          %shift_right_arithmetic3A_305 = vector.broadcast %shift_right_arithmetic3A_304 : i32 to vector<16xi32>
          %shift_right_arithmetic3A_306 = arith.shrsi %and3A_303, %shift_right_arithmetic3A_305 : vector<16xi32>
          %eq3A_307 = arith.constant 3 : i32
          %eq3A_308 = vector.broadcast %eq3A_307 : i32 to vector<16xi32>
          %eq3A_309 = arith.cmpi eq, %shift_right_arithmetic3A_306, %eq3A_308 : vector<16xi32>
          %and3A_310 = arith.andi %lt3A_300, %eq3A_309 : vector<16xi1>
          %and3A_311 = arith.constant 65535 : i32
          %and3A_312 = vector.broadcast %and3A_311 : i32 to vector<16xi32>
          %and3A_313 = arith.andi %and3A_303, %and3A_312 : vector<16xi32>
          %shift_left3A = arith.constant 4 : i32
          %shift_left3A_314 = vector.broadcast %shift_left3A : i32 to vector<16xi32>
          %shift_left3A_315 = arith.shli %and3A_313, %shift_left3A_314 : vector<16xi32>
          %or3A = arith.ori %shift_left3A_315, %iota3A : vector<16xi32>
          %jit3A_316 = arith.constant 1073741824 : i32
          %broadcast_in_dim3A_317 = vector.broadcast %jit3A_316 : i32 to vector<16xi32>
          %select_n3A_318 = arith.select %and3A_310, %or3A, %broadcast_in_dim3A_317 : vector<16xi1>, vector<16xi32>
          %masked_sort3A = arith.constant dense<true> : vector<16xi1>
          %masked_sort3A_319 = arith.constant -2147483648 : i32
          %masked_sort3A_320 = vector.broadcast %masked_sort3A_319 : i32 to vector<16xi32>
          %masked_sort3A_321 = arith.xori %select_n3A_318, %masked_sort3A_320 : vector<16xi32>
          %masked_sort3A_322, %masked_sort3A_323, %masked_sort3A_324 = tpu.sort %masked_sort3A_321, %get3A_295 masked %masked_sort3A : (vector<16xi32>, vector<16xf32>, vector<16xi1>) -> (vector<16xi1>, vector<16xi32>, vector<16xf32>)
          %masked_sort3A_325 = arith.xori %masked_sort3A_323, %masked_sort3A_320 : vector<16xi32>
          %swap3A_326 = arith.constant 0 : index
          %swap3A_327 = tpu.vector_load %arg21[%swap3A_326] {strides = array<i32>} : memref<32xi32, #tpu.memory_space<vmem>>, vector<16xi32>,
          tpu.vector_store %arg21[%swap3A_326], %masked_sort3A_325 {strides = array<i32>} : memref<32xi32, #tpu.memory_space<vmem>>, vector<16xi32>,
          %get3A_328 = arith.constant 1 : index
          %get3A_329 = tpu.vector_load %arg21[%get3A_328] {strides = array<i32>} : memref<32xi32, #tpu.memory_space<vmem>>, vector<16xi32>,
          %lt3A_330 = arith.constant 1073741824 : i32
          %lt3A_331 = vector.broadcast %lt3A_330 : i32 to vector<16xi32>
          %lt3A_332 = arith.cmpi slt, %masked_sort3A_325, %lt3A_331 : vector<16xi32>
          %shift_right_arithmetic3A_333 = arith.constant 4 : i32
          %shift_right_arithmetic3A_334 = vector.broadcast %shift_right_arithmetic3A_333 : i32 to vector<16xi32>
          %shift_right_arithmetic3A_335 = arith.shrsi %masked_sort3A_325, %shift_right_arithmetic3A_334 : vector<16xi32>
          %shift_right_arithmetic3A_336 = arith.constant 4 : i32
          %shift_right_arithmetic3A_337 = vector.broadcast %shift_right_arithmetic3A_336 : i32 to vector<16xi32>
          %shift_right_arithmetic3A_338 = arith.shrsi %get3A_329, %shift_right_arithmetic3A_337 : vector<16xi32>
          %ne3A_339 = arith.cmpi ne, %shift_right_arithmetic3A_335, %shift_right_arithmetic3A_338 : vector<16xi32>
          %and3A_340 = arith.andi %lt3A_332, %ne3A_339 : vector<16xi1>
          %shift_right_arithmetic3A_341 = arith.constant 4 : i32
          %shift_right_arithmetic3A_342 = vector.broadcast %shift_right_arithmetic3A_341 : i32 to vector<16xi32>
          %shift_right_arithmetic3A_343 = arith.shrsi %masked_sort3A_325, %shift_right_arithmetic3A_342 : vector<16xi32>
          %min3A_344 = arith.constant 65535 : i32
          %min3A_345 = vector.broadcast %min3A_344 : i32 to vector<16xi32>
          %min3A_346 = arith.minsi %shift_right_arithmetic3A_343, %min3A_345 : vector<16xi32>
          tpu.vector_store_idx %arg18[%min3A_346], %masked_sort3A_324 masked %and3A_340 : memref<65536xf32, #tpu.memory_space<vmem>>[vector<16xi32>], vector<16xf32>, vector<16xi1>
          %while3A_347 = arith.constant 0 : i32
          scf.yield %while3A_347 : i32
        }
        %while3A_284 = arith.constant 1 : i32
        %while3A_285 = scf.for %while3A_286 = %while3A_281 to %while3A_277 step %while3A_284 iter_args(%while3A_287 = %while3A_283) -> (i32)  : i32 {
          %mul3A_288 = arith.constant 16 : i32
          %mul3A_289 = arith.muli %while3A_286, %mul3A_288 : i32
          %get3A_290 = arith.index_cast %mul3A_289 : i32 to index
          %get3A_291 = tpu.vector_load %arg12[%get3A_290] {strides = array<i32>} : memref<4096xi32, #tpu.memory_space<vmem>>, vector<16xi32>,
          %mul3A_292 = arith.constant 16 : i32
          %mul3A_293 = arith.muli %while3A_286, %mul3A_292 : i32
          %get3A_294 = arith.index_cast %mul3A_293 : i32 to index
          %get3A_295 = tpu.vector_load %arg13[%get3A_294] {strides = array<i32>} : memref<4096xf32, #tpu.memory_space<vmem>>, vector<16xf32>,
          %mul3A_296 = arith.constant 16 : i32
          %mul3A_297 = arith.muli %while3A_286, %mul3A_296 : i32
          %add3A_298 = vector.broadcast %mul3A_297 : i32 to vector<16xi32>
          %add3A_299 = arith.addi %add3A_298, %iota3A : vector<16xi32>
          %lt3A = vector.broadcast %get3A_168 : i32 to vector<16xi32>
          %lt3A_300 = arith.cmpi slt, %add3A_299, %lt3A : vector<16xi32>
          %and3A_301 = arith.constant 262143 : i32
          %and3A_302 = vector.broadcast %and3A_301 : i32 to vector<16xi32>
          %and3A_303 = arith.andi %get3A_291, %and3A_302 : vector<16xi32>
          %shift_right_arithmetic3A_304 = arith.constant 16 : i32
          %shift_right_arithmetic3A_305 = vector.broadcast %shift_right_arithmetic3A_304 : i32 to vector<16xi32>
          %shift_right_arithmetic3A_306 = arith.shrsi %and3A_303, %shift_right_arithmetic3A_305 : vector<16xi32>
          %eq3A_307 = arith.constant 3 : i32
          %eq3A_308 = vector.broadcast %eq3A_307 : i32 to vector<16xi32>
          %eq3A_309 = arith.cmpi eq, %shift_right_arithmetic3A_306, %eq3A_308 : vector<16xi32>
          %and3A_310 = arith.andi %lt3A_300, %eq3A_309 : vector<16xi1>
          %and3A_311 = arith.constant 65535 : i32
          %and3A_312 = vector.broadcast %and3A_311 : i32 to vector<16xi32>
          %and3A_313 = arith.andi %and3A_303, %and3A_312 : vector<16xi32>
          %shift_left3A = arith.constant 4 : i32
          %shift_left3A_314 = vector.broadcast %shift_left3A : i32 to vector<16xi32>
          %shift_left3A_315 = arith.shli %and3A_313, %shift_left3A_314 : vector<16xi32>
          %or3A = arith.ori %shift_left3A_315, %iota3A : vector<16xi32>
          %jit3A_316 = arith.constant 1073741824 : i32
          %broadcast_in_dim3A_317 = vector.broadcast %jit3A_316 : i32 to vector<16xi32>
          %select_n3A_318 = arith.select %and3A_310, %or3A, %broadcast_in_dim3A_317 : vector<16xi1>, vector<16xi32>
          %masked_sort3A = arith.constant dense<true> : vector<16xi1>
          %masked_sort3A_319 = arith.constant -2147483648 : i32
          %masked_sort3A_320 = vector.broadcast %masked_sort3A_319 : i32 to vector<16xi32>
          %masked_sort3A_321 = arith.xori %select_n3A_318, %masked_sort3A_320 : vector<16xi32>
          %masked_sort3A_322, %masked_sort3A_323, %masked_sort3A_324 = tpu.sort %masked_sort3A_321, %get3A_295 masked %masked_sort3A : (vector<16xi32>, vector<16xf32>, vector<16xi1>) -> (vector<16xi1>, vector<16xi32>, vector<16xf32>)
          %masked_sort3A_325 = arith.xori %masked_sort3A_323, %masked_sort3A_320 : vector<16xi32>
          %swap3A_326 = arith.constant 0 : index
          %swap3A_327 = tpu.vector_load %arg21[%swap3A_326] {strides = array<i32>} : memref<32xi32, #tpu.memory_space<vmem>>, vector<16xi32>,
          tpu.vector_store %arg21[%swap3A_326], %masked_sort3A_325 {strides = array<i32>} : memref<32xi32, #tpu.memory_space<vmem>>, vector<16xi32>,
          %get3A_328 = arith.constant 1 : index
          %get3A_329 = tpu.vector_load %arg21[%get3A_328] {strides = array<i32>} : memref<32xi32, #tpu.memory_space<vmem>>, vector<16xi32>,
          %lt3A_330 = arith.constant 1073741824 : i32
          %lt3A_331 = vector.broadcast %lt3A_330 : i32 to vector<16xi32>
          %lt3A_332 = arith.cmpi slt, %masked_sort3A_325, %lt3A_331 : vector<16xi32>
          %shift_right_arithmetic3A_333 = arith.constant 4 : i32
          %shift_right_arithmetic3A_334 = vector.broadcast %shift_right_arithmetic3A_333 : i32 to vector<16xi32>
          %shift_right_arithmetic3A_335 = arith.shrsi %masked_sort3A_325, %shift_right_arithmetic3A_334 : vector<16xi32>
          %shift_right_arithmetic3A_336 = arith.constant 4 : i32
          %shift_right_arithmetic3A_337 = vector.broadcast %shift_right_arithmetic3A_336 : i32 to vector<16xi32>
          %shift_right_arithmetic3A_338 = arith.shrsi %get3A_329, %shift_right_arithmetic3A_337 : vector<16xi32>
          %ne3A_339 = arith.cmpi ne, %shift_right_arithmetic3A_335, %shift_right_arithmetic3A_338 : vector<16xi32>
          %and3A_340 = arith.andi %lt3A_332, %ne3A_339 : vector<16xi1>
          %shift_right_arithmetic3A_341 = arith.constant 4 : i32
          %shift_right_arithmetic3A_342 = vector.broadcast %shift_right_arithmetic3A_341 : i32 to vector<16xi32>
          %shift_right_arithmetic3A_343 = arith.shrsi %masked_sort3A_325, %shift_right_arithmetic3A_342 : vector<16xi32>
          %min3A_344 = arith.constant 65535 : i32
          %min3A_345 = vector.broadcast %min3A_344 : i32 to vector<16xi32>
          %min3A_346 = arith.minsi %shift_right_arithmetic3A_343, %min3A_345 : vector<16xi32>
          tpu.vector_store_idx %arg18[%min3A_346], %masked_sort3A_324 masked %and3A_340 : memref<65536xf32, #tpu.memory_space<vmem>>[vector<16xi32>], vector<16xf32>, vector<16xi1>
          %while3A_347 = arith.constant 0 : i32
          scf.yield %while3A_347 : i32
        }
      } else {
      }
      %scan3A_207 = arith.constant 0 : i32
      scf.yield %scan3A_207 : i32
    }
    %scan3A_152 = arith.constant 256 : i32
    %dma_start3A_153 = tpu.memref_slice %arg7[%add3A_145] : memref<8388608xf32, #tpu.memory_space<hbm>> -> memref<65536xf32, #tpu.memory_space<hbm>>
    %dma_start3A_154 = tpu.memref_slice %arg7[%add3A_145] : memref<8388608xf32, #tpu.memory_space<hbm>> -> memref<65536xf32, #tpu.memory_space<hbm>>
    tpu.enqueue_dma source(%arg18 : memref<65536xf32, #tpu.memory_space<vmem>>) target(%dma_start3A_154 : memref<65536xf32, #tpu.memory_space<hbm>>) target_semaphore(%arg26 : memref<!tpu.dma_semaphore, #tpu.memory_space<semaphore_mem>>)
    %mul3A_155 = arith.constant 262144 : i32
    %mul3A_156 = arith.muli %add3A, %mul3A_155 : i32
    %add3A_157 = arith.constant 196608 : i32
    %add3A_158 = arith.addi %mul3A_156, %add3A_157 : i32
    %dma_wait3A_159 = tpu.memref_slice %arg7[%add3A_158] : memref<8388608xf32, #tpu.memory_space<hbm>> -> memref<65536xf32, #tpu.memory_space<hbm>>
    %dma_wait3A_160 = tpu.memref_slice %arg7[%add3A_158] : memref<8388608xf32, #tpu.memory_space<hbm>> -> memref<65536xf32, #tpu.memory_space<hbm>>
    tpu.wait_dma2 semaphore(%arg26 : memref<!tpu.dma_semaphore, #tpu.memory_space<semaphore_mem>>) src(%arg18 : memref<65536xf32, #tpu.memory_space<vmem>>) dst(%dma_wait3A_160 : memref<65536xf32, #tpu.memory_space<hbm>>)
    return
  }
}

</mosaic_0001>

<sc_bundles>
// kernel: kernel.3.cloned.1.call-start
scs
__scs_entry_jumppad:
0x0: {  	(pc) =	sbr.rel $0x88, $3  }
0x1: {  	(tag) =	ssettag $0x0;
	lr =	simm.s32 $0x1  }
0x2: {  	[smem:$0x3F9C] =	sst lr;
	_ =	strace $0xD0000000  }
0x3: {  	_ = 	snop  }
0x4: {  	_ = 	snop  }
0x5: {  	_ = 	snop  }
0x6: {  	_ = 	snop  }
0x7: {  	_ = 	snop  }
__scs_overlays_trampoline_lowered:
0x8: {  	[smem:$0x3FAB] =	sst s0  }
0x9: {  	[smem:$0x3FAC] =	sst s1  }
0xa: {  	[smem:$0x3FAD] =	sst s2  }
0xb: {  	[smem:$0x3FAE] =	sst s3  }
0xc: {  	[smem:$0x3FAF] =	sst s4  }
0xd: {  	[smem:$0x3FB0] =	sst s5  }
0xe: {  	[smem:$0x3FB1] =	sst s6  }
0xf: {  	[smem:$0x3FB2] =	sst s7  }
0x10: {  	[smem:$0x3FB3] =	sst s8  }
0x11: {  	[smem:$0x3FB4] =	sst s9;
	s0 =	simm.s32 @!p0 $0x0  }
0x12: {  	s1 =	sld [smem:$0x3F9A];
	s0 =	simm.s32 @p0 $0x1  }
0x13: {  	[smem:$0x3FB5] =	sst s0;
	s0 =	simm.s32 @!p1 $0x0  }
0x14: {  	s2 =	sld [smem:$0x3F99];
	s0 =	simm.s32 @p1 $0x1  }
0x15: {  	[smem:$0x3FB6] =	sst s0;
	s0 =	simm.s32 @!p2 $0x0  }
0x16: {  	s3 =	sld [smem:$0x3FDB];
	s0 =	simm.s32 @p2 $0x1  }
0x17: {  	s4 =	simm.s32 $0x1BF5;
	[smem:$0x3FB8] =	sst s0  }
0x18: {  	s0 =	sld [smem:$0x3F9B];
	_ =	swait.ge [sflag:s4], $0x0  }
0x19: {  	s7 =	sld [smem:$0x3F9C]  }
0x1a: {  	s8 =	sadd.s32 $0xFFFFE003, lr  }
0x1b: {  	s9 =	sadd.s32 $0xFFFFFEF7, lr;
	s5 =	simm.s32 $0xFFFFFFFF;
	p2 =	slt.u32 s8, $0xFFFFF086  }
0x1c: {  	p1 =	slt.u32 s9, $0xF7A;
	s5 =	simm.s32 @!p2 $0x0  }
0x1d: {  	s5 =	simm.s32 @p1 $0x1;
	p0 =	seq.s32 s7, s2  }
0x1e: {  	s7 =	smul.u32 @!p0 $0xF7A, s2;
	p2 =	seq.s32 @!p0 s5, $0x0  }
0x1f: {  	s9 =	smul.u32 $0xF7A, s1;
	s8 =	simm.s32 @!p0 $0x1BF5;
	p2 =	por !p2, p0  }
0x20: {  	[sflag:s8] =	ssyncset.s32 @!p0 $0xFFFFF086;
	s6 =	sadd.s32 @!p0 s3, s7;
	s7 =	simm.s32 @!p0 $0x108  }
0x21: {  	s3 =	sadd.s32 s3, s9;
	s6 =	sadd.s32 @!p0 $0x88, s6;
	s7 =	simm.s32 @p2 $0x1082  }
0x22: {  	[simem:s7], [sflag:s8] =	dma.local @!p0 [hbm:s6], $0xF7A  }
0x23: {  	s9 =	sor.u32 $0xD0000000, s2;
	s6 =	simm.s32 $0x108;
	_ =	swait.ge @!p0 [sflag:s8], $0x0  }
0x24: {  	s3 =	sadd.s32 $0x88, s3;
	s6 =	simm.s32 @!p1 $0x1082;
	[sflag:s4] =	ssyncset.s32 $0xFFFFF086  }
0x25: {  	[simem:s6], [sflag:s4] =	dma.local [hbm:s3], $0xF7A  }
0x26: {  	[smem:$0x3F9C] =	sst s1;
	(tag) =	ssettag s2;
	_ =	strace s9  }
0x27: {  	s1 =	sld [smem:$0x3FAC]  }
0x28: {  	s2 =	sld [smem:$0x3FAD]  }
0x29: {  	s4 =	sld [smem:$0x3FAF]  }
0x2a: {  	p0 =	seq.s32 s5, $0x0;
	s5 =	sld [smem:$0x3FB0]  }
0x2b: {  	s6 =	sld [smem:$0x3FB1]  }
0x2c: {  	s7 =	sld [smem:$0x3FB2]  }
0x2d: {  	s3 =	simm.s32 $0x108;
	s8 =	sld [smem:$0x3FB3]  }
0x2e: {  	s3 =	simm.s32 @!p0 $0x1082;
	s9 =	sld [smem:$0x3FB4]  }
0x2f: {  	lr =	sadd.s32 s0, s3;
	s0 =	sld [smem:$0x3FAB]  }
0x30: {  	s3 =	sld [smem:$0x3FAE]  }
0x31: {  	[smem:$0x3FB7] =	sst s10  }
0x32: {  	s10 =	sld [smem:$0x3FB5];
	_ =	sdelay $0x3  }
0x33: {  	p0 =	seq.s32 s10, $0x1;
	s10 =	sld [smem:$0x3FB7];
	_ =	sdelay $0x3  }
0x34: {  	[smem:$0x3FB7] =	sst s10  }
0x35: {  	s10 =	sld [smem:$0x3FB6];
	_ =	sdelay $0x3  }
0x36: {  	p1 =	seq.s32 s10, $0x1;
	s10 =	sld [smem:$0x3FB7];
	_ =	sdelay $0x3  }
0x37: {  	[smem:$0x3FB7] =	sst s10  }
0x38: {  	s10 =	sld [smem:$0x3FB8]  }
0x39: {  	_ = 	snop;
	(pc) =	sbr.ind lr, $3  }
0x3a: {  	_ = 	snop  }
0x3b: {  	_ = 	snop  }
0x3c: {  	p2 =	seq.s32 s10, $0x1;
	s10 =	sld [smem:$0x3FB7]  }
0x3d: {  	_ =	shalt  }
0x3e: {  	_ =	shalt  }
0x3f: {  	_ =	shalt  }
0x40: {  	_ =	shalt  }
0x41: {  	_ =	shalt  }
0x42: {  	_ =	shalt  }
0x43: {  	_ =	shalt  }
0x44: {  	_ =	shalt  }
0x45: {  	_ =	shalt  }
0x46: {  	_ =	shalt  }
0x47: {  	_ =	shalt  }
0x48: {  	_ =	shalt  }
0x49: {  	_ =	shalt  }
0x4a: {  	_ =	shalt  }
0x4b: {  	_ =	shalt  }
0x4c: {  	_ =	shalt  }
0x4d: {  	_ =	shalt  }
0x4e: {  	_ =	shalt  }
0x4f: {  	_ =	shalt  }
0x50: {  	_ =	shalt  }
0x51: {  	_ =	shalt  }
0x52: {  	_ =	shalt  }
0x53: {  	_ =	shalt  }
0x54: {  	_ =	shalt  }
0x55: {  	_ =	shalt  }
0x56: {  	_ =	shalt  }
0x57: {  	_ =	shalt  }
0x58: {  	_ =	shalt  }
0x59: {  	_ =	shalt  }
0x5a: {  	_ =	shalt  }
0x5b: {  	_ =	shalt  }
0x5c: {  	_ =	shalt  }
0x5d: {  	_ =	shalt  }
0x5e: {  	_ =	shalt  }
0x5f: {  	_ =	shalt  }
0x60: {  	_ =	shalt  }
0x61: {  	_ =	shalt  }
0x62: {  	_ =	shalt  }
0x63: {  	_ =	shalt  }
0x64: {  	_ =	shalt  }
0x65: {  	_ =	shalt  }
0x66: {  	_ =	shalt  }
0x67: {  	_ =	shalt  }
0x68: {  	_ =	shalt  }
0x69: {  	_ =	shalt  }
0x6a: {  	_ =	shalt  }
0x6b: {  	_ =	shalt  }
0x6c: {  	_ =	shalt  }
0x6d: {  	_ =	shalt  }
0x6e: {  	_ =	shalt  }
0x6f: {  	_ =	shalt  }
0x70: {  	_ =	shalt  }
0x71: {  	_ =	shalt  }
0x72: {  	_ =	shalt  }
0x73: {  	_ =	shalt  }
0x74: {  	_ =	shalt  }
0x75: {  	_ =	shalt  }
0x76: {  	_ =	shalt  }
0x77: {  	_ =	shalt  }
0x78: {  	_ =	shalt  }
0x79: {  	_ =	shalt  }
0x7a: {  	_ =	shalt  }
0x7b: {  	_ =	shalt  }
0x7c: {  	_ =	shalt  }
0x7d: {  	_ =	shalt  }
0x7e: {  	_ =	shalt  }
0x7f: {  	_ =	shalt  }
0x80: {  	_ =	shalt  }
0x81: {  	_ =	shalt  }
0x82: {  	_ =	shalt  }
0x83: {  	_ =	shalt  }
0x84: {  	_ =	shalt  }
0x85: {  	_ =	shalt  }
0x86: {  	_ =	shalt  }
0x87: {  	_ =	shalt  }
.Lfunc_end0:
.L_simem_size_0:
called_computation_lowered:
.L_overlay_start_0:
0x88: {  	s2 =	sld [smem:$0x3FD9]  }
0x89: {  	s3 =	sld [smem:$0x3FFE];
	_ =	sdelay $0x1  }
0x8a: {  	s1 =	srdreg.scid  }
0x8b: {  	s0 =	sand.u32 $0x1, s1  }
0x8c: {  	s17 =	sshll.u32 s0, $0xA;
	s2 =	sadd.s32 s3, s2  }
0x8d: {  	s2 =	sadd.s32 s2, s17  }
0x8e: {  	[smem:$0x3FC3] =	sst s2  }
0x8f: {  	_ = 	snop  }
0x90: {  	s2 =	sld [smem:$0x3FC9]  }
0x91: {  	s18 =	sld [smem:$0x3FC7]  }
0x92: {  	s4 =	sld [smem:$0x3FC6]  }
0x93: {  	s5 =	sld [smem:$0x3FC5]  }
0x94: {  	s6 =	sld [smem:$0x3FD0];
	(tm) =	ssettm $0x1  }
0x95: {  	s7 =	sld [smem:$0x3FFB];
	_ =	sdelay $0x3  }
0x96: {  	_ =	strace s7  }
0x97: {  	s7 =	sld [smem:$0x3FFC];
	_ =	sdelay $0x3  }
0x98: {  	_ =	strace s7  }
0x99: {  	s7 =	sld [smem:$0x3FFD];
	_ =	sdelay $0x3  }
0x9a: {  	_ =	strace s7  }
0x9b: {  	_ =	strace $0x8FFFFFFF  }
0x9c: {  	s19 =	sld [smem:$0x3FDB];
	_ =	sdelay $0x1  }
0x9d: {  	s8 =	simm.s32 $_scs_section_size  }
0x9e: {  	s9 =	simm.s32 $_size__tile_overlayer_lowered;
	s10 =	simm.s32 $_tile_overlayer_lowered  }
0x9f: {  	s22 =	simm.s32 $0x1BFF;
	s21 =	sshll.u32 s10, $0x1;
	s7 =	sadd.s32 s8, s19  }
0xa0: {  	s11 =	simm.s32 $0x0;
	s20 =	sshll.u32 s9, $0x1;
	s9 =	sadd.s32 s21, s7  }
0xa1: {  	[timem:s11], [sflag:s22] =	dma.local [hbm:s9], s20  }
0xa2: {  	_ =	swait.ge [sflag:s22], s20  }
0xa3: {  	s8 =	ssub.s32 $0x0, s20;
	[sflag:s22] =	ssyncset.done $0x0  }
0xa4: {  	[sflag:s22] =	ssyncadd.s32 s8;
	_ =	sdelay $0x1  }
0xa5: {  	s23 =	simm.s32 $0x1B8B  }
0xa6: {  	_ =	swait.ge [sflag:s23], $0x1  }
0xa7: {  	[sflag:s23] =	ssyncset.done $0x0  }
0xa8: {  	s25 =	simm.s32 $0x1B8E;
	s24 =	sld [smem:$0x3FFE];
	[sflag:s23] =	ssyncadd.s32 $0xFFFFFFFF  }
0xa9: {  	s26 =	simm.s32 $execute0_lowered;
	[smem:$0x3FD2] =	sst s25  }
0xaa: {  	s9 =	sshll.u32 s26, $0x1;
	_ =	strace $0x80000046;
	[dreg:$0x1] =	wrdreg $0xFFFFFFFF  }
0xab: {  	s28 =	simm.s32 $_size_execute0_lowered;
	s7 =	sadd.s32 s7, s9;
	[dreg:$0x0] =	wrdreg $0x0  }
0xac: {  	s9 =	sshll.u32 s28, $0x1;
	[dreg:$0x2] =	wrdreg s7  }
0xad: {  	[dreg:$0x3] =	wrdreg s9  }
0xae: {  	[dreg:$0x4] =	wrdreg $0xC0  }
0xaf: {  	_ =	task [dreg:s11], $0x5FFFF  }
0xb0: {  	[dreg:$0x1] =	wrdreg $0xFFFFFFFF  }
0xb1: {  	[dreg:$0x0] =	wrdreg $0x60  }
0xb2: {  	[dreg:$0x2] =	wrdreg s2  }
0xb3: {  	[dreg:$0x3] =	wrdreg s24  }
0xb4: {  	[dreg:$0x4] =	wrdreg s18  }
0xb5: {  	[dreg:$0x5] =	wrdreg s4  }
0xb6: {  	[dreg:$0x6] =	wrdreg s5  }
0xb7: {  	[dreg:$0x7] =	wrdreg s6  }
0xb8: {  	[dreg:$0x8] =	wrdreg $0x9  }
0xb9: {  	_ =	task.clear_ibuf [dreg:s11], $0x9FFFF;
	_ =	strace $0x90000046  }
0xba: {  	s29 =	simm.s32 $0x9;
	_ =	strace $0x80000048  }
0xbb: {  	_ =	swait.ge [sflag:s29], $0x1  }
0xbc: {  	[sflag:s29] =	ssyncadd.s32 $0xFFFFFFFF  }
0xbd: {  	_ =	strace $0x90000048  }
0xbe: {  	_ =	sfence  }
0xbf: {  	s30 =	sld [smem:$0x0];
	_ =	sdelay $0x2  }
0xc0: {  	s31 =	sshll.u32 s1, $0xD;
	s1 =	sshrl.u32 s1, $0x2  }
0xc1: {  	s3 =	sand.u32 $0x4000, s31;
	s1 =	sadd.s32 s1, s30  }
0xc2: {  	s0 =	sor.u32 s3, s0;
	s1 =	sshll.u32 s1, $0x11  }
0xc3: {  	s0 =	sor.u32 s1, s0  }
0xc4: {  	s0 =	sadd.s32 $0x8F2B, s0  }
0xc5: {  	[sflag:s0] =	ssyncadd.remote.s32 $0x1  }
0xc6: {  	_ =	sfence.sel $0xFFFF  }
0xc7: {  	[dreg:$0x0] =	wrdreg $0xFFFFFFFF;
	(pc) =	sbr.abs _section_cstart, $3  }
0xc8: {  	[dreg:$0x1] =	wrdreg $0xFFFFFFFF  }
0xc9: {  	_ =	task.clear_ibuf [dreg:s11], $0x2FFFF;
	_ =	strace $0x9FFFFFFF  }
0xca: {  	(tm) =	ssettm $0x7FFFFFFF  }
0xcb: {  	_ =	shalt  }
tec
execute0_lowered:
.L_overlay_start_1:
0x0: {  	(tag) =	ssettag $0x1  }
0x1: {  	s0 =	rddreg [dreg:$0x0]  }
0x2: {  	s1 =	rddreg [dreg:$0x1]  }
0x3: {  	s24 =	rddreg [dreg:$0x2]  }
0x4: {  	s25 =	rddreg [dreg:$0x3]  }
0x5: {  	s2 =	rddreg [dreg:$0x5];
	s5 =	simm.s32 $0x0;
	s3 =	srdreg.scid  }
0x6: {  	s11 =	stileid.u32;
	[smem:$0x7FF] =	sst s5  }
0x7: {  	s4 =	sadd.s32 $0x800, s1;
	s3 =	sand.u32 $0x1, s3;
	s20 =	sshll.u32 s11, $0x1  }
0x8: {  	s15 =	sshll.u32 s11, $0x13;
	_ =	strace $0x80000047;
	[dreg:$0x7] =	wrdreg s4  }
0x9: {  	s6 =	ssub.s32 $0x2, s3;
	s4 =	sor.u32 s3, s20;
	s3 =	sshll.u32 s3, $0x12  }
0xa: {  	s9 =	sshll.u32 s4, $0xF;
	s19 =	sor.u32 s3, s15  }
0xb: {  	s7 =	sadd.s32 $0xA00, s1;
	s22 =	sadd.s32 s0, s9;
	[dreg:$0x10] =	wrdreg s19  }
0xc: {  	s8 =	sadd.s32 $0x100A00, s1;
	s10 =	sadd.s32 s2, s9;
	[dreg:$0x8] =	wrdreg s22  }
0xd: {  	s21 =	sshrl.u32 s6, $0x1;
	s18 =	sor.u32 $0x2000, s19;
	[dreg:$0x9] =	wrdreg s10  }
0xe: {  	s1 =	ssub.s32 s6, s21;
	s20 =	sor.u32 $0x4000, s19;
	[dreg:$0x12] =	wrdreg s18  }
0xf: {  	s23 =	sor.u32 $0x2000, s9;
	s21 =	sor.u32 $0x6000, s19;
	[dreg:$0x13] =	wrdreg s20  }
0x10: {  	s26 =	sadd.s32 s0, s23;
	[dreg:$0x14] =	wrdreg s21  }
0x11: {  	s30 =	sor.u32 $0x4000, s9;
	s6 =	sadd.s32 s2, s23;
	[dreg:$0xa] =	wrdreg s26  }
0x12: {  	s12 =	sadd.s32 s0, s30;
	[dreg:$0xb] =	wrdreg s6  }
0x13: {  	s14 =	sor.u32 $0x6000, s9;
	s13 =	sadd.s32 s2, s30;
	[dreg:$0xc] =	wrdreg s12  }
0x14: {  	s28 =	simm.s32 $0x5;
	s0 =	sadd.s32 s0, s14;
	[dreg:$0xd] =	wrdreg s13  }
0x15: {  	s29 =	simm.s32 $0x80;
	s16 =	sadd.s32 s2, s14;
	[dreg:$0xe] =	wrdreg s0  }
0x16: {  	s31 =	simm.s32 $0x400;
	s17 =	smax.u32 s1, $0x1;
	[dreg:$0xf] =	wrdreg s16  }
.Ltmp0:
0x17: {  	s22 =	sor.u32 $0x80, s19;
	[dreg:$0x11] =	wrdreg s17;
	(pc) =	sbr.rel .LBB2_1-.Ltmp0, $4  }
0x18: {  	s3 =	simm.s32 $0x0;
	s23 =	sor.u32 $0x2080, s19;
	[dreg:$0x15] =	wrdreg s22  }
0x19: {  	s30 =	sor.u32 $0x6080, s19;
	s10 =	simm.s32 $0x3;
	[dreg:$0x16] =	wrdreg s23  }
0x1a: {  	v1 =	vlaneseq.u32;
	v4 =	vimm.s32 $0x40000000;
	s26 =	sor.u32 $0x4080, s19;
	[dreg:$0x18] =	wrdreg s30;
	s0 =	simm.s32 $0x2  }
0x1b: {  	v2 =	vor.u32 $0x80000000, v1;
	v3 =	vor.u32 $0x80000010, v1;
	v0 =	vmov s4;
	s6 =	simm.s32 $0x6900;
	[dreg:$0x17] =	wrdreg s26;
	s26 =	simm.s32 $0x1  }
.LBB2_119:
0x1c: {  	s1 =	rddreg [dreg:$0xf];
	s2 =	simm.s32 $0x4  }
0x1d: {  	[hbm4b:s1+s5] =	stream.linear.scatter [tilespmem:s6], [sflag:$0x4], $0x10000, $0x38;
	[tilespmem:$0x1E980] =	vst v63  }
0x1e: {  	_ =	swait.ge [sflag:s2], $0x10000  }
0x1f: {  	s3 =	rddreg [dreg:$0x19]  }
0x20: {  	s30 =	rddreg [dreg:$0x11];
	s3 =	sadd.s32 $0x1, s3  }
0x21: {  	p0 =	sne.s32 s3, s30  }
.Ltmp1:
0x22: {  	_ = 	snop;
	(pc) =	sbr.rel @!p0 .LBB2_120-.Ltmp1, $3  }
0x23: {  	_ =	sdelay $0x1  }
0x24: {  	[sflag:s2] =	ssyncset.done $0x0  }
0x25: {  	[sflag:s2] =	ssyncadd.s32 $0xFFFF0000  }
.LBB2_1:
0x26: {  	[dreg:$0x19] =	wrdreg s3  }
0x27: {  	s1 =	rddreg [dreg:$0x4]  }
0x28: {  	[tilespmem:s5], [sflag:$0x5] =	stream.linear.gather [hbm4b:s1+s5], $0x80, $0x38;
	[tilespmem:$0x1E980] =	vst v63  }
0x29: {  	_ =	swait.ge [sflag:s28], $0x80  }
0x2a: {  	[sflag:s28] =	ssyncset.done $0x0  }
0x2b: {  	s16 =	rddreg [dreg:$0x7];
	[sflag:s28] =	ssyncadd.s32 $0xFFFFFF80  }
0x2c: {  	[tilespmem:s29], [sflag:$0x5] =	stream.linear.gather [hbm4b:s16+s5], $0x80, $0x38;
	[tilespmem:$0x1E980] =	vst v63  }
0x2d: {  	_ =	swait.ge [sflag:s28], $0x80  }
0x2e: {  	[sflag:s28] =	ssyncset.done $0x0  }
0x2f: {  	[sflag:s28] =	ssyncadd.s32 $0xFFFFFF80  }
0x30: {  	v5 =	vld [tilespmem:$0x80]  }
0x31: {  	v6 =	vld [tilespmem:$0x0]  }
0x32: {  	v7 =	vld [tilespmem:$0x10];
	_ =	sdelay $0x3  }
0x33: {  	v6 =	vsub.f32 v6, v5  }
0x34: {  	v5 =	vsub.f32 v7, v5  }
0x35: {  	v6 =	vand.u32 $0x7FFFFFFF, v6  }
0x36: {  	v5 =	vand.u32 $0x7FFFFFFF, v5;
	(xrf0) =	vmin.scan.msk.f32 $0xffff, v6  }
0x37: {  	(xrf0) =	vmin.scan.msk.f32 $0xffff, v5;
	_ =	sdelay $0x4  }
0x38: {  	v7, _, _ =	vpop (xrf0)  }
0x39: {  	(v2sf) =	vpush v7, $0xF;
	v7, _, _ =	vpop (xrf0)  }
0x3a: {  	(v2sf) =	vpush v7, $0xF;
	_ =	sdelay $0xd  }
0x3b: {  	s17 =	spop (v2sf)  }
0x3c: {  	s2 =	spop (v2sf)  }
0x3d: {  	s1 =	smin.f32 s17, s2  }
0x3e: {  	vm0 =	veq.f32 v6, s1  }
0x3f: {  	vm15 =	veq.f32 v5, s1;
	v6 =	vnsel vm0, $0x800003E8, v2  }
0x40: {  	v5 =	vnsel vm15, $0x800003E8, v3;
	(xrf0) =	vmin.scan.msk.u32 $0xffff, v6  }
0x41: {  	(xrf0) =	vmin.scan.msk.u32 $0xffff, v5;
	_ =	sdelay $0x4  }
0x42: {  	v5, _, _ =	vpop (xrf0)  }
0x43: {  	(v2sf) =	vpush v5, $0xF;
	v5, _, _ =	vpop (xrf0)  }
0x44: {  	(v2sf) =	vpush v5, $0xF;
	_ =	sdelay $0xb  }
0x45: {  	s21 =	simm.s32 $0x100;
	[tilespmem:$0x1E910] =	vst v4  }
0x46: {  	[tilespmem:s21], [sflag:$0x1] =	stream.linear.gather [hbm4b:s24+s5], $0x1000, $0x38;
	[tilespmem:$0x1E980] =	vst v63  }
0x47: {  	s18 =	spop (v2sf)  }
0x48: {  	s20 =	spop (v2sf)  }
0x49: {  	s1 =	sxor.u32 $0x80000000, s18;
	s2 =	sxor.u32 $0x80000000, s20  }
0x4a: {  	p0 =	slt.s32 s1, s2  }
0x4b: {  	s2 =	smov.u32 @p0 s1  }
0x4c: {  	s22 =	sshll.u32 s2, $0x12;
	s2 =	sshll.u32 s2, $0x7  }
0x4d: {  	s1 =	sand.u32 $0xFFE00000, s22;
	s2 =	sand.u32 $0x380, s2  }
.Ltmp2:
0x4e: {  	s30 =	sor.u32 s2, s1;
	(pc) =	sbr.rel .LBB2_2-.Ltmp2, $4  }
0x4f: {  	s23 =	simm.s32 $0x1100;
	s1 =	sshrl.u32 s30, $0x3  }
0x50: {  	s14 =	simm.s32 $0x0;
	s15 =	simm.s32 $0x0;
	s1 =	sadd.s32 s25, s1  }
0x51: {  	[tilespmem:s23], [sflag:$0x1] =	stream.strided.gather [hbm4b:s1+s29], $0x1000, s31, s29, $0x38;
	[tilespmem:$0x1E980] =	vst v63  }
0x52: {  	s16 =	simm.s32 $0x0;
	s17 =	simm.s32 $0x0;
	s1 =	simm.s32 $0x0  }
.LBB2_38:
0x53: {  	s17 =	sadd.s32 $0x1, s17  }
0x54: {  	p0 =	seq.s32 s17, $0x20  }
.Ltmp3:
0x55: {  	_ = 	snop;
	(pc) =	sbr.rel @p0 .LBB2_39-.Ltmp3, $4  }
0x56: {  	_ = 	snop  }
0x57: {  	s2 =	sadd.s32 s12, s2  }
0x58: {  	s16 =	sadd.s32 $0x2000, s16;
	s15 =	sadd.s32 $0x1, s15;
	s2 =	sadd.s32 s3, s2  }
0x59: {  	s14 =	sadd.s32 $0x2, s14;
	s19 =	rddreg [dreg:$0x10];
	s1 =	sadd.s32 s1, s2  }
.LBB2_2:
0x5a: {  	s4 =	sshllo.u32 s17, $0x1  }
0x5b: {  	s2 =	sshll.u32 s4, $0x9  }
0x5c: {  	s3 =	simm.s32 $0x2100;
	s2 =	sadd.s32 s24, s2;
	s24 =	sshll.u32 s4, $0xF  }
0x5d: {  	[tilespmem:s3], [sflag:$0x1] =	stream.linear.gather [hbm4b:s2+s5], $0x1000, $0x38;
	[tilespmem:$0x1E980] =	vst v63  }
0x5e: {  	s2 =	sadd.s32 s30, s24  }
0x5f: {  	s2 =	sshrl.u32 s2, $0x3  }
0x60: {  	[dreg:$0x1c] =	wrdreg s4;
	s2 =	sadd.s32 s25, s2;
	s25 =	simm.s32 $0x3100  }
0x61: {  	[tilespmem:s25], [sflag:$0x1] =	stream.strided.gather [hbm4b:s2+s29], $0x1000, s31, s29, $0x38;
	[tilespmem:$0x1E980] =	vst v63  }
0x62: {  	p0 =	slt.s32 s1, $0x1;
	_ =	swait.ge [sflag:s26], $0x1000  }
.Ltmp4:
0x63: {  	[sflag:s26] =	ssyncset.done $0x0;
	(pc) =	sbr.rel @p0 .LBB2_6-.Ltmp4, $4  }
0x64: {  	[sflag:s26] =	ssyncadd.s32 $0xFFFFF000  }
0x65: {  	_ =	swait.ge [sflag:s26], $0x1000  }
0x66: {  	[sflag:s26] =	ssyncset.done $0x0  }
0x67: {  	[sflag:s26] =	ssyncadd.s32 $0xFFFFF000  }
0x68: {  	p0 =	sne.s32 s1, $0x1  }
.Ltmp5:
0x69: {  	_ =	swait.ge [sflag:s0], $0x100;
	(pc) =	sbr.rel @!p0 .LBB2_5-.Ltmp5, $4  }
0x6a: {  	[sflag:s0] =	ssyncset.done $0x0  }
0x6b: {  	[sflag:s0] =	ssyncadd.s32 $0xFFFFFF00  }
0x6c: {  	_ =	swait.ge [sflag:s0], $0x100  }
0x6d: {  	s1 =	sadd.s32 $0xFFFFFFFF, s1;
	[sflag:s0] =	ssyncset.done $0x0  }
.LBB2_4:
0x6e: {  	p0 =	sne.s32 s1, $0x1;
	s1 =	sadd.s32 $0xFFFFFFFF, s1;
	[sflag:s0] =	ssyncadd.s32 $0xFFFFFF00  }
.Ltmp6:
0x6f: {  	_ =	swait.ge [sflag:s0], $0x100;
	(pc) =	sbr.rel @p0 .LBB2_4-.Ltmp6, $4  }
0x70: {  	[sflag:s0] =	ssyncset.done $0x0  }
0x71: {  	[sflag:s0] =	ssyncadd.s32 $0xFFFFFF00  }
0x72: {  	_ =	swait.ge [sflag:s0], $0x100  }
0x73: {  	[sflag:s0] =	ssyncset.done $0x0  }
.LBB2_5:
0x74: {  	[sflag:s0] =	ssyncadd.s32 $0xFFFFFF00  }
.LBB2_6:
0x75: {  	s1 =	simm.s32 $0x0  }
0x76: {  	v5 =	vld [tilespmem:s1+$0x100];
	_ =	sdelay $0x2  }
0x77: {  	v6 =	vld [tilespmem:s1+$0x1100];
	_ =	sdelay $0x1  }
0x78: {  	v7 =	vshra.s32 v5, $0x12  }
0x79: {  	s23 =	simm.s32 $0x0;
	vm0 =	veq.s32 v7, v0  }
0x7a: {  	[tilespmem:s23+$0x4100] =	vst.msk vm0, v5  }
0x7b: {  	[tilespmem:s23+$0x5500] =	vst.msk vm0, v6  }
0x7c: {  	v5 =	vld [tilespmem:s1+$0x500];
	_ =	sdelay $0x2  }
0x7d: {  	v6 =	vld [tilespmem:s1+$0x1500];
	_ =	sdelay $0x1  }
0x7e: {  	v7 =	vshra.s32 v5, $0x12  }
0x7f: {  	vm1 =	veq.s32 v7, v0  }
0x80: {  	[tilespmem:s23+$0x4600] =	vst.msk vm1, v5  }
0x81: {  	[tilespmem:s23+$0x5A00] =	vst.msk vm1, v6  }
0x82: {  	v5 =	vld [tilespmem:s1+$0x900];
	_ =	sdelay $0x2  }
0x83: {  	v6 =	vld [tilespmem:s1+$0x1900];
	_ =	sdelay $0x1  }
0x84: {  	v7 =	vshra.s32 v5, $0x12  }
0x85: {  	v8 =	vmpcnt.ones.xlane vm0;
	vm0 =	veq.s32 v7, v0  }
0x86: {  	[tilespmem:s23+$0x4B00] =	vst.msk vm0, v5  }
0x87: {  	(v2sf) =	vpush v8, $0x0;
	[tilespmem:s23+$0x5F00] =	vst.msk vm0, v6  }
0x88: {  	v5 =	vld [tilespmem:s1+$0xD00];
	_ =	sdelay $0x2  }
0x89: {  	v6 =	vld [tilespmem:s1+$0x1D00];
	_ =	sdelay $0x1  }
0x8a: {  	v7 =	vmpcnt.ones.xlane vm0;
	v8 =	vshra.s32 v5, $0x12  }
0x8b: {  	vm0 =	veq.s32 v8, v0;
	v8 =	vmpcnt.ones.xlane vm1  }
0x8c: {  	(v2sf) =	vpush v7, $0x0;
	[tilespmem:s23+$0x5000] =	vst.msk vm0, v5;
	v5 =	vmpcnt.ones.xlane vm0  }
0x8d: {  	s25 =	simm.s32 $0x10;
	[tilespmem:s23+$0x6400] =	vst.msk vm0, v6;
	(v2sf) =	vpush v8, $0x0  }
0x8e: {  	v6 =	vld [tilespmem:s25+$0x100];
	(v2sf) =	vpush v5, $0x0  }
0x8f: {  	s20 =	rddreg [dreg:$0x18]  }
0x90: {  	s21 =	rddreg [dreg:$0x17]  }
0x91: {  	s12 =	smov.u32 s30;
	s4 =	rddreg [dreg:$0x16];
	v5 =	vld [tilespmem:s25+$0x1100]  }
0x92: {  	s13 =	sand.u32 $0xFFFF8000, s16;
	s3 =	sshll.u32 s14, $0x7;
	s11 =	rddreg [dreg:$0x15]  }
0x93: {  	s22 =	sshll.u32 s15, $0x8;
	s24 =	rddreg [dreg:$0x14];
	s18 =	spop (v2sf);
	v7 =	vshra.s32 v6, $0x12  }
0x94: {  	s3 =	sand.u32 $0x380, s3;
	s2 =	sadd.s32 $0x0, s18;
	s1 =	sadd.s32 s13, s20;
	vm0 =	veq.s32 v7, v0  }
0x95: {  	s26 =	rddreg [dreg:$0x13];
	s4 =	sadd.s32 s13, s4;
	s1 =	sadd.s32 s3, s1;
	[tilespmem:s2+$0x4100] =	vst.msk vm0, v6  }
0x96: {  	s4 =	sadd.s32 s3, s4;
	[dreg:$0x1a] =	wrdreg s1;
	s1 =	sadd.s32 s13, s21;
	v6 =	vmpcnt.ones.xlane vm0;
	[tilespmem:s2+$0x5500] =	vst.msk vm0, v5  }
0x97: {  	s18 =	sadd.s32 s13, s11;
	s11 =	sadd.s32 s13, s26;
	s1 =	sadd.s32 s3, s1;
	v5 =	vld [tilespmem:s25+$0x500]  }
0x98: {  	s20 =	sadd.s32 s13, s24;
	[dreg:$0x1b] =	wrdreg s1;
	s1 =	sand.u32 $0x300, s22;
	(v2sf) =	vpush v6, $0x0  }
0x99: {  	s3 =	sadd.s32 s3, s18;
	s21 =	sadd.s32 s1, s20;
	s20 =	rddreg [dreg:$0x12]  }
0x9a: {  	s22 =	sadd.s32 s1, s11;
	s24 =	sadd.s32 s13, s20;
	s13 =	sadd.s32 s13, s19  }
0x9b: {  	s20 =	sshll.u32 s17, $0x1;
	s24 =	sadd.s32 s1, s24;
	s26 =	spop (v2sf);
	v6 =	vld [tilespmem:s25+$0x1500]  }
0x9c: {  	s1 =	sadd.s32 s1, s13;
	s13 =	simm.s32 $0x80;
	v7 =	vshra.s32 v5, $0x12;
	s30 =	spop (v2sf)  }
0x9d: {  	s26 =	sadd.s32 $0x0, s26;
	vm0 =	veq.s32 v7, v0;
	s18 =	sadd.s32 $0x0, s30;
	s30 =	spop (v2sf)  }
.LBB2_7:
0x9e: {  	p0 =	sne.s32 s13, $0xFC0  }
0x9f: {  	[tilespmem:s18+$0x4600] =	vst.msk vm0, v5;
	s23 =	sadd.s32 s23, s30;
	s30 =	smov.u32 s13;
	s13 =	sadd.s32 $0x40, s13  }
0xa0: {  	[tilespmem:s18+$0x5A00] =	vst.msk vm0, v6  }
0xa1: {  	v5 =	vld [tilespmem:s25+$0x900];
	_ =	sdelay $0x2  }
0xa2: {  	v6 =	vld [tilespmem:s25+$0x1900];
	_ =	sdelay $0x1  }
0xa3: {  	v7 =	vshra.s32 v5, $0x12  }
0xa4: {  	vm1 =	veq.s32 v7, v0;
	s19 =	spop (v2sf)  }
0xa5: {  	s2 =	sadd.s32 s2, s19;
	[tilespmem:s26+$0x4B00] =	vst.msk vm1, v5;
	v5 =	vmpcnt.ones.xlane vm1  }
0xa6: {  	[tilespmem:s26+$0x5F00] =	vst.msk vm1, v6  }
0xa7: {  	v6 =	vld [tilespmem:s25+$0xD00];
	(v2sf) =	vpush v5, $0x0  }
0xa8: {  	v5 =	vld [tilespmem:s25+$0x1D00];
	_ =	sdelay $0x3  }
0xa9: {  	v7 =	vshra.s32 v6, $0x12  }
0xaa: {  	v8 =	vmpcnt.ones.xlane vm0;
	vm0 =	veq.s32 v7, v0  }
0xab: {  	[tilespmem:s23+$0x5000] =	vst.msk vm0, v6;
	v6 =	vmpcnt.ones.xlane vm0  }
0xac: {  	s25 =	sshra.s32 s30, $0x2;
	[tilespmem:s23+$0x6400] =	vst.msk vm0, v5;
	(v2sf) =	vpush v8, $0x0  }
0xad: {  	v5 =	vld [tilespmem:s25+$0x100];
	(v2sf) =	vpush v6, $0x0;
	_ =	sdelay $0x2  }
0xae: {  	v6 =	vld [tilespmem:s25+$0x1100];
	_ =	sdelay $0x1  }
0xaf: {  	v7 =	vshra.s32 v5, $0x12  }
0xb0: {  	vm0 =	veq.s32 v7, v0;
	s19 =	spop (v2sf)  }
0xb1: {  	[tilespmem:s2+$0x4100] =	vst.msk vm0, v5;
	v7 =	vmpcnt.ones.xlane vm0;
	s26 =	sadd.s32 s26, s19  }
0xb2: {  	[tilespmem:s2+$0x5500] =	vst.msk vm0, v6  }
0xb3: {  	v5 =	vld [tilespmem:s25+$0x500];
	(v2sf) =	vpush v7, $0x0;
	_ =	sdelay $0x1  }
.Ltmp7:
0xb4: {  	(pc) =	sbr.rel @p0 .LBB2_7-.Ltmp7, $3  }
0xb5: {  	v6 =	vld [tilespmem:s25+$0x1500];
	_ =	sdelay $0x1  }
0xb6: {  	v7 =	vshra.s32 v5, $0x12;
	s19 =	spop (v2sf)  }
0xb7: {  	vm0 =	veq.s32 v7, v0;
	s18 =	sadd.s32 s18, s19;
	s30 =	spop (v2sf)  }
0xb8: {  	[tilespmem:s18+$0x4600] =	vst.msk vm0, v5  }
0xb9: {  	[tilespmem:s18+$0x5A00] =	vst.msk vm0, v6  }
0xba: {  	v5 =	vld [tilespmem:s25+$0x900];
	_ =	sdelay $0x4  }
0xbb: {  	v6 =	vld [tilespmem:s25+$0x1900];
	v7 =	vshra.s32 v5, $0x12  }
0xbc: {  	vm1 =	veq.s32 v7, v0  }
0xbd: {  	[tilespmem:s26+$0x4B00] =	vst.msk vm1, v5;
	v5 =	vmpcnt.ones.xlane vm1  }
0xbe: {  	v7 =	vmpcnt.ones.xlane vm0  }
0xbf: {  	(v2sf) =	vpush v5, $0x0  }
0xc0: {  	[tilespmem:s26+$0x5F00] =	vst.msk vm1, v6;
	(v2sf) =	vpush v7, $0x0  }
0xc1: {  	v6 =	vld [tilespmem:s25+$0xD00];
	_ =	sdelay $0x4  }
0xc2: {  	v5 =	vshra.s32 v6, $0x12  }
0xc3: {  	vm15 =	veq.s32 v5, v0  }
0xc4: {  	v5 =	vmpcnt.ones.xlane vm15;
	_ =	sdelay $0x1  }
0xc5: {  	(v2sf) =	vpush v5, $0x0;
	_ =	sdelay $0x2  }
0xc6: {  	s13 =	spop (v2sf)  }
0xc7: {  	s19 =	sadd.s32 s23, s30;
	s23 =	sadd.s32 s2, s13;
	s13 =	spop (v2sf)  }
0xc8: {  	s2 =	sadd.s32 s26, s13;
	s30 =	spop (v2sf);
	s26 =	sadd.s32 $0xFF, s23  }
0xc9: {  	s13 =	sadd.s32 s18, s30;
	s11 =	sand.u32 $0xFF, s26  }
0xca: {  	p1 =	slt.s32 s26, $0x1;
	p0 =	sne.s32 s11, $0x0;
	s11 =	sshra.s32 s26, $0x1F  }
0xcb: {  	s18 =	sshll.u32 s17, $0x3;
	s11 =	sshrl.u32 s11, $0x18;
	p0 =	por !p1, !p0  }
0xcc: {  	v5 =	vld [tilespmem:s25+$0x1D00];
	s25 =	sadd.s32 s11, s26;
	p0 =	por !p0, !p0;
	s26 =	simm.s32 $0x1  }
0xcd: {  	s18 =	sand.u32 $0x3FFFFFF8, s18;
	s25 =	sshra.s32 s25, $0x8;
	s26 =	simm.s32 @!p0 $0x0  }
0xce: {  	[smem:s18] =	sst s23;
	s23 =	ssub.s32 s25, s26  }
0xcf: {  	p0 =	slt.s32 s23, $0x1  }
.Ltmp8:
0xd0: {  	_ = 	snop;
	(pc) =	sbr.rel @p0 .LBB2_11-.Ltmp8, $4  }
0xd1: {  	_ = 	snop  }
0xd2: {  	[smem:s18+$0x1] =	sst s13;
	s30 =	spop (v2sf)  }
0xd3: {  	[tilespmem:s19+$0x5000] =	vst.msk vm15, v6;
	[smem:s18+$0x2] =	sst s2;
	s25 =	sadd.s32 s19, s30  }
0xd4: {  	[tilespmem:s19+$0x6400] =	vst.msk vm15, v5;
	[smem:s18+$0x3] =	sst s25  }
0xd5: {  	p0 =	sne.s32 s23, $0x1  }
.Ltmp9:
0xd6: {  	s19 =	sshrl.u32 s1, $0x3;
	(pc) =	sbr.rel @!p0 .LBB2_11-.Ltmp9, $4  }
0xd7: {  	s18 =	simm.s32 $0x4100;
	s30 =	sadd.s32 $0xFFFFFFFF, s23;
	s26 =	sadd.s32 s7, s19  }
0xd8: {  	[hbm4b:s26+s29] =	stream.strided.scatter [tilespmem:s18], [sflag:$0x2], $0x100, s31, s29, $0x38;
	[tilespmem:$0x1E980] =	vst v63  }
0xd9: {  	s1 =	sadd.s32 $0x800, s1;
	s19 =	sadd.s32 s8, s19;
	s26 =	simm.s32 $0x5500  }
0xda: {  	[hbm4b:s19+s29] =	stream.strided.scatter [tilespmem:s26], [sflag:$0x2], $0x100, s31, s29, $0x38;
	[tilespmem:$0x1E980] =	vst v63  }
.LBB2_10:
0xdb: {  	s19 =	sshrl.u32 s1, $0x3;
	p0 =	sne.s32 s30, $0x1;
	s30 =	sadd.s32 $0xFFFFFFFF, s30  }
.Ltmp10:
0xdc: {  	s18 =	sadd.s32 $0x100, s18;
	s11 =	sadd.s32 s7, s19;
	(pc) =	sbr.rel @p0 .LBB2_10-.Ltmp10, $4  }
0xdd: {  	[hbm4b:s11+s29] =	stream.strided.scatter [tilespmem:s18], [sflag:$0x2], $0x100, s31, s29, $0x38;
	[tilespmem:$0x1E980] =	vst v63  }
0xde: {  	s26 =	sadd.s32 $0x100, s26;
	s11 =	sadd.s32 s8, s19  }
0xdf: {  	[hbm4b:s11+s29] =	stream.strided.scatter [tilespmem:s26], [sflag:$0x2], $0x100, s31, s29, $0x38;
	[tilespmem:$0x1E980] =	vst v63  }
0xe0: {  	s1 =	sadd.s32 $0x800, s1  }
.LBB2_11:
0xe1: {  	s1 =	sadd.s32 $0xFF, s13  }
0xe2: {  	s11 =	sand.u32 $0xFF, s1  }
0xe3: {  	s13 =	sshra.s32 s1, $0x1F;
	p0 =	slt.s32 s1, $0x1;
	p1 =	sne.s32 s11, $0x0  }
0xe4: {  	s26 =	sshrl.u32 s13, $0x18;
	p0 =	por !p0, !p1  }
0xe5: {  	s11 =	simm.s32 $0x1;
	s1 =	sadd.s32 s26, s1;
	p0 =	por !p0, !p0  }
0xe6: {  	s1 =	sshra.s32 s1, $0x8;
	s11 =	simm.s32 @!p0 $0x0  }
0xe7: {  	s1 =	ssub.s32 s1, s11  }
0xe8: {  	p0 =	slt.s32 s1, $0x1  }
.Ltmp11:
0xe9: {  	_ = 	snop;
	(pc) =	sbr.rel @p0 .LBB2_14-.Ltmp11, $2  }
0xea: {  	_ =	sdelay $0x2  }
0xeb: {  	s30 =	smov.u32 s12  }
0xec: {  	p0 =	sne.s32 s1, $0x1  }
.Ltmp12:
0xed: {  	s11 =	sshrl.u32 s24, $0x3;
	(pc) =	sbr.rel @!p0 .LBB2_14-.Ltmp12, $4  }
0xee: {  	s13 =	simm.s32 $0x4600;
	s26 =	sadd.s32 $0xFFFFFFFF, s1;
	s18 =	sadd.s32 s7, s11  }
0xef: {  	[hbm4b:s18+s29] =	stream.strided.scatter [tilespmem:s13], [sflag:$0x2], $0x100, s31, s29, $0x38;
	[tilespmem:$0x1E980] =	vst v63  }
0xf0: {  	s24 =	sadd.s32 $0x800, s24;
	s11 =	sadd.s32 s8, s11;
	s18 =	simm.s32 $0x5A00  }
0xf1: {  	[hbm4b:s11+s29] =	stream.strided.scatter [tilespmem:s18], [sflag:$0x2], $0x100, s31, s29, $0x38;
	[tilespmem:$0x1E980] =	vst v63  }
.LBB2_13:
0xf2: {  	s11 =	sshrl.u32 s24, $0x3;
	p0 =	sne.s32 s26, $0x1;
	s26 =	sadd.s32 $0xFFFFFFFF, s26  }
.Ltmp13:
0xf3: {  	s13 =	sadd.s32 $0x100, s13;
	s19 =	sadd.s32 s7, s11;
	(pc) =	sbr.rel @p0 .LBB2_13-.Ltmp13, $4  }
0xf4: {  	[hbm4b:s19+s29] =	stream.strided.scatter [tilespmem:s13], [sflag:$0x2], $0x100, s31, s29, $0x38;
	[tilespmem:$0x1E980] =	vst v63  }
0xf5: {  	s18 =	sadd.s32 $0x100, s18;
	s11 =	sadd.s32 s8, s11  }
0xf6: {  	[hbm4b:s11+s29] =	stream.strided.scatter [tilespmem:s18], [sflag:$0x2], $0x100, s31, s29, $0x38;
	[tilespmem:$0x1E980] =	vst v63  }
0xf7: {  	s24 =	sadd.s32 $0x800, s24  }
.LBB2_14:
0xf8: {  	s2 =	sadd.s32 $0xFF, s2  }
0xf9: {  	s11 =	sand.u32 $0xFF, s2  }
0xfa: {  	s13 =	sshra.s32 s2, $0x1F;
	p0 =	slt.s32 s2, $0x1;
	p1 =	sne.s32 s11, $0x0  }
0xfb: {  	s26 =	sshrl.u32 s13, $0x18;
	p0 =	por !p0, !p1  }
0xfc: {  	s11 =	simm.s32 $0x1;
	s2 =	sadd.s32 s26, s2;
	p0 =	por !p0, !p0  }
0xfd: {  	s2 =	sshra.s32 s2, $0x8;
	s11 =	simm.s32 @!p0 $0x0  }
0xfe: {  	s2 =	ssub.s32 s2, s11  }
0xff: {  	p0 =	slt.s32 s2, $0x1  }
.Ltmp14:
0x100: {  	_ = 	snop;
	(pc) =	sbr.rel @p0 .LBB2_17-.Ltmp14, $2  }
0x101: {  	_ =	sdelay $0x2  }
0x102: {  	s26 =	simm.s32 $0x1  }
0x103: {  	p0 =	sne.s32 s2, $0x1  }
.Ltmp15:
0x104: {  	s11 =	sshrl.u32 s22, $0x3;
	(pc) =	sbr.rel @!p0 .LBB2_17-.Ltmp15, $4  }
0x105: {  	s13 =	simm.s32 $0x4B00;
	s24 =	sadd.s32 $0xFFFFFFFF, s2;
	s18 =	sadd.s32 s7, s11  }
0x106: {  	[hbm4b:s18+s29] =	stream.strided.scatter [tilespmem:s13], [sflag:$0x2], $0x100, s31, s29, $0x38;
	[tilespmem:$0x1E980] =	vst v63  }
0x107: {  	s22 =	sadd.s32 $0x800, s22;
	s11 =	sadd.s32 s8, s11;
	s18 =	simm.s32 $0x5F00  }
0x108: {  	[hbm4b:s11+s29] =	stream.strided.scatter [tilespmem:s18], [sflag:$0x2], $0x100, s31, s29, $0x38;
	[tilespmem:$0x1E980] =	vst v63  }
.LBB2_16:
0x109: {  	s11 =	sshrl.u32 s22, $0x3;
	p0 =	sne.s32 s24, $0x1;
	s24 =	sadd.s32 $0xFFFFFFFF, s24  }
.Ltmp16:
0x10a: {  	s13 =	sadd.s32 $0x100, s13;
	s19 =	sadd.s32 s7, s11;
	(pc) =	sbr.rel @p0 .LBB2_16-.Ltmp16, $4  }
0x10b: {  	[hbm4b:s19+s29] =	stream.strided.scatter [tilespmem:s13], [sflag:$0x2], $0x100, s31, s29, $0x38;
	[tilespmem:$0x1E980] =	vst v63  }
0x10c: {  	s18 =	sadd.s32 $0x100, s18;
	s11 =	sadd.s32 s8, s11  }
0x10d: {  	[hbm4b:s11+s29] =	stream.strided.scatter [tilespmem:s18], [sflag:$0x2], $0x100, s31, s29, $0x38;
	[tilespmem:$0x1E980] =	vst v63  }
0x10e: {  	s22 =	sadd.s32 $0x800, s22  }
.LBB2_17:
0x10f: {  	s11 =	sadd.s32 $0xFF, s25  }
0x110: {  	s13 =	sand.u32 $0xFF, s11  }
0x111: {  	s18 =	sshra.s32 s11, $0x1F;
	p0 =	slt.s32 s11, $0x1;
	p1 =	sne.s32 s13, $0x0  }
0x112: {  	s25 =	sshrl.u32 s18, $0x18;
	p0 =	por !p0, !p1  }
0x113: {  	s13 =	simm.s32 $0x1;
	s11 =	sadd.s32 s25, s11;
	p0 =	por !p0, !p0  }
0x114: {  	s11 =	sshra.s32 s11, $0x8;
	s13 =	simm.s32 @!p0 $0x0  }
0x115: {  	s13 =	ssub.s32 s11, s13  }
0x116: {  	p0 =	slt.s32 s13, $0x1  }
.Ltmp17:
0x117: {  	_ = 	snop;
	(pc) =	sbr.rel @p0 .LBB2_20-.Ltmp17, $2  }
0x118: {  	_ =	sdelay $0x2  }
0x119: {  	s25 =	rddreg [dreg:$0x3]  }
0x11a: {  	p0 =	sne.s32 s13, $0x1  }
.Ltmp18:
0x11b: {  	s11 =	sshrl.u32 s21, $0x3;
	(pc) =	sbr.rel @!p0 .LBB2_20-.Ltmp18, $4  }
0x11c: {  	s18 =	simm.s32 $0x5000;
	s22 =	simm.s32 $0x6400;
	s19 =	sadd.s32 s7, s11  }
0x11d: {  	[hbm4b:s19+s29] =	stream.strided.scatter [tilespmem:s18], [sflag:$0x2], $0x100, s31, s29, $0x38;
	[tilespmem:$0x1E980] =	vst v63  }
0x11e: {  	s24 =	sadd.s32 $0xFFFFFFFF, s13;
	s21 =	sadd.s32 $0x800, s21;
	s11 =	sadd.s32 s8, s11  }
0x11f: {  	[hbm4b:s11+s29] =	stream.strided.scatter [tilespmem:s22], [sflag:$0x2], $0x100, s31, s29, $0x38;
	[tilespmem:$0x1E980] =	vst v63  }
.LBB2_19:
0x120: {  	s11 =	sshrl.u32 s21, $0x3;
	p0 =	sne.s32 s24, $0x1;
	s24 =	sadd.s32 $0xFFFFFFFF, s24  }
.Ltmp19:
0x121: {  	s18 =	sadd.s32 $0x100, s18;
	s19 =	sadd.s32 s7, s11;
	(pc) =	sbr.rel @p0 .LBB2_19-.Ltmp19, $4  }
0x122: {  	[hbm4b:s19+s29] =	stream.strided.scatter [tilespmem:s18], [sflag:$0x2], $0x100, s31, s29, $0x38;
	[tilespmem:$0x1E980] =	vst v63  }
0x123: {  	s22 =	sadd.s32 $0x100, s22;
	s11 =	sadd.s32 s8, s11  }
0x124: {  	[hbm4b:s11+s29] =	stream.strided.scatter [tilespmem:s22], [sflag:$0x2], $0x100, s31, s29, $0x38;
	[tilespmem:$0x1E980] =	vst v63  }
0x125: {  	s21 =	sadd.s32 $0x800, s21  }
.LBB2_20:
0x126: {  	p0 =	seq.s32 s17, $0x1F;
	s24 =	rddreg [dreg:$0x2]  }
0x127: {  	s1 =	sadd.s32 s23, s1;
	s11 =	sadd.s32 @!p0 $0x2, s20;
	s19 =	simm.s32 @!p0 $0x0  }
0x128: {  	s20 =	simm.s32 @!p0 $0x100;
	s18 =	sshll.u32 @!p0 s11, $0x9;
	s11 =	sshll.u32 @!p0 s11, $0xF  }
0x129: {  	s1 =	sadd.s32 s2, s1;
	s18 =	sadd.s32 @!p0 s24, s18;
	s11 =	sadd.s32 @!p0 s30, s11  }
0x12a: {  	[tilespmem:s20], [sflag:$0x1] =	stream.linear.gather @!p0 [hbm4b:s18+s19], $0x1000, $0x38;
	[tilespmem:$0x1E980] =	vst v63  }
0x12b: {  	s1 =	sadd.s32 s13, s1;
	s11 =	sshrl.u32 @!p0 s11, $0x3;
	s18 =	simm.s32 @!p0 $0x80  }
0x12c: {  	s19 =	simm.s32 @!p0 $0x400;
	s20 =	simm.s32 @!p0 $0x1100;
	s11 =	sadd.s32 @!p0 s25, s11  }
0x12d: {  	[tilespmem:s20], [sflag:$0x1] =	stream.strided.gather @!p0 [hbm4b:s11+s18], $0x1000, s19, s18, $0x38;
	[tilespmem:$0x1E980] =	vst v63  }
0x12e: {  	p0 =	slt.s32 s1, $0x1;
	_ =	swait.ge [sflag:s26], $0x1000  }
.Ltmp20:
0x12f: {  	[sflag:s26] =	ssyncset.done $0x0;
	(pc) =	sbr.rel @p0 .LBB2_24-.Ltmp20, $4  }
0x130: {  	[sflag:s26] =	ssyncadd.s32 $0xFFFFF000  }
0x131: {  	_ =	swait.ge [sflag:s26], $0x1000  }
0x132: {  	[sflag:s26] =	ssyncset.done $0x0  }
0x133: {  	s2 =	simm.s32 $0x0;
	[sflag:s26] =	ssyncadd.s32 $0xFFFFF000  }
0x134: {  	s2 =	sadd.s32 $0x1, s2  }
0x135: {  	p0 =	slt.s32 s2, s1  }
.Ltmp21:
0x136: {  	_ =	swait.ge [sflag:s0], $0x100;
	(pc) =	sbr.rel @!p0 .LBB2_23-.Ltmp21, $4  }
0x137: {  	[sflag:s0] =	ssyncset.done $0x0  }
0x138: {  	[sflag:s0] =	ssyncadd.s32 $0xFFFFFF00  }
0x139: {  	_ =	swait.ge [sflag:s0], $0x100  }
0x13a: {  	[sflag:s0] =	ssyncset.done $0x0  }
.LBB2_22:
0x13b: {  	s2 =	sadd.s32 $0x1, s2  }
0x13c: {  	[sflag:s0] =	ssyncadd.s32 $0xFFFFFF00;
	p0 =	slt.s32 s2, s1  }
.Ltmp22:
0x13d: {  	_ =	swait.ge [sflag:s0], $0x100;
	(pc) =	sbr.rel @p0 .LBB2_22-.Ltmp22, $4  }
0x13e: {  	[sflag:s0] =	ssyncset.done $0x0  }
0x13f: {  	[sflag:s0] =	ssyncadd.s32 $0xFFFFFF00  }
0x140: {  	_ =	swait.ge [sflag:s0], $0x100  }
0x141: {  	[sflag:s0] =	ssyncset.done $0x0  }
.LBB2_23:
0x142: {  	[sflag:s0] =	ssyncadd.s32 $0xFFFFFF00  }
.LBB2_24:
0x143: {  	s2 =	simm.s32 $0x0  }
0x144: {  	v5 =	vld [tilespmem:s2+$0x2100];
	_ =	sdelay $0x2  }
0x145: {  	v6 =	vld [tilespmem:s2+$0x3100];
	_ =	sdelay $0x1  }
0x146: {  	v7 =	vshra.s32 v5, $0x12  }
0x147: {  	s1 =	simm.s32 $0x0;
	vm0 =	veq.s32 v7, v0  }
0x148: {  	[tilespmem:s1+$0x4100] =	vst.msk vm0, v5  }
0x149: {  	[tilespmem:s1+$0x5500] =	vst.msk vm0, v6  }
0x14a: {  	v5 =	vld [tilespmem:s2+$0x2500];
	_ =	sdelay $0x2  }
0x14b: {  	v6 =	vld [tilespmem:s2+$0x3500];
	_ =	sdelay $0x1  }
0x14c: {  	v7 =	vshra.s32 v5, $0x12  }
0x14d: {  	vm1 =	veq.s32 v7, v0  }
0x14e: {  	[tilespmem:s1+$0x4600] =	vst.msk vm1, v5  }
0x14f: {  	[tilespmem:s1+$0x5A00] =	vst.msk vm1, v6  }
0x150: {  	v5 =	vld [tilespmem:s2+$0x2900];
	_ =	sdelay $0x2  }
0x151: {  	v6 =	vld [tilespmem:s2+$0x3900];
	_ =	sdelay $0x1  }
0x152: {  	v7 =	vshra.s32 v5, $0x12  }
0x153: {  	v8 =	vmpcnt.ones.xlane vm0;
	vm0 =	veq.s32 v7, v0  }
0x154: {  	[tilespmem:s1+$0x4B00] =	vst.msk vm0, v5  }
0x155: {  	(v2sf) =	vpush v8, $0x0;
	[tilespmem:s1+$0x5F00] =	vst.msk vm0, v6  }
0x156: {  	v5 =	vld [tilespmem:s2+$0x2D00];
	_ =	sdelay $0x2  }
0x157: {  	v6 =	vld [tilespmem:s2+$0x3D00];
	_ =	sdelay $0x1  }
0x158: {  	v7 =	vmpcnt.ones.xlane vm0;
	v8 =	vshra.s32 v5, $0x12  }
0x159: {  	vm0 =	veq.s32 v8, v0;
	v8 =	vmpcnt.ones.xlane vm1  }
0x15a: {  	(v2sf) =	vpush v7, $0x0;
	[tilespmem:s1+$0x5000] =	vst.msk vm0, v5;
	v5 =	vmpcnt.ones.xlane vm0  }
0x15b: {  	s2 =	simm.s32 $0x10;
	[tilespmem:s1+$0x6400] =	vst.msk vm0, v6;
	(v2sf) =	vpush v8, $0x0  }
0x15c: {  	v6 =	vld [tilespmem:s2+$0x2100];
	(v2sf) =	vpush v5, $0x0;
	_ =	sdelay $0x2  }
0x15d: {  	v5 =	vld [tilespmem:s2+$0x3100];
	_ =	sdelay $0x1  }
0x15e: {  	s11 =	spop (v2sf);
	v7 =	vshra.s32 v6, $0x12  }
0x15f: {  	s20 =	sadd.s32 $0x0, s11;
	vm0 =	veq.s32 v7, v0  }
0x160: {  	[tilespmem:s20+$0x4100] =	vst.msk vm0, v6  }
0x161: {  	v6 =	vmpcnt.ones.xlane vm0;
	[tilespmem:s20+$0x5500] =	vst.msk vm0, v5  }
0x162: {  	v5 =	vld [tilespmem:s2+$0x2500]  }
0x163: {  	(v2sf) =	vpush v6, $0x0;
	_ =	sdelay $0x2  }
0x164: {  	s23 =	spop (v2sf);
	v6 =	vld [tilespmem:s2+$0x3500]  }
0x165: {  	s13 =	simm.s32 $0x80;
	v7 =	vshra.s32 v5, $0x12;
	s18 =	spop (v2sf)  }
0x166: {  	s21 =	sadd.s32 $0x0, s23;
	vm0 =	veq.s32 v7, v0;
	s18 =	sadd.s32 $0x0, s18;
	s22 =	spop (v2sf)  }
.LBB2_25:
0x167: {  	p0 =	sne.s32 s13, $0xFC0  }
0x168: {  	[tilespmem:s18+$0x4600] =	vst.msk vm0, v5;
	s1 =	sadd.s32 s1, s22;
	s11 =	smov.u32 s13;
	s13 =	sadd.s32 $0x40, s13  }
0x169: {  	[tilespmem:s18+$0x5A00] =	vst.msk vm0, v6  }
0x16a: {  	v5 =	vld [tilespmem:s2+$0x2900];
	_ =	sdelay $0x2  }
0x16b: {  	v6 =	vld [tilespmem:s2+$0x3900];
	_ =	sdelay $0x1  }
0x16c: {  	v7 =	vshra.s32 v5, $0x12  }
0x16d: {  	vm1 =	veq.s32 v7, v0;
	s19 =	spop (v2sf)  }
0x16e: {  	s20 =	sadd.s32 s20, s19;
	[tilespmem:s21+$0x4B00] =	vst.msk vm1, v5;
	v5 =	vmpcnt.ones.xlane vm1  }
0x16f: {  	[tilespmem:s21+$0x5F00] =	vst.msk vm1, v6  }
0x170: {  	v6 =	vld [tilespmem:s2+$0x2D00];
	(v2sf) =	vpush v5, $0x0  }
0x171: {  	v5 =	vld [tilespmem:s2+$0x3D00];
	_ =	sdelay $0x3  }
0x172: {  	v7 =	vshra.s32 v6, $0x12  }
0x173: {  	v8 =	vmpcnt.ones.xlane vm0;
	vm0 =	veq.s32 v7, v0  }
0x174: {  	[tilespmem:s1+$0x5000] =	vst.msk vm0, v6;
	v6 =	vmpcnt.ones.xlane vm0  }
0x175: {  	s2 =	sshra.s32 s11, $0x2;
	[tilespmem:s1+$0x6400] =	vst.msk vm0, v5;
	(v2sf) =	vpush v8, $0x0  }
0x176: {  	v5 =	vld [tilespmem:s2+$0x2100];
	(v2sf) =	vpush v6, $0x0;
	_ =	sdelay $0x2  }
0x177: {  	v6 =	vld [tilespmem:s2+$0x3100];
	_ =	sdelay $0x1  }
0x178: {  	v7 =	vshra.s32 v5, $0x12  }
0x179: {  	vm0 =	veq.s32 v7, v0;
	s11 =	spop (v2sf)  }
0x17a: {  	[tilespmem:s20+$0x4100] =	vst.msk vm0, v5;
	v7 =	vmpcnt.ones.xlane vm0;
	s21 =	sadd.s32 s21, s11  }
0x17b: {  	[tilespmem:s20+$0x5500] =	vst.msk vm0, v6  }
0x17c: {  	v5 =	vld [tilespmem:s2+$0x2500];
	(v2sf) =	vpush v7, $0x0;
	_ =	sdelay $0x1  }
.Ltmp23:
0x17d: {  	(pc) =	sbr.rel @p0 .LBB2_25-.Ltmp23, $3  }
0x17e: {  	v6 =	vld [tilespmem:s2+$0x3500];
	_ =	sdelay $0x1  }
0x17f: {  	v7 =	vshra.s32 v5, $0x12;
	s11 =	spop (v2sf)  }
0x180: {  	vm0 =	veq.s32 v7, v0;
	s18 =	sadd.s32 s18, s11;
	s22 =	spop (v2sf)  }
0x181: {  	[tilespmem:s18+$0x4600] =	vst.msk vm0, v5  }
0x182: {  	[tilespmem:s18+$0x5A00] =	vst.msk vm0, v6  }
0x183: {  	v5 =	vld [tilespmem:s2+$0x2900];
	_ =	sdelay $0x4  }
0x184: {  	v6 =	vld [tilespmem:s2+$0x3900];
	v7 =	vshra.s32 v5, $0x12  }
0x185: {  	vm1 =	veq.s32 v7, v0  }
0x186: {  	[tilespmem:s21+$0x4B00] =	vst.msk vm1, v5;
	v5 =	vmpcnt.ones.xlane vm1;
	_ =	sdelay $0x1  }
0x187: {  	v7 =	vmpcnt.ones.xlane vm0;
	(v2sf) =	vpush v5, $0x0  }
0x188: {  	[tilespmem:s21+$0x5F00] =	vst.msk vm1, v6  }
0x189: {  	v6 =	vld [tilespmem:s2+$0x2D00];
	(v2sf) =	vpush v7, $0x0;
	_ =	sdelay $0x4  }
0x18a: {  	v5 =	vshra.s32 v6, $0x12  }
0x18b: {  	vm15 =	veq.s32 v5, v0  }
0x18c: {  	v5 =	vmpcnt.ones.xlane vm15;
	_ =	sdelay $0x1  }
0x18d: {  	(v2sf) =	vpush v5, $0x0;
	_ =	sdelay $0x2  }
0x18e: {  	s19 =	sadd.s32 s1, s22;
	s11 =	spop (v2sf)  }
0x18f: {  	s22 =	rddreg [dreg:$0x1c];
	s1 =	sadd.s32 s20, s11;
	s12 =	spop (v2sf)  }
0x190: {  	s11 =	sshll.u32 s22, $0x2;
	s20 =	sadd.s32 s21, s12;
	s21 =	sadd.s32 $0xFF, s1  }
0x191: {  	v5 =	vld [tilespmem:s2+$0x3D00];
	s2 =	sand.u32 $0x3FFFFFFC, s11;
	s13 =	spop (v2sf);
	s12 =	sand.u32 $0xFF, s21  }
0x192: {  	s23 =	sshra.s32 s21, $0x1F;
	p1 =	slt.s32 s21, $0x1;
	p0 =	sne.s32 s12, $0x0  }
0x193: {  	s13 =	sadd.s32 s18, s13;
	s18 =	sshrl.u32 s23, $0x18;
	p0 =	por !p1, !p0  }
0x194: {  	s12 =	simm.s32 $0x1;
	s11 =	sadd.s32 s18, s21;
	p0 =	por !p0, !p0  }
0x195: {  	s22 =	sshra.s32 s11, $0x8;
	s12 =	simm.s32 @!p0 $0x0  }
0x196: {  	s12 =	ssub.s32 s22, s12  }
0x197: {  	p0 =	slt.s32 s12, $0x1  }
.Ltmp24:
0x198: {  	_ = 	snop;
	(pc) =	sbr.rel @p0 .LBB2_29-.Ltmp24, $4  }
0x199: {  	[smem:s2] =	sst s1  }
0x19a: {  	[smem:s2+$0x1] =	sst s13;
	s23 =	spop (v2sf)  }
0x19b: {  	[tilespmem:s19+$0x5000] =	vst.msk vm15, v6;
	[smem:s2+$0x2] =	sst s20;
	s1 =	sadd.s32 s19, s23  }
0x19c: {  	[tilespmem:s19+$0x6400] =	vst.msk vm15, v5;
	[smem:s2+$0x3] =	sst s1  }
0x19d: {  	p0 =	sne.s32 s12, $0x1  }
.Ltmp25:
0x19e: {  	s11 =	sshrl.u32 s3, $0x3;
	(pc) =	sbr.rel @!p0 .LBB2_29-.Ltmp25, $4  }
0x19f: {  	s2 =	simm.s32 $0x4100;
	s21 =	sadd.s32 $0xFFFFFFFF, s12;
	s18 =	sadd.s32 s7, s11  }
0x1a0: {  	[hbm4b:s18+s29] =	stream.strided.scatter [tilespmem:s2], [sflag:$0x2], $0x100, s31, s29, $0x38;
	[tilespmem:$0x1E980] =	vst v63  }
0x1a1: {  	s3 =	sadd.s32 $0x800, s3;
	s11 =	sadd.s32 s8, s11;
	s18 =	simm.s32 $0x5500  }
0x1a2: {  	[hbm4b:s11+s29] =	stream.strided.scatter [tilespmem:s18], [sflag:$0x2], $0x100, s31, s29, $0x38;
	[tilespmem:$0x1E980] =	vst v63  }
.LBB2_28:
0x1a3: {  	s11 =	sshrl.u32 s3, $0x3;
	p0 =	sne.s32 s21, $0x1;
	s21 =	sadd.s32 $0xFFFFFFFF, s21  }
.Ltmp26:
0x1a4: {  	s2 =	sadd.s32 $0x100, s2;
	s19 =	sadd.s32 s7, s11;
	(pc) =	sbr.rel @p0 .LBB2_28-.Ltmp26, $4  }
0x1a5: {  	[hbm4b:s19+s29] =	stream.strided.scatter [tilespmem:s2], [sflag:$0x2], $0x100, s31, s29, $0x38;
	[tilespmem:$0x1E980] =	vst v63  }
0x1a6: {  	s18 =	sadd.s32 $0x100, s18;
	s11 =	sadd.s32 s8, s11  }
0x1a7: {  	[hbm4b:s11+s29] =	stream.strided.scatter [tilespmem:s18], [sflag:$0x2], $0x100, s31, s29, $0x38;
	[tilespmem:$0x1E980] =	vst v63  }
0x1a8: {  	s3 =	sadd.s32 $0x800, s3  }
.LBB2_29:
0x1a9: {  	s2 =	sadd.s32 $0xFF, s13  }
0x1aa: {  	s3 =	sand.u32 $0xFF, s2  }
0x1ab: {  	s11 =	sshra.s32 s2, $0x1F;
	p0 =	slt.s32 s2, $0x1;
	p1 =	sne.s32 s3, $0x0  }
0x1ac: {  	s23 =	sshrl.u32 s11, $0x18;
	p0 =	por !p0, !p1  }
0x1ad: {  	s3 =	simm.s32 $0x1;
	s2 =	sadd.s32 s23, s2;
	p0 =	por !p0, !p0  }
0x1ae: {  	s2 =	sshra.s32 s2, $0x8;
	s3 =	simm.s32 @!p0 $0x0  }
0x1af: {  	s2 =	ssub.s32 s2, s3  }
0x1b0: {  	p0 =	slt.s32 s2, $0x1  }
.Ltmp27:
0x1b1: {  	_ = 	snop;
	(pc) =	sbr.rel @p0 .LBB2_32-.Ltmp27, $1  }
0x1b2: {  	_ =	sdelay $0x3  }
0x1b3: {  	p0 =	sne.s32 s2, $0x1  }
.Ltmp28:
0x1b4: {  	s11 =	sshrl.u32 s4, $0x3;
	(pc) =	sbr.rel @!p0 .LBB2_32-.Ltmp28, $4  }
0x1b5: {  	s3 =	simm.s32 $0x4600;
	s18 =	sadd.s32 $0xFFFFFFFF, s2;
	s13 =	sadd.s32 s7, s11  }
0x1b6: {  	[hbm4b:s13+s29] =	stream.strided.scatter [tilespmem:s3], [sflag:$0x2], $0x100, s31, s29, $0x38;
	[tilespmem:$0x1E980] =	vst v63  }
0x1b7: {  	s4 =	sadd.s32 $0x800, s4;
	s11 =	sadd.s32 s8, s11;
	s13 =	simm.s32 $0x5A00  }
0x1b8: {  	[hbm4b:s11+s29] =	stream.strided.scatter [tilespmem:s13], [sflag:$0x2], $0x100, s31, s29, $0x38;
	[tilespmem:$0x1E980] =	vst v63  }
.LBB2_31:
0x1b9: {  	s11 =	sshrl.u32 s4, $0x3;
	p0 =	sne.s32 s18, $0x1;
	s18 =	sadd.s32 $0xFFFFFFFF, s18  }
.Ltmp29:
0x1ba: {  	s3 =	sadd.s32 $0x100, s3;
	s19 =	sadd.s32 s7, s11;
	(pc) =	sbr.rel @p0 .LBB2_31-.Ltmp29, $4  }
0x1bb: {  	[hbm4b:s19+s29] =	stream.strided.scatter [tilespmem:s3], [sflag:$0x2], $0x100, s31, s29, $0x38;
	[tilespmem:$0x1E980] =	vst v63  }
0x1bc: {  	s13 =	sadd.s32 $0x100, s13;
	s11 =	sadd.s32 s8, s11  }
0x1bd: {  	[hbm4b:s11+s29] =	stream.strided.scatter [tilespmem:s13], [sflag:$0x2], $0x100, s31, s29, $0x38;
	[tilespmem:$0x1E980] =	vst v63  }
0x1be: {  	s4 =	sadd.s32 $0x800, s4  }
.LBB2_32:
0x1bf: {  	s3 =	sadd.s32 $0xFF, s20  }
0x1c0: {  	s4 =	sand.u32 $0xFF, s3  }
0x1c1: {  	s11 =	sshra.s32 s3, $0x1F;
	p0 =	slt.s32 s3, $0x1;
	p1 =	sne.s32 s4, $0x0  }
0x1c2: {  	s23 =	sshrl.u32 s11, $0x18;
	p0 =	por !p0, !p1  }
0x1c3: {  	s4 =	simm.s32 $0x1;
	s3 =	sadd.s32 s23, s3;
	p0 =	por !p0, !p0  }
0x1c4: {  	s3 =	sshra.s32 s3, $0x8;
	s4 =	simm.s32 @!p0 $0x0  }
0x1c5: {  	s3 =	ssub.s32 s3, s4  }
0x1c6: {  	p0 =	slt.s32 s3, $0x1  }
.Ltmp30:
0x1c7: {  	_ = 	snop;
	(pc) =	sbr.rel @p0 .LBB2_35-.Ltmp30, $1  }
0x1c8: {  	_ =	sdelay $0x3  }
0x1c9: {  	s19 =	rddreg [dreg:$0x1b]  }
0x1ca: {  	p0 =	sne.s32 s3, $0x1;
	s11 =	sshrl.u32 s19, $0x3  }
.Ltmp31:
0x1cb: {  	s4 =	simm.s32 $0x4B00;
	s13 =	sadd.s32 s7, s11;
	(pc) =	sbr.rel @!p0 .LBB2_35-.Ltmp31, $4  }
0x1cc: {  	[hbm4b:s13+s29] =	stream.strided.scatter [tilespmem:s4], [sflag:$0x2], $0x100, s31, s29, $0x38;
	[tilespmem:$0x1E980] =	vst v63  }
0x1cd: {  	s11 =	sadd.s32 s8, s11;
	s13 =	simm.s32 $0x5F00  }
0x1ce: {  	[hbm4b:s11+s29] =	stream.strided.scatter [tilespmem:s13], [sflag:$0x2], $0x100, s31, s29, $0x38;
	[tilespmem:$0x1E980] =	vst v63  }
0x1cf: {  	s18 =	sadd.s32 $0xFFFFFFFF, s3;
	s11 =	sadd.s32 $0x800, s19  }
.LBB2_34:
0x1d0: {  	s19 =	sshrl.u32 s11, $0x3;
	p0 =	sne.s32 s18, $0x1;
	s18 =	sadd.s32 $0xFFFFFFFF, s18  }
.Ltmp32:
0x1d1: {  	s4 =	sadd.s32 $0x100, s4;
	s20 =	sadd.s32 s7, s19;
	(pc) =	sbr.rel @p0 .LBB2_34-.Ltmp32, $4  }
0x1d2: {  	[hbm4b:s20+s29] =	stream.strided.scatter [tilespmem:s4], [sflag:$0x2], $0x100, s31, s29, $0x38;
	[tilespmem:$0x1E980] =	vst v63  }
0x1d3: {  	s13 =	sadd.s32 $0x100, s13;
	s19 =	sadd.s32 s8, s19  }
0x1d4: {  	[hbm4b:s19+s29] =	stream.strided.scatter [tilespmem:s13], [sflag:$0x2], $0x100, s31, s29, $0x38;
	[tilespmem:$0x1E980] =	vst v63  }
0x1d5: {  	s11 =	sadd.s32 $0x800, s11  }
.LBB2_35:
0x1d6: {  	s1 =	sadd.s32 $0xFF, s1  }
0x1d7: {  	s4 =	sand.u32 $0xFF, s1  }
0x1d8: {  	s11 =	sshra.s32 s1, $0x1F;
	p0 =	slt.s32 s1, $0x1;
	p1 =	sne.s32 s4, $0x0  }
0x1d9: {  	s23 =	sshrl.u32 s11, $0x18;
	p0 =	por !p0, !p1  }
0x1da: {  	s4 =	simm.s32 $0x1;
	s1 =	sadd.s32 s23, s1;
	p0 =	por !p0, !p0  }
0x1db: {  	s1 =	sshra.s32 s1, $0x8;
	s4 =	simm.s32 @!p0 $0x0  }
0x1dc: {  	s1 =	ssub.s32 s1, s4  }
0x1dd: {  	p0 =	slt.s32 s1, $0x1  }
.Ltmp33:
0x1de: {  	_ = 	snop;
	(pc) =	sbr.rel @p0 .LBB2_38-.Ltmp33, $1  }
0x1df: {  	_ =	sdelay $0x3  }
0x1e0: {  	s18 =	rddreg [dreg:$0x1a]  }
0x1e1: {  	p0 =	sne.s32 s1, $0x1;
	s13 =	sshrl.u32 s18, $0x3  }
.Ltmp34:
0x1e2: {  	s4 =	simm.s32 $0x5000;
	s11 =	sadd.s32 s7, s13;
	(pc) =	sbr.rel @!p0 .LBB2_38-.Ltmp34, $4  }
0x1e3: {  	[hbm4b:s11+s29] =	stream.strided.scatter [tilespmem:s4], [sflag:$0x2], $0x100, s31, s29, $0x38;
	[tilespmem:$0x1E980] =	vst v63  }
0x1e4: {  	s13 =	sadd.s32 s8, s13;
	s11 =	simm.s32 $0x6400  }
0x1e5: {  	[hbm4b:s13+s29] =	stream.strided.scatter [tilespmem:s11], [sflag:$0x2], $0x100, s31, s29, $0x38;
	[tilespmem:$0x1E980] =	vst v63  }
0x1e6: {  	s18 =	sadd.s32 $0x800, s18;
	s13 =	sadd.s32 $0xFFFFFFFF, s1  }
.LBB2_37:
0x1e7: {  	s19 =	sshrl.u32 s18, $0x3;
	p0 =	sne.s32 s13, $0x1;
	s13 =	sadd.s32 $0xFFFFFFFF, s13  }
.Ltmp35:
0x1e8: {  	s4 =	sadd.s32 $0x100, s4;
	s20 =	sadd.s32 s7, s19;
	(pc) =	sbr.rel @p0 .LBB2_37-.Ltmp35, $4  }
0x1e9: {  	[hbm4b:s20+s29] =	stream.strided.scatter [tilespmem:s4], [sflag:$0x2], $0x100, s31, s29, $0x38;
	[tilespmem:$0x1E980] =	vst v63  }
0x1ea: {  	s11 =	sadd.s32 $0x100, s11;
	s19 =	sadd.s32 s8, s19  }
0x1eb: {  	[hbm4b:s19+s29] =	stream.strided.scatter [tilespmem:s11], [sflag:$0x2], $0x100, s31, s29, $0x38;
	[tilespmem:$0x1E980] =	vst v63  }
0x1ec: {  	s18 =	sadd.s32 $0x800, s18  }
.Ltmp36:
0x1ed: {  	_ = 	snop;
	(pc) =	sbr.rel .LBB2_38-.Ltmp36, $1  }
0x1ee: {  	_ =	sdelay $0x3  }
.LBB2_39:
0x1ef: {  	p0 =	sgt.s32 s1, $0x0  }
.Ltmp37:
0x1f0: {  	_ = 	snop;
	(pc) =	sbr.rel @!p0 .LBB2_43-.Ltmp37, $2  }
0x1f1: {  	_ =	sdelay $0x2  }
0x1f2: {  	s2 =	simm.s32 $0x0  }
0x1f3: {  	s2 =	sadd.s32 $0x1, s2  }
0x1f4: {  	p0 =	slt.s32 s2, s1  }
.Ltmp38:
0x1f5: {  	_ =	swait.ge [sflag:s0], $0x100;
	(pc) =	sbr.rel @!p0 .LBB2_42-.Ltmp38, $4  }
0x1f6: {  	[sflag:s0] =	ssyncset.done $0x0  }
0x1f7: {  	[sflag:s0] =	ssyncadd.s32 $0xFFFFFF00  }
0x1f8: {  	_ =	swait.ge [sflag:s0], $0x100  }
0x1f9: {  	[sflag:s0] =	ssyncset.done $0x0  }
.LBB2_41:
0x1fa: {  	s2 =	sadd.s32 $0x1, s2  }
0x1fb: {  	[sflag:s0] =	ssyncadd.s32 $0xFFFFFF00;
	p0 =	slt.s32 s2, s1  }
.Ltmp39:
0x1fc: {  	_ =	swait.ge [sflag:s0], $0x100;
	(pc) =	sbr.rel @p0 .LBB2_41-.Ltmp39, $4  }
0x1fd: {  	[sflag:s0] =	ssyncset.done $0x0  }
0x1fe: {  	[sflag:s0] =	ssyncadd.s32 $0xFFFFFF00  }
0x1ff: {  	_ =	swait.ge [sflag:s0], $0x100  }
0x200: {  	[sflag:s0] =	ssyncset.done $0x0  }
.LBB2_42:
0x201: {  	[sflag:s0] =	ssyncadd.s32 $0xFFFFFF00  }
.LBB2_43:
0x202: {  	s1 =	simm.s32 $0x0;
	s2 =	simm.s32 $0x0  }
0x203: {  	s3 =	simm.s32 $0x0;
	s2 =	sand.u32 $0x7000, s2;
	s1 =	sand.u32 $0xC00, s1  }
0x204: {  	s22 =	sand.u32 $0x70, s3;
	s1 =	sor.u32 s1, s2  }
0x205: {  	s1 =	sor.u32 s22, s1  }
0x206: {  	s23 =	sor.u32 s9, s1  }
0x207: {  	s1 =	simm.s32 $0x16900;
	s30 =	sadd.s32 s7, s23  }
0x208: {  	[tilespmem:s1], [sflag:$0x3] =	stream.linear.gather [hbm4b:s30+s5], $0x40, $0x38;
	[tilespmem:$0x1E980] =	vst v63  }
0x209: {  	s2 =	simm.s32 $0x1A900;
	s3 =	sadd.s32 s8, s23  }
0x20a: {  	[tilespmem:s2], [sflag:$0x3] =	stream.linear.gather [hbm4b:s3+s5], $0x40, $0x38;
	[tilespmem:$0x1E980] =	vst v63  }
0x20b: {  	s4 =	simm.s32 $0x80;
	s11 =	simm.s32 $0x4;
	s3 =	simm.s32 $0x400  }
0x20c: {  	s12 =	sand.u32 $0x7000, s4;
	s4 =	simm.s32 $0x2;
	s13 =	sand.u32 $0xC00, s3  }
.LBB2_44:
0x20d: {  	p0 =	sne.s32 s4, $0xFF;
	s12 =	sor.u32 s13, s12;
	s11 =	sand.u32 $0x70, s11  }
0x20e: {  	s11 =	sor.u32 s11, s12  }
0x20f: {  	s3 =	sadd.s32 $0x400, s3;
	s1 =	sadd.s32 $0x40, s1;
	s12 =	sor.u32 s9, s11  }
.Ltmp40:
0x210: {  	s2 =	sadd.s32 $0x40, s2;
	s11 =	sadd.s32 s7, s12;
	(pc) =	sbr.rel @p0 .LBB2_44-.Ltmp40, $4  }
0x211: {  	[tilespmem:s1], [sflag:$0x3] =	stream.linear.gather [hbm4b:s11+s5], $0x40, $0x38;
	[tilespmem:$0x1E980] =	vst v63  }
0x212: {  	s13 =	sshll.u32 s4, $0x7;
	s12 =	sadd.s32 s8, s12;
	s11 =	sshll.u32 s4, $0x2  }
0x213: {  	[tilespmem:s2], [sflag:$0x3] =	stream.linear.gather [hbm4b:s12+s5], $0x40, $0x38;
	[tilespmem:$0x1E980] =	vst v63  }
0x214: {  	s4 =	sadd.s32 $0x1, s4;
	s12 =	sand.u32 $0x7000, s13;
	s13 =	sand.u32 $0xC00, s3  }
0x215: {  	s3 =	sor.u32 s13, s12;
	s4 =	sand.u32 $0x70, s11  }
0x216: {  	s3 =	sor.u32 s4, s3  }
0x217: {  	s3 =	sor.u32 s9, s3  }
0x218: {  	s1 =	sadd.s32 $0x40, s1;
	s21 =	sadd.s32 s7, s3  }
0x219: {  	[tilespmem:s1], [sflag:$0x3] =	stream.linear.gather [hbm4b:s21+s5], $0x40, $0x38;
	[tilespmem:$0x1E980] =	vst v63  }
0x21a: {  	s22 =	sadd.s32 $0x40, s2;
	s23 =	sadd.s32 s8, s3  }
0x21b: {  	[tilespmem:s22], [sflag:$0x3] =	stream.linear.gather [hbm4b:s23+s5], $0x40, $0x38;
	[tilespmem:$0x1E980] =	vst v63  }
0x21c: {  	s30 =	rddreg [dreg:$0x8]  }
0x21d: {  	[tilespmem:s6], [sflag:$0x3] =	stream.linear.gather [hbm4b:s30+s5], $0x10000, $0x38;
	[tilespmem:$0x1E980] =	vst v63  }
0x21e: {  	_ =	swait.ge [sflag:s10], $0x40  }
0x21f: {  	[sflag:s10] =	ssyncset.done $0x0  }
0x220: {  	[sflag:s10] =	ssyncadd.s32 $0xFFFFFFC0  }
0x221: {  	_ =	swait.ge [sflag:s10], $0x40  }
0x222: {  	s1 =	simm.s32 $0xFF;
	[sflag:s10] =	ssyncset.done $0x0  }
.LBB2_46:
0x223: {  	p0 =	sne.s32 s1, $0x1;
	s1 =	sadd.s32 $0xFFFFFFFF, s1;
	[sflag:s10] =	ssyncadd.s32 $0xFFFFFFC0  }
.Ltmp41:
0x224: {  	_ =	swait.ge [sflag:s10], $0x40;
	(pc) =	sbr.rel @p0 .LBB2_46-.Ltmp41, $4  }
0x225: {  	[sflag:s10] =	ssyncset.done $0x0  }
0x226: {  	[sflag:s10] =	ssyncadd.s32 $0xFFFFFFC0  }
0x227: {  	_ =	swait.ge [sflag:s10], $0x40  }
0x228: {  	[sflag:s10] =	ssyncset.done $0x0  }
.Ltmp42:
0x229: {  	(pc) =	sbr.rel .LBB2_48-.Ltmp42, $4  }
0x22a: {  	[sflag:s10] =	ssyncadd.s32 $0xFFFFFFC0  }
0x22b: {  	_ =	swait.ge [sflag:s10], $0x10000  }
0x22c: {  	s3 =	simm.s32 $0x0;
	s4 =	simm.s32 $0x16900;
	[sflag:s10] =	ssyncset.done $0x0  }
0x22d: {  	s11 =	simm.s32 $0x1A900;
	s12 =	simm.s32 $0x0;
	[sflag:s10] =	ssyncadd.s32 $0xFFFF0000  }
.LBB2_63:
0x22e: {  	_ =	sdelay $0x4  }
0x22f: {  	[tilespmem:v7+s6+$0x0] =	vst.idx.msk vm0, v6  }
.LBB2_64:
0x230: {  	s12 =	sadd.s32 $0x1, s12  }
0x231: {  	p0 =	sne.s32 s12, $0x100  }
.Ltmp43:
0x232: {  	_ = 	snop;
	(pc) =	sbr.rel @!p0 .LBB2_65-.Ltmp43, $2  }
0x233: {  	_ =	sdelay $0x2  }
0x234: {  	s4 =	sadd.s32 $0x40, s4;
	s11 =	sadd.s32 $0x40, s11;
	s3 =	sadd.s32 $0x1, s3  }
.LBB2_48:
0x235: {  	s13 =	sld [smem:s12+$0x0];
	_ =	sdelay $0x2  }
0x236: {  	p0 =	slt.s32 s13, $0x40;
	s1 =	smov.u32 s13  }
0x237: {  	s1 =	simm.s32 @!p0 $0x40  }
0x238: {  	s2 =	sadd.s32 $0xF, s1  }
0x239: {  	s14 =	sand.u32 $0xF, s2  }
0x23a: {  	p1 =	slt.s32 s13, $0xFFFFFFF2;
	s30 =	sshra.s32 s2, $0x1F;
	p6 =	sne.s32 s14, $0x0  }
0x23b: {  	s14 =	sshrl.u32 s30, $0x1C;
	p0 =	por !p1, !p6  }
0x23c: {  	s2 =	sadd.s32 s14, s2;
	s14 =	simm.s32 $0x1;
	p0 =	por !p0, !p0  }
0x23d: {  	s2 =	sshra.s32 s2, $0x4;
	s14 =	simm.s32 @!p0 $0x0  }
0x23e: {  	s2 =	ssub.s32 s2, s14  }
0x23f: {  	p0 =	slt.s32 s2, $0x1  }
.Ltmp44:
0x240: {  	_ = 	snop;
	(pc) =	sbr.rel @p0 .LBB2_52-.Ltmp44, $1  }
0x241: {  	_ =	sdelay $0x3  }
0x242: {  	v6 =	vld [tilespmem:s4+$0x0];
	_ =	sdelay $0x3  }
0x243: {  	v5 =	vmov s1;
	s1 =	simm.s32 $0x0;
	v7 =	vld [tilespmem:s11+$0x0]  }
0x244: {  	v8 =	vor.u32 s1, v1;
	v9 =	vand.u32 $0x30000, v6;
	v6 =	vshll.u32 v6, $0x4  }
0x245: {  	vm0 =	vlt.s32 v8, v5;
	vm1 =	veq.s32 v9, $0x0;
	v6 =	vand.u32 $0xFFFF0, v6  }
0x246: {  	vm0 =	vmand vm0, vm1;
	v6 =	vor.u32 v2, v6  }
0x247: {  	v6 =	vnsel vm0, $0xC0000000, v6  }
0x248: {  	(xrf1) =	vsort.ascd.msk.u32 $0xffff, v6, v7;
	_ =	sdelay $0xd  }
0x249: {  	v7, v6, _ =	vpop (xrf1)  }
0x24a: {  	v7 =	vxor.u32 $0x80000000, v7  }
0x24b: {  	[tilespmem:$0x1E900] =	vst v7  }
0x24c: {  	v8 =	vld [tilespmem:$0x1E901];
	_ =	sdelay $0x1  }
0x24d: {  	p0 =	sne.s32 s2, $0x1  }
.Ltmp45:
0x24e: {  	_ = 	snop;
	(pc) =	sbr.rel @!p0 .LBB2_51-.Ltmp45, $4  }
0x24f: {  	_ = 	snop  }
0x250: {  	v63 =	vshra.s32 v7, $0x4;
	v8 =	vshra.s32 v8, $0x4  }
0x251: {  	vm0 =	vlt.s32 v7, $0x40000000;
	vm2 =	vlt.s32 v63, $0xFFFF;
	vm1 =	vne.s32 v63, v8  }
0x252: {  	s2 =	sadd.s32 $0xFFFFFFFF, s2;
	s14 =	smov.u32 s4;
	s15 =	smov.u32 s11;
	v7 =	vnsel vm2, $0xFFFF, v63;
	vm0 =	vmand vm0, vm1  }
.LBB2_50:
0x253: {  	_ =	sdelay $0x4  }
0x254: {  	[tilespmem:v7+s6+$0x0] =	vst.idx.msk vm0, v6;
	s14 =	sadd.s32 $0x10, s14;
	s15 =	sadd.s32 $0x10, s15;
	s1 =	sadd.s32 $0x10, s1  }
0x255: {  	p0 =	sne.s32 s2, $0x1;
	s2 =	sadd.s32 $0xFFFFFFFF, s2;
	v6 =	vld [tilespmem:s14+$0x0];
	_ =	sdelay $0x3  }
0x256: {  	v7 =	vld [tilespmem:s15+$0x0]  }
0x257: {  	v8 =	vor.u32 s1, v1;
	v9 =	vand.u32 $0x30000, v6;
	v6 =	vshll.u32 v6, $0x4  }
0x258: {  	vm0 =	vlt.s32 v8, v5;
	vm1 =	veq.s32 v9, $0x0;
	v6 =	vand.u32 $0xFFFF0, v6  }
0x259: {  	vm0 =	vmand vm0, vm1;
	v6 =	vor.u32 v2, v6  }
0x25a: {  	v6 =	vnsel vm0, $0xC0000000, v6  }
0x25b: {  	(xrf1) =	vsort.ascd.msk.u32 $0xffff, v6, v7;
	_ =	sdelay $0xd  }
0x25c: {  	v7, v6, _ =	vpop (xrf1)  }
0x25d: {  	v7 =	vxor.u32 $0x80000000, v7  }
0x25e: {  	[tilespmem:$0x1E900] =	vst v7  }
0x25f: {  	v8 =	vld [tilespmem:$0x1E901];
	_ =	sdelay $0x2  }
.Ltmp46:
0x260: {  	(pc) =	sbr.rel @p0 .LBB2_50-.Ltmp46, $4  }
0x261: {  	_ = 	snop  }
0x262: {  	v9 =	vshra.s32 v7, $0x4;
	v8 =	vshra.s32 v8, $0x4  }
0x263: {  	vm0 =	vlt.s32 v7, $0x40000000;
	vm2 =	vlt.s32 v9, $0xFFFF;
	vm1 =	vne.s32 v9, v8  }
0x264: {  	v7 =	vnsel vm2, $0xFFFF, v9;
	vm0 =	vmand vm0, vm1  }
.LBB2_51:
0x265: {  	_ =	sdelay $0x4  }
0x266: {  	[tilespmem:v7+s6+$0x0] =	vst.idx.msk vm0, v6  }
.LBB2_52:
0x267: {  	p0 =	slt.s32 s13, $0x41  }
.Ltmp47:
0x268: {  	_ = 	snop;
	(pc) =	sbr.rel @p0 .LBB2_64-.Ltmp47, $1  }
0x269: {  	_ =	sdelay $0x3  }
0x26a: {  	s1 =	sadd.s32 $0xFF, s13  }
0x26b: {  	s2 =	sand.u32 $0xFF, s1  }
0x26c: {  	s14 =	sshra.s32 s1, $0x1F;
	p0 =	slt.s32 s1, $0x0;
	p1 =	sne.s32 s2, $0x0  }
0x26d: {  	s30 =	sshrl.u32 s14, $0x18;
	p0 =	por !p0, !p1  }
0x26e: {  	s2 =	simm.s32 $0x1;
	s1 =	sadd.s32 s30, s1;
	p0 =	por !p0, !p0  }
0x26f: {  	s1 =	sshra.s32 s1, $0x8;
	s2 =	simm.s32 @!p0 $0x0  }
0x270: {  	s14 =	ssub.s32 s1, s2  }
0x271: {  	p0 =	slt.s32 s14, $0x1  }
.Ltmp48:
0x272: {  	_ = 	snop;
	(pc) =	sbr.rel @p0 .LBB2_60-.Ltmp48, $1  }
0x273: {  	_ =	sdelay $0x3  }
0x274: {  	s1 =	sshll.u32 s12, $0xA  }
0x275: {  	s2 =	sshll.u32 s12, $0x5;
	p1 =	sne.s32 s14, $0x1;
	s1 =	sand.u32 $0xFFFF8000, s1  }
.Ltmp49:
0x276: {  	s2 =	sand.u32 $0x380, s2;
	s1 =	sadd.s32 s1, s19;
	(pc) =	sbr.rel @!p1 .LBB2_55-.Ltmp49, $4  }
0x277: {  	s30 =	sand.u32 $0x3, s3;
	s1 =	sadd.s32 s2, s1  }
0x278: {  	s2 =	sshll.u32 s30, $0xA;
	s1 =	sshrl.u32 s1, $0x3  }
0x279: {  	s16 =	sadd.s32 $0xFFFFFFFF, s14;
	p0 =	por $0x0, $0x0;
	s15 =	sadd.s32 s2, s1  }
0x27a: {  	s1 =	simm.s32 $0x100;
	s2 =	simm.s32 $0x1100;
	s14 =	sand.u32 $0x1FFFFF70, s15  }
0x27b: {  	s17 =	sadd.s32 s7, s14  }
0x27c: {  	[tilespmem:s1], [sflag:$0x5] =	stream.strided.gather [hbm4b:s17+s29], $0x100, s31, s29, $0x38;
	[tilespmem:$0x1E980] =	vst v63  }
0x27d: {  	p1 =	sne.s32 s16, $0x1;
	_ =	swait.ge [sflag:s28], $0x100  }
.Ltmp50:
0x27e: {  	s30 =	sadd.s32 s8, s14;
	[sflag:s28] =	ssyncset.done $0x0;
	(pc) =	sbr.rel @!p1 .LBB2_57-.Ltmp50, $4  }
0x27f: {  	s15 =	sadd.s32 $0x100, s15;
	p0 =	por $0x1, $0x1;
	[sflag:s28] =	ssyncadd.s32 $0xFFFFFF00  }
0x280: {  	[tilespmem:s2], [sflag:$0x5] =	stream.strided.gather [hbm4b:s30+s29], $0x100, s31, s29, $0x38;
	[tilespmem:$0x1E980] =	vst v63  }
0x281: {  	s17 =	sadd.s32 $0xFFFFFFFF, s16;
	s14 =	sand.u32 $0x1FFFFF70, s15;
	_ =	swait.ge [sflag:s28], $0x100  }
0x282: {  	s16 =	simm.s32 $0x100;
	s2 =	simm.s32 $0x1200;
	[sflag:s28] =	ssyncset.done $0x0  }
.LBB2_58:
0x283: {  	s18 =	sadd.s32 s7, s14;
	[sflag:s28] =	ssyncadd.s32 $0xFFFFFF00;
	s16 =	sadd.s32 $0x100, s16  }
0x284: {  	[tilespmem:s16], [sflag:$0x5] =	stream.strided.gather [hbm4b:s18+s29], $0x100, s31, s29, $0x38;
	[tilespmem:$0x1E980] =	vst v63  }
0x285: {  	p1 =	sne.s32 s17, $0x1;
	s17 =	sadd.s32 $0xFFFFFFFF, s17;
	_ =	swait.ge [sflag:s28], $0x100  }
.Ltmp51:
0x286: {  	[sflag:s28] =	ssyncset.done $0x0;
	(pc) =	sbr.rel @p1 .LBB2_58-.Ltmp51, $4  }
0x287: {  	s14 =	sadd.s32 s8, s14;
	[sflag:s28] =	ssyncadd.s32 $0xFFFFFF00  }
0x288: {  	[tilespmem:s2], [sflag:$0x5] =	stream.strided.gather [hbm4b:s14+s29], $0x100, s31, s29, $0x38;
	[tilespmem:$0x1E980] =	vst v63  }
0x289: {  	s15 =	sadd.s32 $0x100, s15;
	_ =	swait.ge [sflag:s28], $0x100  }
0x28a: {  	s14 =	sand.u32 $0x1FFFFF70, s15;
	s2 =	sadd.s32 $0x100, s2;
	[sflag:s28] =	ssyncset.done $0x0  }
.LBB2_59:
0x28b: {  	s15 =	sadd.s32 @p0 $0x100, s16  }
0x28c: {  	s23 =	sadd.s32 s7, s14;
	[sflag:s28] =	ssyncadd.s32 @p0 $0xFFFFFF00;
	s1 =	smov.u32 @p0 s15  }
0x28d: {  	[tilespmem:s1], [sflag:$0x5] =	stream.strided.gather [hbm4b:s23+s29], $0x100, s31, s29, $0x38;
	[tilespmem:$0x1E980] =	vst v63  }
0x28e: {  	_ =	swait.ge [sflag:s28], $0x100  }
0x28f: {  	[sflag:s28] =	ssyncset.done $0x0  }
0x290: {  	s30 =	sadd.s32 s8, s14;
	[sflag:s28] =	ssyncadd.s32 $0xFFFFFF00  }
0x291: {  	[tilespmem:s2], [sflag:$0x5] =	stream.strided.gather [hbm4b:s30+s29], $0x100, s31, s29, $0x38;
	[tilespmem:$0x1E980] =	vst v63  }
0x292: {  	_ =	swait.ge [sflag:s28], $0x100  }
0x293: {  	[sflag:s28] =	ssyncset.done $0x0  }
0x294: {  	[sflag:s28] =	ssyncadd.s32 $0xFFFFFF00  }
.LBB2_60:
0x295: {  	s1 =	sadd.s32 $0xF, s13  }
0x296: {  	s2 =	sand.u32 $0xF, s1  }
0x297: {  	s14 =	sshra.s32 s1, $0x1F;
	p0 =	slt.s32 s1, $0x0;
	p1 =	sne.s32 s2, $0x0  }
0x298: {  	s30 =	sshrl.u32 s14, $0x1C;
	p0 =	por !p0, !p1  }
0x299: {  	s2 =	simm.s32 $0x1;
	s1 =	sadd.s32 s30, s1;
	p0 =	por !p0, !p0  }
0x29a: {  	s14 =	sshra.s32 s1, $0x4;
	s2 =	simm.s32 @!p0 $0x0  }
0x29b: {  	s1 =	ssub.s32 s14, s2  }
0x29c: {  	p1 =	slt.s32 s1, $0x5  }
.Ltmp52:
0x29d: {  	_ = 	snop;
	(pc) =	sbr.rel @p1 .LBB2_64-.Ltmp52, $1  }
0x29e: {  	_ =	sdelay $0x3  }
0x29f: {  	s1 =	simm.s32 $0x140  }
0x2a0: {  	v6 =	vld [tilespmem:s1+$0x0];
	_ =	sdelay $0x2  }
0x2a1: {  	s2 =	simm.s32 $0x1140  }
0x2a2: {  	v5 =	vmov s13;
	s13 =	simm.s32 $0x40;
	v7 =	vld [tilespmem:s2+$0x0]  }
0x2a3: {  	v8 =	vor.u32 s13, v1;
	v9 =	vand.u32 $0x30000, v6;
	v6 =	vshll.u32 v6, $0x4  }
0x2a4: {  	vm0 =	vlt.s32 v8, v5;
	vm1 =	veq.s32 v9, $0x0;
	v6 =	vand.u32 $0xFFFF0, v6  }
0x2a5: {  	vm0 =	vmand vm0, vm1;
	v6 =	vor.u32 v2, v6  }
0x2a6: {  	v6 =	vnsel vm0, $0xC0000000, v6  }
0x2a7: {  	(xrf1) =	vsort.ascd.msk.u32 $0xffff, v6, v7;
	_ =	sdelay $0xd  }
0x2a8: {  	v7, v6, _ =	vpop (xrf1)  }
0x2a9: {  	v7 =	vxor.u32 $0x80000000, v7  }
0x2aa: {  	[tilespmem:$0x1E900] =	vst v7  }
0x2ab: {  	v8 =	vld [tilespmem:$0x1E901];
	_ =	sdelay $0x2  }
0x2ac: {  	s15 =	simm.s32 $0xFFFFFFFF  }
0x2ad: {  	s15 =	simm.s32 @!p0 $0x0  }
0x2ae: {  	s14 =	sadd.s32 s15, s14;
	v63 =	vshra.s32 v7, $0x4;
	v8 =	vshra.s32 v8, $0x4  }
0x2af: {  	s14 =	sadd.s32 $0xFFFFFFFC, s14;
	vm0 =	vlt.s32 v7, $0x40000000;
	vm1 =	vne.s32 v63, v8  }
0x2b0: {  	p0 =	sne.s32 s14, $0x1;
	vm2 =	vlt.s32 v63, $0xFFFF;
	vm0 =	vmand vm0, vm1  }
.Ltmp53:
0x2b1: {  	v7 =	vnsel vm2, $0xFFFF, v63;
	(pc) =	sbr.rel @!p0 .LBB2_63-.Ltmp53, $2  }
0x2b2: {  	_ =	sdelay $0x2  }
0x2b3: {  	s14 =	sadd.s32 $0xFFFFFFFF, s14  }
.LBB2_62:
0x2b4: {  	[tilespmem:v7+s6+$0x0] =	vst.idx.msk vm0, v6;
	s1 =	sadd.s32 $0x10, s1;
	s2 =	sadd.s32 $0x10, s2;
	s13 =	sadd.s32 $0x10, s13  }
0x2b5: {  	p0 =	sne.s32 s14, $0x1;
	s14 =	sadd.s32 $0xFFFFFFFF, s14;
	v6 =	vld [tilespmem:s1+$0x0];
	_ =	sdelay $0x3  }
0x2b6: {  	v7 =	vld [tilespmem:s2+$0x0]  }
0x2b7: {  	v8 =	vor.u32 s13, v1;
	v9 =	vand.u32 $0x30000, v6;
	v6 =	vshll.u32 v6, $0x4  }
0x2b8: {  	vm0 =	vlt.s32 v8, v5;
	vm1 =	veq.s32 v9, $0x0;
	v6 =	vand.u32 $0xFFFF0, v6  }
0x2b9: {  	vm0 =	vmand vm0, vm1;
	v6 =	vor.u32 v2, v6  }
0x2ba: {  	v6 =	vnsel vm0, $0xC0000000, v6  }
0x2bb: {  	(xrf1) =	vsort.ascd.msk.u32 $0xffff, v6, v7;
	_ =	sdelay $0xd  }
0x2bc: {  	v7, v6, _ =	vpop (xrf1)  }
0x2bd: {  	v7 =	vxor.u32 $0x80000000, v7  }
0x2be: {  	[tilespmem:$0x1E900] =	vst v7  }
0x2bf: {  	v8 =	vld [tilespmem:$0x1E901];
	_ =	sdelay $0x2  }
.Ltmp54:
0x2c0: {  	(pc) =	sbr.rel @p0 .LBB2_62-.Ltmp54, $4  }
0x2c1: {  	_ = 	snop  }
0x2c2: {  	v9 =	vshra.s32 v7, $0x4;
	v8 =	vshra.s32 v8, $0x4  }
0x2c3: {  	vm0 =	vlt.s32 v7, $0x40000000;
	vm2 =	vlt.s32 v9, $0xFFFF;
	vm1 =	vne.s32 v9, v8  }
0x2c4: {  	v7 =	vnsel vm2, $0xFFFF, v9;
	vm0 =	vmand vm0, vm1  }
.Ltmp55:
0x2c5: {  	_ = 	snop;
	(pc) =	sbr.rel .LBB2_63-.Ltmp55, $1  }
0x2c6: {  	_ =	sdelay $0x3  }
.LBB2_55:
.Ltmp56:
0x2c7: {  	(pc) =	sbr.rel .LBB2_59-.Ltmp56, $2  }
0x2c8: {  	_ =	sdelay $0x2  }
0x2c9: {  	s16 =	simm.s32 $0x100  }
.LBB2_57:
.Ltmp57:
0x2ca: {  	(pc) =	sbr.rel .LBB2_59-.Ltmp57, $2  }
0x2cb: {  	_ =	sdelay $0x2  }
0x2cc: {  	s16 =	simm.s32 $0x100  }
.LBB2_65:
0x2cd: {  	s3 =	simm.s32 $0x0;
	s1 =	rddreg [dreg:$0x9];
	s23 =	simm.s32 $0x4  }
0x2ce: {  	[hbm4b:s1+s3] =	stream.linear.scatter [tilespmem:s6], [sflag:$0x4], $0x10000, $0x38;
	[tilespmem:$0x1E980] =	vst v63  }
0x2cf: {  	_ =	swait.ge [sflag:s23], $0x10000  }
0x2d0: {  	[sflag:s23] =	ssyncset.done $0x0  }
.Ltmp58:
0x2d1: {  	s30 =	rddreg [dreg:$0xa];
	[sflag:s23] =	ssyncadd.s32 $0xFFFF0000;
	(pc) =	sbr.rel .LBB2_66-.Ltmp58, $4  }
0x2d2: {  	[tilespmem:s6], [sflag:$0x5] =	stream.linear.gather [hbm4b:s30+s3], $0x10000, $0x38;
	[tilespmem:$0x1E980] =	vst v63  }
0x2d3: {  	_ =	swait.ge [sflag:s28], $0x10000  }
0x2d4: {  	s4 =	simm.s32 $0x16900;
	[sflag:s28] =	ssyncset.done $0x0  }
0x2d5: {  	s11 =	simm.s32 $0x1A900;
	s12 =	simm.s32 $0x0;
	[sflag:s28] =	ssyncadd.s32 $0xFFFF0000  }
.LBB2_81:
0x2d6: {  	_ =	sdelay $0x4  }
0x2d7: {  	[tilespmem:v7+s6+$0x0] =	vst.idx.msk vm0, v6  }
.LBB2_82:
0x2d8: {  	s12 =	sadd.s32 $0x1, s12  }
0x2d9: {  	p0 =	sne.s32 s12, $0x100  }
.Ltmp59:
0x2da: {  	_ = 	snop;
	(pc) =	sbr.rel @!p0 .LBB2_83-.Ltmp59, $2  }
0x2db: {  	_ =	sdelay $0x2  }
0x2dc: {  	s4 =	sadd.s32 $0x40, s4;
	s11 =	sadd.s32 $0x40, s11;
	s3 =	sadd.s32 $0x1, s3  }
.LBB2_66:
0x2dd: {  	s13 =	sld [smem:s12+$0x0];
	_ =	sdelay $0x2  }
0x2de: {  	p0 =	slt.s32 s13, $0x40;
	s1 =	smov.u32 s13  }
0x2df: {  	s1 =	simm.s32 @!p0 $0x40  }
0x2e0: {  	s2 =	sadd.s32 $0xF, s1  }
0x2e1: {  	s14 =	sand.u32 $0xF, s2  }
0x2e2: {  	p1 =	slt.s32 s13, $0xFFFFFFF2;
	s30 =	sshra.s32 s2, $0x1F;
	p6 =	sne.s32 s14, $0x0  }
0x2e3: {  	s14 =	sshrl.u32 s30, $0x1C;
	p0 =	por !p1, !p6  }
0x2e4: {  	s2 =	sadd.s32 s14, s2;
	s14 =	simm.s32 $0x1;
	p0 =	por !p0, !p0  }
0x2e5: {  	s2 =	sshra.s32 s2, $0x4;
	s14 =	simm.s32 @!p0 $0x0  }
0x2e6: {  	s2 =	ssub.s32 s2, s14  }
0x2e7: {  	p0 =	slt.s32 s2, $0x1  }
.Ltmp60:
0x2e8: {  	_ = 	snop;
	(pc) =	sbr.rel @p0 .LBB2_70-.Ltmp60, $1  }
0x2e9: {  	_ =	sdelay $0x3  }
0x2ea: {  	v6 =	vld [tilespmem:s4+$0x0];
	_ =	sdelay $0x3  }
0x2eb: {  	v5 =	vmov s1;
	s1 =	simm.s32 $0x0;
	v7 =	vld [tilespmem:s11+$0x0]  }
0x2ec: {  	v8 =	vor.u32 s1, v1;
	v9 =	vand.u32 $0x30000, v6;
	v6 =	vshll.u32 v6, $0x4  }
0x2ed: {  	vm0 =	vlt.s32 v8, v5;
	vm1 =	veq.s32 v9, $0x10000;
	v6 =	vand.u32 $0xFFFF0, v6  }
0x2ee: {  	vm0 =	vmand vm0, vm1;
	v6 =	vor.u32 v2, v6  }
0x2ef: {  	v6 =	vnsel vm0, $0xC0000000, v6  }
0x2f0: {  	(xrf1) =	vsort.ascd.msk.u32 $0xffff, v6, v7;
	_ =	sdelay $0xd  }
0x2f1: {  	v7, v6, _ =	vpop (xrf1)  }
0x2f2: {  	v7 =	vxor.u32 $0x80000000, v7  }
0x2f3: {  	[tilespmem:$0x1E900] =	vst v7  }
0x2f4: {  	v8 =	vld [tilespmem:$0x1E901];
	_ =	sdelay $0x1  }
0x2f5: {  	p0 =	sne.s32 s2, $0x1  }
.Ltmp61:
0x2f6: {  	_ = 	snop;
	(pc) =	sbr.rel @!p0 .LBB2_69-.Ltmp61, $4  }
0x2f7: {  	_ = 	snop  }
0x2f8: {  	v63 =	vshra.s32 v7, $0x4;
	v8 =	vshra.s32 v8, $0x4  }
0x2f9: {  	vm0 =	vlt.s32 v7, $0x40000000;
	vm2 =	vlt.s32 v63, $0xFFFF;
	vm1 =	vne.s32 v63, v8  }
0x2fa: {  	s2 =	sadd.s32 $0xFFFFFFFF, s2;
	s14 =	smov.u32 s4;
	s15 =	smov.u32 s11;
	v7 =	vnsel vm2, $0xFFFF, v63;
	vm0 =	vmand vm0, vm1  }
.LBB2_68:
0x2fb: {  	_ =	sdelay $0x4  }
0x2fc: {  	[tilespmem:v7+s6+$0x0] =	vst.idx.msk vm0, v6;
	s14 =	sadd.s32 $0x10, s14;
	s15 =	sadd.s32 $0x10, s15;
	s1 =	sadd.s32 $0x10, s1  }
0x2fd: {  	p0 =	sne.s32 s2, $0x1;
	s2 =	sadd.s32 $0xFFFFFFFF, s2;
	v6 =	vld [tilespmem:s14+$0x0];
	_ =	sdelay $0x3  }
0x2fe: {  	v7 =	vld [tilespmem:s15+$0x0]  }
0x2ff: {  	v8 =	vor.u32 s1, v1;
	v9 =	vand.u32 $0x30000, v6;
	v6 =	vshll.u32 v6, $0x4  }
0x300: {  	vm0 =	vlt.s32 v8, v5;
	vm1 =	veq.s32 v9, $0x10000;
	v6 =	vand.u32 $0xFFFF0, v6  }
0x301: {  	vm0 =	vmand vm0, vm1;
	v6 =	vor.u32 v2, v6  }
0x302: {  	v6 =	vnsel vm0, $0xC0000000, v6  }
0x303: {  	(xrf1) =	vsort.ascd.msk.u32 $0xffff, v6, v7;
	_ =	sdelay $0xd  }
0x304: {  	v7, v6, _ =	vpop (xrf1)  }
0x305: {  	v7 =	vxor.u32 $0x80000000, v7  }
0x306: {  	[tilespmem:$0x1E900] =	vst v7  }
0x307: {  	v8 =	vld [tilespmem:$0x1E901];
	_ =	sdelay $0x2  }
.Ltmp62:
0x308: {  	(pc) =	sbr.rel @p0 .LBB2_68-.Ltmp62, $4  }
0x309: {  	_ = 	snop  }
0x30a: {  	v9 =	vshra.s32 v7, $0x4;
	v8 =	vshra.s32 v8, $0x4  }
0x30b: {  	vm0 =	vlt.s32 v7, $0x40000000;
	vm2 =	vlt.s32 v9, $0xFFFF;
	vm1 =	vne.s32 v9, v8  }
0x30c: {  	v7 =	vnsel vm2, $0xFFFF, v9;
	vm0 =	vmand vm0, vm1  }
.LBB2_69:
0x30d: {  	_ =	sdelay $0x4  }
0x30e: {  	[tilespmem:v7+s6+$0x0] =	vst.idx.msk vm0, v6  }
.LBB2_70:
0x30f: {  	p0 =	slt.s32 s13, $0x41  }
.Ltmp63:
0x310: {  	_ = 	snop;
	(pc) =	sbr.rel @p0 .LBB2_82-.Ltmp63, $1  }
0x311: {  	_ =	sdelay $0x3  }
0x312: {  	s1 =	sadd.s32 $0xFF, s13  }
0x313: {  	s2 =	sand.u32 $0xFF, s1  }
0x314: {  	s14 =	sshra.s32 s1, $0x1F;
	p0 =	slt.s32 s1, $0x0;
	p1 =	sne.s32 s2, $0x0  }
0x315: {  	s30 =	sshrl.u32 s14, $0x18;
	p0 =	por !p0, !p1  }
0x316: {  	s2 =	simm.s32 $0x1;
	s1 =	sadd.s32 s30, s1;
	p0 =	por !p0, !p0  }
0x317: {  	s1 =	sshra.s32 s1, $0x8;
	s2 =	simm.s32 @!p0 $0x0  }
0x318: {  	s14 =	ssub.s32 s1, s2  }
0x319: {  	p0 =	slt.s32 s14, $0x1  }
.Ltmp64:
0x31a: {  	_ = 	snop;
	(pc) =	sbr.rel @p0 .LBB2_78-.Ltmp64, $1  }
0x31b: {  	_ =	sdelay $0x3  }
0x31c: {  	s1 =	sshll.u32 s12, $0xA  }
0x31d: {  	s2 =	sshll.u32 s12, $0x5;
	p1 =	sne.s32 s14, $0x1;
	s1 =	sand.u32 $0xFFFF8000, s1  }
.Ltmp65:
0x31e: {  	s2 =	sand.u32 $0x380, s2;
	s1 =	sadd.s32 s1, s19;
	(pc) =	sbr.rel @!p1 .LBB2_73-.Ltmp65, $4  }
0x31f: {  	s30 =	sand.u32 $0x3, s3;
	s1 =	sadd.s32 s2, s1  }
0x320: {  	s2 =	sshll.u32 s30, $0xA;
	s1 =	sshrl.u32 s1, $0x3  }
0x321: {  	s16 =	sadd.s32 $0xFFFFFFFF, s14;
	p0 =	por $0x0, $0x0;
	s15 =	sadd.s32 s2, s1  }
0x322: {  	s1 =	simm.s32 $0x100;
	s2 =	simm.s32 $0x1100;
	s14 =	sand.u32 $0x1FFFFF70, s15  }
0x323: {  	s17 =	sadd.s32 s7, s14  }
0x324: {  	[tilespmem:s1], [sflag:$0x5] =	stream.strided.gather [hbm4b:s17+s29], $0x100, s31, s29, $0x38;
	[tilespmem:$0x1E980] =	vst v63  }
0x325: {  	p1 =	sne.s32 s16, $0x1;
	_ =	swait.ge [sflag:s28], $0x100  }
.Ltmp66:
0x326: {  	s30 =	sadd.s32 s8, s14;
	[sflag:s28] =	ssyncset.done $0x0;
	(pc) =	sbr.rel @!p1 .LBB2_75-.Ltmp66, $4  }
0x327: {  	s15 =	sadd.s32 $0x100, s15;
	p0 =	por $0x1, $0x1;
	[sflag:s28] =	ssyncadd.s32 $0xFFFFFF00  }
0x328: {  	[tilespmem:s2], [sflag:$0x5] =	stream.strided.gather [hbm4b:s30+s29], $0x100, s31, s29, $0x38;
	[tilespmem:$0x1E980] =	vst v63  }
0x329: {  	s17 =	sadd.s32 $0xFFFFFFFF, s16;
	s14 =	sand.u32 $0x1FFFFF70, s15;
	_ =	swait.ge [sflag:s28], $0x100  }
0x32a: {  	s16 =	simm.s32 $0x100;
	s2 =	simm.s32 $0x1200;
	[sflag:s28] =	ssyncset.done $0x0  }
.LBB2_76:
0x32b: {  	s18 =	sadd.s32 s7, s14;
	[sflag:s28] =	ssyncadd.s32 $0xFFFFFF00;
	s16 =	sadd.s32 $0x100, s16  }
0x32c: {  	[tilespmem:s16], [sflag:$0x5] =	stream.strided.gather [hbm4b:s18+s29], $0x100, s31, s29, $0x38;
	[tilespmem:$0x1E980] =	vst v63  }
0x32d: {  	p1 =	sne.s32 s17, $0x1;
	s17 =	sadd.s32 $0xFFFFFFFF, s17;
	_ =	swait.ge [sflag:s28], $0x100  }
.Ltmp67:
0x32e: {  	[sflag:s28] =	ssyncset.done $0x0;
	(pc) =	sbr.rel @p1 .LBB2_76-.Ltmp67, $4  }
0x32f: {  	s14 =	sadd.s32 s8, s14;
	[sflag:s28] =	ssyncadd.s32 $0xFFFFFF00  }
0x330: {  	[tilespmem:s2], [sflag:$0x5] =	stream.strided.gather [hbm4b:s14+s29], $0x100, s31, s29, $0x38;
	[tilespmem:$0x1E980] =	vst v63  }
0x331: {  	s15 =	sadd.s32 $0x100, s15;
	_ =	swait.ge [sflag:s28], $0x100  }
0x332: {  	s14 =	sand.u32 $0x1FFFFF70, s15;
	s2 =	sadd.s32 $0x100, s2;
	[sflag:s28] =	ssyncset.done $0x0  }
.LBB2_77:
0x333: {  	s15 =	sadd.s32 @p0 $0x100, s16  }
0x334: {  	s23 =	sadd.s32 s7, s14;
	[sflag:s28] =	ssyncadd.s32 @p0 $0xFFFFFF00;
	s1 =	smov.u32 @p0 s15  }
0x335: {  	[tilespmem:s1], [sflag:$0x5] =	stream.strided.gather [hbm4b:s23+s29], $0x100, s31, s29, $0x38;
	[tilespmem:$0x1E980] =	vst v63  }
0x336: {  	_ =	swait.ge [sflag:s28], $0x100  }
0x337: {  	[sflag:s28] =	ssyncset.done $0x0  }
0x338: {  	s30 =	sadd.s32 s8, s14;
	[sflag:s28] =	ssyncadd.s32 $0xFFFFFF00  }
0x339: {  	[tilespmem:s2], [sflag:$0x5] =	stream.strided.gather [hbm4b:s30+s29], $0x100, s31, s29, $0x38;
	[tilespmem:$0x1E980] =	vst v63  }
0x33a: {  	_ =	swait.ge [sflag:s28], $0x100  }
0x33b: {  	[sflag:s28] =	ssyncset.done $0x0  }
0x33c: {  	[sflag:s28] =	ssyncadd.s32 $0xFFFFFF00  }
.LBB2_78:
0x33d: {  	s1 =	sadd.s32 $0xF, s13  }
0x33e: {  	s2 =	sand.u32 $0xF, s1  }
0x33f: {  	s14 =	sshra.s32 s1, $0x1F;
	p0 =	slt.s32 s1, $0x0;
	p1 =	sne.s32 s2, $0x0  }
0x340: {  	s30 =	sshrl.u32 s14, $0x1C;
	p0 =	por !p0, !p1  }
0x341: {  	s2 =	simm.s32 $0x1;
	s1 =	sadd.s32 s30, s1;
	p0 =	por !p0, !p0  }
0x342: {  	s14 =	sshra.s32 s1, $0x4;
	s2 =	simm.s32 @!p0 $0x0  }
0x343: {  	s1 =	ssub.s32 s14, s2  }
0x344: {  	p1 =	slt.s32 s1, $0x5  }
.Ltmp68:
0x345: {  	_ = 	snop;
	(pc) =	sbr.rel @p1 .LBB2_82-.Ltmp68, $1  }
0x346: {  	_ =	sdelay $0x3  }
0x347: {  	s1 =	simm.s32 $0x140  }
0x348: {  	v6 =	vld [tilespmem:s1+$0x0];
	_ =	sdelay $0x2  }
0x349: {  	s2 =	simm.s32 $0x1140  }
0x34a: {  	v5 =	vmov s13;
	s13 =	simm.s32 $0x40;
	v7 =	vld [tilespmem:s2+$0x0]  }
0x34b: {  	v8 =	vor.u32 s13, v1;
	v9 =	vand.u32 $0x30000, v6;
	v6 =	vshll.u32 v6, $0x4  }
0x34c: {  	vm0 =	vlt.s32 v8, v5;
	vm1 =	veq.s32 v9, $0x10000;
	v6 =	vand.u32 $0xFFFF0, v6  }
0x34d: {  	vm0 =	vmand vm0, vm1;
	v6 =	vor.u32 v2, v6  }
0x34e: {  	v6 =	vnsel vm0, $0xC0000000, v6  }
0x34f: {  	(xrf1) =	vsort.ascd.msk.u32 $0xffff, v6, v7;
	_ =	sdelay $0xd  }
0x350: {  	v7, v6, _ =	vpop (xrf1)  }
0x351: {  	v7 =	vxor.u32 $0x80000000, v7  }
0x352: {  	[tilespmem:$0x1E900] =	vst v7  }
0x353: {  	v8 =	vld [tilespmem:$0x1E901];
	_ =	sdelay $0x2  }
0x354: {  	s15 =	simm.s32 $0xFFFFFFFF  }
0x355: {  	s15 =	simm.s32 @!p0 $0x0  }
0x356: {  	s14 =	sadd.s32 s15, s14;
	v63 =	vshra.s32 v7, $0x4;
	v8 =	vshra.s32 v8, $0x4  }
0x357: {  	s14 =	sadd.s32 $0xFFFFFFFC, s14;
	vm0 =	vlt.s32 v7, $0x40000000;
	vm1 =	vne.s32 v63, v8  }
0x358: {  	p0 =	sne.s32 s14, $0x1;
	vm2 =	vlt.s32 v63, $0xFFFF;
	vm0 =	vmand vm0, vm1  }
.Ltmp69:
0x359: {  	v7 =	vnsel vm2, $0xFFFF, v63;
	(pc) =	sbr.rel @!p0 .LBB2_81-.Ltmp69, $2  }
0x35a: {  	_ =	sdelay $0x2  }
0x35b: {  	s14 =	sadd.s32 $0xFFFFFFFF, s14  }
.LBB2_80:
0x35c: {  	[tilespmem:v7+s6+$0x0] =	vst.idx.msk vm0, v6;
	s1 =	sadd.s32 $0x10, s1;
	s2 =	sadd.s32 $0x10, s2;
	s13 =	sadd.s32 $0x10, s13  }
0x35d: {  	p0 =	sne.s32 s14, $0x1;
	s14 =	sadd.s32 $0xFFFFFFFF, s14;
	v6 =	vld [tilespmem:s1+$0x0];
	_ =	sdelay $0x3  }
0x35e: {  	v7 =	vld [tilespmem:s2+$0x0]  }
0x35f: {  	v8 =	vor.u32 s13, v1;
	v9 =	vand.u32 $0x30000, v6;
	v6 =	vshll.u32 v6, $0x4  }
0x360: {  	vm0 =	vlt.s32 v8, v5;
	vm1 =	veq.s32 v9, $0x10000;
	v6 =	vand.u32 $0xFFFF0, v6  }
0x361: {  	vm0 =	vmand vm0, vm1;
	v6 =	vor.u32 v2, v6  }
0x362: {  	v6 =	vnsel vm0, $0xC0000000, v6  }
0x363: {  	(xrf1) =	vsort.ascd.msk.u32 $0xffff, v6, v7;
	_ =	sdelay $0xd  }
0x364: {  	v7, v6, _ =	vpop (xrf1)  }
0x365: {  	v7 =	vxor.u32 $0x80000000, v7  }
0x366: {  	[tilespmem:$0x1E900] =	vst v7  }
0x367: {  	v8 =	vld [tilespmem:$0x1E901];
	_ =	sdelay $0x2  }
.Ltmp70:
0x368: {  	(pc) =	sbr.rel @p0 .LBB2_80-.Ltmp70, $4  }
0x369: {  	_ = 	snop  }
0x36a: {  	v9 =	vshra.s32 v7, $0x4;
	v8 =	vshra.s32 v8, $0x4  }
0x36b: {  	vm0 =	vlt.s32 v7, $0x40000000;
	vm2 =	vlt.s32 v9, $0xFFFF;
	vm1 =	vne.s32 v9, v8  }
0x36c: {  	v7 =	vnsel vm2, $0xFFFF, v9;
	vm0 =	vmand vm0, vm1  }
.Ltmp71:
0x36d: {  	_ = 	snop;
	(pc) =	sbr.rel .LBB2_81-.Ltmp71, $1  }
0x36e: {  	_ =	sdelay $0x3  }
.LBB2_73:
.Ltmp72:
0x36f: {  	(pc) =	sbr.rel .LBB2_77-.Ltmp72, $2  }
0x370: {  	_ =	sdelay $0x2  }
0x371: {  	s16 =	simm.s32 $0x100  }
.LBB2_75:
.Ltmp73:
0x372: {  	(pc) =	sbr.rel .LBB2_77-.Ltmp73, $2  }
0x373: {  	_ =	sdelay $0x2  }
0x374: {  	s16 =	simm.s32 $0x100  }
.LBB2_83:
0x375: {  	s3 =	simm.s32 $0x0;
	s1 =	rddreg [dreg:$0xb];
	s23 =	simm.s32 $0x4  }
0x376: {  	[hbm4b:s1+s3] =	stream.linear.scatter [tilespmem:s6], [sflag:$0x4], $0x10000, $0x38;
	[tilespmem:$0x1E980] =	vst v63  }
0x377: {  	_ =	swait.ge [sflag:s23], $0x10000  }
0x378: {  	[sflag:s23] =	ssyncset.done $0x0  }
.Ltmp74:
0x379: {  	s30 =	rddreg [dreg:$0xc];
	[sflag:s23] =	ssyncadd.s32 $0xFFFF0000;
	(pc) =	sbr.rel .LBB2_84-.Ltmp74, $4  }
0x37a: {  	[tilespmem:s6], [sflag:$0x5] =	stream.linear.gather [hbm4b:s30+s3], $0x10000, $0x38;
	[tilespmem:$0x1E980] =	vst v63  }
0x37b: {  	_ =	swait.ge [sflag:s28], $0x10000  }
0x37c: {  	s4 =	simm.s32 $0x16900;
	[sflag:s28] =	ssyncset.done $0x0  }
0x37d: {  	s11 =	simm.s32 $0x1A900;
	s12 =	simm.s32 $0x0;
	[sflag:s28] =	ssyncadd.s32 $0xFFFF0000  }
.LBB2_99:
0x37e: {  	_ =	sdelay $0x4  }
0x37f: {  	[tilespmem:v7+s6+$0x0] =	vst.idx.msk vm0, v6  }
.LBB2_100:
0x380: {  	s12 =	sadd.s32 $0x1, s12  }
0x381: {  	p0 =	sne.s32 s12, $0x100  }
.Ltmp75:
0x382: {  	_ = 	snop;
	(pc) =	sbr.rel @!p0 .LBB2_101-.Ltmp75, $2  }
0x383: {  	_ =	sdelay $0x2  }
0x384: {  	s4 =	sadd.s32 $0x40, s4;
	s11 =	sadd.s32 $0x40, s11;
	s3 =	sadd.s32 $0x1, s3  }
.LBB2_84:
0x385: {  	s13 =	sld [smem:s12+$0x0];
	_ =	sdelay $0x2  }
0x386: {  	p0 =	slt.s32 s13, $0x40;
	s1 =	smov.u32 s13  }
0x387: {  	s1 =	simm.s32 @!p0 $0x40  }
0x388: {  	s2 =	sadd.s32 $0xF, s1  }
0x389: {  	s14 =	sand.u32 $0xF, s2  }
0x38a: {  	p1 =	slt.s32 s13, $0xFFFFFFF2;
	s30 =	sshra.s32 s2, $0x1F;
	p6 =	sne.s32 s14, $0x0  }
0x38b: {  	s14 =	sshrl.u32 s30, $0x1C;
	p0 =	por !p1, !p6  }
0x38c: {  	s2 =	sadd.s32 s14, s2;
	s14 =	simm.s32 $0x1;
	p0 =	por !p0, !p0  }
0x38d: {  	s2 =	sshra.s32 s2, $0x4;
	s14 =	simm.s32 @!p0 $0x0  }
0x38e: {  	s2 =	ssub.s32 s2, s14  }
0x38f: {  	p0 =	slt.s32 s2, $0x1  }
.Ltmp76:
0x390: {  	_ = 	snop;
	(pc) =	sbr.rel @p0 .LBB2_88-.Ltmp76, $1  }
0x391: {  	_ =	sdelay $0x3  }
0x392: {  	v6 =	vld [tilespmem:s4+$0x0];
	_ =	sdelay $0x3  }
0x393: {  	v5 =	vmov s1;
	s1 =	simm.s32 $0x0;
	v7 =	vld [tilespmem:s11+$0x0]  }
0x394: {  	v8 =	vor.u32 s1, v1;
	v9 =	vand.u32 $0x30000, v6;
	v6 =	vshll.u32 v6, $0x4  }
0x395: {  	vm0 =	vlt.s32 v8, v5;
	vm1 =	veq.s32 v9, $0x20000;
	v6 =	vand.u32 $0xFFFF0, v6  }
0x396: {  	vm0 =	vmand vm0, vm1;
	v6 =	vor.u32 v2, v6  }
0x397: {  	v6 =	vnsel vm0, $0xC0000000, v6  }
0x398: {  	(xrf1) =	vsort.ascd.msk.u32 $0xffff, v6, v7;
	_ =	sdelay $0xd  }
0x399: {  	v7, v6, _ =	vpop (xrf1)  }
0x39a: {  	v7 =	vxor.u32 $0x80000000, v7  }
0x39b: {  	[tilespmem:$0x1E900] =	vst v7  }
0x39c: {  	v8 =	vld [tilespmem:$0x1E901];
	_ =	sdelay $0x1  }
0x39d: {  	p0 =	sne.s32 s2, $0x1  }
.Ltmp77:
0x39e: {  	_ = 	snop;
	(pc) =	sbr.rel @!p0 .LBB2_87-.Ltmp77, $4  }
0x39f: {  	_ = 	snop  }
0x3a0: {  	v63 =	vshra.s32 v7, $0x4;
	v8 =	vshra.s32 v8, $0x4  }
0x3a1: {  	vm0 =	vlt.s32 v7, $0x40000000;
	vm2 =	vlt.s32 v63, $0xFFFF;
	vm1 =	vne.s32 v63, v8  }
0x3a2: {  	s2 =	sadd.s32 $0xFFFFFFFF, s2;
	s14 =	smov.u32 s4;
	s15 =	smov.u32 s11;
	v7 =	vnsel vm2, $0xFFFF, v63;
	vm0 =	vmand vm0, vm1  }
.LBB2_86:
0x3a3: {  	_ =	sdelay $0x4  }
0x3a4: {  	[tilespmem:v7+s6+$0x0] =	vst.idx.msk vm0, v6;
	s14 =	sadd.s32 $0x10, s14;
	s15 =	sadd.s32 $0x10, s15;
	s1 =	sadd.s32 $0x10, s1  }
0x3a5: {  	p0 =	sne.s32 s2, $0x1;
	s2 =	sadd.s32 $0xFFFFFFFF, s2;
	v6 =	vld [tilespmem:s14+$0x0];
	_ =	sdelay $0x3  }
0x3a6: {  	v7 =	vld [tilespmem:s15+$0x0]  }
0x3a7: {  	v8 =	vor.u32 s1, v1;
	v9 =	vand.u32 $0x30000, v6;
	v6 =	vshll.u32 v6, $0x4  }
0x3a8: {  	vm0 =	vlt.s32 v8, v5;
	vm1 =	veq.s32 v9, $0x20000;
	v6 =	vand.u32 $0xFFFF0, v6  }
0x3a9: {  	vm0 =	vmand vm0, vm1;
	v6 =	vor.u32 v2, v6  }
0x3aa: {  	v6 =	vnsel vm0, $0xC0000000, v6  }
0x3ab: {  	(xrf1) =	vsort.ascd.msk.u32 $0xffff, v6, v7;
	_ =	sdelay $0xd  }
0x3ac: {  	v7, v6, _ =	vpop (xrf1)  }
0x3ad: {  	v7 =	vxor.u32 $0x80000000, v7  }
0x3ae: {  	[tilespmem:$0x1E900] =	vst v7  }
0x3af: {  	v8 =	vld [tilespmem:$0x1E901];
	_ =	sdelay $0x2  }
.Ltmp78:
0x3b0: {  	(pc) =	sbr.rel @p0 .LBB2_86-.Ltmp78, $4  }
0x3b1: {  	_ = 	snop  }
0x3b2: {  	v9 =	vshra.s32 v7, $0x4;
	v8 =	vshra.s32 v8, $0x4  }
0x3b3: {  	vm0 =	vlt.s32 v7, $0x40000000;
	vm2 =	vlt.s32 v9, $0xFFFF;
	vm1 =	vne.s32 v9, v8  }
0x3b4: {  	v7 =	vnsel vm2, $0xFFFF, v9;
	vm0 =	vmand vm0, vm1  }
.LBB2_87:
0x3b5: {  	_ =	sdelay $0x4  }
0x3b6: {  	[tilespmem:v7+s6+$0x0] =	vst.idx.msk vm0, v6  }
.LBB2_88:
0x3b7: {  	p0 =	slt.s32 s13, $0x41  }
.Ltmp79:
0x3b8: {  	_ = 	snop;
	(pc) =	sbr.rel @p0 .LBB2_100-.Ltmp79, $1  }
0x3b9: {  	_ =	sdelay $0x3  }
0x3ba: {  	s1 =	sadd.s32 $0xFF, s13  }
0x3bb: {  	s2 =	sand.u32 $0xFF, s1  }
0x3bc: {  	s14 =	sshra.s32 s1, $0x1F;
	p0 =	slt.s32 s1, $0x0;
	p1 =	sne.s32 s2, $0x0  }
0x3bd: {  	s30 =	sshrl.u32 s14, $0x18;
	p0 =	por !p0, !p1  }
0x3be: {  	s2 =	simm.s32 $0x1;
	s1 =	sadd.s32 s30, s1;
	p0 =	por !p0, !p0  }
0x3bf: {  	s1 =	sshra.s32 s1, $0x8;
	s2 =	simm.s32 @!p0 $0x0  }
0x3c0: {  	s14 =	ssub.s32 s1, s2  }
0x3c1: {  	p0 =	slt.s32 s14, $0x1  }
.Ltmp80:
0x3c2: {  	_ = 	snop;
	(pc) =	sbr.rel @p0 .LBB2_96-.Ltmp80, $1  }
0x3c3: {  	_ =	sdelay $0x3  }
0x3c4: {  	s1 =	sshll.u32 s12, $0xA  }
0x3c5: {  	s2 =	sshll.u32 s12, $0x5;
	p1 =	sne.s32 s14, $0x1;
	s1 =	sand.u32 $0xFFFF8000, s1  }
.Ltmp81:
0x3c6: {  	s2 =	sand.u32 $0x380, s2;
	s1 =	sadd.s32 s1, s19;
	(pc) =	sbr.rel @!p1 .LBB2_91-.Ltmp81, $4  }
0x3c7: {  	s30 =	sand.u32 $0x3, s3;
	s1 =	sadd.s32 s2, s1  }
0x3c8: {  	s2 =	sshll.u32 s30, $0xA;
	s1 =	sshrl.u32 s1, $0x3  }
0x3c9: {  	s16 =	sadd.s32 $0xFFFFFFFF, s14;
	p0 =	por $0x0, $0x0;
	s15 =	sadd.s32 s2, s1  }
0x3ca: {  	s1 =	simm.s32 $0x100;
	s2 =	simm.s32 $0x1100;
	s14 =	sand.u32 $0x1FFFFF70, s15  }
0x3cb: {  	s17 =	sadd.s32 s7, s14  }
0x3cc: {  	[tilespmem:s1], [sflag:$0x5] =	stream.strided.gather [hbm4b:s17+s29], $0x100, s31, s29, $0x38;
	[tilespmem:$0x1E980] =	vst v63  }
0x3cd: {  	p1 =	sne.s32 s16, $0x1;
	_ =	swait.ge [sflag:s28], $0x100  }
.Ltmp82:
0x3ce: {  	s30 =	sadd.s32 s8, s14;
	[sflag:s28] =	ssyncset.done $0x0;
	(pc) =	sbr.rel @!p1 .LBB2_93-.Ltmp82, $4  }
0x3cf: {  	s15 =	sadd.s32 $0x100, s15;
	p0 =	por $0x1, $0x1;
	[sflag:s28] =	ssyncadd.s32 $0xFFFFFF00  }
0x3d0: {  	[tilespmem:s2], [sflag:$0x5] =	stream.strided.gather [hbm4b:s30+s29], $0x100, s31, s29, $0x38;
	[tilespmem:$0x1E980] =	vst v63  }
0x3d1: {  	s17 =	sadd.s32 $0xFFFFFFFF, s16;
	s14 =	sand.u32 $0x1FFFFF70, s15;
	_ =	swait.ge [sflag:s28], $0x100  }
0x3d2: {  	s16 =	simm.s32 $0x100;
	s2 =	simm.s32 $0x1200;
	[sflag:s28] =	ssyncset.done $0x0  }
.LBB2_94:
0x3d3: {  	s18 =	sadd.s32 s7, s14;
	[sflag:s28] =	ssyncadd.s32 $0xFFFFFF00;
	s16 =	sadd.s32 $0x100, s16  }
0x3d4: {  	[tilespmem:s16], [sflag:$0x5] =	stream.strided.gather [hbm4b:s18+s29], $0x100, s31, s29, $0x38;
	[tilespmem:$0x1E980] =	vst v63  }
0x3d5: {  	p1 =	sne.s32 s17, $0x1;
	s17 =	sadd.s32 $0xFFFFFFFF, s17;
	_ =	swait.ge [sflag:s28], $0x100  }
.Ltmp83:
0x3d6: {  	[sflag:s28] =	ssyncset.done $0x0;
	(pc) =	sbr.rel @p1 .LBB2_94-.Ltmp83, $4  }
0x3d7: {  	s14 =	sadd.s32 s8, s14;
	[sflag:s28] =	ssyncadd.s32 $0xFFFFFF00  }
0x3d8: {  	[tilespmem:s2], [sflag:$0x5] =	stream.strided.gather [hbm4b:s14+s29], $0x100, s31, s29, $0x38;
	[tilespmem:$0x1E980] =	vst v63  }
0x3d9: {  	s15 =	sadd.s32 $0x100, s15;
	_ =	swait.ge [sflag:s28], $0x100  }
0x3da: {  	s14 =	sand.u32 $0x1FFFFF70, s15;
	s2 =	sadd.s32 $0x100, s2;
	[sflag:s28] =	ssyncset.done $0x0  }
.LBB2_95:
0x3db: {  	s15 =	sadd.s32 @p0 $0x100, s16  }
0x3dc: {  	s23 =	sadd.s32 s7, s14;
	[sflag:s28] =	ssyncadd.s32 @p0 $0xFFFFFF00;
	s1 =	smov.u32 @p0 s15  }
0x3dd: {  	[tilespmem:s1], [sflag:$0x5] =	stream.strided.gather [hbm4b:s23+s29], $0x100, s31, s29, $0x38;
	[tilespmem:$0x1E980] =	vst v63  }
0x3de: {  	_ =	swait.ge [sflag:s28], $0x100  }
0x3df: {  	[sflag:s28] =	ssyncset.done $0x0  }
0x3e0: {  	s30 =	sadd.s32 s8, s14;
	[sflag:s28] =	ssyncadd.s32 $0xFFFFFF00  }
0x3e1: {  	[tilespmem:s2], [sflag:$0x5] =	stream.strided.gather [hbm4b:s30+s29], $0x100, s31, s29, $0x38;
	[tilespmem:$0x1E980] =	vst v63  }
0x3e2: {  	_ =	swait.ge [sflag:s28], $0x100  }
0x3e3: {  	[sflag:s28] =	ssyncset.done $0x0  }
0x3e4: {  	[sflag:s28] =	ssyncadd.s32 $0xFFFFFF00  }
.LBB2_96:
0x3e5: {  	s1 =	sadd.s32 $0xF, s13  }
0x3e6: {  	s2 =	sand.u32 $0xF, s1  }
0x3e7: {  	s14 =	sshra.s32 s1, $0x1F;
	p0 =	slt.s32 s1, $0x0;
	p1 =	sne.s32 s2, $0x0  }
0x3e8: {  	s30 =	sshrl.u32 s14, $0x1C;
	p0 =	por !p0, !p1  }
0x3e9: {  	s2 =	simm.s32 $0x1;
	s1 =	sadd.s32 s30, s1;
	p0 =	por !p0, !p0  }
0x3ea: {  	s14 =	sshra.s32 s1, $0x4;
	s2 =	simm.s32 @!p0 $0x0  }
0x3eb: {  	s1 =	ssub.s32 s14, s2  }
0x3ec: {  	p1 =	slt.s32 s1, $0x5  }
.Ltmp84:
0x3ed: {  	_ = 	snop;
	(pc) =	sbr.rel @p1 .LBB2_100-.Ltmp84, $1  }
0x3ee: {  	_ =	sdelay $0x3  }
0x3ef: {  	s1 =	simm.s32 $0x140  }
0x3f0: {  	v6 =	vld [tilespmem:s1+$0x0];
	_ =	sdelay $0x2  }
0x3f1: {  	s2 =	simm.s32 $0x1140  }
0x3f2: {  	v5 =	vmov s13;
	s13 =	simm.s32 $0x40;
	v7 =	vld [tilespmem:s2+$0x0]  }
0x3f3: {  	v8 =	vor.u32 s13, v1;
	v9 =	vand.u32 $0x30000, v6;
	v6 =	vshll.u32 v6, $0x4  }
0x3f4: {  	vm0 =	vlt.s32 v8, v5;
	vm1 =	veq.s32 v9, $0x20000;
	v6 =	vand.u32 $0xFFFF0, v6  }
0x3f5: {  	vm0 =	vmand vm0, vm1;
	v6 =	vor.u32 v2, v6  }
0x3f6: {  	v6 =	vnsel vm0, $0xC0000000, v6  }
0x3f7: {  	(xrf1) =	vsort.ascd.msk.u32 $0xffff, v6, v7;
	_ =	sdelay $0xd  }
0x3f8: {  	v7, v6, _ =	vpop (xrf1)  }
0x3f9: {  	v7 =	vxor.u32 $0x80000000, v7  }
0x3fa: {  	[tilespmem:$0x1E900] =	vst v7  }
0x3fb: {  	v8 =	vld [tilespmem:$0x1E901];
	_ =	sdelay $0x2  }
0x3fc: {  	s15 =	simm.s32 $0xFFFFFFFF  }
0x3fd: {  	s15 =	simm.s32 @!p0 $0x0  }
0x3fe: {  	s14 =	sadd.s32 s15, s14;
	v63 =	vshra.s32 v7, $0x4;
	v8 =	vshra.s32 v8, $0x4  }
0x3ff: {  	s14 =	sadd.s32 $0xFFFFFFFC, s14;
	vm0 =	vlt.s32 v7, $0x40000000;
	vm1 =	vne.s32 v63, v8  }
0x400: {  	p0 =	sne.s32 s14, $0x1;
	vm2 =	vlt.s32 v63, $0xFFFF;
	vm0 =	vmand vm0, vm1  }
.Ltmp85:
0x401: {  	v7 =	vnsel vm2, $0xFFFF, v63;
	(pc) =	sbr.rel @!p0 .LBB2_99-.Ltmp85, $2  }
0x402: {  	_ =	sdelay $0x2  }
0x403: {  	s14 =	sadd.s32 $0xFFFFFFFF, s14  }
.LBB2_98:
0x404: {  	[tilespmem:v7+s6+$0x0] =	vst.idx.msk vm0, v6;
	s1 =	sadd.s32 $0x10, s1;
	s2 =	sadd.s32 $0x10, s2;
	s13 =	sadd.s32 $0x10, s13  }
0x405: {  	p0 =	sne.s32 s14, $0x1;
	s14 =	sadd.s32 $0xFFFFFFFF, s14;
	v6 =	vld [tilespmem:s1+$0x0];
	_ =	sdelay $0x3  }
0x406: {  	v7 =	vld [tilespmem:s2+$0x0]  }
0x407: {  	v8 =	vor.u32 s13, v1;
	v9 =	vand.u32 $0x30000, v6;
	v6 =	vshll.u32 v6, $0x4  }
0x408: {  	vm0 =	vlt.s32 v8, v5;
	vm1 =	veq.s32 v9, $0x20000;
	v6 =	vand.u32 $0xFFFF0, v6  }
0x409: {  	vm0 =	vmand vm0, vm1;
	v6 =	vor.u32 v2, v6  }
0x40a: {  	v6 =	vnsel vm0, $0xC0000000, v6  }
0x40b: {  	(xrf1) =	vsort.ascd.msk.u32 $0xffff, v6, v7;
	_ =	sdelay $0xd  }
0x40c: {  	v7, v6, _ =	vpop (xrf1)  }
0x40d: {  	v7 =	vxor.u32 $0x80000000, v7  }
0x40e: {  	[tilespmem:$0x1E900] =	vst v7  }
0x40f: {  	v8 =	vld [tilespmem:$0x1E901];
	_ =	sdelay $0x2  }
.Ltmp86:
0x410: {  	(pc) =	sbr.rel @p0 .LBB2_98-.Ltmp86, $4  }
0x411: {  	_ = 	snop  }
0x412: {  	v9 =	vshra.s32 v7, $0x4;
	v8 =	vshra.s32 v8, $0x4  }
0x413: {  	vm0 =	vlt.s32 v7, $0x40000000;
	vm2 =	vlt.s32 v9, $0xFFFF;
	vm1 =	vne.s32 v9, v8  }
0x414: {  	v7 =	vnsel vm2, $0xFFFF, v9;
	vm0 =	vmand vm0, vm1  }
.Ltmp87:
0x415: {  	_ = 	snop;
	(pc) =	sbr.rel .LBB2_99-.Ltmp87, $1  }
0x416: {  	_ =	sdelay $0x3  }
.LBB2_91:
.Ltmp88:
0x417: {  	(pc) =	sbr.rel .LBB2_95-.Ltmp88, $2  }
0x418: {  	_ =	sdelay $0x2  }
0x419: {  	s16 =	simm.s32 $0x100  }
.LBB2_93:
.Ltmp89:
0x41a: {  	(pc) =	sbr.rel .LBB2_95-.Ltmp89, $2  }
0x41b: {  	_ =	sdelay $0x2  }
0x41c: {  	s16 =	simm.s32 $0x100  }
.LBB2_101:
0x41d: {  	s3 =	simm.s32 $0x0;
	s1 =	rddreg [dreg:$0xd];
	s23 =	simm.s32 $0x4  }
0x41e: {  	[hbm4b:s1+s3] =	stream.linear.scatter [tilespmem:s6], [sflag:$0x4], $0x10000, $0x38;
	[tilespmem:$0x1E980] =	vst v63  }
0x41f: {  	_ =	swait.ge [sflag:s23], $0x10000  }
0x420: {  	[sflag:s23] =	ssyncset.done $0x0  }
.Ltmp90:
0x421: {  	s30 =	rddreg [dreg:$0xe];
	[sflag:s23] =	ssyncadd.s32 $0xFFFF0000;
	(pc) =	sbr.rel .LBB2_102-.Ltmp90, $4  }
0x422: {  	[tilespmem:s6], [sflag:$0x5] =	stream.linear.gather [hbm4b:s30+s3], $0x10000, $0x38;
	[tilespmem:$0x1E980] =	vst v63  }
0x423: {  	_ =	swait.ge [sflag:s28], $0x10000  }
0x424: {  	s4 =	simm.s32 $0x16900;
	[sflag:s28] =	ssyncset.done $0x0  }
0x425: {  	s11 =	simm.s32 $0x1A900;
	s12 =	simm.s32 $0x0;
	[sflag:s28] =	ssyncadd.s32 $0xFFFF0000  }
.LBB2_117:
0x426: {  	_ =	sdelay $0x4  }
0x427: {  	[tilespmem:v7+s6+$0x0] =	vst.idx.msk vm0, v6  }
.LBB2_118:
0x428: {  	s12 =	sadd.s32 $0x1, s12  }
0x429: {  	p0 =	sne.s32 s12, $0x100  }
.Ltmp91:
0x42a: {  	_ = 	snop;
	(pc) =	sbr.rel @!p0 .LBB2_119-.Ltmp91, $2  }
0x42b: {  	_ =	sdelay $0x2  }
0x42c: {  	s4 =	sadd.s32 $0x40, s4;
	s11 =	sadd.s32 $0x40, s11;
	s3 =	sadd.s32 $0x1, s3  }
.LBB2_102:
0x42d: {  	s13 =	sld [smem:s12+$0x0];
	_ =	sdelay $0x2  }
0x42e: {  	p0 =	slt.s32 s13, $0x40;
	s1 =	smov.u32 s13  }
0x42f: {  	s1 =	simm.s32 @!p0 $0x40  }
0x430: {  	s2 =	sadd.s32 $0xF, s1  }
0x431: {  	s14 =	sand.u32 $0xF, s2  }
0x432: {  	p1 =	slt.s32 s13, $0xFFFFFFF2;
	s30 =	sshra.s32 s2, $0x1F;
	p6 =	sne.s32 s14, $0x0  }
0x433: {  	s14 =	sshrl.u32 s30, $0x1C;
	p0 =	por !p1, !p6  }
0x434: {  	s2 =	sadd.s32 s14, s2;
	s14 =	simm.s32 $0x1;
	p0 =	por !p0, !p0  }
0x435: {  	s2 =	sshra.s32 s2, $0x4;
	s14 =	simm.s32 @!p0 $0x0  }
0x436: {  	s2 =	ssub.s32 s2, s14  }
0x437: {  	p0 =	slt.s32 s2, $0x1  }
.Ltmp92:
0x438: {  	_ = 	snop;
	(pc) =	sbr.rel @p0 .LBB2_106-.Ltmp92, $1  }
0x439: {  	_ =	sdelay $0x3  }
0x43a: {  	v6 =	vld [tilespmem:s4+$0x0];
	_ =	sdelay $0x3  }
0x43b: {  	v5 =	vmov s1;
	s1 =	simm.s32 $0x0;
	v7 =	vld [tilespmem:s11+$0x0]  }
0x43c: {  	v8 =	vor.u32 s1, v1;
	v9 =	vand.u32 $0x30000, v6;
	v6 =	vshll.u32 v6, $0x4  }
0x43d: {  	vm0 =	vlt.s32 v8, v5;
	vm1 =	veq.s32 v9, $0x30000;
	v6 =	vand.u32 $0xFFFF0, v6  }
0x43e: {  	vm0 =	vmand vm0, vm1;
	v6 =	vor.u32 v2, v6  }
0x43f: {  	v6 =	vnsel vm0, $0xC0000000, v6  }
0x440: {  	(xrf1) =	vsort.ascd.msk.u32 $0xffff, v6, v7;
	_ =	sdelay $0xd  }
0x441: {  	v7, v6, _ =	vpop (xrf1)  }
0x442: {  	v7 =	vxor.u32 $0x80000000, v7  }
0x443: {  	[tilespmem:$0x1E900] =	vst v7  }
0x444: {  	v8 =	vld [tilespmem:$0x1E901];
	_ =	sdelay $0x1  }
0x445: {  	p0 =	sne.s32 s2, $0x1  }
.Ltmp93:
0x446: {  	_ = 	snop;
	(pc) =	sbr.rel @!p0 .LBB2_105-.Ltmp93, $4  }
0x447: {  	_ = 	snop  }
0x448: {  	v63 =	vshra.s32 v7, $0x4;
	v8 =	vshra.s32 v8, $0x4  }
0x449: {  	vm0 =	vlt.s32 v7, $0x40000000;
	vm2 =	vlt.s32 v63, $0xFFFF;
	vm1 =	vne.s32 v63, v8  }
0x44a: {  	s2 =	sadd.s32 $0xFFFFFFFF, s2;
	s14 =	smov.u32 s4;
	s15 =	smov.u32 s11;
	v7 =	vnsel vm2, $0xFFFF, v63;
	vm0 =	vmand vm0, vm1  }
.LBB2_104:
0x44b: {  	_ =	sdelay $0x4  }
0x44c: {  	[tilespmem:v7+s6+$0x0] =	vst.idx.msk vm0, v6;
	s14 =	sadd.s32 $0x10, s14;
	s15 =	sadd.s32 $0x10, s15;
	s1 =	sadd.s32 $0x10, s1  }
0x44d: {  	p0 =	sne.s32 s2, $0x1;
	s2 =	sadd.s32 $0xFFFFFFFF, s2;
	v6 =	vld [tilespmem:s14+$0x0];
	_ =	sdelay $0x3  }
0x44e: {  	v7 =	vld [tilespmem:s15+$0x0]  }
0x44f: {  	v8 =	vor.u32 s1, v1;
	v9 =	vand.u32 $0x30000, v6;
	v6 =	vshll.u32 v6, $0x4  }
0x450: {  	vm0 =	vlt.s32 v8, v5;
	vm1 =	veq.s32 v9, $0x30000;
	v6 =	vand.u32 $0xFFFF0, v6  }
0x451: {  	vm0 =	vmand vm0, vm1;
	v6 =	vor.u32 v2, v6  }
0x452: {  	v6 =	vnsel vm0, $0xC0000000, v6  }
0x453: {  	(xrf1) =	vsort.ascd.msk.u32 $0xffff, v6, v7;
	_ =	sdelay $0xd  }
0x454: {  	v7, v6, _ =	vpop (xrf1)  }
0x455: {  	v7 =	vxor.u32 $0x80000000, v7  }
0x456: {  	[tilespmem:$0x1E900] =	vst v7  }
0x457: {  	v8 =	vld [tilespmem:$0x1E901];
	_ =	sdelay $0x2  }
.Ltmp94:
0x458: {  	(pc) =	sbr.rel @p0 .LBB2_104-.Ltmp94, $4  }
0x459: {  	_ = 	snop  }
0x45a: {  	v9 =	vshra.s32 v7, $0x4;
	v8 =	vshra.s32 v8, $0x4  }
0x45b: {  	vm0 =	vlt.s32 v7, $0x40000000;
	vm2 =	vlt.s32 v9, $0xFFFF;
	vm1 =	vne.s32 v9, v8  }
0x45c: {  	v7 =	vnsel vm2, $0xFFFF, v9;
	vm0 =	vmand vm0, vm1  }
.LBB2_105:
0x45d: {  	_ =	sdelay $0x4  }
0x45e: {  	[tilespmem:v7+s6+$0x0] =	vst.idx.msk vm0, v6  }
.LBB2_106:
0x45f: {  	p0 =	slt.s32 s13, $0x41  }
.Ltmp95:
0x460: {  	_ = 	snop;
	(pc) =	sbr.rel @p0 .LBB2_118-.Ltmp95, $1  }
0x461: {  	_ =	sdelay $0x3  }
0x462: {  	s1 =	sadd.s32 $0xFF, s13  }
0x463: {  	s2 =	sand.u32 $0xFF, s1  }
0x464: {  	s14 =	sshra.s32 s1, $0x1F;
	p0 =	slt.s32 s1, $0x0;
	p1 =	sne.s32 s2, $0x0  }
0x465: {  	s30 =	sshrl.u32 s14, $0x18;
	p0 =	por !p0, !p1  }
0x466: {  	s2 =	simm.s32 $0x1;
	s1 =	sadd.s32 s30, s1;
	p0 =	por !p0, !p0  }
0x467: {  	s1 =	sshra.s32 s1, $0x8;
	s2 =	simm.s32 @!p0 $0x0  }
0x468: {  	s14 =	ssub.s32 s1, s2  }
0x469: {  	p0 =	slt.s32 s14, $0x1  }
.Ltmp96:
0x46a: {  	_ = 	snop;
	(pc) =	sbr.rel @p0 .LBB2_114-.Ltmp96, $1  }
0x46b: {  	_ =	sdelay $0x3  }
0x46c: {  	s1 =	sshll.u32 s12, $0xA  }
0x46d: {  	s2 =	sshll.u32 s12, $0x5;
	p1 =	sne.s32 s14, $0x1;
	s1 =	sand.u32 $0xFFFF8000, s1  }
.Ltmp97:
0x46e: {  	s2 =	sand.u32 $0x380, s2;
	s1 =	sadd.s32 s1, s19;
	(pc) =	sbr.rel @!p1 .LBB2_109-.Ltmp97, $4  }
0x46f: {  	s30 =	sand.u32 $0x3, s3;
	s1 =	sadd.s32 s2, s1  }
0x470: {  	s2 =	sshll.u32 s30, $0xA;
	s1 =	sshrl.u32 s1, $0x3  }
0x471: {  	s16 =	sadd.s32 $0xFFFFFFFF, s14;
	p0 =	por $0x0, $0x0;
	s15 =	sadd.s32 s2, s1  }
0x472: {  	s1 =	simm.s32 $0x100;
	s2 =	simm.s32 $0x1100;
	s14 =	sand.u32 $0x1FFFFF70, s15  }
0x473: {  	s17 =	sadd.s32 s7, s14  }
0x474: {  	[tilespmem:s1], [sflag:$0x5] =	stream.strided.gather [hbm4b:s17+s29], $0x100, s31, s29, $0x38;
	[tilespmem:$0x1E980] =	vst v63  }
0x475: {  	p1 =	sne.s32 s16, $0x1;
	_ =	swait.ge [sflag:s28], $0x100  }
.Ltmp98:
0x476: {  	s30 =	sadd.s32 s8, s14;
	[sflag:s28] =	ssyncset.done $0x0;
	(pc) =	sbr.rel @!p1 .LBB2_111-.Ltmp98, $4  }
0x477: {  	s15 =	sadd.s32 $0x100, s15;
	p0 =	por $0x1, $0x1;
	[sflag:s28] =	ssyncadd.s32 $0xFFFFFF00  }
0x478: {  	[tilespmem:s2], [sflag:$0x5] =	stream.strided.gather [hbm4b:s30+s29], $0x100, s31, s29, $0x38;
	[tilespmem:$0x1E980] =	vst v63  }
0x479: {  	s17 =	sadd.s32 $0xFFFFFFFF, s16;
	s14 =	sand.u32 $0x1FFFFF70, s15;
	_ =	swait.ge [sflag:s28], $0x100  }
0x47a: {  	s16 =	simm.s32 $0x100;
	s2 =	simm.s32 $0x1200;
	[sflag:s28] =	ssyncset.done $0x0  }
.LBB2_112:
0x47b: {  	s18 =	sadd.s32 s7, s14;
	[sflag:s28] =	ssyncadd.s32 $0xFFFFFF00;
	s16 =	sadd.s32 $0x100, s16  }
0x47c: {  	[tilespmem:s16], [sflag:$0x5] =	stream.strided.gather [hbm4b:s18+s29], $0x100, s31, s29, $0x38;
	[tilespmem:$0x1E980] =	vst v63  }
0x47d: {  	p1 =	sne.s32 s17, $0x1;
	s17 =	sadd.s32 $0xFFFFFFFF, s17;
	_ =	swait.ge [sflag:s28], $0x100  }
.Ltmp99:
0x47e: {  	[sflag:s28] =	ssyncset.done $0x0;
	(pc) =	sbr.rel @p1 .LBB2_112-.Ltmp99, $4  }
0x47f: {  	s14 =	sadd.s32 s8, s14;
	[sflag:s28] =	ssyncadd.s32 $0xFFFFFF00  }
0x480: {  	[tilespmem:s2], [sflag:$0x5] =	stream.strided.gather [hbm4b:s14+s29], $0x100, s31, s29, $0x38;
	[tilespmem:$0x1E980] =	vst v63  }
0x481: {  	s15 =	sadd.s32 $0x100, s15;
	_ =	swait.ge [sflag:s28], $0x100  }
0x482: {  	s14 =	sand.u32 $0x1FFFFF70, s15;
	s2 =	sadd.s32 $0x100, s2;
	[sflag:s28] =	ssyncset.done $0x0  }
.LBB2_113:
0x483: {  	s15 =	sadd.s32 @p0 $0x100, s16  }
0x484: {  	s23 =	sadd.s32 s7, s14;
	[sflag:s28] =	ssyncadd.s32 @p0 $0xFFFFFF00;
	s1 =	smov.u32 @p0 s15  }
0x485: {  	[tilespmem:s1], [sflag:$0x5] =	stream.strided.gather [hbm4b:s23+s29], $0x100, s31, s29, $0x38;
	[tilespmem:$0x1E980] =	vst v63  }
0x486: {  	_ =	swait.ge [sflag:s28], $0x100  }
0x487: {  	[sflag:s28] =	ssyncset.done $0x0  }
0x488: {  	s30 =	sadd.s32 s8, s14;
	[sflag:s28] =	ssyncadd.s32 $0xFFFFFF00  }
0x489: {  	[tilespmem:s2], [sflag:$0x5] =	stream.strided.gather [hbm4b:s30+s29], $0x100, s31, s29, $0x38;
	[tilespmem:$0x1E980] =	vst v63  }
0x48a: {  	_ =	swait.ge [sflag:s28], $0x100  }
0x48b: {  	[sflag:s28] =	ssyncset.done $0x0  }
0x48c: {  	[sflag:s28] =	ssyncadd.s32 $0xFFFFFF00  }
.LBB2_114:
0x48d: {  	s1 =	sadd.s32 $0xF, s13  }
0x48e: {  	s2 =	sand.u32 $0xF, s1  }
0x48f: {  	s14 =	sshra.s32 s1, $0x1F;
	p0 =	slt.s32 s1, $0x0;
	p1 =	sne.s32 s2, $0x0  }
0x490: {  	s30 =	sshrl.u32 s14, $0x1C;
	p0 =	por !p0, !p1  }
0x491: {  	s2 =	simm.s32 $0x1;
	s1 =	sadd.s32 s30, s1;
	p0 =	por !p0, !p0  }
0x492: {  	s14 =	sshra.s32 s1, $0x4;
	s2 =	simm.s32 @!p0 $0x0  }
0x493: {  	s1 =	ssub.s32 s14, s2  }
0x494: {  	p1 =	slt.s32 s1, $0x5  }
.Ltmp100:
0x495: {  	_ = 	snop;
	(pc) =	sbr.rel @p1 .LBB2_118-.Ltmp100, $1  }
0x496: {  	_ =	sdelay $0x3  }
0x497: {  	s1 =	simm.s32 $0x140  }
0x498: {  	v6 =	vld [tilespmem:s1+$0x0];
	_ =	sdelay $0x2  }
0x499: {  	s2 =	simm.s32 $0x1140  }
0x49a: {  	v5 =	vmov s13;
	s13 =	simm.s32 $0x40;
	v7 =	vld [tilespmem:s2+$0x0]  }
0x49b: {  	v8 =	vor.u32 s13, v1;
	v9 =	vand.u32 $0x30000, v6;
	v6 =	vshll.u32 v6, $0x4  }
0x49c: {  	vm0 =	vlt.s32 v8, v5;
	vm1 =	veq.s32 v9, $0x30000;
	v6 =	vand.u32 $0xFFFF0, v6  }
0x49d: {  	vm0 =	vmand vm0, vm1;
	v6 =	vor.u32 v2, v6  }
0x49e: {  	v6 =	vnsel vm0, $0xC0000000, v6  }
0x49f: {  	(xrf1) =	vsort.ascd.msk.u32 $0xffff, v6, v7;
	_ =	sdelay $0xd  }
0x4a0: {  	v7, v6, _ =	vpop (xrf1)  }
0x4a1: {  	v7 =	vxor.u32 $0x80000000, v7  }
0x4a2: {  	[tilespmem:$0x1E900] =	vst v7  }
0x4a3: {  	v8 =	vld [tilespmem:$0x1E901];
	_ =	sdelay $0x2  }
0x4a4: {  	s15 =	simm.s32 $0xFFFFFFFF  }
0x4a5: {  	s15 =	simm.s32 @!p0 $0x0  }
0x4a6: {  	s14 =	sadd.s32 s15, s14;
	v63 =	vshra.s32 v7, $0x4;
	v8 =	vshra.s32 v8, $0x4  }
0x4a7: {  	s14 =	sadd.s32 $0xFFFFFFFC, s14;
	vm0 =	vlt.s32 v7, $0x40000000;
	vm1 =	vne.s32 v63, v8  }
0x4a8: {  	p0 =	sne.s32 s14, $0x1;
	vm2 =	vlt.s32 v63, $0xFFFF;
	vm0 =	vmand vm0, vm1  }
.Ltmp101:
0x4a9: {  	v7 =	vnsel vm2, $0xFFFF, v63;
	(pc) =	sbr.rel @!p0 .LBB2_117-.Ltmp101, $2  }
0x4aa: {  	_ =	sdelay $0x2  }
0x4ab: {  	s14 =	sadd.s32 $0xFFFFFFFF, s14  }
.LBB2_116:
0x4ac: {  	[tilespmem:v7+s6+$0x0] =	vst.idx.msk vm0, v6;
	s1 =	sadd.s32 $0x10, s1;
	s2 =	sadd.s32 $0x10, s2;
	s13 =	sadd.s32 $0x10, s13  }
0x4ad: {  	p0 =	sne.s32 s14, $0x1;
	s14 =	sadd.s32 $0xFFFFFFFF, s14;
	v6 =	vld [tilespmem:s1+$0x0];
	_ =	sdelay $0x3  }
0x4ae: {  	v7 =	vld [tilespmem:s2+$0x0]  }
0x4af: {  	v8 =	vor.u32 s13, v1;
	v9 =	vand.u32 $0x30000, v6;
	v6 =	vshll.u32 v6, $0x4  }
0x4b0: {  	vm0 =	vlt.s32 v8, v5;
	vm1 =	veq.s32 v9, $0x30000;
	v6 =	vand.u32 $0xFFFF0, v6  }
0x4b1: {  	vm0 =	vmand vm0, vm1;
	v6 =	vor.u32 v2, v6  }
0x4b2: {  	v6 =	vnsel vm0, $0xC0000000, v6  }
0x4b3: {  	(xrf1) =	vsort.ascd.msk.u32 $0xffff, v6, v7;
	_ =	sdelay $0xd  }
0x4b4: {  	v7, v6, _ =	vpop (xrf1)  }
0x4b5: {  	v7 =	vxor.u32 $0x80000000, v7  }
0x4b6: {  	[tilespmem:$0x1E900] =	vst v7  }
0x4b7: {  	v8 =	vld [tilespmem:$0x1E901];
	_ =	sdelay $0x2  }
.Ltmp102:
0x4b8: {  	(pc) =	sbr.rel @p0 .LBB2_116-.Ltmp102, $4  }
0x4b9: {  	_ = 	snop  }
0x4ba: {  	v9 =	vshra.s32 v7, $0x4;
	v8 =	vshra.s32 v8, $0x4  }
0x4bb: {  	vm0 =	vlt.s32 v7, $0x40000000;
	vm2 =	vlt.s32 v9, $0xFFFF;
	vm1 =	vne.s32 v9, v8  }
0x4bc: {  	v7 =	vnsel vm2, $0xFFFF, v9;
	vm0 =	vmand vm0, vm1  }
.Ltmp103:
0x4bd: {  	_ = 	snop;
	(pc) =	sbr.rel .LBB2_117-.Ltmp103, $1  }
0x4be: {  	_ =	sdelay $0x3  }
.LBB2_109:
.Ltmp104:
0x4bf: {  	(pc) =	sbr.rel .LBB2_113-.Ltmp104, $2  }
0x4c0: {  	_ =	sdelay $0x2  }
0x4c1: {  	s16 =	simm.s32 $0x100  }
.LBB2_111:
.Ltmp105:
0x4c2: {  	(pc) =	sbr.rel .LBB2_113-.Ltmp105, $2  }
0x4c3: {  	_ =	sdelay $0x2  }
0x4c4: {  	s16 =	simm.s32 $0x100  }
.LBB2_120:
0x4c5: {  	_ =	sfence.sel $0x180000  }
0x4c6: {  	[bflag:$0x0] =	sbarrier.arrive $0xFFFF  }
0x4c7: {  	_ =	strace $0x90000047  }
0x4c8: {  	s0 =	stileid.u32;
	[bflag:$0x2] =	sbarrier.arrive $0xFFFF  }
0x4c9: {  	p0 =	sne.s32 s0, $0x0;
	s0 =	rddreg [dreg:$0x6]  }
0x4ca: {  	s0 =	sadd.s32 @!p0 $0x100000, s0  }
0x4cb: {  	[sflag:s0] =	ssyncadd.tile.s32 @!p0 $0x1;
	_ =	shalt  }
.Lfunc_end2:
_tile_overlayer_lowered:
.L_overlay_start_2:
0x4cc: {  	(tag) =	ssettag $0x2  }
0x4cd: {  	s0 =	rddreg [dreg:$0x0];
	s2 =	stileid.u32  }
0x4ce: {  	s1 =	rddreg [dreg:$0x1];
	p0 =	sne.s32 s2, $0x0  }
0x4cf: {  	s3 =	rddreg [dreg:$0x2];
	[bflag:$0x3] =	sbarrier.arrive $0xFFFF;
	s2 =	simm.s32 @!p0 $0x1C05  }
0x4d0: {  	[timem:s3], [sflag:s2] =	dma.local @!p0 [hbm:s0], s1  }
0x4d1: {  	s0 =	simm.s32 @!p0 $0x5  }
0x4d2: {  	_ =	swait.ge @!p0 [sflag:s0], s1  }
0x4d3: {  	s1 =	ssub.s32 @!p0 $0x0, s1;
	[sflag:s0] =	ssyncset.done @!p0 $0x0  }
0x4d4: {  	[sflag:s0] =	ssyncadd.s32 @!p0 s1  }
0x4d5: {  	[bflag:$0x3] =	sbarrier.arrive $0xFFFF  }
0x4d6: {  	_ =	shalt  }

</sc_bundles>
